<compile_context>
chip_gen: v7x
topology: tpu7x:2x2x1
jax: 0.10.2.dev20260603
libtpu: 0.0.44.dev20260713+nightly
codegen_flags: <defaults>
</compile_context>

<pallas_src>
import functools

import jax
import jax.numpy as jnp
from jax import lax
from jax.experimental import pallas as pl
from jax.experimental.pallas import tpu as pltpu
from jax.experimental.pallas import tpu_sc as plsc

B = 16384
D = 64
NC = 2
NS = 16
NW = NC * NS
BPW = B // NW
IC = 128
NCHUNK = BPW // IC
GPC = IC // 16


def _make_kernel():
    mesh = plsc.VectorSubcoreMesh(core_axis_name="c", subcore_axis_name="s")

    @functools.partial(
        pl.kernel,
        mesh=mesh,
        compiler_params=pltpu.CompilerParams(
            needs_layout_passes=False, use_tc_tiling_on_sc=True),
        out_type=jax.ShapeDtypeStruct((B,), jnp.float32),
        scratch_types=[
            pltpu.VMEM((BPW,), jnp.int32),
            pltpu.VMEM((BPW,), jnp.int32),
            pltpu.VMEM((BPW,), jnp.int32),
            pltpu.VMEM((IC, 128), jnp.float32),
            pltpu.VMEM((IC, 128), jnp.float32),
            pltpu.VMEM((IC, 128), jnp.float32),
            pltpu.VMEM((IC, 128), jnp.float32),
            pltpu.VMEM((IC, 128), jnp.float32),
            pltpu.VMEM((IC, 128), jnp.float32),
            pltpu.VMEM((BPW,), jnp.float32),
            pltpu.SemaphoreType.DMA,
            pltpu.SemaphoreType.DMA,
            pltpu.SemaphoreType.DMA,
            pltpu.SemaphoreType.DMA,
        ],
    )
    def scores(e1_hbm, r_hbm, e2_hbm, ent_hbm, rel_hbm, out_hbm,
               i1_v, ir_v, i2_v,
               e1a_v, e1b_v, ra_v, rb_v, e2a_v, e2b_v, out_v,
               sem0, sem1, sem2, sem3):
        wid = lax.axis_index("s") * NC + lax.axis_index("c")
        base = wid * BPW
        pltpu.sync_copy(e1_hbm.at[pl.ds(base, BPW)], i1_v)
        pltpu.sync_copy(r_hbm.at[pl.ds(base, BPW)], ir_v)
        pltpu.sync_copy(e2_hbm.at[pl.ds(base, BPW)], i2_v)

        sems = (sem0, sem1, sem2, sem3)
        bufs = ((e1a_v, ra_v, e2a_v), (e1b_v, rb_v, e2b_v))

        def issue(k):
            sel = pl.ds(k * IC, IC)
            eb, rb, e2b = bufs[k % 2]
            return (
                pltpu.async_copy(ent_hbm.at[i1_v.at[sel]], eb, sems[k]),
                pltpu.async_copy(rel_hbm.at[ir_v.at[sel]], rb, sems[k]),
                pltpu.async_copy(ent_hbm.at[i2_v.at[sel]], e2b, sems[k]),
            )

        copies = [None] * NCHUNK
        copies[0] = issue(0)
        copies[1] = issue(1)

        lane = lax.iota(jnp.int32, 16)
        m15 = lane == 15
        izero = jnp.zeros((16,), jnp.int32)

        for k in range(NCHUNK):
            eb, rb, e2b = bufs[k % 2]
            for c in copies[k]:
                c.wait()

            def group(g, _, eb=eb, rb=rb, e2b=e2b, k=k):
                base_row = g * 16
                for half in range(1):
                    rows = [base_row + r for r in range(16)]
                    ps = []
                    for row in rows:
                        p = None
                        for c in range(D // 16):
                            sl = pl.ds(c * 16, 16)
                            prod = eb[row, sl] * rb[row, sl] * e2b[row, sl]
                            p = prod if p is None else p + prod
                        ps.append(p)
                    tots = [plsc.cumsum(p) for p in ps]
                    for row, tot in zip(rows, tots):
                        iv = izero + (k * IC + row)
                        plsc.store_scatter(out_v, [iv], tot, mask=m15)
                return 0

            lax.fori_loop(0, GPC, group, 0)
            if k + 2 < NCHUNK:
                copies[k + 2] = issue(k + 2)

            def sig(j, _, k=k):
                sl = pl.ds(k * IC + j * 16, 16)
                v = out_v[sl]
                s = 1.0 / (1.0 + jnp.exp(-v))
                s = 1.0 / (1.0 + jnp.exp(-s))
                out_v[sl] = s
                return 0
            lax.fori_loop(0, GPC, sig, 0)

        pltpu.sync_copy(out_v, out_hbm.at[pl.ds(base, BPW)])

    return scores


_scores = _make_kernel()


def kernel(e1, r, e2, entity_table, relation_table):
    e1 = e1.astype(jnp.int32)
    r = r.astype(jnp.int32)
    e2 = e2.astype(jnp.int32)
    ent_p = jnp.pad(entity_table, ((0, 0), (0, 64)))
    rel_p = jnp.pad(relation_table, ((0, 0), (0, 64)))
    s = _scores(e1, r, e2, ent_p, rel_p)
    return s.reshape(B, 1)

# --- scband reference (transcript-rebuilt; emitter-appended) ---
"""Pipeline reference for scband-multi-head-graph-attention-73469710565458 (READ-ONLY COPY).

The authoritative reference and input builder live on the scoring server;
editing this copy changes nothing except your own understanding.
"""

import jax, jax.numpy as jnp
import numpy as np

NUM_HEAD = 2

def setup_inputs(seed: int = 0) -> dict:
    key = jax.random.key(seed)
    k1, k2, k3, k4, k5 = jax.random.split(key, 5)
    e1 = jax.random.randint(k1, (16384,), 0, 100000, dtype=jnp.int64 if jax.config.jax_enable_x64 else jnp.int32)
    r = jax.random.randint(k2, (16384,), 0, 1000, dtype=jnp.int64 if jax.config.jax_enable_x64 else jnp.int32)
    e2 = jax.random.randint(k3, (16384,), 0, 100000, dtype=jnp.int64 if jax.config.jax_enable_x64 else jnp.int32)
    entity_table = jax.random.normal(k4, (100000, 64), dtype=jnp.float32)
    relation_table = jax.random.normal(k5, (1000, 64), dtype=jnp.float32)
    return {"e1": e1, "r": r, "e2": e2, "entity_table": entity_table, "relation_table": relation_table}

def reference(e1, r, e2, entity_table, relation_table):
    # Each GraphAttentionLayer.forward_fact: gather embeddings, triple-product score, sigmoid
    head_scores = []
    for _ in range(NUM_HEAD):
        E1 = jnp.take(entity_table, e1, axis=0)
        R = jnp.take(relation_table, r, axis=0)
        E2 = jnp.take(entity_table, e2, axis=0)
        S = jnp.sum(E1 * R * E2, axis=1, keepdims=True)
        S = jax.nn.sigmoid(S)
        head_scores.append(S)
    S = jnp.concatenate(head_scores, axis=1)  # [B, num_head]
    S = S[:, 0]
    # module's custom sigmoid: 1 / (1 + exp(-x))
    S = 1.0 / (1.0 + jnp.exp(-S))
    S = S[:, None]
    return S

if __name__ == "__main__":
    import jax
    _d = setup_inputs()
    print(jax.jit(kernel)(*tuple(_d.values())))

</pallas_src>

<mosaic_0001>
#map = affine_map<(d0, d1) -> (0)>
#map1 = affine_map<(d0, d1) -> (0, 0)>
module attributes {stable_mosaic.version = 14 : i64} {
  func.func @scores(%arg0: i32, %arg1: i32, %arg2: memref<16384xi32, #tpu.memory_space<hbm>>, %arg3: memref<16384xi32, #tpu.memory_space<hbm>>, %arg4: memref<16384xi32, #tpu.memory_space<hbm>>, %arg5: memref<100000x128xf32, #tpu.memory_space<hbm>>, %arg6: memref<1000x128xf32, #tpu.memory_space<hbm>>, %arg7: memref<16384xf32, #tpu.memory_space<hbm>>, %arg8: memref<512xi32, #tpu.memory_space<vmem>>, %arg9: memref<512xi32, #tpu.memory_space<vmem>>, %arg10: memref<512xi32, #tpu.memory_space<vmem>>, %arg11: memref<128x128xf32, #tpu.memory_space<vmem>>, %arg12: memref<128x128xf32, #tpu.memory_space<vmem>>, %arg13: memref<128x128xf32, #tpu.memory_space<vmem>>, %arg14: memref<128x128xf32, #tpu.memory_space<vmem>>, %arg15: memref<128x128xf32, #tpu.memory_space<vmem>>, %arg16: memref<128x128xf32, #tpu.memory_space<vmem>>, %arg17: memref<512xf32, #tpu.memory_space<vmem>>, %arg18: memref<!tpu.dma_semaphore, #tpu.memory_space<semaphore_mem>>, %arg19: memref<!tpu.dma_semaphore, #tpu.memory_space<semaphore_mem>>, %arg20: memref<!tpu.dma_semaphore, #tpu.memory_space<semaphore_mem>>, %arg21: memref<!tpu.dma_semaphore, #tpu.memory_space<semaphore_mem>>) attributes {dimension_semantics = [#tpu.dimension_semantics<core_parallel>, #tpu.dimension_semantics<subcore_parallel>], iteration_bounds = array<i64: 2, 16>, scalar_prefetch = 0 : i64, scratch_operands = 14 : i64, tpu.core_type = #tpu.core_type<sc_vector_subcore>, window_params = [{transform_indices = #map}, {transform_indices = #map}, {transform_indices = #map}, {transform_indices = #map1}, {transform_indices = #map1}, {transform_indices = #map}]} {
    %mul3A = arith.constant 2 : i32
    %mul3A_0 = arith.muli %arg1, %mul3A : i32
    %add3A = arith.addi %mul3A_0, %arg0 : i32
    %mul3A_1 = arith.constant 512 : i32
    %mul3A_2 = arith.muli %add3A, %mul3A_1 : i32
    "tpu.region"() ({
      %run_scoped3A = tpu.sem_alloc : memref<!tpu.dma_semaphore, #tpu.memory_space<semaphore_mem>>
      %dma_start3A_179 = tpu.memref_slice %arg2[%mul3A_2] : memref<16384xi32, #tpu.memory_space<hbm>> -> memref<512xi32, #tpu.memory_space<hbm>>
      %dma_start3A_180 = tpu.memref_slice %arg2[%mul3A_2] : memref<16384xi32, #tpu.memory_space<hbm>> -> memref<512xi32, #tpu.memory_space<hbm>>
      tpu.enqueue_dma source(%dma_start3A_180 : memref<512xi32, #tpu.memory_space<hbm>>) target(%arg8 : memref<512xi32, #tpu.memory_space<vmem>>) target_semaphore(%run_scoped3A : memref<!tpu.dma_semaphore, #tpu.memory_space<semaphore_mem>>)
      %dma_wait3A_181 = tpu.memref_slice %arg2[%mul3A_2] : memref<16384xi32, #tpu.memory_space<hbm>> -> memref<512xi32, #tpu.memory_space<hbm>>
      %dma_wait3A_182 = tpu.memref_slice %arg2[%mul3A_2] : memref<16384xi32, #tpu.memory_space<hbm>> -> memref<512xi32, #tpu.memory_space<hbm>>
      tpu.wait_dma2 semaphore(%run_scoped3A : memref<!tpu.dma_semaphore, #tpu.memory_space<semaphore_mem>>) src(%dma_wait3A_182 : memref<512xi32, #tpu.memory_space<hbm>>) dst(%arg8 : memref<512xi32, #tpu.memory_space<vmem>>)
      tpu.yield
    }) : () -> ()
    "tpu.region"() ({
      %run_scoped3A = tpu.sem_alloc : memref<!tpu.dma_semaphore, #tpu.memory_space<semaphore_mem>>
      %dma_start3A_179 = tpu.memref_slice %arg3[%mul3A_2] : memref<16384xi32, #tpu.memory_space<hbm>> -> memref<512xi32, #tpu.memory_space<hbm>>
      %dma_start3A_180 = tpu.memref_slice %arg3[%mul3A_2] : memref<16384xi32, #tpu.memory_space<hbm>> -> memref<512xi32, #tpu.memory_space<hbm>>
      tpu.enqueue_dma source(%dma_start3A_180 : memref<512xi32, #tpu.memory_space<hbm>>) target(%arg9 : memref<512xi32, #tpu.memory_space<vmem>>) target_semaphore(%run_scoped3A : memref<!tpu.dma_semaphore, #tpu.memory_space<semaphore_mem>>)
      %dma_wait3A_181 = tpu.memref_slice %arg3[%mul3A_2] : memref<16384xi32, #tpu.memory_space<hbm>> -> memref<512xi32, #tpu.memory_space<hbm>>
      %dma_wait3A_182 = tpu.memref_slice %arg3[%mul3A_2] : memref<16384xi32, #tpu.memory_space<hbm>> -> memref<512xi32, #tpu.memory_space<hbm>>
      tpu.wait_dma2 semaphore(%run_scoped3A : memref<!tpu.dma_semaphore, #tpu.memory_space<semaphore_mem>>) src(%dma_wait3A_182 : memref<512xi32, #tpu.memory_space<hbm>>) dst(%arg9 : memref<512xi32, #tpu.memory_space<vmem>>)
      tpu.yield
    }) : () -> ()
    "tpu.region"() ({
      %run_scoped3A = tpu.sem_alloc : memref<!tpu.dma_semaphore, #tpu.memory_space<semaphore_mem>>
      %dma_start3A_179 = tpu.memref_slice %arg4[%mul3A_2] : memref<16384xi32, #tpu.memory_space<hbm>> -> memref<512xi32, #tpu.memory_space<hbm>>
      %dma_start3A_180 = tpu.memref_slice %arg4[%mul3A_2] : memref<16384xi32, #tpu.memory_space<hbm>> -> memref<512xi32, #tpu.memory_space<hbm>>
      tpu.enqueue_dma source(%dma_start3A_180 : memref<512xi32, #tpu.memory_space<hbm>>) target(%arg10 : memref<512xi32, #tpu.memory_space<vmem>>) target_semaphore(%run_scoped3A : memref<!tpu.dma_semaphore, #tpu.memory_space<semaphore_mem>>)
      %dma_wait3A_181 = tpu.memref_slice %arg4[%mul3A_2] : memref<16384xi32, #tpu.memory_space<hbm>> -> memref<512xi32, #tpu.memory_space<hbm>>
      %dma_wait3A_182 = tpu.memref_slice %arg4[%mul3A_2] : memref<16384xi32, #tpu.memory_space<hbm>> -> memref<512xi32, #tpu.memory_space<hbm>>
      tpu.wait_dma2 semaphore(%run_scoped3A : memref<!tpu.dma_semaphore, #tpu.memory_space<semaphore_mem>>) src(%dma_wait3A_182 : memref<512xi32, #tpu.memory_space<hbm>>) dst(%arg10 : memref<512xi32, #tpu.memory_space<vmem>>)
      tpu.yield
    }) : () -> ()
    %dma_start3A = arith.constant 0 : i32
    %dma_start3A_3 = tpu.memref_slice %arg8[%dma_start3A] : memref<512xi32, #tpu.memory_space<vmem>> -> memref<128xi32, #tpu.memory_space<vmem>>
    %dma_start3A_4 = arith.constant 0 : i32
    %dma_start3A_5 = arith.constant 0 : i32
    %dma_start3A_6 = tpu.memref_slice %arg5[%dma_start3A_4, %dma_start3A_5] : memref<100000x128xf32, #tpu.memory_space<hbm>> -> memref<100000x128xf32, #tpu.memory_space<hbm>>
    tpu.enqueue_indirect_dma source(%dma_start3A_6 : memref<100000x128xf32, #tpu.memory_space<hbm>>) target(%arg11 : memref<128x128xf32, #tpu.memory_space<vmem>>) offsets(%dma_start3A_3 : memref<128xi32, #tpu.memory_space<vmem>>) semaphore(%arg18 : memref<!tpu.dma_semaphore, #tpu.memory_space<semaphore_mem>>)
    %dma_start3A_7 = arith.constant 0 : i32
    %dma_start3A_8 = tpu.memref_slice %arg9[%dma_start3A_7] : memref<512xi32, #tpu.memory_space<vmem>> -> memref<128xi32, #tpu.memory_space<vmem>>
    %dma_start3A_9 = arith.constant 0 : i32
    %dma_start3A_10 = arith.constant 0 : i32
    %dma_start3A_11 = tpu.memref_slice %arg6[%dma_start3A_9, %dma_start3A_10] : memref<1000x128xf32, #tpu.memory_space<hbm>> -> memref<1000x128xf32, #tpu.memory_space<hbm>>
    tpu.enqueue_indirect_dma source(%dma_start3A_11 : memref<1000x128xf32, #tpu.memory_space<hbm>>) target(%arg13 : memref<128x128xf32, #tpu.memory_space<vmem>>) offsets(%dma_start3A_8 : memref<128xi32, #tpu.memory_space<vmem>>) semaphore(%arg18 : memref<!tpu.dma_semaphore, #tpu.memory_space<semaphore_mem>>)
    %dma_start3A_12 = arith.constant 0 : i32
    %dma_start3A_13 = tpu.memref_slice %arg10[%dma_start3A_12] : memref<512xi32, #tpu.memory_space<vmem>> -> memref<128xi32, #tpu.memory_space<vmem>>
    %dma_start3A_14 = arith.constant 0 : i32
    %dma_start3A_15 = arith.constant 0 : i32
    %dma_start3A_16 = tpu.memref_slice %arg5[%dma_start3A_14, %dma_start3A_15] : memref<100000x128xf32, #tpu.memory_space<hbm>> -> memref<100000x128xf32, #tpu.memory_space<hbm>>
    tpu.enqueue_indirect_dma source(%dma_start3A_16 : memref<100000x128xf32, #tpu.memory_space<hbm>>) target(%arg15 : memref<128x128xf32, #tpu.memory_space<vmem>>) offsets(%dma_start3A_13 : memref<128xi32, #tpu.memory_space<vmem>>) semaphore(%arg18 : memref<!tpu.dma_semaphore, #tpu.memory_space<semaphore_mem>>)
    %dma_start3A_17 = arith.constant 128 : i32
    %dma_start3A_18 = tpu.memref_slice %arg8[%dma_start3A_17] : memref<512xi32, #tpu.memory_space<vmem>> -> memref<128xi32, #tpu.memory_space<vmem>>
    %dma_start3A_19 = arith.constant 0 : i32
    %dma_start3A_20 = arith.constant 0 : i32
    %dma_start3A_21 = tpu.memref_slice %arg5[%dma_start3A_19, %dma_start3A_20] : memref<100000x128xf32, #tpu.memory_space<hbm>> -> memref<100000x128xf32, #tpu.memory_space<hbm>>
    tpu.enqueue_indirect_dma source(%dma_start3A_21 : memref<100000x128xf32, #tpu.memory_space<hbm>>) target(%arg12 : memref<128x128xf32, #tpu.memory_space<vmem>>) offsets(%dma_start3A_18 : memref<128xi32, #tpu.memory_space<vmem>>) semaphore(%arg19 : memref<!tpu.dma_semaphore, #tpu.memory_space<semaphore_mem>>)
    %dma_start3A_22 = arith.constant 128 : i32
    %dma_start3A_23 = tpu.memref_slice %arg9[%dma_start3A_22] : memref<512xi32, #tpu.memory_space<vmem>> -> memref<128xi32, #tpu.memory_space<vmem>>
    %dma_start3A_24 = arith.constant 0 : i32
    %dma_start3A_25 = arith.constant 0 : i32
    %dma_start3A_26 = tpu.memref_slice %arg6[%dma_start3A_24, %dma_start3A_25] : memref<1000x128xf32, #tpu.memory_space<hbm>> -> memref<1000x128xf32, #tpu.memory_space<hbm>>
    tpu.enqueue_indirect_dma source(%dma_start3A_26 : memref<1000x128xf32, #tpu.memory_space<hbm>>) target(%arg14 : memref<128x128xf32, #tpu.memory_space<vmem>>) offsets(%dma_start3A_23 : memref<128xi32, #tpu.memory_space<vmem>>) semaphore(%arg19 : memref<!tpu.dma_semaphore, #tpu.memory_space<semaphore_mem>>)
    %dma_start3A_27 = arith.constant 128 : i32
    %dma_start3A_28 = tpu.memref_slice %arg10[%dma_start3A_27] : memref<512xi32, #tpu.memory_space<vmem>> -> memref<128xi32, #tpu.memory_space<vmem>>
    %dma_start3A_29 = arith.constant 0 : i32
    %dma_start3A_30 = arith.constant 0 : i32
    %dma_start3A_31 = tpu.memref_slice %arg5[%dma_start3A_29, %dma_start3A_30] : memref<100000x128xf32, #tpu.memory_space<hbm>> -> memref<100000x128xf32, #tpu.memory_space<hbm>>
    tpu.enqueue_indirect_dma source(%dma_start3A_31 : memref<100000x128xf32, #tpu.memory_space<hbm>>) target(%arg16 : memref<128x128xf32, #tpu.memory_space<vmem>>) offsets(%dma_start3A_28 : memref<128xi32, #tpu.memory_space<vmem>>) semaphore(%arg19 : memref<!tpu.dma_semaphore, #tpu.memory_space<semaphore_mem>>)
    %iota3A = tpu.iota {dimensions = array<i32: 0>} : vector<16xi32>
    %eq3A = arith.constant 15 : i32
    %eq3A_32 = vector.broadcast %eq3A : i32 to vector<16xi32>
    %eq3A_33 = arith.cmpi eq, %iota3A, %eq3A_32 : vector<16xi32>
    %broadcast_in_dim3A = arith.constant 0 : i32
    %broadcast_in_dim3A_34 = vector.broadcast %broadcast_in_dim3A : i32 to vector<16xi32>
    %dma_wait3A = arith.constant 0 : i32
    %dma_wait3A_35 = tpu.memref_slice %arg8[%dma_wait3A] : memref<512xi32, #tpu.memory_space<vmem>> -> memref<128xi32, #tpu.memory_space<vmem>>
    %dma_wait3A_36 = arith.constant 0 : i32
    %dma_wait3A_37 = arith.constant 0 : i32
    %dma_wait3A_38 = tpu.memref_slice %arg5[%dma_wait3A_36, %dma_wait3A_37] : memref<100000x128xf32, #tpu.memory_space<hbm>> -> memref<100000x128xf32, #tpu.memory_space<hbm>>
    tpu.wait_indirect_dma semaphore(%arg18 : memref<!tpu.dma_semaphore, #tpu.memory_space<semaphore_mem>>) src(%dma_wait3A_38 : memref<100000x128xf32, #tpu.memory_space<hbm>>) dst(%arg11 : memref<128x128xf32, #tpu.memory_space<vmem>>)
    %dma_wait3A_39 = arith.constant 0 : i32
    %dma_wait3A_40 = tpu.memref_slice %arg9[%dma_wait3A_39] : memref<512xi32, #tpu.memory_space<vmem>> -> memref<128xi32, #tpu.memory_space<vmem>>
    %dma_wait3A_41 = arith.constant 0 : i32
    %dma_wait3A_42 = arith.constant 0 : i32
    %dma_wait3A_43 = tpu.memref_slice %arg6[%dma_wait3A_41, %dma_wait3A_42] : memref<1000x128xf32, #tpu.memory_space<hbm>> -> memref<1000x128xf32, #tpu.memory_space<hbm>>
    tpu.wait_indirect_dma semaphore(%arg18 : memref<!tpu.dma_semaphore, #tpu.memory_space<semaphore_mem>>) src(%dma_wait3A_43 : memref<1000x128xf32, #tpu.memory_space<hbm>>) dst(%arg13 : memref<128x128xf32, #tpu.memory_space<vmem>>)
    %dma_wait3A_44 = arith.constant 0 : i32
    %dma_wait3A_45 = tpu.memref_slice %arg10[%dma_wait3A_44] : memref<512xi32, #tpu.memory_space<vmem>> -> memref<128xi32, #tpu.memory_space<vmem>>
    %dma_wait3A_46 = arith.constant 0 : i32
    %dma_wait3A_47 = arith.constant 0 : i32
    %dma_wait3A_48 = tpu.memref_slice %arg5[%dma_wait3A_46, %dma_wait3A_47] : memref<100000x128xf32, #tpu.memory_space<hbm>> -> memref<100000x128xf32, #tpu.memory_space<hbm>>
    tpu.wait_indirect_dma semaphore(%arg18 : memref<!tpu.dma_semaphore, #tpu.memory_space<semaphore_mem>>) src(%dma_wait3A_48 : memref<100000x128xf32, #tpu.memory_space<hbm>>) dst(%arg15 : memref<128x128xf32, #tpu.memory_space<vmem>>)
    %scan3A = arith.constant 0 : i32
    %scan3A_49 = arith.constant 0 : i32
    %scan3A_50 = arith.constant 8 : i32
    %scan3A_51 = arith.addi %scan3A_49, %scan3A_50 : i32
    %scan3A_52 = arith.constant 1 : i32
    %scan3A_53 = scf.for %scan3A_179 = %scan3A_49 to %scan3A_51 step %scan3A_52 iter_args(%scan3A_180 = %scan3A) -> (i32)  : i32 {
      %mul3A_181 = arith.constant 16 : i32
      %mul3A_182 = arith.muli %scan3A_179, %mul3A_181 : i32
      %add3A_183 = arith.constant 0 : i32
      %add3A_184 = arith.addi %mul3A_182, %add3A_183 : i32
      %add3A_185 = arith.constant 1 : i32
      %add3A_186 = arith.addi %mul3A_182, %add3A_185 : i32
      %add3A_187 = arith.constant 2 : i32
      %add3A_188 = arith.addi %mul3A_182, %add3A_187 : i32
      %add3A_189 = arith.constant 3 : i32
      %add3A_190 = arith.addi %mul3A_182, %add3A_189 : i32
      %add3A_191 = arith.constant 4 : i32
      %add3A_192 = arith.addi %mul3A_182, %add3A_191 : i32
      %add3A_193 = arith.constant 5 : i32
      %add3A_194 = arith.addi %mul3A_182, %add3A_193 : i32
      %add3A_195 = arith.constant 6 : i32
      %add3A_196 = arith.addi %mul3A_182, %add3A_195 : i32
      %add3A_197 = arith.constant 7 : i32
      %add3A_198 = arith.addi %mul3A_182, %add3A_197 : i32
      %add3A_199 = arith.constant 8 : i32
      %add3A_200 = arith.addi %mul3A_182, %add3A_199 : i32
      %add3A_201 = arith.constant 9 : i32
      %add3A_202 = arith.addi %mul3A_182, %add3A_201 : i32
      %add3A_203 = arith.constant 10 : i32
      %add3A_204 = arith.addi %mul3A_182, %add3A_203 : i32
      %add3A_205 = arith.constant 11 : i32
      %add3A_206 = arith.addi %mul3A_182, %add3A_205 : i32
      %add3A_207 = arith.constant 12 : i32
      %add3A_208 = arith.addi %mul3A_182, %add3A_207 : i32
      %add3A_209 = arith.constant 13 : i32
      %add3A_210 = arith.addi %mul3A_182, %add3A_209 : i32
      %add3A_211 = arith.constant 14 : i32
      %add3A_212 = arith.addi %mul3A_182, %add3A_211 : i32
      %add3A_213 = arith.constant 15 : i32
      %add3A_214 = arith.addi %mul3A_182, %add3A_213 : i32
      %get3A = arith.index_cast %add3A_184 : i32 to index
      %get3A_215 = arith.constant 0 : index
      %get3A_216 = tpu.vector_load %arg11[%get3A, %get3A_215] {strides = array<i32>} : memref<128x128xf32, #tpu.memory_space<vmem>>, vector<16xf32>,
      %get3A_217 = arith.index_cast %add3A_184 : i32 to index
      %get3A_218 = arith.constant 0 : index
      %get3A_219 = tpu.vector_load %arg13[%get3A_217, %get3A_218] {strides = array<i32>} : memref<128x128xf32, #tpu.memory_space<vmem>>, vector<16xf32>,
      %mul3A_220 = arith.mulf %get3A_216, %get3A_219 : vector<16xf32>
      %get3A_221 = arith.index_cast %add3A_184 : i32 to index
      %get3A_222 = arith.constant 0 : index
      %get3A_223 = tpu.vector_load %arg15[%get3A_221, %get3A_222] {strides = array<i32>} : memref<128x128xf32, #tpu.memory_space<vmem>>, vector<16xf32>,
      %mul3A_224 = arith.mulf %mul3A_220, %get3A_223 : vector<16xf32>
      %get3A_225 = arith.index_cast %add3A_184 : i32 to index
      %get3A_226 = arith.constant 16 : index
      %get3A_227 = tpu.vector_load %arg11[%get3A_225, %get3A_226] {strides = array<i32>} : memref<128x128xf32, #tpu.memory_space<vmem>>, vector<16xf32>,
      %get3A_228 = arith.index_cast %add3A_184 : i32 to index
      %get3A_229 = arith.constant 16 : index
      %get3A_230 = tpu.vector_load %arg13[%get3A_228, %get3A_229] {strides = array<i32>} : memref<128x128xf32, #tpu.memory_space<vmem>>, vector<16xf32>,
      %mul3A_231 = arith.mulf %get3A_227, %get3A_230 : vector<16xf32>
      %get3A_232 = arith.index_cast %add3A_184 : i32 to index
      %get3A_233 = arith.constant 16 : index
      %get3A_234 = tpu.vector_load %arg15[%get3A_232, %get3A_233] {strides = array<i32>} : memref<128x128xf32, #tpu.memory_space<vmem>>, vector<16xf32>,
      %mul3A_235 = arith.mulf %mul3A_231, %get3A_234 : vector<16xf32>
      %add3A_236 = arith.addf %mul3A_224, %mul3A_235 : vector<16xf32>
      %get3A_237 = arith.index_cast %add3A_184 : i32 to index
      %get3A_238 = arith.constant 32 : index
      %get3A_239 = tpu.vector_load %arg11[%get3A_237, %get3A_238] {strides = array<i32>} : memref<128x128xf32, #tpu.memory_space<vmem>>, vector<16xf32>,
      %get3A_240 = arith.index_cast %add3A_184 : i32 to index
      %get3A_241 = arith.constant 32 : index
      %get3A_242 = tpu.vector_load %arg13[%get3A_240, %get3A_241] {strides = array<i32>} : memref<128x128xf32, #tpu.memory_space<vmem>>, vector<16xf32>,
      %mul3A_243 = arith.mulf %get3A_239, %get3A_242 : vector<16xf32>
      %get3A_244 = arith.index_cast %add3A_184 : i32 to index
      %get3A_245 = arith.constant 32 : index
      %get3A_246 = tpu.vector_load %arg15[%get3A_244, %get3A_245] {strides = array<i32>} : memref<128x128xf32, #tpu.memory_space<vmem>>, vector<16xf32>,
      %mul3A_247 = arith.mulf %mul3A_243, %get3A_246 : vector<16xf32>
      %add3A_248 = arith.addf %add3A_236, %mul3A_247 : vector<16xf32>
      %get3A_249 = arith.index_cast %add3A_184 : i32 to index
      %get3A_250 = arith.constant 48 : index
      %get3A_251 = tpu.vector_load %arg11[%get3A_249, %get3A_250] {strides = array<i32>} : memref<128x128xf32, #tpu.memory_space<vmem>>, vector<16xf32>,
      %get3A_252 = arith.index_cast %add3A_184 : i32 to index
      %get3A_253 = arith.constant 48 : index
      %get3A_254 = tpu.vector_load %arg13[%get3A_252, %get3A_253] {strides = array<i32>} : memref<128x128xf32, #tpu.memory_space<vmem>>, vector<16xf32>,
      %mul3A_255 = arith.mulf %get3A_251, %get3A_254 : vector<16xf32>
      %get3A_256 = arith.index_cast %add3A_184 : i32 to index
      %get3A_257 = arith.constant 48 : index
      %get3A_258 = tpu.vector_load %arg15[%get3A_256, %get3A_257] {strides = array<i32>} : memref<128x128xf32, #tpu.memory_space<vmem>>, vector<16xf32>,
      %mul3A_259 = arith.mulf %mul3A_255, %get3A_258 : vector<16xf32>
      %add3A_260 = arith.addf %add3A_248, %mul3A_259 : vector<16xf32>
      %get3A_261 = arith.index_cast %add3A_186 : i32 to index
      %get3A_262 = arith.constant 0 : index
      %get3A_263 = tpu.vector_load %arg11[%get3A_261, %get3A_262] {strides = array<i32>} : memref<128x128xf32, #tpu.memory_space<vmem>>, vector<16xf32>,
      %get3A_264 = arith.index_cast %add3A_186 : i32 to index
      %get3A_265 = arith.constant 0 : index
      %get3A_266 = tpu.vector_load %arg13[%get3A_264, %get3A_265] {strides = array<i32>} : memref<128x128xf32, #tpu.memory_space<vmem>>, vector<16xf32>,
      %mul3A_267 = arith.mulf %get3A_263, %get3A_266 : vector<16xf32>
      %get3A_268 = arith.index_cast %add3A_186 : i32 to index
      %get3A_269 = arith.constant 0 : index
      %get3A_270 = tpu.vector_load %arg15[%get3A_268, %get3A_269] {strides = array<i32>} : memref<128x128xf32, #tpu.memory_space<vmem>>, vector<16xf32>,
      %mul3A_271 = arith.mulf %mul3A_267, %get3A_270 : vector<16xf32>
      %get3A_272 = arith.index_cast %add3A_186 : i32 to index
      %get3A_273 = arith.constant 16 : index
      %get3A_274 = tpu.vector_load %arg11[%get3A_272, %get3A_273] {strides = array<i32>} : memref<128x128xf32, #tpu.memory_space<vmem>>, vector<16xf32>,
      %get3A_275 = arith.index_cast %add3A_186 : i32 to index
      %get3A_276 = arith.constant 16 : index
      %get3A_277 = tpu.vector_load %arg13[%get3A_275, %get3A_276] {strides = array<i32>} : memref<128x128xf32, #tpu.memory_space<vmem>>, vector<16xf32>,
      %mul3A_278 = arith.mulf %get3A_274, %get3A_277 : vector<16xf32>
      %get3A_279 = arith.index_cast %add3A_186 : i32 to index
      %get3A_280 = arith.constant 16 : index
      %get3A_281 = tpu.vector_load %arg15[%get3A_279, %get3A_280] {strides = array<i32>} : memref<128x128xf32, #tpu.memory_space<vmem>>, vector<16xf32>,
      %mul3A_282 = arith.mulf %mul3A_278, %get3A_281 : vector<16xf32>
      %add3A_283 = arith.addf %mul3A_271, %mul3A_282 : vector<16xf32>
      %get3A_284 = arith.index_cast %add3A_186 : i32 to index
      %get3A_285 = arith.constant 32 : index
      %get3A_286 = tpu.vector_load %arg11[%get3A_284, %get3A_285] {strides = array<i32>} : memref<128x128xf32, #tpu.memory_space<vmem>>, vector<16xf32>,
      %get3A_287 = arith.index_cast %add3A_186 : i32 to index
      %get3A_288 = arith.constant 32 : index
      %get3A_289 = tpu.vector_load %arg13[%get3A_287, %get3A_288] {strides = array<i32>} : memref<128x128xf32, #tpu.memory_space<vmem>>, vector<16xf32>,
      %mul3A_290 = arith.mulf %get3A_286, %get3A_289 : vector<16xf32>
      %get3A_291 = arith.index_cast %add3A_186 : i32 to index
      %get3A_292 = arith.constant 32 : index
      %get3A_293 = tpu.vector_load %arg15[%get3A_291, %get3A_292] {strides = array<i32>} : memref<128x128xf32, #tpu.memory_space<vmem>>, vector<16xf32>,
      %mul3A_294 = arith.mulf %mul3A_290, %get3A_293 : vector<16xf32>
      %add3A_295 = arith.addf %add3A_283, %mul3A_294 : vector<16xf32>
      %get3A_296 = arith.index_cast %add3A_186 : i32 to index
      %get3A_297 = arith.constant 48 : index
      %get3A_298 = tpu.vector_load %arg11[%get3A_296, %get3A_297] {strides = array<i32>} : memref<128x128xf32, #tpu.memory_space<vmem>>, vector<16xf32>,
      %get3A_299 = arith.index_cast %add3A_186 : i32 to index
      %get3A_300 = arith.constant 48 : index
      %get3A_301 = tpu.vector_load %arg13[%get3A_299, %get3A_300] {strides = array<i32>} : memref<128x128xf32, #tpu.memory_space<vmem>>, vector<16xf32>,
      %mul3A_302 = arith.mulf %get3A_298, %get3A_301 : vector<16xf32>
      %get3A_303 = arith.index_cast %add3A_186 : i32 to index
      %get3A_304 = arith.constant 48 : index
      %get3A_305 = tpu.vector_load %arg15[%get3A_303, %get3A_304] {strides = array<i32>} : memref<128x128xf32, #tpu.memory_space<vmem>>, vector<16xf32>,
      %mul3A_306 = arith.mulf %mul3A_302, %get3A_305 : vector<16xf32>
      %add3A_307 = arith.addf %add3A_295, %mul3A_306 : vector<16xf32>
      %get3A_308 = arith.index_cast %add3A_188 : i32 to index
      %get3A_309 = arith.constant 0 : index
      %get3A_310 = tpu.vector_load %arg11[%get3A_308, %get3A_309] {strides = array<i32>} : memref<128x128xf32, #tpu.memory_space<vmem>>, vector<16xf32>,
      %get3A_311 = arith.index_cast %add3A_188 : i32 to index
      %get3A_312 = arith.constant 0 : index
      %get3A_313 = tpu.vector_load %arg13[%get3A_311, %get3A_312] {strides = array<i32>} : memref<128x128xf32, #tpu.memory_space<vmem>>, vector<16xf32>,
      %mul3A_314 = arith.mulf %get3A_310, %get3A_313 : vector<16xf32>
      %get3A_315 = arith.index_cast %add3A_188 : i32 to index
      %get3A_316 = arith.constant 0 : index
      %get3A_317 = tpu.vector_load %arg15[%get3A_315, %get3A_316] {strides = array<i32>} : memref<128x128xf32, #tpu.memory_space<vmem>>, vector<16xf32>,
      %mul3A_318 = arith.mulf %mul3A_314, %get3A_317 : vector<16xf32>
      %get3A_319 = arith.index_cast %add3A_188 : i32 to index
      %get3A_320 = arith.constant 16 : index
      %get3A_321 = tpu.vector_load %arg11[%get3A_319, %get3A_320] {strides = array<i32>} : memref<128x128xf32, #tpu.memory_space<vmem>>, vector<16xf32>,
      %get3A_322 = arith.index_cast %add3A_188 : i32 to index
      %get3A_323 = arith.constant 16 : index
      %get3A_324 = tpu.vector_load %arg13[%get3A_322, %get3A_323] {strides = array<i32>} : memref<128x128xf32, #tpu.memory_space<vmem>>, vector<16xf32>,
      %mul3A_325 = arith.mulf %get3A_321, %get3A_324 : vector<16xf32>
      %get3A_326 = arith.index_cast %add3A_188 : i32 to index
      %get3A_327 = arith.constant 16 : index
      %get3A_328 = tpu.vector_load %arg15[%get3A_326, %get3A_327] {strides = array<i32>} : memref<128x128xf32, #tpu.memory_space<vmem>>, vector<16xf32>,
      %mul3A_329 = arith.mulf %mul3A_325, %get3A_328 : vector<16xf32>
      %add3A_330 = arith.addf %mul3A_318, %mul3A_329 : vector<16xf32>
      %get3A_331 = arith.index_cast %add3A_188 : i32 to index
      %get3A_332 = arith.constant 32 : index
      %get3A_333 = tpu.vector_load %arg11[%get3A_331, %get3A_332] {strides = array<i32>} : memref<128x128xf32, #tpu.memory_space<vmem>>, vector<16xf32>,
      %get3A_334 = arith.index_cast %add3A_188 : i32 to index
      %get3A_335 = arith.constant 32 : index
      %get3A_336 = tpu.vector_load %arg13[%get3A_334, %get3A_335] {strides = array<i32>} : memref<128x128xf32, #tpu.memory_space<vmem>>, vector<16xf32>,
      %mul3A_337 = arith.mulf %get3A_333, %get3A_336 : vector<16xf32>
      %get3A_338 = arith.index_cast %add3A_188 : i32 to index
      %get3A_339 = arith.constant 32 : index
      %get3A_340 = tpu.vector_load %arg15[%get3A_338, %get3A_339] {strides = array<i32>} : memref<128x128xf32, #tpu.memory_space<vmem>>, vector<16xf32>,
      %mul3A_341 = arith.mulf %mul3A_337, %get3A_340 : vector<16xf32>
      %add3A_342 = arith.addf %add3A_330, %mul3A_341 : vector<16xf32>
      %get3A_343 = arith.index_cast %add3A_188 : i32 to index
      %get3A_344 = arith.constant 48 : index
      %get3A_345 = tpu.vector_load %arg11[%get3A_343, %get3A_344] {strides = array<i32>} : memref<128x128xf32, #tpu.memory_space<vmem>>, vector<16xf32>,
      %get3A_346 = arith.index_cast %add3A_188 : i32 to index
      %get3A_347 = arith.constant 48 : index
      %get3A_348 = tpu.vector_load %arg13[%get3A_346, %get3A_347] {strides = array<i32>} : memref<128x128xf32, #tpu.memory_space<vmem>>, vector<16xf32>,
      %mul3A_349 = arith.mulf %get3A_345, %get3A_348 : vector<16xf32>
      %get3A_350 = arith.index_cast %add3A_188 : i32 to index
      %get3A_351 = arith.constant 48 : index
      %get3A_352 = tpu.vector_load %arg15[%get3A_350, %get3A_351] {strides = array<i32>} : memref<128x128xf32, #tpu.memory_space<vmem>>, vector<16xf32>,
      %mul3A_353 = arith.mulf %mul3A_349, %get3A_352 : vector<16xf32>
      %add3A_354 = arith.addf %add3A_342, %mul3A_353 : vector<16xf32>
      %get3A_355 = arith.index_cast %add3A_190 : i32 to index
      %get3A_356 = arith.constant 0 : index
      %get3A_357 = tpu.vector_load %arg11[%get3A_355, %get3A_356] {strides = array<i32>} : memref<128x128xf32, #tpu.memory_space<vmem>>, vector<16xf32>,
      %get3A_358 = arith.index_cast %add3A_190 : i32 to index
      %get3A_359 = arith.constant 0 : index
      %get3A_360 = tpu.vector_load %arg13[%get3A_358, %get3A_359] {strides = array<i32>} : memref<128x128xf32, #tpu.memory_space<vmem>>, vector<16xf32>,
      %mul3A_361 = arith.mulf %get3A_357, %get3A_360 : vector<16xf32>
      %get3A_362 = arith.index_cast %add3A_190 : i32 to index
      %get3A_363 = arith.constant 0 : index
      %get3A_364 = tpu.vector_load %arg15[%get3A_362, %get3A_363] {strides = array<i32>} : memref<128x128xf32, #tpu.memory_space<vmem>>, vector<16xf32>,
      %mul3A_365 = arith.mulf %mul3A_361, %get3A_364 : vector<16xf32>
      %get3A_366 = arith.index_cast %add3A_190 : i32 to index
      %get3A_367 = arith.constant 16 : index
      %get3A_368 = tpu.vector_load %arg11[%get3A_366, %get3A_367] {strides = array<i32>} : memref<128x128xf32, #tpu.memory_space<vmem>>, vector<16xf32>,
      %get3A_369 = arith.index_cast %add3A_190 : i32 to index
      %get3A_370 = arith.constant 16 : index
      %get3A_371 = tpu.vector_load %arg13[%get3A_369, %get3A_370] {strides = array<i32>} : memref<128x128xf32, #tpu.memory_space<vmem>>, vector<16xf32>,
      %mul3A_372 = arith.mulf %get3A_368, %get3A_371 : vector<16xf32>
      %get3A_373 = arith.index_cast %add3A_190 : i32 to index
      %get3A_374 = arith.constant 16 : index
      %get3A_375 = tpu.vector_load %arg15[%get3A_373, %get3A_374] {strides = array<i32>} : memref<128x128xf32, #tpu.memory_space<vmem>>, vector<16xf32>,
      %mul3A_376 = arith.mulf %mul3A_372, %get3A_375 : vector<16xf32>
      %add3A_377 = arith.addf %mul3A_365, %mul3A_376 : vector<16xf32>
      %get3A_378 = arith.index_cast %add3A_190 : i32 to index
      %get3A_379 = arith.constant 32 : index
      %get3A_380 = tpu.vector_load %arg11[%get3A_378, %get3A_379] {strides = array<i32>} : memref<128x128xf32, #tpu.memory_space<vmem>>, vector<16xf32>,
      %get3A_381 = arith.index_cast %add3A_190 : i32 to index
      %get3A_382 = arith.constant 32 : index
      %get3A_383 = tpu.vector_load %arg13[%get3A_381, %get3A_382] {strides = array<i32>} : memref<128x128xf32, #tpu.memory_space<vmem>>, vector<16xf32>,
      %mul3A_384 = arith.mulf %get3A_380, %get3A_383 : vector<16xf32>
      %get3A_385 = arith.index_cast %add3A_190 : i32 to index
      %get3A_386 = arith.constant 32 : index
      %get3A_387 = tpu.vector_load %arg15[%get3A_385, %get3A_386] {strides = array<i32>} : memref<128x128xf32, #tpu.memory_space<vmem>>, vector<16xf32>,
      %mul3A_388 = arith.mulf %mul3A_384, %get3A_387 : vector<16xf32>
      %add3A_389 = arith.addf %add3A_377, %mul3A_388 : vector<16xf32>
      %get3A_390 = arith.index_cast %add3A_190 : i32 to index
      %get3A_391 = arith.constant 48 : index
      %get3A_392 = tpu.vector_load %arg11[%get3A_390, %get3A_391] {strides = array<i32>} : memref<128x128xf32, #tpu.memory_space<vmem>>, vector<16xf32>,
      %get3A_393 = arith.index_cast %add3A_190 : i32 to index
      %get3A_394 = arith.constant 48 : index
      %get3A_395 = tpu.vector_load %arg13[%get3A_393, %get3A_394] {strides = array<i32>} : memref<128x128xf32, #tpu.memory_space<vmem>>, vector<16xf32>,
      %mul3A_396 = arith.mulf %get3A_392, %get3A_395 : vector<16xf32>
      %get3A_397 = arith.index_cast %add3A_190 : i32 to index
      %get3A_398 = arith.constant 48 : index
      %get3A_399 = tpu.vector_load %arg15[%get3A_397, %get3A_398] {strides = array<i32>} : memref<128x128xf32, #tpu.memory_space<vmem>>, vector<16xf32>,
      %mul3A_400 = arith.mulf %mul3A_396, %get3A_399 : vector<16xf32>
      %add3A_401 = arith.addf %add3A_389, %mul3A_400 : vector<16xf32>
      %get3A_402 = arith.index_cast %add3A_192 : i32 to index
      %get3A_403 = arith.constant 0 : index
      %get3A_404 = tpu.vector_load %arg11[%get3A_402, %get3A_403] {strides = array<i32>} : memref<128x128xf32, #tpu.memory_space<vmem>>, vector<16xf32>,
      %get3A_405 = arith.index_cast %add3A_192 : i32 to index
      %get3A_406 = arith.constant 0 : index
      %get3A_407 = tpu.vector_load %arg13[%get3A_405, %get3A_406] {strides = array<i32>} : memref<128x128xf32, #tpu.memory_space<vmem>>, vector<16xf32>,
      %mul3A_408 = arith.mulf %get3A_404, %get3A_407 : vector<16xf32>
      %get3A_409 = arith.index_cast %add3A_192 : i32 to index
      %get3A_410 = arith.constant 0 : index
      %get3A_411 = tpu.vector_load %arg15[%get3A_409, %get3A_410] {strides = array<i32>} : memref<128x128xf32, #tpu.memory_space<vmem>>, vector<16xf32>,
      %mul3A_412 = arith.mulf %mul3A_408, %get3A_411 : vector<16xf32>
      %get3A_413 = arith.index_cast %add3A_192 : i32 to index
      %get3A_414 = arith.constant 16 : index
      %get3A_415 = tpu.vector_load %arg11[%get3A_413, %get3A_414] {strides = array<i32>} : memref<128x128xf32, #tpu.memory_space<vmem>>, vector<16xf32>,
      %get3A_416 = arith.index_cast %add3A_192 : i32 to index
      %get3A_417 = arith.constant 16 : index
      %get3A_418 = tpu.vector_load %arg13[%get3A_416, %get3A_417] {strides = array<i32>} : memref<128x128xf32, #tpu.memory_space<vmem>>, vector<16xf32>,
      %mul3A_419 = arith.mulf %get3A_415, %get3A_418 : vector<16xf32>
      %get3A_420 = arith.index_cast %add3A_192 : i32 to index
      %get3A_421 = arith.constant 16 : index
      %get3A_422 = tpu.vector_load %arg15[%get3A_420, %get3A_421] {strides = array<i32>} : memref<128x128xf32, #tpu.memory_space<vmem>>, vector<16xf32>,
      %mul3A_423 = arith.mulf %mul3A_419, %get3A_422 : vector<16xf32>
      %add3A_424 = arith.addf %mul3A_412, %mul3A_423 : vector<16xf32>
      %get3A_425 = arith.index_cast %add3A_192 : i32 to index
      %get3A_426 = arith.constant 32 : index
      %get3A_427 = tpu.vector_load %arg11[%get3A_425, %get3A_426] {strides = array<i32>} : memref<128x128xf32, #tpu.memory_space<vmem>>, vector<16xf32>,
      %get3A_428 = arith.index_cast %add3A_192 : i32 to index
      %get3A_429 = arith.constant 32 : index
      %get3A_430 = tpu.vector_load %arg13[%get3A_428, %get3A_429] {strides = array<i32>} : memref<128x128xf32, #tpu.memory_space<vmem>>, vector<16xf32>,
      %mul3A_431 = arith.mulf %get3A_427, %get3A_430 : vector<16xf32>
      %get3A_432 = arith.index_cast %add3A_192 : i32 to index
      %get3A_433 = arith.constant 32 : index
      %get3A_434 = tpu.vector_load %arg15[%get3A_432, %get3A_433] {strides = array<i32>} : memref<128x128xf32, #tpu.memory_space<vmem>>, vector<16xf32>,
      %mul3A_435 = arith.mulf %mul3A_431, %get3A_434 : vector<16xf32>
      %add3A_436 = arith.addf %add3A_424, %mul3A_435 : vector<16xf32>
      %get3A_437 = arith.index_cast %add3A_192 : i32 to index
      %get3A_438 = arith.constant 48 : index
      %get3A_439 = tpu.vector_load %arg11[%get3A_437, %get3A_438] {strides = array<i32>} : memref<128x128xf32, #tpu.memory_space<vmem>>, vector<16xf32>,
      %get3A_440 = arith.index_cast %add3A_192 : i32 to index
      %get3A_441 = arith.constant 48 : index
      %get3A_442 = tpu.vector_load %arg13[%get3A_440, %get3A_441] {strides = array<i32>} : memref<128x128xf32, #tpu.memory_space<vmem>>, vector<16xf32>,
      %mul3A_443 = arith.mulf %get3A_439, %get3A_442 : vector<16xf32>
      %get3A_444 = arith.index_cast %add3A_192 : i32 to index
      %get3A_445 = arith.constant 48 : index
      %get3A_446 = tpu.vector_load %arg15[%get3A_444, %get3A_445] {strides = array<i32>} : memref<128x128xf32, #tpu.memory_space<vmem>>, vector<16xf32>,
      %mul3A_447 = arith.mulf %mul3A_443, %get3A_446 : vector<16xf32>
      %add3A_448 = arith.addf %add3A_436, %mul3A_447 : vector<16xf32>
      %get3A_449 = arith.index_cast %add3A_194 : i32 to index
      %get3A_450 = arith.constant 0 : index
      %get3A_451 = tpu.vector_load %arg11[%get3A_449, %get3A_450] {strides = array<i32>} : memref<128x128xf32, #tpu.memory_space<vmem>>, vector<16xf32>,
      %get3A_452 = arith.index_cast %add3A_194 : i32 to index
      %get3A_453 = arith.constant 0 : index
      %get3A_454 = tpu.vector_load %arg13[%get3A_452, %get3A_453] {strides = array<i32>} : memref<128x128xf32, #tpu.memory_space<vmem>>, vector<16xf32>,
      %mul3A_455 = arith.mulf %get3A_451, %get3A_454 : vector<16xf32>
      %get3A_456 = arith.index_cast %add3A_194 : i32 to index
      %get3A_457 = arith.constant 0 : index
      %get3A_458 = tpu.vector_load %arg15[%get3A_456, %get3A_457] {strides = array<i32>} : memref<128x128xf32, #tpu.memory_space<vmem>>, vector<16xf32>,
      %mul3A_459 = arith.mulf %mul3A_455, %get3A_458 : vector<16xf32>
      %get3A_460 = arith.index_cast %add3A_194 : i32 to index
      %get3A_461 = arith.constant 16 : index
      %get3A_462 = tpu.vector_load %arg11[%get3A_460, %get3A_461] {strides = array<i32>} : memref<128x128xf32, #tpu.memory_space<vmem>>, vector<16xf32>,
      %get3A_463 = arith.index_cast %add3A_194 : i32 to index
      %get3A_464 = arith.constant 16 : index
      %get3A_465 = tpu.vector_load %arg13[%get3A_463, %get3A_464] {strides = array<i32>} : memref<128x128xf32, #tpu.memory_space<vmem>>, vector<16xf32>,
      %mul3A_466 = arith.mulf %get3A_462, %get3A_465 : vector<16xf32>
      %get3A_467 = arith.index_cast %add3A_194 : i32 to index
      %get3A_468 = arith.constant 16 : index
      %get3A_469 = tpu.vector_load %arg15[%get3A_467, %get3A_468] {strides = array<i32>} : memref<128x128xf32, #tpu.memory_space<vmem>>, vector<16xf32>,
      %mul3A_470 = arith.mulf %mul3A_466, %get3A_469 : vector<16xf32>
      %add3A_471 = arith.addf %mul3A_459, %mul3A_470 : vector<16xf32>
      %get3A_472 = arith.index_cast %add3A_194 : i32 to index
      %get3A_473 = arith.constant 32 : index
      %get3A_474 = tpu.vector_load %arg11[%get3A_472, %get3A_473] {strides = array<i32>} : memref<128x128xf32, #tpu.memory_space<vmem>>, vector<16xf32>,
      %get3A_475 = arith.index_cast %add3A_194 : i32 to index
      %get3A_476 = arith.constant 32 : index
      %get3A_477 = tpu.vector_load %arg13[%get3A_475, %get3A_476] {strides = array<i32>} : memref<128x128xf32, #tpu.memory_space<vmem>>, vector<16xf32>,
      %mul3A_478 = arith.mulf %get3A_474, %get3A_477 : vector<16xf32>
      %get3A_479 = arith.index_cast %add3A_194 : i32 to index
      %get3A_480 = arith.constant 32 : index
      %get3A_481 = tpu.vector_load %arg15[%get3A_479, %get3A_480] {strides = array<i32>} : memref<128x128xf32, #tpu.memory_space<vmem>>, vector<16xf32>,
      %mul3A_482 = arith.mulf %mul3A_478, %get3A_481 : vector<16xf32>
      %add3A_483 = arith.addf %add3A_471, %mul3A_482 : vector<16xf32>
      %get3A_484 = arith.index_cast %add3A_194 : i32 to index
      %get3A_485 = arith.constant 48 : index
      %get3A_486 = tpu.vector_load %arg11[%get3A_484, %get3A_485] {strides = array<i32>} : memref<128x128xf32, #tpu.memory_space<vmem>>, vector<16xf32>,
      %get3A_487 = arith.index_cast %add3A_194 : i32 to index
      %get3A_488 = arith.constant 48 : index
      %get3A_489 = tpu.vector_load %arg13[%get3A_487, %get3A_488] {strides = array<i32>} : memref<128x128xf32, #tpu.memory_space<vmem>>, vector<16xf32>,
      %mul3A_490 = arith.mulf %get3A_486, %get3A_489 : vector<16xf32>
      %get3A_491 = arith.index_cast %add3A_194 : i32 to index
      %get3A_492 = arith.constant 48 : index
      %get3A_493 = tpu.vector_load %arg15[%get3A_491, %get3A_492] {strides = array<i32>} : memref<128x128xf32, #tpu.memory_space<vmem>>, vector<16xf32>,
      %mul3A_494 = arith.mulf %mul3A_490, %get3A_493 : vector<16xf32>
      %add3A_495 = arith.addf %add3A_483, %mul3A_494 : vector<16xf32>
      %get3A_496 = arith.index_cast %add3A_196 : i32 to index
      %get3A_497 = arith.constant 0 : index
      %get3A_498 = tpu.vector_load %arg11[%get3A_496, %get3A_497] {strides = array<i32>} : memref<128x128xf32, #tpu.memory_space<vmem>>, vector<16xf32>,
      %get3A_499 = arith.index_cast %add3A_196 : i32 to index
      %get3A_500 = arith.constant 0 : index
      %get3A_501 = tpu.vector_load %arg13[%get3A_499, %get3A_500] {strides = array<i32>} : memref<128x128xf32, #tpu.memory_space<vmem>>, vector<16xf32>,
      %mul3A_502 = arith.mulf %get3A_498, %get3A_501 : vector<16xf32>
      %get3A_503 = arith.index_cast %add3A_196 : i32 to index
      %get3A_504 = arith.constant 0 : index
      %get3A_505 = tpu.vector_load %arg15[%get3A_503, %get3A_504] {strides = array<i32>} : memref<128x128xf32, #tpu.memory_space<vmem>>, vector<16xf32>,
      %mul3A_506 = arith.mulf %mul3A_502, %get3A_505 : vector<16xf32>
      %get3A_507 = arith.index_cast %add3A_196 : i32 to index
      %get3A_508 = arith.constant 16 : index
      %get3A_509 = tpu.vector_load %arg11[%get3A_507, %get3A_508] {strides = array<i32>} : memref<128x128xf32, #tpu.memory_space<vmem>>, vector<16xf32>,
      %get3A_510 = arith.index_cast %add3A_196 : i32 to index
      %get3A_511 = arith.constant 16 : index
      %get3A_512 = tpu.vector_load %arg13[%get3A_510, %get3A_511] {strides = array<i32>} : memref<128x128xf32, #tpu.memory_space<vmem>>, vector<16xf32>,
      %mul3A_513 = arith.mulf %get3A_509, %get3A_512 : vector<16xf32>
      %get3A_514 = arith.index_cast %add3A_196 : i32 to index
      %get3A_515 = arith.constant 16 : index
      %get3A_516 = tpu.vector_load %arg15[%get3A_514, %get3A_515] {strides = array<i32>} : memref<128x128xf32, #tpu.memory_space<vmem>>, vector<16xf32>,
      %mul3A_517 = arith.mulf %mul3A_513, %get3A_516 : vector<16xf32>
      %add3A_518 = arith.addf %mul3A_506, %mul3A_517 : vector<16xf32>
      %get3A_519 = arith.index_cast %add3A_196 : i32 to index
      %get3A_520 = arith.constant 32 : index
      %get3A_521 = tpu.vector_load %arg11[%get3A_519, %get3A_520] {strides = array<i32>} : memref<128x128xf32, #tpu.memory_space<vmem>>, vector<16xf32>,
      %get3A_522 = arith.index_cast %add3A_196 : i32 to index
      %get3A_523 = arith.constant 32 : index
      %get3A_524 = tpu.vector_load %arg13[%get3A_522, %get3A_523] {strides = array<i32>} : memref<128x128xf32, #tpu.memory_space<vmem>>, vector<16xf32>,
      %mul3A_525 = arith.mulf %get3A_521, %get3A_524 : vector<16xf32>
      %get3A_526 = arith.index_cast %add3A_196 : i32 to index
      %get3A_527 = arith.constant 32 : index
      %get3A_528 = tpu.vector_load %arg15[%get3A_526, %get3A_527] {strides = array<i32>} : memref<128x128xf32, #tpu.memory_space<vmem>>, vector<16xf32>,
      %mul3A_529 = arith.mulf %mul3A_525, %get3A_528 : vector<16xf32>
      %add3A_530 = arith.addf %add3A_518, %mul3A_529 : vector<16xf32>
      %get3A_531 = arith.index_cast %add3A_196 : i32 to index
      %get3A_532 = arith.constant 48 : index
      %get3A_533 = tpu.vector_load %arg11[%get3A_531, %get3A_532] {strides = array<i32>} : memref<128x128xf32, #tpu.memory_space<vmem>>, vector<16xf32>,
      %get3A_534 = arith.index_cast %add3A_196 : i32 to index
      %get3A_535 = arith.constant 48 : index
      %get3A_536 = tpu.vector_load %arg13[%get3A_534, %get3A_535] {strides = array<i32>} : memref<128x128xf32, #tpu.memory_space<vmem>>, vector<16xf32>,
      %mul3A_537 = arith.mulf %get3A_533, %get3A_536 : vector<16xf32>
      %get3A_538 = arith.index_cast %add3A_196 : i32 to index
      %get3A_539 = arith.constant 48 : index
      %get3A_540 = tpu.vector_load %arg15[%get3A_538, %get3A_539] {strides = array<i32>} : memref<128x128xf32, #tpu.memory_space<vmem>>, vector<16xf32>,
      %mul3A_541 = arith.mulf %mul3A_537, %get3A_540 : vector<16xf32>
      %add3A_542 = arith.addf %add3A_530, %mul3A_541 : vector<16xf32>
      %get3A_543 = arith.index_cast %add3A_198 : i32 to index
      %get3A_544 = arith.constant 0 : index
      %get3A_545 = tpu.vector_load %arg11[%get3A_543, %get3A_544] {strides = array<i32>} : memref<128x128xf32, #tpu.memory_space<vmem>>, vector<16xf32>,
      %get3A_546 = arith.index_cast %add3A_198 : i32 to index
      %get3A_547 = arith.constant 0 : index
      %get3A_548 = tpu.vector_load %arg13[%get3A_546, %get3A_547] {strides = array<i32>} : memref<128x128xf32, #tpu.memory_space<vmem>>, vector<16xf32>,
      %mul3A_549 = arith.mulf %get3A_545, %get3A_548 : vector<16xf32>
      %get3A_550 = arith.index_cast %add3A_198 : i32 to index
      %get3A_551 = arith.constant 0 : index
      %get3A_552 = tpu.vector_load %arg15[%get3A_550, %get3A_551] {strides = array<i32>} : memref<128x128xf32, #tpu.memory_space<vmem>>, vector<16xf32>,
      %mul3A_553 = arith.mulf %mul3A_549, %get3A_552 : vector<16xf32>
      %get3A_554 = arith.index_cast %add3A_198 : i32 to index
      %get3A_555 = arith.constant 16 : index
      %get3A_556 = tpu.vector_load %arg11[%get3A_554, %get3A_555] {strides = array<i32>} : memref<128x128xf32, #tpu.memory_space<vmem>>, vector<16xf32>,
      %get3A_557 = arith.index_cast %add3A_198 : i32 to index
      %get3A_558 = arith.constant 16 : index
      %get3A_559 = tpu.vector_load %arg13[%get3A_557, %get3A_558] {strides = array<i32>} : memref<128x128xf32, #tpu.memory_space<vmem>>, vector<16xf32>,
      %mul3A_560 = arith.mulf %get3A_556, %get3A_559 : vector<16xf32>
      %get3A_561 = arith.index_cast %add3A_198 : i32 to index
      %get3A_562 = arith.constant 16 : index
      %get3A_563 = tpu.vector_load %arg15[%get3A_561, %get3A_562] {strides = array<i32>} : memref<128x128xf32, #tpu.memory_space<vmem>>, vector<16xf32>,
      %mul3A_564 = arith.mulf %mul3A_560, %get3A_563 : vector<16xf32>
      %add3A_565 = arith.addf %mul3A_553, %mul3A_564 : vector<16xf32>
      %get3A_566 = arith.index_cast %add3A_198 : i32 to index
      %get3A_567 = arith.constant 32 : index
      %get3A_568 = tpu.vector_load %arg11[%get3A_566, %get3A_567] {strides = array<i32>} : memref<128x128xf32, #tpu.memory_space<vmem>>, vector<16xf32>,
      %get3A_569 = arith.index_cast %add3A_198 : i32 to index
      %get3A_570 = arith.constant 32 : index
      %get3A_571 = tpu.vector_load %arg13[%get3A_569, %get3A_570] {strides = array<i32>} : memref<128x128xf32, #tpu.memory_space<vmem>>, vector<16xf32>,
      %mul3A_572 = arith.mulf %get3A_568, %get3A_571 : vector<16xf32>
      %get3A_573 = arith.index_cast %add3A_198 : i32 to index
      %get3A_574 = arith.constant 32 : index
      %get3A_575 = tpu.vector_load %arg15[%get3A_573, %get3A_574] {strides = array<i32>} : memref<128x128xf32, #tpu.memory_space<vmem>>, vector<16xf32>,
      %mul3A_576 = arith.mulf %mul3A_572, %get3A_575 : vector<16xf32>
      %add3A_577 = arith.addf %add3A_565, %mul3A_576 : vector<16xf32>
      %get3A_578 = arith.index_cast %add3A_198 : i32 to index
      %get3A_579 = arith.constant 48 : index
      %get3A_580 = tpu.vector_load %arg11[%get3A_578, %get3A_579] {strides = array<i32>} : memref<128x128xf32, #tpu.memory_space<vmem>>, vector<16xf32>,
      %get3A_581 = arith.index_cast %add3A_198 : i32 to index
      %get3A_582 = arith.constant 48 : index
      %get3A_583 = tpu.vector_load %arg13[%get3A_581, %get3A_582] {strides = array<i32>} : memref<128x128xf32, #tpu.memory_space<vmem>>, vector<16xf32>,
      %mul3A_584 = arith.mulf %get3A_580, %get3A_583 : vector<16xf32>
      %get3A_585 = arith.index_cast %add3A_198 : i32 to index
      %get3A_586 = arith.constant 48 : index
      %get3A_587 = tpu.vector_load %arg15[%get3A_585, %get3A_586] {strides = array<i32>} : memref<128x128xf32, #tpu.memory_space<vmem>>, vector<16xf32>,
      %mul3A_588 = arith.mulf %mul3A_584, %get3A_587 : vector<16xf32>
      %add3A_589 = arith.addf %add3A_577, %mul3A_588 : vector<16xf32>
      %get3A_590 = arith.index_cast %add3A_200 : i32 to index
      %get3A_591 = arith.constant 0 : index
      %get3A_592 = tpu.vector_load %arg11[%get3A_590, %get3A_591] {strides = array<i32>} : memref<128x128xf32, #tpu.memory_space<vmem>>, vector<16xf32>,
      %get3A_593 = arith.index_cast %add3A_200 : i32 to index
      %get3A_594 = arith.constant 0 : index
      %get3A_595 = tpu.vector_load %arg13[%get3A_593, %get3A_594] {strides = array<i32>} : memref<128x128xf32, #tpu.memory_space<vmem>>, vector<16xf32>,
      %mul3A_596 = arith.mulf %get3A_592, %get3A_595 : vector<16xf32>
      %get3A_597 = arith.index_cast %add3A_200 : i32 to index
      %get3A_598 = arith.constant 0 : index
      %get3A_599 = tpu.vector_load %arg15[%get3A_597, %get3A_598] {strides = array<i32>} : memref<128x128xf32, #tpu.memory_space<vmem>>, vector<16xf32>,
      %mul3A_600 = arith.mulf %mul3A_596, %get3A_599 : vector<16xf32>
      %get3A_601 = arith.index_cast %add3A_200 : i32 to index
      %get3A_602 = arith.constant 16 : index
      %get3A_603 = tpu.vector_load %arg11[%get3A_601, %get3A_602] {strides = array<i32>} : memref<128x128xf32, #tpu.memory_space<vmem>>, vector<16xf32>,
      %get3A_604 = arith.index_cast %add3A_200 : i32 to index
      %get3A_605 = arith.constant 16 : index
      %get3A_606 = tpu.vector_load %arg13[%get3A_604, %get3A_605] {strides = array<i32>} : memref<128x128xf32, #tpu.memory_space<vmem>>, vector<16xf32>,
      %mul3A_607 = arith.mulf %get3A_603, %get3A_606 : vector<16xf32>
      %get3A_608 = arith.index_cast %add3A_200 : i32 to index
      %get3A_609 = arith.constant 16 : index
      %get3A_610 = tpu.vector_load %arg15[%get3A_608, %get3A_609] {strides = array<i32>} : memref<128x128xf32, #tpu.memory_space<vmem>>, vector<16xf32>,
      %mul3A_611 = arith.mulf %mul3A_607, %get3A_610 : vector<16xf32>
      %add3A_612 = arith.addf %mul3A_600, %mul3A_611 : vector<16xf32>
      %get3A_613 = arith.index_cast %add3A_200 : i32 to index
      %get3A_614 = arith.constant 32 : index
      %get3A_615 = tpu.vector_load %arg11[%get3A_613, %get3A_614] {strides = array<i32>} : memref<128x128xf32, #tpu.memory_space<vmem>>, vector<16xf32>,
      %get3A_616 = arith.index_cast %add3A_200 : i32 to index
      %get3A_617 = arith.constant 32 : index
      %get3A_618 = tpu.vector_load %arg13[%get3A_616, %get3A_617] {strides = array<i32>} : memref<128x128xf32, #tpu.memory_space<vmem>>, vector<16xf32>,
      %mul3A_619 = arith.mulf %get3A_615, %get3A_618 : vector<16xf32>
      %get3A_620 = arith.index_cast %add3A_200 : i32 to index
      %get3A_621 = arith.constant 32 : index
      %get3A_622 = tpu.vector_load %arg15[%get3A_620, %get3A_621] {strides = array<i32>} : memref<128x128xf32, #tpu.memory_space<vmem>>, vector<16xf32>,
      %mul3A_623 = arith.mulf %mul3A_619, %get3A_622 : vector<16xf32>
      %add3A_624 = arith.addf %add3A_612, %mul3A_623 : vector<16xf32>
      %get3A_625 = arith.index_cast %add3A_200 : i32 to index
      %get3A_626 = arith.constant 48 : index
      %get3A_627 = tpu.vector_load %arg11[%get3A_625, %get3A_626] {strides = array<i32>} : memref<128x128xf32, #tpu.memory_space<vmem>>, vector<16xf32>,
      %get3A_628 = arith.index_cast %add3A_200 : i32 to index
      %get3A_629 = arith.constant 48 : index
      %get3A_630 = tpu.vector_load %arg13[%get3A_628, %get3A_629] {strides = array<i32>} : memref<128x128xf32, #tpu.memory_space<vmem>>, vector<16xf32>,
      %mul3A_631 = arith.mulf %get3A_627, %get3A_630 : vector<16xf32>
      %get3A_632 = arith.index_cast %add3A_200 : i32 to index
      %get3A_633 = arith.constant 48 : index
      %get3A_634 = tpu.vector_load %arg15[%get3A_632, %get3A_633] {strides = array<i32>} : memref<128x128xf32, #tpu.memory_space<vmem>>, vector<16xf32>,
      %mul3A_635 = arith.mulf %mul3A_631, %get3A_634 : vector<16xf32>
      %add3A_636 = arith.addf %add3A_624, %mul3A_635 : vector<16xf32>
      %get3A_637 = arith.index_cast %add3A_202 : i32 to index
      %get3A_638 = arith.constant 0 : index
      %get3A_639 = tpu.vector_load %arg11[%get3A_637, %get3A_638] {strides = array<i32>} : memref<128x128xf32, #tpu.memory_space<vmem>>, vector<16xf32>,
      %get3A_640 = arith.index_cast %add3A_202 : i32 to index
      %get3A_641 = arith.constant 0 : index
      %get3A_642 = tpu.vector_load %arg13[%get3A_640, %get3A_641] {strides = array<i32>} : memref<128x128xf32, #tpu.memory_space<vmem>>, vector<16xf32>,
      %mul3A_643 = arith.mulf %get3A_639, %get3A_642 : vector<16xf32>
      %get3A_644 = arith.index_cast %add3A_202 : i32 to index
      %get3A_645 = arith.constant 0 : index
      %get3A_646 = tpu.vector_load %arg15[%get3A_644, %get3A_645] {strides = array<i32>} : memref<128x128xf32, #tpu.memory_space<vmem>>, vector<16xf32>,
      %mul3A_647 = arith.mulf %mul3A_643, %get3A_646 : vector<16xf32>
      %get3A_648 = arith.index_cast %add3A_202 : i32 to index
      %get3A_649 = arith.constant 16 : index
      %get3A_650 = tpu.vector_load %arg11[%get3A_648, %get3A_649] {strides = array<i32>} : memref<128x128xf32, #tpu.memory_space<vmem>>, vector<16xf32>,
      %get3A_651 = arith.index_cast %add3A_202 : i32 to index
      %get3A_652 = arith.constant 16 : index
      %get3A_653 = tpu.vector_load %arg13[%get3A_651, %get3A_652] {strides = array<i32>} : memref<128x128xf32, #tpu.memory_space<vmem>>, vector<16xf32>,
      %mul3A_654 = arith.mulf %get3A_650, %get3A_653 : vector<16xf32>
      %get3A_655 = arith.index_cast %add3A_202 : i32 to index
      %get3A_656 = arith.constant 16 : index
      %get3A_657 = tpu.vector_load %arg15[%get3A_655, %get3A_656] {strides = array<i32>} : memref<128x128xf32, #tpu.memory_space<vmem>>, vector<16xf32>,
      %mul3A_658 = arith.mulf %mul3A_654, %get3A_657 : vector<16xf32>
      %add3A_659 = arith.addf %mul3A_647, %mul3A_658 : vector<16xf32>
      %get3A_660 = arith.index_cast %add3A_202 : i32 to index
      %get3A_661 = arith.constant 32 : index
      %get3A_662 = tpu.vector_load %arg11[%get3A_660, %get3A_661] {strides = array<i32>} : memref<128x128xf32, #tpu.memory_space<vmem>>, vector<16xf32>,
      %get3A_663 = arith.index_cast %add3A_202 : i32 to index
      %get3A_664 = arith.constant 32 : index
      %get3A_665 = tpu.vector_load %arg13[%get3A_663, %get3A_664] {strides = array<i32>} : memref<128x128xf32, #tpu.memory_space<vmem>>, vector<16xf32>,
      %mul3A_666 = arith.mulf %get3A_662, %get3A_665 : vector<16xf32>
      %get3A_667 = arith.index_cast %add3A_202 : i32 to index
      %get3A_668 = arith.constant 32 : index
      %get3A_669 = tpu.vector_load %arg15[%get3A_667, %get3A_668] {strides = array<i32>} : memref<128x128xf32, #tpu.memory_space<vmem>>, vector<16xf32>,
      %mul3A_670 = arith.mulf %mul3A_666, %get3A_669 : vector<16xf32>
      %add3A_671 = arith.addf %add3A_659, %mul3A_670 : vector<16xf32>
      %get3A_672 = arith.index_cast %add3A_202 : i32 to index
      %get3A_673 = arith.constant 48 : index
      %get3A_674 = tpu.vector_load %arg11[%get3A_672, %get3A_673] {strides = array<i32>} : memref<128x128xf32, #tpu.memory_space<vmem>>, vector<16xf32>,
      %get3A_675 = arith.index_cast %add3A_202 : i32 to index
      %get3A_676 = arith.constant 48 : index
      %get3A_677 = tpu.vector_load %arg13[%get3A_675, %get3A_676] {strides = array<i32>} : memref<128x128xf32, #tpu.memory_space<vmem>>, vector<16xf32>,
      %mul3A_678 = arith.mulf %get3A_674, %get3A_677 : vector<16xf32>
      %get3A_679 = arith.index_cast %add3A_202 : i32 to index
      %get3A_680 = arith.constant 48 : index
      %get3A_681 = tpu.vector_load %arg15[%get3A_679, %get3A_680] {strides = array<i32>} : memref<128x128xf32, #tpu.memory_space<vmem>>, vector<16xf32>,
      %mul3A_682 = arith.mulf %mul3A_678, %get3A_681 : vector<16xf32>
      %add3A_683 = arith.addf %add3A_671, %mul3A_682 : vector<16xf32>
      %get3A_684 = arith.index_cast %add3A_204 : i32 to index
      %get3A_685 = arith.constant 0 : index
      %get3A_686 = tpu.vector_load %arg11[%get3A_684, %get3A_685] {strides = array<i32>} : memref<128x128xf32, #tpu.memory_space<vmem>>, vector<16xf32>,
      %get3A_687 = arith.index_cast %add3A_204 : i32 to index
      %get3A_688 = arith.constant 0 : index
      %get3A_689 = tpu.vector_load %arg13[%get3A_687, %get3A_688] {strides = array<i32>} : memref<128x128xf32, #tpu.memory_space<vmem>>, vector<16xf32>,
      %mul3A_690 = arith.mulf %get3A_686, %get3A_689 : vector<16xf32>
      %get3A_691 = arith.index_cast %add3A_204 : i32 to index
      %get3A_692 = arith.constant 0 : index
      %get3A_693 = tpu.vector_load %arg15[%get3A_691, %get3A_692] {strides = array<i32>} : memref<128x128xf32, #tpu.memory_space<vmem>>, vector<16xf32>,
      %mul3A_694 = arith.mulf %mul3A_690, %get3A_693 : vector<16xf32>
      %get3A_695 = arith.index_cast %add3A_204 : i32 to index
      %get3A_696 = arith.constant 16 : index
      %get3A_697 = tpu.vector_load %arg11[%get3A_695, %get3A_696] {strides = array<i32>} : memref<128x128xf32, #tpu.memory_space<vmem>>, vector<16xf32>,
      %get3A_698 = arith.index_cast %add3A_204 : i32 to index
      %get3A_699 = arith.constant 16 : index
      %get3A_700 = tpu.vector_load %arg13[%get3A_698, %get3A_699] {strides = array<i32>} : memref<128x128xf32, #tpu.memory_space<vmem>>, vector<16xf32>,
      %mul3A_701 = arith.mulf %get3A_697, %get3A_700 : vector<16xf32>
      %get3A_702 = arith.index_cast %add3A_204 : i32 to index
      %get3A_703 = arith.constant 16 : index
      %get3A_704 = tpu.vector_load %arg15[%get3A_702, %get3A_703] {strides = array<i32>} : memref<128x128xf32, #tpu.memory_space<vmem>>, vector<16xf32>,
      %mul3A_705 = arith.mulf %mul3A_701, %get3A_704 : vector<16xf32>
      %add3A_706 = arith.addf %mul3A_694, %mul3A_705 : vector<16xf32>
      %get3A_707 = arith.index_cast %add3A_204 : i32 to index
      %get3A_708 = arith.constant 32 : index
      %get3A_709 = tpu.vector_load %arg11[%get3A_707, %get3A_708] {strides = array<i32>} : memref<128x128xf32, #tpu.memory_space<vmem>>, vector<16xf32>,
      %get3A_710 = arith.index_cast %add3A_204 : i32 to index
      %get3A_711 = arith.constant 32 : index
      %get3A_712 = tpu.vector_load %arg13[%get3A_710, %get3A_711] {strides = array<i32>} : memref<128x128xf32, #tpu.memory_space<vmem>>, vector<16xf32>,
      %mul3A_713 = arith.mulf %get3A_709, %get3A_712 : vector<16xf32>
      %get3A_714 = arith.index_cast %add3A_204 : i32 to index
      %get3A_715 = arith.constant 32 : index
      %get3A_716 = tpu.vector_load %arg15[%get3A_714, %get3A_715] {strides = array<i32>} : memref<128x128xf32, #tpu.memory_space<vmem>>, vector<16xf32>,
      %mul3A_717 = arith.mulf %mul3A_713, %get3A_716 : vector<16xf32>
      %add3A_718 = arith.addf %add3A_706, %mul3A_717 : vector<16xf32>
      %get3A_719 = arith.index_cast %add3A_204 : i32 to index
      %get3A_720 = arith.constant 48 : index
      %get3A_721 = tpu.vector_load %arg11[%get3A_719, %get3A_720] {strides = array<i32>} : memref<128x128xf32, #tpu.memory_space<vmem>>, vector<16xf32>,
      %get3A_722 = arith.index_cast %add3A_204 : i32 to index
      %get3A_723 = arith.constant 48 : index
      %get3A_724 = tpu.vector_load %arg13[%get3A_722, %get3A_723] {strides = array<i32>} : memref<128x128xf32, #tpu.memory_space<vmem>>, vector<16xf32>,
      %mul3A_725 = arith.mulf %get3A_721, %get3A_724 : vector<16xf32>
      %get3A_726 = arith.index_cast %add3A_204 : i32 to index
      %get3A_727 = arith.constant 48 : index
      %get3A_728 = tpu.vector_load %arg15[%get3A_726, %get3A_727] {strides = array<i32>} : memref<128x128xf32, #tpu.memory_space<vmem>>, vector<16xf32>,
      %mul3A_729 = arith.mulf %mul3A_725, %get3A_728 : vector<16xf32>
      %add3A_730 = arith.addf %add3A_718, %mul3A_729 : vector<16xf32>
      %get3A_731 = arith.index_cast %add3A_206 : i32 to index
      %get3A_732 = arith.constant 0 : index
      %get3A_733 = tpu.vector_load %arg11[%get3A_731, %get3A_732] {strides = array<i32>} : memref<128x128xf32, #tpu.memory_space<vmem>>, vector<16xf32>,
      %get3A_734 = arith.index_cast %add3A_206 : i32 to index
      %get3A_735 = arith.constant 0 : index
      %get3A_736 = tpu.vector_load %arg13[%get3A_734, %get3A_735] {strides = array<i32>} : memref<128x128xf32, #tpu.memory_space<vmem>>, vector<16xf32>,
      %mul3A_737 = arith.mulf %get3A_733, %get3A_736 : vector<16xf32>
      %get3A_738 = arith.index_cast %add3A_206 : i32 to index
      %get3A_739 = arith.constant 0 : index
      %get3A_740 = tpu.vector_load %arg15[%get3A_738, %get3A_739] {strides = array<i32>} : memref<128x128xf32, #tpu.memory_space<vmem>>, vector<16xf32>,
      %mul3A_741 = arith.mulf %mul3A_737, %get3A_740 : vector<16xf32>
      %get3A_742 = arith.index_cast %add3A_206 : i32 to index
      %get3A_743 = arith.constant 16 : index
      %get3A_744 = tpu.vector_load %arg11[%get3A_742, %get3A_743] {strides = array<i32>} : memref<128x128xf32, #tpu.memory_space<vmem>>, vector<16xf32>,
      %get3A_745 = arith.index_cast %add3A_206 : i32 to index
      %get3A_746 = arith.constant 16 : index
      %get3A_747 = tpu.vector_load %arg13[%get3A_745, %get3A_746] {strides = array<i32>} : memref<128x128xf32, #tpu.memory_space<vmem>>, vector<16xf32>,
      %mul3A_748 = arith.mulf %get3A_744, %get3A_747 : vector<16xf32>
      %get3A_749 = arith.index_cast %add3A_206 : i32 to index
      %get3A_750 = arith.constant 16 : index
      %get3A_751 = tpu.vector_load %arg15[%get3A_749, %get3A_750] {strides = array<i32>} : memref<128x128xf32, #tpu.memory_space<vmem>>, vector<16xf32>,
      %mul3A_752 = arith.mulf %mul3A_748, %get3A_751 : vector<16xf32>
      %add3A_753 = arith.addf %mul3A_741, %mul3A_752 : vector<16xf32>
      %get3A_754 = arith.index_cast %add3A_206 : i32 to index
      %get3A_755 = arith.constant 32 : index
      %get3A_756 = tpu.vector_load %arg11[%get3A_754, %get3A_755] {strides = array<i32>} : memref<128x128xf32, #tpu.memory_space<vmem>>, vector<16xf32>,
      %get3A_757 = arith.index_cast %add3A_206 : i32 to index
      %get3A_758 = arith.constant 32 : index
      %get3A_759 = tpu.vector_load %arg13[%get3A_757, %get3A_758] {strides = array<i32>} : memref<128x128xf32, #tpu.memory_space<vmem>>, vector<16xf32>,
      %mul3A_760 = arith.mulf %get3A_756, %get3A_759 : vector<16xf32>
      %get3A_761 = arith.index_cast %add3A_206 : i32 to index
      %get3A_762 = arith.constant 32 : index
      %get3A_763 = tpu.vector_load %arg15[%get3A_761, %get3A_762] {strides = array<i32>} : memref<128x128xf32, #tpu.memory_space<vmem>>, vector<16xf32>,
      %mul3A_764 = arith.mulf %mul3A_760, %get3A_763 : vector<16xf32>
      %add3A_765 = arith.addf %add3A_753, %mul3A_764 : vector<16xf32>
      %get3A_766 = arith.index_cast %add3A_206 : i32 to index
      %get3A_767 = arith.constant 48 : index
      %get3A_768 = tpu.vector_load %arg11[%get3A_766, %get3A_767] {strides = array<i32>} : memref<128x128xf32, #tpu.memory_space<vmem>>, vector<16xf32>,
      %get3A_769 = arith.index_cast %add3A_206 : i32 to index
      %get3A_770 = arith.constant 48 : index
      %get3A_771 = tpu.vector_load %arg13[%get3A_769, %get3A_770] {strides = array<i32>} : memref<128x128xf32, #tpu.memory_space<vmem>>, vector<16xf32>,
      %mul3A_772 = arith.mulf %get3A_768, %get3A_771 : vector<16xf32>
      %get3A_773 = arith.index_cast %add3A_206 : i32 to index
      %get3A_774 = arith.constant 48 : index
      %get3A_775 = tpu.vector_load %arg15[%get3A_773, %get3A_774] {strides = array<i32>} : memref<128x128xf32, #tpu.memory_space<vmem>>, vector<16xf32>,
      %mul3A_776 = arith.mulf %mul3A_772, %get3A_775 : vector<16xf32>
      %add3A_777 = arith.addf %add3A_765, %mul3A_776 : vector<16xf32>
      %get3A_778 = arith.index_cast %add3A_208 : i32 to index
      %get3A_779 = arith.constant 0 : index
      %get3A_780 = tpu.vector_load %arg11[%get3A_778, %get3A_779] {strides = array<i32>} : memref<128x128xf32, #tpu.memory_space<vmem>>, vector<16xf32>,
      %get3A_781 = arith.index_cast %add3A_208 : i32 to index
      %get3A_782 = arith.constant 0 : index
      %get3A_783 = tpu.vector_load %arg13[%get3A_781, %get3A_782] {strides = array<i32>} : memref<128x128xf32, #tpu.memory_space<vmem>>, vector<16xf32>,
      %mul3A_784 = arith.mulf %get3A_780, %get3A_783 : vector<16xf32>
      %get3A_785 = arith.index_cast %add3A_208 : i32 to index
      %get3A_786 = arith.constant 0 : index
      %get3A_787 = tpu.vector_load %arg15[%get3A_785, %get3A_786] {strides = array<i32>} : memref<128x128xf32, #tpu.memory_space<vmem>>, vector<16xf32>,
      %mul3A_788 = arith.mulf %mul3A_784, %get3A_787 : vector<16xf32>
      %get3A_789 = arith.index_cast %add3A_208 : i32 to index
      %get3A_790 = arith.constant 16 : index
      %get3A_791 = tpu.vector_load %arg11[%get3A_789, %get3A_790] {strides = array<i32>} : memref<128x128xf32, #tpu.memory_space<vmem>>, vector<16xf32>,
      %get3A_792 = arith.index_cast %add3A_208 : i32 to index
      %get3A_793 = arith.constant 16 : index
      %get3A_794 = tpu.vector_load %arg13[%get3A_792, %get3A_793] {strides = array<i32>} : memref<128x128xf32, #tpu.memory_space<vmem>>, vector<16xf32>,
      %mul3A_795 = arith.mulf %get3A_791, %get3A_794 : vector<16xf32>
      %get3A_796 = arith.index_cast %add3A_208 : i32 to index
      %get3A_797 = arith.constant 16 : index
      %get3A_798 = tpu.vector_load %arg15[%get3A_796, %get3A_797] {strides = array<i32>} : memref<128x128xf32, #tpu.memory_space<vmem>>, vector<16xf32>,
      %mul3A_799 = arith.mulf %mul3A_795, %get3A_798 : vector<16xf32>
      %add3A_800 = arith.addf %mul3A_788, %mul3A_799 : vector<16xf32>
      %get3A_801 = arith.index_cast %add3A_208 : i32 to index
      %get3A_802 = arith.constant 32 : index
      %get3A_803 = tpu.vector_load %arg11[%get3A_801, %get3A_802] {strides = array<i32>} : memref<128x128xf32, #tpu.memory_space<vmem>>, vector<16xf32>,
      %get3A_804 = arith.index_cast %add3A_208 : i32 to index
      %get3A_805 = arith.constant 32 : index
      %get3A_806 = tpu.vector_load %arg13[%get3A_804, %get3A_805] {strides = array<i32>} : memref<128x128xf32, #tpu.memory_space<vmem>>, vector<16xf32>,
      %mul3A_807 = arith.mulf %get3A_803, %get3A_806 : vector<16xf32>
      %get3A_808 = arith.index_cast %add3A_208 : i32 to index
      %get3A_809 = arith.constant 32 : index
      %get3A_810 = tpu.vector_load %arg15[%get3A_808, %get3A_809] {strides = array<i32>} : memref<128x128xf32, #tpu.memory_space<vmem>>, vector<16xf32>,
      %mul3A_811 = arith.mulf %mul3A_807, %get3A_810 : vector<16xf32>
      %add3A_812 = arith.addf %add3A_800, %mul3A_811 : vector<16xf32>
      %get3A_813 = arith.index_cast %add3A_208 : i32 to index
      %get3A_814 = arith.constant 48 : index
      %get3A_815 = tpu.vector_load %arg11[%get3A_813, %get3A_814] {strides = array<i32>} : memref<128x128xf32, #tpu.memory_space<vmem>>, vector<16xf32>,
      %get3A_816 = arith.index_cast %add3A_208 : i32 to index
      %get3A_817 = arith.constant 48 : index
      %get3A_818 = tpu.vector_load %arg13[%get3A_816, %get3A_817] {strides = array<i32>} : memref<128x128xf32, #tpu.memory_space<vmem>>, vector<16xf32>,
      %mul3A_819 = arith.mulf %get3A_815, %get3A_818 : vector<16xf32>
      %get3A_820 = arith.index_cast %add3A_208 : i32 to index
      %get3A_821 = arith.constant 48 : index
      %get3A_822 = tpu.vector_load %arg15[%get3A_820, %get3A_821] {strides = array<i32>} : memref<128x128xf32, #tpu.memory_space<vmem>>, vector<16xf32>,
      %mul3A_823 = arith.mulf %mul3A_819, %get3A_822 : vector<16xf32>
      %add3A_824 = arith.addf %add3A_812, %mul3A_823 : vector<16xf32>
      %get3A_825 = arith.index_cast %add3A_210 : i32 to index
      %get3A_826 = arith.constant 0 : index
      %get3A_827 = tpu.vector_load %arg11[%get3A_825, %get3A_826] {strides = array<i32>} : memref<128x128xf32, #tpu.memory_space<vmem>>, vector<16xf32>,
      %get3A_828 = arith.index_cast %add3A_210 : i32 to index
      %get3A_829 = arith.constant 0 : index
      %get3A_830 = tpu.vector_load %arg13[%get3A_828, %get3A_829] {strides = array<i32>} : memref<128x128xf32, #tpu.memory_space<vmem>>, vector<16xf32>,
      %mul3A_831 = arith.mulf %get3A_827, %get3A_830 : vector<16xf32>
      %get3A_832 = arith.index_cast %add3A_210 : i32 to index
      %get3A_833 = arith.constant 0 : index
      %get3A_834 = tpu.vector_load %arg15[%get3A_832, %get3A_833] {strides = array<i32>} : memref<128x128xf32, #tpu.memory_space<vmem>>, vector<16xf32>,
      %mul3A_835 = arith.mulf %mul3A_831, %get3A_834 : vector<16xf32>
      %get3A_836 = arith.index_cast %add3A_210 : i32 to index
      %get3A_837 = arith.constant 16 : index
      %get3A_838 = tpu.vector_load %arg11[%get3A_836, %get3A_837] {strides = array<i32>} : memref<128x128xf32, #tpu.memory_space<vmem>>, vector<16xf32>,
      %get3A_839 = arith.index_cast %add3A_210 : i32 to index
      %get3A_840 = arith.constant 16 : index
      %get3A_841 = tpu.vector_load %arg13[%get3A_839, %get3A_840] {strides = array<i32>} : memref<128x128xf32, #tpu.memory_space<vmem>>, vector<16xf32>,
      %mul3A_842 = arith.mulf %get3A_838, %get3A_841 : vector<16xf32>
      %get3A_843 = arith.index_cast %add3A_210 : i32 to index
      %get3A_844 = arith.constant 16 : index
      %get3A_845 = tpu.vector_load %arg15[%get3A_843, %get3A_844] {strides = array<i32>} : memref<128x128xf32, #tpu.memory_space<vmem>>, vector<16xf32>,
      %mul3A_846 = arith.mulf %mul3A_842, %get3A_845 : vector<16xf32>
      %add3A_847 = arith.addf %mul3A_835, %mul3A_846 : vector<16xf32>
      %get3A_848 = arith.index_cast %add3A_210 : i32 to index
      %get3A_849 = arith.constant 32 : index
      %get3A_850 = tpu.vector_load %arg11[%get3A_848, %get3A_849] {strides = array<i32>} : memref<128x128xf32, #tpu.memory_space<vmem>>, vector<16xf32>,
      %get3A_851 = arith.index_cast %add3A_210 : i32 to index
      %get3A_852 = arith.constant 32 : index
      %get3A_853 = tpu.vector_load %arg13[%get3A_851, %get3A_852] {strides = array<i32>} : memref<128x128xf32, #tpu.memory_space<vmem>>, vector<16xf32>,
      %mul3A_854 = arith.mulf %get3A_850, %get3A_853 : vector<16xf32>
      %get3A_855 = arith.index_cast %add3A_210 : i32 to index
      %get3A_856 = arith.constant 32 : index
      %get3A_857 = tpu.vector_load %arg15[%get3A_855, %get3A_856] {strides = array<i32>} : memref<128x128xf32, #tpu.memory_space<vmem>>, vector<16xf32>,
      %mul3A_858 = arith.mulf %mul3A_854, %get3A_857 : vector<16xf32>
      %add3A_859 = arith.addf %add3A_847, %mul3A_858 : vector<16xf32>
      %get3A_860 = arith.index_cast %add3A_210 : i32 to index
      %get3A_861 = arith.constant 48 : index
      %get3A_862 = tpu.vector_load %arg11[%get3A_860, %get3A_861] {strides = array<i32>} : memref<128x128xf32, #tpu.memory_space<vmem>>, vector<16xf32>,
      %get3A_863 = arith.index_cast %add3A_210 : i32 to index
      %get3A_864 = arith.constant 48 : index
      %get3A_865 = tpu.vector_load %arg13[%get3A_863, %get3A_864] {strides = array<i32>} : memref<128x128xf32, #tpu.memory_space<vmem>>, vector<16xf32>,
      %mul3A_866 = arith.mulf %get3A_862, %get3A_865 : vector<16xf32>
      %get3A_867 = arith.index_cast %add3A_210 : i32 to index
      %get3A_868 = arith.constant 48 : index
      %get3A_869 = tpu.vector_load %arg15[%get3A_867, %get3A_868] {strides = array<i32>} : memref<128x128xf32, #tpu.memory_space<vmem>>, vector<16xf32>,
      %mul3A_870 = arith.mulf %mul3A_866, %get3A_869 : vector<16xf32>
      %add3A_871 = arith.addf %add3A_859, %mul3A_870 : vector<16xf32>
      %get3A_872 = arith.index_cast %add3A_212 : i32 to index
      %get3A_873 = arith.constant 0 : index
      %get3A_874 = tpu.vector_load %arg11[%get3A_872, %get3A_873] {strides = array<i32>} : memref<128x128xf32, #tpu.memory_space<vmem>>, vector<16xf32>,
      %get3A_875 = arith.index_cast %add3A_212 : i32 to index
      %get3A_876 = arith.constant 0 : index
      %get3A_877 = tpu.vector_load %arg13[%get3A_875, %get3A_876] {strides = array<i32>} : memref<128x128xf32, #tpu.memory_space<vmem>>, vector<16xf32>,
      %mul3A_878 = arith.mulf %get3A_874, %get3A_877 : vector<16xf32>
      %get3A_879 = arith.index_cast %add3A_212 : i32 to index
      %get3A_880 = arith.constant 0 : index
      %get3A_881 = tpu.vector_load %arg15[%get3A_879, %get3A_880] {strides = array<i32>} : memref<128x128xf32, #tpu.memory_space<vmem>>, vector<16xf32>,
      %mul3A_882 = arith.mulf %mul3A_878, %get3A_881 : vector<16xf32>
      %get3A_883 = arith.index_cast %add3A_212 : i32 to index
      %get3A_884 = arith.constant 16 : index
      %get3A_885 = tpu.vector_load %arg11[%get3A_883, %get3A_884] {strides = array<i32>} : memref<128x128xf32, #tpu.memory_space<vmem>>, vector<16xf32>,
      %get3A_886 = arith.index_cast %add3A_212 : i32 to index
      %get3A_887 = arith.constant 16 : index
      %get3A_888 = tpu.vector_load %arg13[%get3A_886, %get3A_887] {strides = array<i32>} : memref<128x128xf32, #tpu.memory_space<vmem>>, vector<16xf32>,
      %mul3A_889 = arith.mulf %get3A_885, %get3A_888 : vector<16xf32>
      %get3A_890 = arith.index_cast %add3A_212 : i32 to index
      %get3A_891 = arith.constant 16 : index
      %get3A_892 = tpu.vector_load %arg15[%get3A_890, %get3A_891] {strides = array<i32>} : memref<128x128xf32, #tpu.memory_space<vmem>>, vector<16xf32>,
      %mul3A_893 = arith.mulf %mul3A_889, %get3A_892 : vector<16xf32>
      %add3A_894 = arith.addf %mul3A_882, %mul3A_893 : vector<16xf32>
      %get3A_895 = arith.index_cast %add3A_212 : i32 to index
      %get3A_896 = arith.constant 32 : index
      %get3A_897 = tpu.vector_load %arg11[%get3A_895, %get3A_896] {strides = array<i32>} : memref<128x128xf32, #tpu.memory_space<vmem>>, vector<16xf32>,
      %get3A_898 = arith.index_cast %add3A_212 : i32 to index
      %get3A_899 = arith.constant 32 : index
      %get3A_900 = tpu.vector_load %arg13[%get3A_898, %get3A_899] {strides = array<i32>} : memref<128x128xf32, #tpu.memory_space<vmem>>, vector<16xf32>,
      %mul3A_901 = arith.mulf %get3A_897, %get3A_900 : vector<16xf32>
      %get3A_902 = arith.index_cast %add3A_212 : i32 to index
      %get3A_903 = arith.constant 32 : index
      %get3A_904 = tpu.vector_load %arg15[%get3A_902, %get3A_903] {strides = array<i32>} : memref<128x128xf32, #tpu.memory_space<vmem>>, vector<16xf32>,
      %mul3A_905 = arith.mulf %mul3A_901, %get3A_904 : vector<16xf32>
      %add3A_906 = arith.addf %add3A_894, %mul3A_905 : vector<16xf32>
      %get3A_907 = arith.index_cast %add3A_212 : i32 to index
      %get3A_908 = arith.constant 48 : index
      %get3A_909 = tpu.vector_load %arg11[%get3A_907, %get3A_908] {strides = array<i32>} : memref<128x128xf32, #tpu.memory_space<vmem>>, vector<16xf32>,
      %get3A_910 = arith.index_cast %add3A_212 : i32 to index
      %get3A_911 = arith.constant 48 : index
      %get3A_912 = tpu.vector_load %arg13[%get3A_910, %get3A_911] {strides = array<i32>} : memref<128x128xf32, #tpu.memory_space<vmem>>, vector<16xf32>,
      %mul3A_913 = arith.mulf %get3A_909, %get3A_912 : vector<16xf32>
      %get3A_914 = arith.index_cast %add3A_212 : i32 to index
      %get3A_915 = arith.constant 48 : index
      %get3A_916 = tpu.vector_load %arg15[%get3A_914, %get3A_915] {strides = array<i32>} : memref<128x128xf32, #tpu.memory_space<vmem>>, vector<16xf32>,
      %mul3A_917 = arith.mulf %mul3A_913, %get3A_916 : vector<16xf32>
      %add3A_918 = arith.addf %add3A_906, %mul3A_917 : vector<16xf32>
      %get3A_919 = arith.index_cast %add3A_214 : i32 to index
      %get3A_920 = arith.constant 0 : index
      %get3A_921 = tpu.vector_load %arg11[%get3A_919, %get3A_920] {strides = array<i32>} : memref<128x128xf32, #tpu.memory_space<vmem>>, vector<16xf32>,
      %get3A_922 = arith.index_cast %add3A_214 : i32 to index
      %get3A_923 = arith.constant 0 : index
      %get3A_924 = tpu.vector_load %arg13[%get3A_922, %get3A_923] {strides = array<i32>} : memref<128x128xf32, #tpu.memory_space<vmem>>, vector<16xf32>,
      %mul3A_925 = arith.mulf %get3A_921, %get3A_924 : vector<16xf32>
      %get3A_926 = arith.index_cast %add3A_214 : i32 to index
      %get3A_927 = arith.constant 0 : index
      %get3A_928 = tpu.vector_load %arg15[%get3A_926, %get3A_927] {strides = array<i32>} : memref<128x128xf32, #tpu.memory_space<vmem>>, vector<16xf32>,
      %mul3A_929 = arith.mulf %mul3A_925, %get3A_928 : vector<16xf32>
      %get3A_930 = arith.index_cast %add3A_214 : i32 to index
      %get3A_931 = arith.constant 16 : index
      %get3A_932 = tpu.vector_load %arg11[%get3A_930, %get3A_931] {strides = array<i32>} : memref<128x128xf32, #tpu.memory_space<vmem>>, vector<16xf32>,
      %get3A_933 = arith.index_cast %add3A_214 : i32 to index
      %get3A_934 = arith.constant 16 : index
      %get3A_935 = tpu.vector_load %arg13[%get3A_933, %get3A_934] {strides = array<i32>} : memref<128x128xf32, #tpu.memory_space<vmem>>, vector<16xf32>,
      %mul3A_936 = arith.mulf %get3A_932, %get3A_935 : vector<16xf32>
      %get3A_937 = arith.index_cast %add3A_214 : i32 to index
      %get3A_938 = arith.constant 16 : index
      %get3A_939 = tpu.vector_load %arg15[%get3A_937, %get3A_938] {strides = array<i32>} : memref<128x128xf32, #tpu.memory_space<vmem>>, vector<16xf32>,
      %mul3A_940 = arith.mulf %mul3A_936, %get3A_939 : vector<16xf32>
      %add3A_941 = arith.addf %mul3A_929, %mul3A_940 : vector<16xf32>
      %get3A_942 = arith.index_cast %add3A_214 : i32 to index
      %get3A_943 = arith.constant 32 : index
      %get3A_944 = tpu.vector_load %arg11[%get3A_942, %get3A_943] {strides = array<i32>} : memref<128x128xf32, #tpu.memory_space<vmem>>, vector<16xf32>,
      %get3A_945 = arith.index_cast %add3A_214 : i32 to index
      %get3A_946 = arith.constant 32 : index
      %get3A_947 = tpu.vector_load %arg13[%get3A_945, %get3A_946] {strides = array<i32>} : memref<128x128xf32, #tpu.memory_space<vmem>>, vector<16xf32>,
      %mul3A_948 = arith.mulf %get3A_944, %get3A_947 : vector<16xf32>
      %get3A_949 = arith.index_cast %add3A_214 : i32 to index
      %get3A_950 = arith.constant 32 : index
      %get3A_951 = tpu.vector_load %arg15[%get3A_949, %get3A_950] {strides = array<i32>} : memref<128x128xf32, #tpu.memory_space<vmem>>, vector<16xf32>,
      %mul3A_952 = arith.mulf %mul3A_948, %get3A_951 : vector<16xf32>
      %add3A_953 = arith.addf %add3A_941, %mul3A_952 : vector<16xf32>
      %get3A_954 = arith.index_cast %add3A_214 : i32 to index
      %get3A_955 = arith.constant 48 : index
      %get3A_956 = tpu.vector_load %arg11[%get3A_954, %get3A_955] {strides = array<i32>} : memref<128x128xf32, #tpu.memory_space<vmem>>, vector<16xf32>,
      %get3A_957 = arith.index_cast %add3A_214 : i32 to index
      %get3A_958 = arith.constant 48 : index
      %get3A_959 = tpu.vector_load %arg13[%get3A_957, %get3A_958] {strides = array<i32>} : memref<128x128xf32, #tpu.memory_space<vmem>>, vector<16xf32>,
      %mul3A_960 = arith.mulf %get3A_956, %get3A_959 : vector<16xf32>
      %get3A_961 = arith.index_cast %add3A_214 : i32 to index
      %get3A_962 = arith.constant 48 : index
      %get3A_963 = tpu.vector_load %arg15[%get3A_961, %get3A_962] {strides = array<i32>} : memref<128x128xf32, #tpu.memory_space<vmem>>, vector<16xf32>,
      %mul3A_964 = arith.mulf %mul3A_960, %get3A_963 : vector<16xf32>
      %add3A_965 = arith.addf %add3A_953, %mul3A_964 : vector<16xf32>
      %broadcast_in_dim3A_966 = arith.constant true
      %broadcast_in_dim3A_967 = vector.broadcast %broadcast_in_dim3A_966 : i1 to vector<16xi1>
      %masked_cumsum3A = tpu.scan <sum>, %add3A_260 masked %broadcast_in_dim3A_967 : vector<16xf32>, vector<16xi1> -> vector<16xf32>
      %broadcast_in_dim3A_968 = arith.constant true
      %broadcast_in_dim3A_969 = vector.broadcast %broadcast_in_dim3A_968 : i1 to vector<16xi1>
      %masked_cumsum3A_970 = tpu.scan <sum>, %add3A_307 masked %broadcast_in_dim3A_969 : vector<16xf32>, vector<16xi1> -> vector<16xf32>
      %broadcast_in_dim3A_971 = arith.constant true
      %broadcast_in_dim3A_972 = vector.broadcast %broadcast_in_dim3A_971 : i1 to vector<16xi1>
      %masked_cumsum3A_973 = tpu.scan <sum>, %add3A_354 masked %broadcast_in_dim3A_972 : vector<16xf32>, vector<16xi1> -> vector<16xf32>
      %broadcast_in_dim3A_974 = arith.constant true
      %broadcast_in_dim3A_975 = vector.broadcast %broadcast_in_dim3A_974 : i1 to vector<16xi1>
      %masked_cumsum3A_976 = tpu.scan <sum>, %add3A_401 masked %broadcast_in_dim3A_975 : vector<16xf32>, vector<16xi1> -> vector<16xf32>
      %broadcast_in_dim3A_977 = arith.constant true
      %broadcast_in_dim3A_978 = vector.broadcast %broadcast_in_dim3A_977 : i1 to vector<16xi1>
      %masked_cumsum3A_979 = tpu.scan <sum>, %add3A_448 masked %broadcast_in_dim3A_978 : vector<16xf32>, vector<16xi1> -> vector<16xf32>
      %broadcast_in_dim3A_980 = arith.constant true
      %broadcast_in_dim3A_981 = vector.broadcast %broadcast_in_dim3A_980 : i1 to vector<16xi1>
      %masked_cumsum3A_982 = tpu.scan <sum>, %add3A_495 masked %broadcast_in_dim3A_981 : vector<16xf32>, vector<16xi1> -> vector<16xf32>
      %broadcast_in_dim3A_983 = arith.constant true
      %broadcast_in_dim3A_984 = vector.broadcast %broadcast_in_dim3A_983 : i1 to vector<16xi1>
      %masked_cumsum3A_985 = tpu.scan <sum>, %add3A_542 masked %broadcast_in_dim3A_984 : vector<16xf32>, vector<16xi1> -> vector<16xf32>
      %broadcast_in_dim3A_986 = arith.constant true
      %broadcast_in_dim3A_987 = vector.broadcast %broadcast_in_dim3A_986 : i1 to vector<16xi1>
      %masked_cumsum3A_988 = tpu.scan <sum>, %add3A_589 masked %broadcast_in_dim3A_987 : vector<16xf32>, vector<16xi1> -> vector<16xf32>
      %broadcast_in_dim3A_989 = arith.constant true
      %broadcast_in_dim3A_990 = vector.broadcast %broadcast_in_dim3A_989 : i1 to vector<16xi1>
      %masked_cumsum3A_991 = tpu.scan <sum>, %add3A_636 masked %broadcast_in_dim3A_990 : vector<16xf32>, vector<16xi1> -> vector<16xf32>
      %broadcast_in_dim3A_992 = arith.constant true
      %broadcast_in_dim3A_993 = vector.broadcast %broadcast_in_dim3A_992 : i1 to vector<16xi1>
      %masked_cumsum3A_994 = tpu.scan <sum>, %add3A_683 masked %broadcast_in_dim3A_993 : vector<16xf32>, vector<16xi1> -> vector<16xf32>
      %broadcast_in_dim3A_995 = arith.constant true
      %broadcast_in_dim3A_996 = vector.broadcast %broadcast_in_dim3A_995 : i1 to vector<16xi1>
      %masked_cumsum3A_997 = tpu.scan <sum>, %add3A_730 masked %broadcast_in_dim3A_996 : vector<16xf32>, vector<16xi1> -> vector<16xf32>
      %broadcast_in_dim3A_998 = arith.constant true
      %broadcast_in_dim3A_999 = vector.broadcast %broadcast_in_dim3A_998 : i1 to vector<16xi1>
      %masked_cumsum3A_1000 = tpu.scan <sum>, %add3A_777 masked %broadcast_in_dim3A_999 : vector<16xf32>, vector<16xi1> -> vector<16xf32>
      %broadcast_in_dim3A_1001 = arith.constant true
      %broadcast_in_dim3A_1002 = vector.broadcast %broadcast_in_dim3A_1001 : i1 to vector<16xi1>
      %masked_cumsum3A_1003 = tpu.scan <sum>, %add3A_824 masked %broadcast_in_dim3A_1002 : vector<16xf32>, vector<16xi1> -> vector<16xf32>
      %broadcast_in_dim3A_1004 = arith.constant true
      %broadcast_in_dim3A_1005 = vector.broadcast %broadcast_in_dim3A_1004 : i1 to vector<16xi1>
      %masked_cumsum3A_1006 = tpu.scan <sum>, %add3A_871 masked %broadcast_in_dim3A_1005 : vector<16xf32>, vector<16xi1> -> vector<16xf32>
      %broadcast_in_dim3A_1007 = arith.constant true
      %broadcast_in_dim3A_1008 = vector.broadcast %broadcast_in_dim3A_1007 : i1 to vector<16xi1>
      %masked_cumsum3A_1009 = tpu.scan <sum>, %add3A_918 masked %broadcast_in_dim3A_1008 : vector<16xf32>, vector<16xi1> -> vector<16xf32>
      %broadcast_in_dim3A_1010 = arith.constant true
      %broadcast_in_dim3A_1011 = vector.broadcast %broadcast_in_dim3A_1010 : i1 to vector<16xi1>
      %masked_cumsum3A_1012 = tpu.scan <sum>, %add3A_965 masked %broadcast_in_dim3A_1011 : vector<16xf32>, vector<16xi1> -> vector<16xf32>
      %add3A_1013 = arith.constant 0 : i32
      %add3A_1014 = arith.addi %add3A_1013, %add3A_184 : i32
      %add3A_1015 = vector.broadcast %add3A_1014 : i32 to vector<16xi32>
      %add3A_1016 = arith.addi %broadcast_in_dim3A_34, %add3A_1015 : vector<16xi32>
      tpu.vector_store_idx %arg17[%add3A_1016], %masked_cumsum3A masked %eq3A_33 : memref<512xf32, #tpu.memory_space<vmem>>[vector<16xi32>], vector<16xf32>, vector<16xi1>
      %add3A_1017 = arith.constant 0 : i32
      %add3A_1018 = arith.addi %add3A_1017, %add3A_186 : i32
      %add3A_1019 = vector.broadcast %add3A_1018 : i32 to vector<16xi32>
      %add3A_1020 = arith.addi %broadcast_in_dim3A_34, %add3A_1019 : vector<16xi32>
      tpu.vector_store_idx %arg17[%add3A_1020], %masked_cumsum3A_970 masked %eq3A_33 : memref<512xf32, #tpu.memory_space<vmem>>[vector<16xi32>], vector<16xf32>, vector<16xi1>
      %add3A_1021 = arith.constant 0 : i32
      %add3A_1022 = arith.addi %add3A_1021, %add3A_188 : i32
      %add3A_1023 = vector.broadcast %add3A_1022 : i32 to vector<16xi32>
      %add3A_1024 = arith.addi %broadcast_in_dim3A_34, %add3A_1023 : vector<16xi32>
      tpu.vector_store_idx %arg17[%add3A_1024], %masked_cumsum3A_973 masked %eq3A_33 : memref<512xf32, #tpu.memory_space<vmem>>[vector<16xi32>], vector<16xf32>, vector<16xi1>
      %add3A_1025 = arith.constant 0 : i32
      %add3A_1026 = arith.addi %add3A_1025, %add3A_190 : i32
      %add3A_1027 = vector.broadcast %add3A_1026 : i32 to vector<16xi32>
      %add3A_1028 = arith.addi %broadcast_in_dim3A_34, %add3A_1027 : vector<16xi32>
      tpu.vector_store_idx %arg17[%add3A_1028], %masked_cumsum3A_976 masked %eq3A_33 : memref<512xf32, #tpu.memory_space<vmem>>[vector<16xi32>], vector<16xf32>, vector<16xi1>
      %add3A_1029 = arith.constant 0 : i32
      %add3A_1030 = arith.addi %add3A_1029, %add3A_192 : i32
      %add3A_1031 = vector.broadcast %add3A_1030 : i32 to vector<16xi32>
      %add3A_1032 = arith.addi %broadcast_in_dim3A_34, %add3A_1031 : vector<16xi32>
      tpu.vector_store_idx %arg17[%add3A_1032], %masked_cumsum3A_979 masked %eq3A_33 : memref<512xf32, #tpu.memory_space<vmem>>[vector<16xi32>], vector<16xf32>, vector<16xi1>
      %add3A_1033 = arith.constant 0 : i32
      %add3A_1034 = arith.addi %add3A_1033, %add3A_194 : i32
      %add3A_1035 = vector.broadcast %add3A_1034 : i32 to vector<16xi32>
      %add3A_1036 = arith.addi %broadcast_in_dim3A_34, %add3A_1035 : vector<16xi32>
      tpu.vector_store_idx %arg17[%add3A_1036], %masked_cumsum3A_982 masked %eq3A_33 : memref<512xf32, #tpu.memory_space<vmem>>[vector<16xi32>], vector<16xf32>, vector<16xi1>
      %add3A_1037 = arith.constant 0 : i32
      %add3A_1038 = arith.addi %add3A_1037, %add3A_196 : i32
      %add3A_1039 = vector.broadcast %add3A_1038 : i32 to vector<16xi32>
      %add3A_1040 = arith.addi %broadcast_in_dim3A_34, %add3A_1039 : vector<16xi32>
      tpu.vector_store_idx %arg17[%add3A_1040], %masked_cumsum3A_985 masked %eq3A_33 : memref<512xf32, #tpu.memory_space<vmem>>[vector<16xi32>], vector<16xf32>, vector<16xi1>
      %add3A_1041 = arith.constant 0 : i32
      %add3A_1042 = arith.addi %add3A_1041, %add3A_198 : i32
      %add3A_1043 = vector.broadcast %add3A_1042 : i32 to vector<16xi32>
      %add3A_1044 = arith.addi %broadcast_in_dim3A_34, %add3A_1043 : vector<16xi32>
      tpu.vector_store_idx %arg17[%add3A_1044], %masked_cumsum3A_988 masked %eq3A_33 : memref<512xf32, #tpu.memory_space<vmem>>[vector<16xi32>], vector<16xf32>, vector<16xi1>
      %add3A_1045 = arith.constant 0 : i32
      %add3A_1046 = arith.addi %add3A_1045, %add3A_200 : i32
      %add3A_1047 = vector.broadcast %add3A_1046 : i32 to vector<16xi32>
      %add3A_1048 = arith.addi %broadcast_in_dim3A_34, %add3A_1047 : vector<16xi32>
      tpu.vector_store_idx %arg17[%add3A_1048], %masked_cumsum3A_991 masked %eq3A_33 : memref<512xf32, #tpu.memory_space<vmem>>[vector<16xi32>], vector<16xf32>, vector<16xi1>
      %add3A_1049 = arith.constant 0 : i32
      %add3A_1050 = arith.addi %add3A_1049, %add3A_202 : i32
      %add3A_1051 = vector.broadcast %add3A_1050 : i32 to vector<16xi32>
      %add3A_1052 = arith.addi %broadcast_in_dim3A_34, %add3A_1051 : vector<16xi32>
      tpu.vector_store_idx %arg17[%add3A_1052], %masked_cumsum3A_994 masked %eq3A_33 : memref<512xf32, #tpu.memory_space<vmem>>[vector<16xi32>], vector<16xf32>, vector<16xi1>
      %add3A_1053 = arith.constant 0 : i32
      %add3A_1054 = arith.addi %add3A_1053, %add3A_204 : i32
      %add3A_1055 = vector.broadcast %add3A_1054 : i32 to vector<16xi32>
      %add3A_1056 = arith.addi %broadcast_in_dim3A_34, %add3A_1055 : vector<16xi32>
      tpu.vector_store_idx %arg17[%add3A_1056], %masked_cumsum3A_997 masked %eq3A_33 : memref<512xf32, #tpu.memory_space<vmem>>[vector<16xi32>], vector<16xf32>, vector<16xi1>
      %add3A_1057 = arith.constant 0 : i32
      %add3A_1058 = arith.addi %add3A_1057, %add3A_206 : i32
      %add3A_1059 = vector.broadcast %add3A_1058 : i32 to vector<16xi32>
      %add3A_1060 = arith.addi %broadcast_in_dim3A_34, %add3A_1059 : vector<16xi32>
      tpu.vector_store_idx %arg17[%add3A_1060], %masked_cumsum3A_1000 masked %eq3A_33 : memref<512xf32, #tpu.memory_space<vmem>>[vector<16xi32>], vector<16xf32>, vector<16xi1>
      %add3A_1061 = arith.constant 0 : i32
      %add3A_1062 = arith.addi %add3A_1061, %add3A_208 : i32
      %add3A_1063 = vector.broadcast %add3A_1062 : i32 to vector<16xi32>
      %add3A_1064 = arith.addi %broadcast_in_dim3A_34, %add3A_1063 : vector<16xi32>
      tpu.vector_store_idx %arg17[%add3A_1064], %masked_cumsum3A_1003 masked %eq3A_33 : memref<512xf32, #tpu.memory_space<vmem>>[vector<16xi32>], vector<16xf32>, vector<16xi1>
      %add3A_1065 = arith.constant 0 : i32
      %add3A_1066 = arith.addi %add3A_1065, %add3A_210 : i32
      %add3A_1067 = vector.broadcast %add3A_1066 : i32 to vector<16xi32>
      %add3A_1068 = arith.addi %broadcast_in_dim3A_34, %add3A_1067 : vector<16xi32>
      tpu.vector_store_idx %arg17[%add3A_1068], %masked_cumsum3A_1006 masked %eq3A_33 : memref<512xf32, #tpu.memory_space<vmem>>[vector<16xi32>], vector<16xf32>, vector<16xi1>
      %add3A_1069 = arith.constant 0 : i32
      %add3A_1070 = arith.addi %add3A_1069, %add3A_212 : i32
      %add3A_1071 = vector.broadcast %add3A_1070 : i32 to vector<16xi32>
      %add3A_1072 = arith.addi %broadcast_in_dim3A_34, %add3A_1071 : vector<16xi32>
      tpu.vector_store_idx %arg17[%add3A_1072], %masked_cumsum3A_1009 masked %eq3A_33 : memref<512xf32, #tpu.memory_space<vmem>>[vector<16xi32>], vector<16xf32>, vector<16xi1>
      %add3A_1073 = arith.constant 0 : i32
      %add3A_1074 = arith.addi %add3A_1073, %add3A_214 : i32
      %add3A_1075 = vector.broadcast %add3A_1074 : i32 to vector<16xi32>
      %add3A_1076 = arith.addi %broadcast_in_dim3A_34, %add3A_1075 : vector<16xi32>
      tpu.vector_store_idx %arg17[%add3A_1076], %masked_cumsum3A_1012 masked %eq3A_33 : memref<512xf32, #tpu.memory_space<vmem>>[vector<16xi32>], vector<16xf32>, vector<16xi1>
      %scan3A_1077 = arith.constant 0 : i32
      scf.yield %scan3A_1077 : i32
    }
    %scan3A_54 = arith.constant 8 : i32
    %dma_start3A_55 = arith.constant 256 : i32
    %dma_start3A_56 = tpu.memref_slice %arg8[%dma_start3A_55] : memref<512xi32, #tpu.memory_space<vmem>> -> memref<128xi32, #tpu.memory_space<vmem>>
    %dma_start3A_57 = arith.constant 0 : i32
    %dma_start3A_58 = arith.constant 0 : i32
    %dma_start3A_59 = tpu.memref_slice %arg5[%dma_start3A_57, %dma_start3A_58] : memref<100000x128xf32, #tpu.memory_space<hbm>> -> memref<100000x128xf32, #tpu.memory_space<hbm>>
    tpu.enqueue_indirect_dma source(%dma_start3A_59 : memref<100000x128xf32, #tpu.memory_space<hbm>>) target(%arg11 : memref<128x128xf32, #tpu.memory_space<vmem>>) offsets(%dma_start3A_56 : memref<128xi32, #tpu.memory_space<vmem>>) semaphore(%arg20 : memref<!tpu.dma_semaphore, #tpu.memory_space<semaphore_mem>>)
    %dma_start3A_60 = arith.constant 256 : i32
    %dma_start3A_61 = tpu.memref_slice %arg9[%dma_start3A_60] : memref<512xi32, #tpu.memory_space<vmem>> -> memref<128xi32, #tpu.memory_space<vmem>>
    %dma_start3A_62 = arith.constant 0 : i32
    %dma_start3A_63 = arith.constant 0 : i32
    %dma_start3A_64 = tpu.memref_slice %arg6[%dma_start3A_62, %dma_start3A_63] : memref<1000x128xf32, #tpu.memory_space<hbm>> -> memref<1000x128xf32, #tpu.memory_space<hbm>>
    tpu.enqueue_indirect_dma source(%dma_start3A_64 : memref<1000x128xf32, #tpu.memory_space<hbm>>) target(%arg13 : memref<128x128xf32, #tpu.memory_space<vmem>>) offsets(%dma_start3A_61 : memref<128xi32, #tpu.memory_space<vmem>>) semaphore(%arg20 : memref<!tpu.dma_semaphore, #tpu.memory_space<semaphore_mem>>)
    %dma_start3A_65 = arith.constant 256 : i32
    %dma_start3A_66 = tpu.memref_slice %arg10[%dma_start3A_65] : memref<512xi32, #tpu.memory_space<vmem>> -> memref<128xi32, #tpu.memory_space<vmem>>
    %dma_start3A_67 = arith.constant 0 : i32
    %dma_start3A_68 = arith.constant 0 : i32
    %dma_start3A_69 = tpu.memref_slice %arg5[%dma_start3A_67, %dma_start3A_68] : memref<100000x128xf32, #tpu.memory_space<hbm>> -> memref<100000x128xf32, #tpu.memory_space<hbm>>
    tpu.enqueue_indirect_dma source(%dma_start3A_69 : memref<100000x128xf32, #tpu.memory_space<hbm>>) target(%arg15 : memref<128x128xf32, #tpu.memory_space<vmem>>) offsets(%dma_start3A_66 : memref<128xi32, #tpu.memory_space<vmem>>) semaphore(%arg20 : memref<!tpu.dma_semaphore, #tpu.memory_space<semaphore_mem>>)
    %scan3A_70 = arith.constant 0 : i32
    %scan3A_71 = arith.constant 0 : i32
    %scan3A_72 = arith.constant 8 : i32
    %scan3A_73 = arith.addi %scan3A_71, %scan3A_72 : i32
    %scan3A_74 = arith.constant 1 : i32
    %scan3A_75 = scf.for %scan3A_179 = %scan3A_71 to %scan3A_73 step %scan3A_74 iter_args(%scan3A_180 = %scan3A_70) -> (i32)  : i32 {
      %mul3A_181 = arith.constant 16 : i32
      %mul3A_182 = arith.muli %scan3A_179, %mul3A_181 : i32
      %add3A_183 = arith.constant 0 : i32
      %add3A_184 = arith.addi %add3A_183, %mul3A_182 : i32
      %get3A = arith.index_cast %add3A_184 : i32 to index
      %get3A_185 = tpu.vector_load %arg17[%get3A] {strides = array<i32>} : memref<512xf32, #tpu.memory_space<vmem>>, vector<16xf32>,
      %neg3A = arith.constant 0.000000e+00 : f32
      %neg3A_186 = vector.broadcast %neg3A : f32 to vector<16xf32>
      %neg3A_187 = arith.subf %neg3A_186, %get3A_185 : vector<16xf32>
      %exp3A = math.exp %neg3A_187 : vector<16xf32>
      %add3A_188 = arith.constant 1.000000e+00 : f32
      %add3A_189 = vector.broadcast %add3A_188 : f32 to vector<16xf32>
      %add3A_190 = arith.addf %add3A_189, %exp3A : vector<16xf32>
      %div3A = arith.constant 1.000000e+00 : f32
      %div3A_191 = vector.broadcast %div3A : f32 to vector<16xf32>
      %div3A_192 = arith.divf %div3A_191, %add3A_190 : vector<16xf32>
      %neg3A_193 = arith.constant 0.000000e+00 : f32
      %neg3A_194 = vector.broadcast %neg3A_193 : f32 to vector<16xf32>
      %neg3A_195 = arith.subf %neg3A_194, %div3A_192 : vector<16xf32>
      %exp3A_196 = math.exp %neg3A_195 : vector<16xf32>
      %add3A_197 = arith.constant 1.000000e+00 : f32
      %add3A_198 = vector.broadcast %add3A_197 : f32 to vector<16xf32>
      %add3A_199 = arith.addf %add3A_198, %exp3A_196 : vector<16xf32>
      %div3A_200 = arith.constant 1.000000e+00 : f32
      %div3A_201 = vector.broadcast %div3A_200 : f32 to vector<16xf32>
      %div3A_202 = arith.divf %div3A_201, %add3A_199 : vector<16xf32>
      %swap3A = arith.index_cast %add3A_184 : i32 to index
      %swap3A_203 = tpu.vector_load %arg17[%swap3A] {strides = array<i32>} : memref<512xf32, #tpu.memory_space<vmem>>, vector<16xf32>,
      tpu.vector_store %arg17[%swap3A], %div3A_202 {strides = array<i32>} : memref<512xf32, #tpu.memory_space<vmem>>, vector<16xf32>,
      %scan3A_204 = arith.constant 0 : i32
      scf.yield %scan3A_204 : i32
    }
    %scan3A_76 = arith.constant 8 : i32
    %dma_wait3A_77 = arith.constant 128 : i32
    %dma_wait3A_78 = tpu.memref_slice %arg8[%dma_wait3A_77] : memref<512xi32, #tpu.memory_space<vmem>> -> memref<128xi32, #tpu.memory_space<vmem>>
    %dma_wait3A_79 = arith.constant 0 : i32
    %dma_wait3A_80 = arith.constant 0 : i32
    %dma_wait3A_81 = tpu.memref_slice %arg5[%dma_wait3A_79, %dma_wait3A_80] : memref<100000x128xf32, #tpu.memory_space<hbm>> -> memref<100000x128xf32, #tpu.memory_space<hbm>>
    tpu.wait_indirect_dma semaphore(%arg19 : memref<!tpu.dma_semaphore, #tpu.memory_space<semaphore_mem>>) src(%dma_wait3A_81 : memref<100000x128xf32, #tpu.memory_space<hbm>>) dst(%arg12 : memref<128x128xf32, #tpu.memory_space<vmem>>)
    %dma_wait3A_82 = arith.constant 128 : i32
    %dma_wait3A_83 = tpu.memref_slice %arg9[%dma_wait3A_82] : memref<512xi32, #tpu.memory_space<vmem>> -> memref<128xi32, #tpu.memory_space<vmem>>
    %dma_wait3A_84 = arith.constant 0 : i32
    %dma_wait3A_85 = arith.constant 0 : i32
    %dma_wait3A_86 = tpu.memref_slice %arg6[%dma_wait3A_84, %dma_wait3A_85] : memref<1000x128xf32, #tpu.memory_space<hbm>> -> memref<1000x128xf32, #tpu.memory_space<hbm>>
    tpu.wait_indirect_dma semaphore(%arg19 : memref<!tpu.dma_semaphore, #tpu.memory_space<semaphore_mem>>) src(%dma_wait3A_86 : memref<1000x128xf32, #tpu.memory_space<hbm>>) dst(%arg14 : memref<128x128xf32, #tpu.memory_space<vmem>>)
    %dma_wait3A_87 = arith.constant 128 : i32
    %dma_wait3A_88 = tpu.memref_slice %arg10[%dma_wait3A_87] : memref<512xi32, #tpu.memory_space<vmem>> -> memref<128xi32, #tpu.memory_space<vmem>>
    %dma_wait3A_89 = arith.constant 0 : i32
    %dma_wait3A_90 = arith.constant 0 : i32
    %dma_wait3A_91 = tpu.memref_slice %arg5[%dma_wait3A_89, %dma_wait3A_90] : memref<100000x128xf32, #tpu.memory_space<hbm>> -> memref<100000x128xf32, #tpu.memory_space<hbm>>
    tpu.wait_indirect_dma semaphore(%arg19 : memref<!tpu.dma_semaphore, #tpu.memory_space<semaphore_mem>>) src(%dma_wait3A_91 : memref<100000x128xf32, #tpu.memory_space<hbm>>) dst(%arg16 : memref<128x128xf32, #tpu.memory_space<vmem>>)
    %scan3A_92 = arith.constant 0 : i32
    %scan3A_93 = arith.constant 0 : i32
    %scan3A_94 = arith.constant 8 : i32
    %scan3A_95 = arith.addi %scan3A_93, %scan3A_94 : i32
    %scan3A_96 = arith.constant 1 : i32
    %scan3A_97 = scf.for %scan3A_179 = %scan3A_93 to %scan3A_95 step %scan3A_96 iter_args(%scan3A_180 = %scan3A_92) -> (i32)  : i32 {
      %mul3A_181 = arith.constant 16 : i32
      %mul3A_182 = arith.muli %scan3A_179, %mul3A_181 : i32
      %add3A_183 = arith.constant 0 : i32
      %add3A_184 = arith.addi %mul3A_182, %add3A_183 : i32
      %add3A_185 = arith.constant 1 : i32
      %add3A_186 = arith.addi %mul3A_182, %add3A_185 : i32
      %add3A_187 = arith.constant 2 : i32
      %add3A_188 = arith.addi %mul3A_182, %add3A_187 : i32
      %add3A_189 = arith.constant 3 : i32
      %add3A_190 = arith.addi %mul3A_182, %add3A_189 : i32
      %add3A_191 = arith.constant 4 : i32
      %add3A_192 = arith.addi %mul3A_182, %add3A_191 : i32
      %add3A_193 = arith.constant 5 : i32
      %add3A_194 = arith.addi %mul3A_182, %add3A_193 : i32
      %add3A_195 = arith.constant 6 : i32
      %add3A_196 = arith.addi %mul3A_182, %add3A_195 : i32
      %add3A_197 = arith.constant 7 : i32
      %add3A_198 = arith.addi %mul3A_182, %add3A_197 : i32
      %add3A_199 = arith.constant 8 : i32
      %add3A_200 = arith.addi %mul3A_182, %add3A_199 : i32
      %add3A_201 = arith.constant 9 : i32
      %add3A_202 = arith.addi %mul3A_182, %add3A_201 : i32
      %add3A_203 = arith.constant 10 : i32
      %add3A_204 = arith.addi %mul3A_182, %add3A_203 : i32
      %add3A_205 = arith.constant 11 : i32
      %add3A_206 = arith.addi %mul3A_182, %add3A_205 : i32
      %add3A_207 = arith.constant 12 : i32
      %add3A_208 = arith.addi %mul3A_182, %add3A_207 : i32
      %add3A_209 = arith.constant 13 : i32
      %add3A_210 = arith.addi %mul3A_182, %add3A_209 : i32
      %add3A_211 = arith.constant 14 : i32
      %add3A_212 = arith.addi %mul3A_182, %add3A_211 : i32
      %add3A_213 = arith.constant 15 : i32
      %add3A_214 = arith.addi %mul3A_182, %add3A_213 : i32
      %get3A = arith.index_cast %add3A_184 : i32 to index
      %get3A_215 = arith.constant 0 : index
      %get3A_216 = tpu.vector_load %arg12[%get3A, %get3A_215] {strides = array<i32>} : memref<128x128xf32, #tpu.memory_space<vmem>>, vector<16xf32>,
      %get3A_217 = arith.index_cast %add3A_184 : i32 to index
      %get3A_218 = arith.constant 0 : index
      %get3A_219 = tpu.vector_load %arg14[%get3A_217, %get3A_218] {strides = array<i32>} : memref<128x128xf32, #tpu.memory_space<vmem>>, vector<16xf32>,
      %mul3A_220 = arith.mulf %get3A_216, %get3A_219 : vector<16xf32>
      %get3A_221 = arith.index_cast %add3A_184 : i32 to index
      %get3A_222 = arith.constant 0 : index
      %get3A_223 = tpu.vector_load %arg16[%get3A_221, %get3A_222] {strides = array<i32>} : memref<128x128xf32, #tpu.memory_space<vmem>>, vector<16xf32>,
      %mul3A_224 = arith.mulf %mul3A_220, %get3A_223 : vector<16xf32>
      %get3A_225 = arith.index_cast %add3A_184 : i32 to index
      %get3A_226 = arith.constant 16 : index
      %get3A_227 = tpu.vector_load %arg12[%get3A_225, %get3A_226] {strides = array<i32>} : memref<128x128xf32, #tpu.memory_space<vmem>>, vector<16xf32>,
      %get3A_228 = arith.index_cast %add3A_184 : i32 to index
      %get3A_229 = arith.constant 16 : index
      %get3A_230 = tpu.vector_load %arg14[%get3A_228, %get3A_229] {strides = array<i32>} : memref<128x128xf32, #tpu.memory_space<vmem>>, vector<16xf32>,
      %mul3A_231 = arith.mulf %get3A_227, %get3A_230 : vector<16xf32>
      %get3A_232 = arith.index_cast %add3A_184 : i32 to index
      %get3A_233 = arith.constant 16 : index
      %get3A_234 = tpu.vector_load %arg16[%get3A_232, %get3A_233] {strides = array<i32>} : memref<128x128xf32, #tpu.memory_space<vmem>>, vector<16xf32>,
      %mul3A_235 = arith.mulf %mul3A_231, %get3A_234 : vector<16xf32>
      %add3A_236 = arith.addf %mul3A_224, %mul3A_235 : vector<16xf32>
      %get3A_237 = arith.index_cast %add3A_184 : i32 to index
      %get3A_238 = arith.constant 32 : index
      %get3A_239 = tpu.vector_load %arg12[%get3A_237, %get3A_238] {strides = array<i32>} : memref<128x128xf32, #tpu.memory_space<vmem>>, vector<16xf32>,
      %get3A_240 = arith.index_cast %add3A_184 : i32 to index
      %get3A_241 = arith.constant 32 : index
      %get3A_242 = tpu.vector_load %arg14[%get3A_240, %get3A_241] {strides = array<i32>} : memref<128x128xf32, #tpu.memory_space<vmem>>, vector<16xf32>,
      %mul3A_243 = arith.mulf %get3A_239, %get3A_242 : vector<16xf32>
      %get3A_244 = arith.index_cast %add3A_184 : i32 to index
      %get3A_245 = arith.constant 32 : index
      %get3A_246 = tpu.vector_load %arg16[%get3A_244, %get3A_245] {strides = array<i32>} : memref<128x128xf32, #tpu.memory_space<vmem>>, vector<16xf32>,
      %mul3A_247 = arith.mulf %mul3A_243, %get3A_246 : vector<16xf32>
      %add3A_248 = arith.addf %add3A_236, %mul3A_247 : vector<16xf32>
      %get3A_249 = arith.index_cast %add3A_184 : i32 to index
      %get3A_250 = arith.constant 48 : index
      %get3A_251 = tpu.vector_load %arg12[%get3A_249, %get3A_250] {strides = array<i32>} : memref<128x128xf32, #tpu.memory_space<vmem>>, vector<16xf32>,
      %get3A_252 = arith.index_cast %add3A_184 : i32 to index
      %get3A_253 = arith.constant 48 : index
      %get3A_254 = tpu.vector_load %arg14[%get3A_252, %get3A_253] {strides = array<i32>} : memref<128x128xf32, #tpu.memory_space<vmem>>, vector<16xf32>,
      %mul3A_255 = arith.mulf %get3A_251, %get3A_254 : vector<16xf32>
      %get3A_256 = arith.index_cast %add3A_184 : i32 to index
      %get3A_257 = arith.constant 48 : index
      %get3A_258 = tpu.vector_load %arg16[%get3A_256, %get3A_257] {strides = array<i32>} : memref<128x128xf32, #tpu.memory_space<vmem>>, vector<16xf32>,
      %mul3A_259 = arith.mulf %mul3A_255, %get3A_258 : vector<16xf32>
      %add3A_260 = arith.addf %add3A_248, %mul3A_259 : vector<16xf32>
      %get3A_261 = arith.index_cast %add3A_186 : i32 to index
      %get3A_262 = arith.constant 0 : index
      %get3A_263 = tpu.vector_load %arg12[%get3A_261, %get3A_262] {strides = array<i32>} : memref<128x128xf32, #tpu.memory_space<vmem>>, vector<16xf32>,
      %get3A_264 = arith.index_cast %add3A_186 : i32 to index
      %get3A_265 = arith.constant 0 : index
      %get3A_266 = tpu.vector_load %arg14[%get3A_264, %get3A_265] {strides = array<i32>} : memref<128x128xf32, #tpu.memory_space<vmem>>, vector<16xf32>,
      %mul3A_267 = arith.mulf %get3A_263, %get3A_266 : vector<16xf32>
      %get3A_268 = arith.index_cast %add3A_186 : i32 to index
      %get3A_269 = arith.constant 0 : index
      %get3A_270 = tpu.vector_load %arg16[%get3A_268, %get3A_269] {strides = array<i32>} : memref<128x128xf32, #tpu.memory_space<vmem>>, vector<16xf32>,
      %mul3A_271 = arith.mulf %mul3A_267, %get3A_270 : vector<16xf32>
      %get3A_272 = arith.index_cast %add3A_186 : i32 to index
      %get3A_273 = arith.constant 16 : index
      %get3A_274 = tpu.vector_load %arg12[%get3A_272, %get3A_273] {strides = array<i32>} : memref<128x128xf32, #tpu.memory_space<vmem>>, vector<16xf32>,
      %get3A_275 = arith.index_cast %add3A_186 : i32 to index
      %get3A_276 = arith.constant 16 : index
      %get3A_277 = tpu.vector_load %arg14[%get3A_275, %get3A_276] {strides = array<i32>} : memref<128x128xf32, #tpu.memory_space<vmem>>, vector<16xf32>,
      %mul3A_278 = arith.mulf %get3A_274, %get3A_277 : vector<16xf32>
      %get3A_279 = arith.index_cast %add3A_186 : i32 to index
      %get3A_280 = arith.constant 16 : index
      %get3A_281 = tpu.vector_load %arg16[%get3A_279, %get3A_280] {strides = array<i32>} : memref<128x128xf32, #tpu.memory_space<vmem>>, vector<16xf32>,
      %mul3A_282 = arith.mulf %mul3A_278, %get3A_281 : vector<16xf32>
      %add3A_283 = arith.addf %mul3A_271, %mul3A_282 : vector<16xf32>
      %get3A_284 = arith.index_cast %add3A_186 : i32 to index
      %get3A_285 = arith.constant 32 : index
      %get3A_286 = tpu.vector_load %arg12[%get3A_284, %get3A_285] {strides = array<i32>} : memref<128x128xf32, #tpu.memory_space<vmem>>, vector<16xf32>,
      %get3A_287 = arith.index_cast %add3A_186 : i32 to index
      %get3A_288 = arith.constant 32 : index
      %get3A_289 = tpu.vector_load %arg14[%get3A_287, %get3A_288] {strides = array<i32>} : memref<128x128xf32, #tpu.memory_space<vmem>>, vector<16xf32>,
      %mul3A_290 = arith.mulf %get3A_286, %get3A_289 : vector<16xf32>
      %get3A_291 = arith.index_cast %add3A_186 : i32 to index
      %get3A_292 = arith.constant 32 : index
      %get3A_293 = tpu.vector_load %arg16[%get3A_291, %get3A_292] {strides = array<i32>} : memref<128x128xf32, #tpu.memory_space<vmem>>, vector<16xf32>,
      %mul3A_294 = arith.mulf %mul3A_290, %get3A_293 : vector<16xf32>
      %add3A_295 = arith.addf %add3A_283, %mul3A_294 : vector<16xf32>
      %get3A_296 = arith.index_cast %add3A_186 : i32 to index
      %get3A_297 = arith.constant 48 : index
      %get3A_298 = tpu.vector_load %arg12[%get3A_296, %get3A_297] {strides = array<i32>} : memref<128x128xf32, #tpu.memory_space<vmem>>, vector<16xf32>,
      %get3A_299 = arith.index_cast %add3A_186 : i32 to index
      %get3A_300 = arith.constant 48 : index
      %get3A_301 = tpu.vector_load %arg14[%get3A_299, %get3A_300] {strides = array<i32>} : memref<128x128xf32, #tpu.memory_space<vmem>>, vector<16xf32>,
      %mul3A_302 = arith.mulf %get3A_298, %get3A_301 : vector<16xf32>
      %get3A_303 = arith.index_cast %add3A_186 : i32 to index
      %get3A_304 = arith.constant 48 : index
      %get3A_305 = tpu.vector_load %arg16[%get3A_303, %get3A_304] {strides = array<i32>} : memref<128x128xf32, #tpu.memory_space<vmem>>, vector<16xf32>,
      %mul3A_306 = arith.mulf %mul3A_302, %get3A_305 : vector<16xf32>
      %add3A_307 = arith.addf %add3A_295, %mul3A_306 : vector<16xf32>
      %get3A_308 = arith.index_cast %add3A_188 : i32 to index
      %get3A_309 = arith.constant 0 : index
      %get3A_310 = tpu.vector_load %arg12[%get3A_308, %get3A_309] {strides = array<i32>} : memref<128x128xf32, #tpu.memory_space<vmem>>, vector<16xf32>,
      %get3A_311 = arith.index_cast %add3A_188 : i32 to index
      %get3A_312 = arith.constant 0 : index
      %get3A_313 = tpu.vector_load %arg14[%get3A_311, %get3A_312] {strides = array<i32>} : memref<128x128xf32, #tpu.memory_space<vmem>>, vector<16xf32>,
      %mul3A_314 = arith.mulf %get3A_310, %get3A_313 : vector<16xf32>
      %get3A_315 = arith.index_cast %add3A_188 : i32 to index
      %get3A_316 = arith.constant 0 : index
      %get3A_317 = tpu.vector_load %arg16[%get3A_315, %get3A_316] {strides = array<i32>} : memref<128x128xf32, #tpu.memory_space<vmem>>, vector<16xf32>,
      %mul3A_318 = arith.mulf %mul3A_314, %get3A_317 : vector<16xf32>
      %get3A_319 = arith.index_cast %add3A_188 : i32 to index
      %get3A_320 = arith.constant 16 : index
      %get3A_321 = tpu.vector_load %arg12[%get3A_319, %get3A_320] {strides = array<i32>} : memref<128x128xf32, #tpu.memory_space<vmem>>, vector<16xf32>,
      %get3A_322 = arith.index_cast %add3A_188 : i32 to index
      %get3A_323 = arith.constant 16 : index
      %get3A_324 = tpu.vector_load %arg14[%get3A_322, %get3A_323] {strides = array<i32>} : memref<128x128xf32, #tpu.memory_space<vmem>>, vector<16xf32>,
      %mul3A_325 = arith.mulf %get3A_321, %get3A_324 : vector<16xf32>
      %get3A_326 = arith.index_cast %add3A_188 : i32 to index
      %get3A_327 = arith.constant 16 : index
      %get3A_328 = tpu.vector_load %arg16[%get3A_326, %get3A_327] {strides = array<i32>} : memref<128x128xf32, #tpu.memory_space<vmem>>, vector<16xf32>,
      %mul3A_329 = arith.mulf %mul3A_325, %get3A_328 : vector<16xf32>
      %add3A_330 = arith.addf %mul3A_318, %mul3A_329 : vector<16xf32>
      %get3A_331 = arith.index_cast %add3A_188 : i32 to index
      %get3A_332 = arith.constant 32 : index
      %get3A_333 = tpu.vector_load %arg12[%get3A_331, %get3A_332] {strides = array<i32>} : memref<128x128xf32, #tpu.memory_space<vmem>>, vector<16xf32>,
      %get3A_334 = arith.index_cast %add3A_188 : i32 to index
      %get3A_335 = arith.constant 32 : index
      %get3A_336 = tpu.vector_load %arg14[%get3A_334, %get3A_335] {strides = array<i32>} : memref<128x128xf32, #tpu.memory_space<vmem>>, vector<16xf32>,
      %mul3A_337 = arith.mulf %get3A_333, %get3A_336 : vector<16xf32>
      %get3A_338 = arith.index_cast %add3A_188 : i32 to index
      %get3A_339 = arith.constant 32 : index
      %get3A_340 = tpu.vector_load %arg16[%get3A_338, %get3A_339] {strides = array<i32>} : memref<128x128xf32, #tpu.memory_space<vmem>>, vector<16xf32>,
      %mul3A_341 = arith.mulf %mul3A_337, %get3A_340 : vector<16xf32>
      %add3A_342 = arith.addf %add3A_330, %mul3A_341 : vector<16xf32>
      %get3A_343 = arith.index_cast %add3A_188 : i32 to index
      %get3A_344 = arith.constant 48 : index
      %get3A_345 = tpu.vector_load %arg12[%get3A_343, %get3A_344] {strides = array<i32>} : memref<128x128xf32, #tpu.memory_space<vmem>>, vector<16xf32>,
      %get3A_346 = arith.index_cast %add3A_188 : i32 to index
      %get3A_347 = arith.constant 48 : index
      %get3A_348 = tpu.vector_load %arg14[%get3A_346, %get3A_347] {strides = array<i32>} : memref<128x128xf32, #tpu.memory_space<vmem>>, vector<16xf32>,
      %mul3A_349 = arith.mulf %get3A_345, %get3A_348 : vector<16xf32>
      %get3A_350 = arith.index_cast %add3A_188 : i32 to index
      %get3A_351 = arith.constant 48 : index
      %get3A_352 = tpu.vector_load %arg16[%get3A_350, %get3A_351] {strides = array<i32>} : memref<128x128xf32, #tpu.memory_space<vmem>>, vector<16xf32>,
      %mul3A_353 = arith.mulf %mul3A_349, %get3A_352 : vector<16xf32>
      %add3A_354 = arith.addf %add3A_342, %mul3A_353 : vector<16xf32>
      %get3A_355 = arith.index_cast %add3A_190 : i32 to index
      %get3A_356 = arith.constant 0 : index
      %get3A_357 = tpu.vector_load %arg12[%get3A_355, %get3A_356] {strides = array<i32>} : memref<128x128xf32, #tpu.memory_space<vmem>>, vector<16xf32>,
      %get3A_358 = arith.index_cast %add3A_190 : i32 to index
      %get3A_359 = arith.constant 0 : index
      %get3A_360 = tpu.vector_load %arg14[%get3A_358, %get3A_359] {strides = array<i32>} : memref<128x128xf32, #tpu.memory_space<vmem>>, vector<16xf32>,
      %mul3A_361 = arith.mulf %get3A_357, %get3A_360 : vector<16xf32>
      %get3A_362 = arith.index_cast %add3A_190 : i32 to index
      %get3A_363 = arith.constant 0 : index
      %get3A_364 = tpu.vector_load %arg16[%get3A_362, %get3A_363] {strides = array<i32>} : memref<128x128xf32, #tpu.memory_space<vmem>>, vector<16xf32>,
      %mul3A_365 = arith.mulf %mul3A_361, %get3A_364 : vector<16xf32>
      %get3A_366 = arith.index_cast %add3A_190 : i32 to index
      %get3A_367 = arith.constant 16 : index
      %get3A_368 = tpu.vector_load %arg12[%get3A_366, %get3A_367] {strides = array<i32>} : memref<128x128xf32, #tpu.memory_space<vmem>>, vector<16xf32>,
      %get3A_369 = arith.index_cast %add3A_190 : i32 to index
      %get3A_370 = arith.constant 16 : index
      %get3A_371 = tpu.vector_load %arg14[%get3A_369, %get3A_370] {strides = array<i32>} : memref<128x128xf32, #tpu.memory_space<vmem>>, vector<16xf32>,
      %mul3A_372 = arith.mulf %get3A_368, %get3A_371 : vector<16xf32>
      %get3A_373 = arith.index_cast %add3A_190 : i32 to index
      %get3A_374 = arith.constant 16 : index
      %get3A_375 = tpu.vector_load %arg16[%get3A_373, %get3A_374] {strides = array<i32>} : memref<128x128xf32, #tpu.memory_space<vmem>>, vector<16xf32>,
      %mul3A_376 = arith.mulf %mul3A_372, %get3A_375 : vector<16xf32>
      %add3A_377 = arith.addf %mul3A_365, %mul3A_376 : vector<16xf32>
      %get3A_378 = arith.index_cast %add3A_190 : i32 to index
      %get3A_379 = arith.constant 32 : index
      %get3A_380 = tpu.vector_load %arg12[%get3A_378, %get3A_379] {strides = array<i32>} : memref<128x128xf32, #tpu.memory_space<vmem>>, vector<16xf32>,
      %get3A_381 = arith.index_cast %add3A_190 : i32 to index
      %get3A_382 = arith.constant 32 : index
      %get3A_383 = tpu.vector_load %arg14[%get3A_381, %get3A_382] {strides = array<i32>} : memref<128x128xf32, #tpu.memory_space<vmem>>, vector<16xf32>,
      %mul3A_384 = arith.mulf %get3A_380, %get3A_383 : vector<16xf32>
      %get3A_385 = arith.index_cast %add3A_190 : i32 to index
      %get3A_386 = arith.constant 32 : index
      %get3A_387 = tpu.vector_load %arg16[%get3A_385, %get3A_386] {strides = array<i32>} : memref<128x128xf32, #tpu.memory_space<vmem>>, vector<16xf32>,
      %mul3A_388 = arith.mulf %mul3A_384, %get3A_387 : vector<16xf32>
      %add3A_389 = arith.addf %add3A_377, %mul3A_388 : vector<16xf32>
      %get3A_390 = arith.index_cast %add3A_190 : i32 to index
      %get3A_391 = arith.constant 48 : index
      %get3A_392 = tpu.vector_load %arg12[%get3A_390, %get3A_391] {strides = array<i32>} : memref<128x128xf32, #tpu.memory_space<vmem>>, vector<16xf32>,
      %get3A_393 = arith.index_cast %add3A_190 : i32 to index
      %get3A_394 = arith.constant 48 : index
      %get3A_395 = tpu.vector_load %arg14[%get3A_393, %get3A_394] {strides = array<i32>} : memref<128x128xf32, #tpu.memory_space<vmem>>, vector<16xf32>,
      %mul3A_396 = arith.mulf %get3A_392, %get3A_395 : vector<16xf32>
      %get3A_397 = arith.index_cast %add3A_190 : i32 to index
      %get3A_398 = arith.constant 48 : index
      %get3A_399 = tpu.vector_load %arg16[%get3A_397, %get3A_398] {strides = array<i32>} : memref<128x128xf32, #tpu.memory_space<vmem>>, vector<16xf32>,
      %mul3A_400 = arith.mulf %mul3A_396, %get3A_399 : vector<16xf32>
      %add3A_401 = arith.addf %add3A_389, %mul3A_400 : vector<16xf32>
      %get3A_402 = arith.index_cast %add3A_192 : i32 to index
      %get3A_403 = arith.constant 0 : index
      %get3A_404 = tpu.vector_load %arg12[%get3A_402, %get3A_403] {strides = array<i32>} : memref<128x128xf32, #tpu.memory_space<vmem>>, vector<16xf32>,
      %get3A_405 = arith.index_cast %add3A_192 : i32 to index
      %get3A_406 = arith.constant 0 : index
      %get3A_407 = tpu.vector_load %arg14[%get3A_405, %get3A_406] {strides = array<i32>} : memref<128x128xf32, #tpu.memory_space<vmem>>, vector<16xf32>,
      %mul3A_408 = arith.mulf %get3A_404, %get3A_407 : vector<16xf32>
      %get3A_409 = arith.index_cast %add3A_192 : i32 to index
      %get3A_410 = arith.constant 0 : index
      %get3A_411 = tpu.vector_load %arg16[%get3A_409, %get3A_410] {strides = array<i32>} : memref<128x128xf32, #tpu.memory_space<vmem>>, vector<16xf32>,
      %mul3A_412 = arith.mulf %mul3A_408, %get3A_411 : vector<16xf32>
      %get3A_413 = arith.index_cast %add3A_192 : i32 to index
      %get3A_414 = arith.constant 16 : index
      %get3A_415 = tpu.vector_load %arg12[%get3A_413, %get3A_414] {strides = array<i32>} : memref<128x128xf32, #tpu.memory_space<vmem>>, vector<16xf32>,
      %get3A_416 = arith.index_cast %add3A_192 : i32 to index
      %get3A_417 = arith.constant 16 : index
      %get3A_418 = tpu.vector_load %arg14[%get3A_416, %get3A_417] {strides = array<i32>} : memref<128x128xf32, #tpu.memory_space<vmem>>, vector<16xf32>,
      %mul3A_419 = arith.mulf %get3A_415, %get3A_418 : vector<16xf32>
      %get3A_420 = arith.index_cast %add3A_192 : i32 to index
      %get3A_421 = arith.constant 16 : index
      %get3A_422 = tpu.vector_load %arg16[%get3A_420, %get3A_421] {strides = array<i32>} : memref<128x128xf32, #tpu.memory_space<vmem>>, vector<16xf32>,
      %mul3A_423 = arith.mulf %mul3A_419, %get3A_422 : vector<16xf32>
      %add3A_424 = arith.addf %mul3A_412, %mul3A_423 : vector<16xf32>
      %get3A_425 = arith.index_cast %add3A_192 : i32 to index
      %get3A_426 = arith.constant 32 : index
      %get3A_427 = tpu.vector_load %arg12[%get3A_425, %get3A_426] {strides = array<i32>} : memref<128x128xf32, #tpu.memory_space<vmem>>, vector<16xf32>,
      %get3A_428 = arith.index_cast %add3A_192 : i32 to index
      %get3A_429 = arith.constant 32 : index
      %get3A_430 = tpu.vector_load %arg14[%get3A_428, %get3A_429] {strides = array<i32>} : memref<128x128xf32, #tpu.memory_space<vmem>>, vector<16xf32>,
      %mul3A_431 = arith.mulf %get3A_427, %get3A_430 : vector<16xf32>
      %get3A_432 = arith.index_cast %add3A_192 : i32 to index
      %get3A_433 = arith.constant 32 : index
      %get3A_434 = tpu.vector_load %arg16[%get3A_432, %get3A_433] {strides = array<i32>} : memref<128x128xf32, #tpu.memory_space<vmem>>, vector<16xf32>,
      %mul3A_435 = arith.mulf %mul3A_431, %get3A_434 : vector<16xf32>
      %add3A_436 = arith.addf %add3A_424, %mul3A_435 : vector<16xf32>
      %get3A_437 = arith.index_cast %add3A_192 : i32 to index
      %get3A_438 = arith.constant 48 : index
      %get3A_439 = tpu.vector_load %arg12[%get3A_437, %get3A_438] {strides = array<i32>} : memref<128x128xf32, #tpu.memory_space<vmem>>, vector<16xf32>,
      %get3A_440 = arith.index_cast %add3A_192 : i32 to index
      %get3A_441 = arith.constant 48 : index
      %get3A_442 = tpu.vector_load %arg14[%get3A_440, %get3A_441] {strides = array<i32>} : memref<128x128xf32, #tpu.memory_space<vmem>>, vector<16xf32>,
      %mul3A_443 = arith.mulf %get3A_439, %get3A_442 : vector<16xf32>
      %get3A_444 = arith.index_cast %add3A_192 : i32 to index
      %get3A_445 = arith.constant 48 : index
      %get3A_446 = tpu.vector_load %arg16[%get3A_444, %get3A_445] {strides = array<i32>} : memref<128x128xf32, #tpu.memory_space<vmem>>, vector<16xf32>,
      %mul3A_447 = arith.mulf %mul3A_443, %get3A_446 : vector<16xf32>
      %add3A_448 = arith.addf %add3A_436, %mul3A_447 : vector<16xf32>
      %get3A_449 = arith.index_cast %add3A_194 : i32 to index
      %get3A_450 = arith.constant 0 : index
      %get3A_451 = tpu.vector_load %arg12[%get3A_449, %get3A_450] {strides = array<i32>} : memref<128x128xf32, #tpu.memory_space<vmem>>, vector<16xf32>,
      %get3A_452 = arith.index_cast %add3A_194 : i32 to index
      %get3A_453 = arith.constant 0 : index
      %get3A_454 = tpu.vector_load %arg14[%get3A_452, %get3A_453] {strides = array<i32>} : memref<128x128xf32, #tpu.memory_space<vmem>>, vector<16xf32>,
      %mul3A_455 = arith.mulf %get3A_451, %get3A_454 : vector<16xf32>
      %get3A_456 = arith.index_cast %add3A_194 : i32 to index
      %get3A_457 = arith.constant 0 : index
      %get3A_458 = tpu.vector_load %arg16[%get3A_456, %get3A_457] {strides = array<i32>} : memref<128x128xf32, #tpu.memory_space<vmem>>, vector<16xf32>,
      %mul3A_459 = arith.mulf %mul3A_455, %get3A_458 : vector<16xf32>
      %get3A_460 = arith.index_cast %add3A_194 : i32 to index
      %get3A_461 = arith.constant 16 : index
      %get3A_462 = tpu.vector_load %arg12[%get3A_460, %get3A_461] {strides = array<i32>} : memref<128x128xf32, #tpu.memory_space<vmem>>, vector<16xf32>,
      %get3A_463 = arith.index_cast %add3A_194 : i32 to index
      %get3A_464 = arith.constant 16 : index
      %get3A_465 = tpu.vector_load %arg14[%get3A_463, %get3A_464] {strides = array<i32>} : memref<128x128xf32, #tpu.memory_space<vmem>>, vector<16xf32>,
      %mul3A_466 = arith.mulf %get3A_462, %get3A_465 : vector<16xf32>
      %get3A_467 = arith.index_cast %add3A_194 : i32 to index
      %get3A_468 = arith.constant 16 : index
      %get3A_469 = tpu.vector_load %arg16[%get3A_467, %get3A_468] {strides = array<i32>} : memref<128x128xf32, #tpu.memory_space<vmem>>, vector<16xf32>,
      %mul3A_470 = arith.mulf %mul3A_466, %get3A_469 : vector<16xf32>
      %add3A_471 = arith.addf %mul3A_459, %mul3A_470 : vector<16xf32>
      %get3A_472 = arith.index_cast %add3A_194 : i32 to index
      %get3A_473 = arith.constant 32 : index
      %get3A_474 = tpu.vector_load %arg12[%get3A_472, %get3A_473] {strides = array<i32>} : memref<128x128xf32, #tpu.memory_space<vmem>>, vector<16xf32>,
      %get3A_475 = arith.index_cast %add3A_194 : i32 to index
      %get3A_476 = arith.constant 32 : index
      %get3A_477 = tpu.vector_load %arg14[%get3A_475, %get3A_476] {strides = array<i32>} : memref<128x128xf32, #tpu.memory_space<vmem>>, vector<16xf32>,
      %mul3A_478 = arith.mulf %get3A_474, %get3A_477 : vector<16xf32>
      %get3A_479 = arith.index_cast %add3A_194 : i32 to index
      %get3A_480 = arith.constant 32 : index
      %get3A_481 = tpu.vector_load %arg16[%get3A_479, %get3A_480] {strides = array<i32>} : memref<128x128xf32, #tpu.memory_space<vmem>>, vector<16xf32>,
      %mul3A_482 = arith.mulf %mul3A_478, %get3A_481 : vector<16xf32>
      %add3A_483 = arith.addf %add3A_471, %mul3A_482 : vector<16xf32>
      %get3A_484 = arith.index_cast %add3A_194 : i32 to index
      %get3A_485 = arith.constant 48 : index
      %get3A_486 = tpu.vector_load %arg12[%get3A_484, %get3A_485] {strides = array<i32>} : memref<128x128xf32, #tpu.memory_space<vmem>>, vector<16xf32>,
      %get3A_487 = arith.index_cast %add3A_194 : i32 to index
      %get3A_488 = arith.constant 48 : index
      %get3A_489 = tpu.vector_load %arg14[%get3A_487, %get3A_488] {strides = array<i32>} : memref<128x128xf32, #tpu.memory_space<vmem>>, vector<16xf32>,
      %mul3A_490 = arith.mulf %get3A_486, %get3A_489 : vector<16xf32>
      %get3A_491 = arith.index_cast %add3A_194 : i32 to index
      %get3A_492 = arith.constant 48 : index
      %get3A_493 = tpu.vector_load %arg16[%get3A_491, %get3A_492] {strides = array<i32>} : memref<128x128xf32, #tpu.memory_space<vmem>>, vector<16xf32>,
      %mul3A_494 = arith.mulf %mul3A_490, %get3A_493 : vector<16xf32>
      %add3A_495 = arith.addf %add3A_483, %mul3A_494 : vector<16xf32>
      %get3A_496 = arith.index_cast %add3A_196 : i32 to index
      %get3A_497 = arith.constant 0 : index
      %get3A_498 = tpu.vector_load %arg12[%get3A_496, %get3A_497] {strides = array<i32>} : memref<128x128xf32, #tpu.memory_space<vmem>>, vector<16xf32>,
      %get3A_499 = arith.index_cast %add3A_196 : i32 to index
      %get3A_500 = arith.constant 0 : index
      %get3A_501 = tpu.vector_load %arg14[%get3A_499, %get3A_500] {strides = array<i32>} : memref<128x128xf32, #tpu.memory_space<vmem>>, vector<16xf32>,
      %mul3A_502 = arith.mulf %get3A_498, %get3A_501 : vector<16xf32>
      %get3A_503 = arith.index_cast %add3A_196 : i32 to index
      %get3A_504 = arith.constant 0 : index
      %get3A_505 = tpu.vector_load %arg16[%get3A_503, %get3A_504] {strides = array<i32>} : memref<128x128xf32, #tpu.memory_space<vmem>>, vector<16xf32>,
      %mul3A_506 = arith.mulf %mul3A_502, %get3A_505 : vector<16xf32>
      %get3A_507 = arith.index_cast %add3A_196 : i32 to index
      %get3A_508 = arith.constant 16 : index
      %get3A_509 = tpu.vector_load %arg12[%get3A_507, %get3A_508] {strides = array<i32>} : memref<128x128xf32, #tpu.memory_space<vmem>>, vector<16xf32>,
      %get3A_510 = arith.index_cast %add3A_196 : i32 to index
      %get3A_511 = arith.constant 16 : index
      %get3A_512 = tpu.vector_load %arg14[%get3A_510, %get3A_511] {strides = array<i32>} : memref<128x128xf32, #tpu.memory_space<vmem>>, vector<16xf32>,
      %mul3A_513 = arith.mulf %get3A_509, %get3A_512 : vector<16xf32>
      %get3A_514 = arith.index_cast %add3A_196 : i32 to index
      %get3A_515 = arith.constant 16 : index
      %get3A_516 = tpu.vector_load %arg16[%get3A_514, %get3A_515] {strides = array<i32>} : memref<128x128xf32, #tpu.memory_space<vmem>>, vector<16xf32>,
      %mul3A_517 = arith.mulf %mul3A_513, %get3A_516 : vector<16xf32>
      %add3A_518 = arith.addf %mul3A_506, %mul3A_517 : vector<16xf32>
      %get3A_519 = arith.index_cast %add3A_196 : i32 to index
      %get3A_520 = arith.constant 32 : index
      %get3A_521 = tpu.vector_load %arg12[%get3A_519, %get3A_520] {strides = array<i32>} : memref<128x128xf32, #tpu.memory_space<vmem>>, vector<16xf32>,
      %get3A_522 = arith.index_cast %add3A_196 : i32 to index
      %get3A_523 = arith.constant 32 : index
      %get3A_524 = tpu.vector_load %arg14[%get3A_522, %get3A_523] {strides = array<i32>} : memref<128x128xf32, #tpu.memory_space<vmem>>, vector<16xf32>,
      %mul3A_525 = arith.mulf %get3A_521, %get3A_524 : vector<16xf32>
      %get3A_526 = arith.index_cast %add3A_196 : i32 to index
      %get3A_527 = arith.constant 32 : index
      %get3A_528 = tpu.vector_load %arg16[%get3A_526, %get3A_527] {strides = array<i32>} : memref<128x128xf32, #tpu.memory_space<vmem>>, vector<16xf32>,
      %mul3A_529 = arith.mulf %mul3A_525, %get3A_528 : vector<16xf32>
      %add3A_530 = arith.addf %add3A_518, %mul3A_529 : vector<16xf32>
      %get3A_531 = arith.index_cast %add3A_196 : i32 to index
      %get3A_532 = arith.constant 48 : index
      %get3A_533 = tpu.vector_load %arg12[%get3A_531, %get3A_532] {strides = array<i32>} : memref<128x128xf32, #tpu.memory_space<vmem>>, vector<16xf32>,
      %get3A_534 = arith.index_cast %add3A_196 : i32 to index
      %get3A_535 = arith.constant 48 : index
      %get3A_536 = tpu.vector_load %arg14[%get3A_534, %get3A_535] {strides = array<i32>} : memref<128x128xf32, #tpu.memory_space<vmem>>, vector<16xf32>,
      %mul3A_537 = arith.mulf %get3A_533, %get3A_536 : vector<16xf32>
      %get3A_538 = arith.index_cast %add3A_196 : i32 to index
      %get3A_539 = arith.constant 48 : index
      %get3A_540 = tpu.vector_load %arg16[%get3A_538, %get3A_539] {strides = array<i32>} : memref<128x128xf32, #tpu.memory_space<vmem>>, vector<16xf32>,
      %mul3A_541 = arith.mulf %mul3A_537, %get3A_540 : vector<16xf32>
      %add3A_542 = arith.addf %add3A_530, %mul3A_541 : vector<16xf32>
      %get3A_543 = arith.index_cast %add3A_198 : i32 to index
      %get3A_544 = arith.constant 0 : index
      %get3A_545 = tpu.vector_load %arg12[%get3A_543, %get3A_544] {strides = array<i32>} : memref<128x128xf32, #tpu.memory_space<vmem>>, vector<16xf32>,
      %get3A_546 = arith.index_cast %add3A_198 : i32 to index
      %get3A_547 = arith.constant 0 : index
      %get3A_548 = tpu.vector_load %arg14[%get3A_546, %get3A_547] {strides = array<i32>} : memref<128x128xf32, #tpu.memory_space<vmem>>, vector<16xf32>,
      %mul3A_549 = arith.mulf %get3A_545, %get3A_548 : vector<16xf32>
      %get3A_550 = arith.index_cast %add3A_198 : i32 to index
      %get3A_551 = arith.constant 0 : index
      %get3A_552 = tpu.vector_load %arg16[%get3A_550, %get3A_551] {strides = array<i32>} : memref<128x128xf32, #tpu.memory_space<vmem>>, vector<16xf32>,
      %mul3A_553 = arith.mulf %mul3A_549, %get3A_552 : vector<16xf32>
      %get3A_554 = arith.index_cast %add3A_198 : i32 to index
      %get3A_555 = arith.constant 16 : index
      %get3A_556 = tpu.vector_load %arg12[%get3A_554, %get3A_555] {strides = array<i32>} : memref<128x128xf32, #tpu.memory_space<vmem>>, vector<16xf32>,
      %get3A_557 = arith.index_cast %add3A_198 : i32 to index
      %get3A_558 = arith.constant 16 : index
      %get3A_559 = tpu.vector_load %arg14[%get3A_557, %get3A_558] {strides = array<i32>} : memref<128x128xf32, #tpu.memory_space<vmem>>, vector<16xf32>,
      %mul3A_560 = arith.mulf %get3A_556, %get3A_559 : vector<16xf32>
      %get3A_561 = arith.index_cast %add3A_198 : i32 to index
      %get3A_562 = arith.constant 16 : index
      %get3A_563 = tpu.vector_load %arg16[%get3A_561, %get3A_562] {strides = array<i32>} : memref<128x128xf32, #tpu.memory_space<vmem>>, vector<16xf32>,
      %mul3A_564 = arith.mulf %mul3A_560, %get3A_563 : vector<16xf32>
      %add3A_565 = arith.addf %mul3A_553, %mul3A_564 : vector<16xf32>
      %get3A_566 = arith.index_cast %add3A_198 : i32 to index
      %get3A_567 = arith.constant 32 : index
      %get3A_568 = tpu.vector_load %arg12[%get3A_566, %get3A_567] {strides = array<i32>} : memref<128x128xf32, #tpu.memory_space<vmem>>, vector<16xf32>,
      %get3A_569 = arith.index_cast %add3A_198 : i32 to index
      %get3A_570 = arith.constant 32 : index
      %get3A_571 = tpu.vector_load %arg14[%get3A_569, %get3A_570] {strides = array<i32>} : memref<128x128xf32, #tpu.memory_space<vmem>>, vector<16xf32>,
      %mul3A_572 = arith.mulf %get3A_568, %get3A_571 : vector<16xf32>
      %get3A_573 = arith.index_cast %add3A_198 : i32 to index
      %get3A_574 = arith.constant 32 : index
      %get3A_575 = tpu.vector_load %arg16[%get3A_573, %get3A_574] {strides = array<i32>} : memref<128x128xf32, #tpu.memory_space<vmem>>, vector<16xf32>,
      %mul3A_576 = arith.mulf %mul3A_572, %get3A_575 : vector<16xf32>
      %add3A_577 = arith.addf %add3A_565, %mul3A_576 : vector<16xf32>
      %get3A_578 = arith.index_cast %add3A_198 : i32 to index
      %get3A_579 = arith.constant 48 : index
      %get3A_580 = tpu.vector_load %arg12[%get3A_578, %get3A_579] {strides = array<i32>} : memref<128x128xf32, #tpu.memory_space<vmem>>, vector<16xf32>,
      %get3A_581 = arith.index_cast %add3A_198 : i32 to index
      %get3A_582 = arith.constant 48 : index
      %get3A_583 = tpu.vector_load %arg14[%get3A_581, %get3A_582] {strides = array<i32>} : memref<128x128xf32, #tpu.memory_space<vmem>>, vector<16xf32>,
      %mul3A_584 = arith.mulf %get3A_580, %get3A_583 : vector<16xf32>
      %get3A_585 = arith.index_cast %add3A_198 : i32 to index
      %get3A_586 = arith.constant 48 : index
      %get3A_587 = tpu.vector_load %arg16[%get3A_585, %get3A_586] {strides = array<i32>} : memref<128x128xf32, #tpu.memory_space<vmem>>, vector<16xf32>,
      %mul3A_588 = arith.mulf %mul3A_584, %get3A_587 : vector<16xf32>
      %add3A_589 = arith.addf %add3A_577, %mul3A_588 : vector<16xf32>
      %get3A_590 = arith.index_cast %add3A_200 : i32 to index
      %get3A_591 = arith.constant 0 : index
      %get3A_592 = tpu.vector_load %arg12[%get3A_590, %get3A_591] {strides = array<i32>} : memref<128x128xf32, #tpu.memory_space<vmem>>, vector<16xf32>,
      %get3A_593 = arith.index_cast %add3A_200 : i32 to index
      %get3A_594 = arith.constant 0 : index
      %get3A_595 = tpu.vector_load %arg14[%get3A_593, %get3A_594] {strides = array<i32>} : memref<128x128xf32, #tpu.memory_space<vmem>>, vector<16xf32>,
      %mul3A_596 = arith.mulf %get3A_592, %get3A_595 : vector<16xf32>
      %get3A_597 = arith.index_cast %add3A_200 : i32 to index
      %get3A_598 = arith.constant 0 : index
      %get3A_599 = tpu.vector_load %arg16[%get3A_597, %get3A_598] {strides = array<i32>} : memref<128x128xf32, #tpu.memory_space<vmem>>, vector<16xf32>,
      %mul3A_600 = arith.mulf %mul3A_596, %get3A_599 : vector<16xf32>
      %get3A_601 = arith.index_cast %add3A_200 : i32 to index
      %get3A_602 = arith.constant 16 : index
      %get3A_603 = tpu.vector_load %arg12[%get3A_601, %get3A_602] {strides = array<i32>} : memref<128x128xf32, #tpu.memory_space<vmem>>, vector<16xf32>,
      %get3A_604 = arith.index_cast %add3A_200 : i32 to index
      %get3A_605 = arith.constant 16 : index
      %get3A_606 = tpu.vector_load %arg14[%get3A_604, %get3A_605] {strides = array<i32>} : memref<128x128xf32, #tpu.memory_space<vmem>>, vector<16xf32>,
      %mul3A_607 = arith.mulf %get3A_603, %get3A_606 : vector<16xf32>
      %get3A_608 = arith.index_cast %add3A_200 : i32 to index
      %get3A_609 = arith.constant 16 : index
      %get3A_610 = tpu.vector_load %arg16[%get3A_608, %get3A_609] {strides = array<i32>} : memref<128x128xf32, #tpu.memory_space<vmem>>, vector<16xf32>,
      %mul3A_611 = arith.mulf %mul3A_607, %get3A_610 : vector<16xf32>
      %add3A_612 = arith.addf %mul3A_600, %mul3A_611 : vector<16xf32>
      %get3A_613 = arith.index_cast %add3A_200 : i32 to index
      %get3A_614 = arith.constant 32 : index
      %get3A_615 = tpu.vector_load %arg12[%get3A_613, %get3A_614] {strides = array<i32>} : memref<128x128xf32, #tpu.memory_space<vmem>>, vector<16xf32>,
      %get3A_616 = arith.index_cast %add3A_200 : i32 to index
      %get3A_617 = arith.constant 32 : index
      %get3A_618 = tpu.vector_load %arg14[%get3A_616, %get3A_617] {strides = array<i32>} : memref<128x128xf32, #tpu.memory_space<vmem>>, vector<16xf32>,
      %mul3A_619 = arith.mulf %get3A_615, %get3A_618 : vector<16xf32>
      %get3A_620 = arith.index_cast %add3A_200 : i32 to index
      %get3A_621 = arith.constant 32 : index
      %get3A_622 = tpu.vector_load %arg16[%get3A_620, %get3A_621] {strides = array<i32>} : memref<128x128xf32, #tpu.memory_space<vmem>>, vector<16xf32>,
      %mul3A_623 = arith.mulf %mul3A_619, %get3A_622 : vector<16xf32>
      %add3A_624 = arith.addf %add3A_612, %mul3A_623 : vector<16xf32>
      %get3A_625 = arith.index_cast %add3A_200 : i32 to index
      %get3A_626 = arith.constant 48 : index
      %get3A_627 = tpu.vector_load %arg12[%get3A_625, %get3A_626] {strides = array<i32>} : memref<128x128xf32, #tpu.memory_space<vmem>>, vector<16xf32>,
      %get3A_628 = arith.index_cast %add3A_200 : i32 to index
      %get3A_629 = arith.constant 48 : index
      %get3A_630 = tpu.vector_load %arg14[%get3A_628, %get3A_629] {strides = array<i32>} : memref<128x128xf32, #tpu.memory_space<vmem>>, vector<16xf32>,
      %mul3A_631 = arith.mulf %get3A_627, %get3A_630 : vector<16xf32>
      %get3A_632 = arith.index_cast %add3A_200 : i32 to index
      %get3A_633 = arith.constant 48 : index
      %get3A_634 = tpu.vector_load %arg16[%get3A_632, %get3A_633] {strides = array<i32>} : memref<128x128xf32, #tpu.memory_space<vmem>>, vector<16xf32>,
      %mul3A_635 = arith.mulf %mul3A_631, %get3A_634 : vector<16xf32>
      %add3A_636 = arith.addf %add3A_624, %mul3A_635 : vector<16xf32>
      %get3A_637 = arith.index_cast %add3A_202 : i32 to index
      %get3A_638 = arith.constant 0 : index
      %get3A_639 = tpu.vector_load %arg12[%get3A_637, %get3A_638] {strides = array<i32>} : memref<128x128xf32, #tpu.memory_space<vmem>>, vector<16xf32>,
      %get3A_640 = arith.index_cast %add3A_202 : i32 to index
      %get3A_641 = arith.constant 0 : index
      %get3A_642 = tpu.vector_load %arg14[%get3A_640, %get3A_641] {strides = array<i32>} : memref<128x128xf32, #tpu.memory_space<vmem>>, vector<16xf32>,
      %mul3A_643 = arith.mulf %get3A_639, %get3A_642 : vector<16xf32>
      %get3A_644 = arith.index_cast %add3A_202 : i32 to index
      %get3A_645 = arith.constant 0 : index
      %get3A_646 = tpu.vector_load %arg16[%get3A_644, %get3A_645] {strides = array<i32>} : memref<128x128xf32, #tpu.memory_space<vmem>>, vector<16xf32>,
      %mul3A_647 = arith.mulf %mul3A_643, %get3A_646 : vector<16xf32>
      %get3A_648 = arith.index_cast %add3A_202 : i32 to index
      %get3A_649 = arith.constant 16 : index
      %get3A_650 = tpu.vector_load %arg12[%get3A_648, %get3A_649] {strides = array<i32>} : memref<128x128xf32, #tpu.memory_space<vmem>>, vector<16xf32>,
      %get3A_651 = arith.index_cast %add3A_202 : i32 to index
      %get3A_652 = arith.constant 16 : index
      %get3A_653 = tpu.vector_load %arg14[%get3A_651, %get3A_652] {strides = array<i32>} : memref<128x128xf32, #tpu.memory_space<vmem>>, vector<16xf32>,
      %mul3A_654 = arith.mulf %get3A_650, %get3A_653 : vector<16xf32>
      %get3A_655 = arith.index_cast %add3A_202 : i32 to index
      %get3A_656 = arith.constant 16 : index
      %get3A_657 = tpu.vector_load %arg16[%get3A_655, %get3A_656] {strides = array<i32>} : memref<128x128xf32, #tpu.memory_space<vmem>>, vector<16xf32>,
      %mul3A_658 = arith.mulf %mul3A_654, %get3A_657 : vector<16xf32>
      %add3A_659 = arith.addf %mul3A_647, %mul3A_658 : vector<16xf32>
      %get3A_660 = arith.index_cast %add3A_202 : i32 to index
      %get3A_661 = arith.constant 32 : index
      %get3A_662 = tpu.vector_load %arg12[%get3A_660, %get3A_661] {strides = array<i32>} : memref<128x128xf32, #tpu.memory_space<vmem>>, vector<16xf32>,
      %get3A_663 = arith.index_cast %add3A_202 : i32 to index
      %get3A_664 = arith.constant 32 : index
      %get3A_665 = tpu.vector_load %arg14[%get3A_663, %get3A_664] {strides = array<i32>} : memref<128x128xf32, #tpu.memory_space<vmem>>, vector<16xf32>,
      %mul3A_666 = arith.mulf %get3A_662, %get3A_665 : vector<16xf32>
      %get3A_667 = arith.index_cast %add3A_202 : i32 to index
      %get3A_668 = arith.constant 32 : index
      %get3A_669 = tpu.vector_load %arg16[%get3A_667, %get3A_668] {strides = array<i32>} : memref<128x128xf32, #tpu.memory_space<vmem>>, vector<16xf32>,
      %mul3A_670 = arith.mulf %mul3A_666, %get3A_669 : vector<16xf32>
      %add3A_671 = arith.addf %add3A_659, %mul3A_670 : vector<16xf32>
      %get3A_672 = arith.index_cast %add3A_202 : i32 to index
      %get3A_673 = arith.constant 48 : index
      %get3A_674 = tpu.vector_load %arg12[%get3A_672, %get3A_673] {strides = array<i32>} : memref<128x128xf32, #tpu.memory_space<vmem>>, vector<16xf32>,
      %get3A_675 = arith.index_cast %add3A_202 : i32 to index
      %get3A_676 = arith.constant 48 : index
      %get3A_677 = tpu.vector_load %arg14[%get3A_675, %get3A_676] {strides = array<i32>} : memref<128x128xf32, #tpu.memory_space<vmem>>, vector<16xf32>,
      %mul3A_678 = arith.mulf %get3A_674, %get3A_677 : vector<16xf32>
      %get3A_679 = arith.index_cast %add3A_202 : i32 to index
      %get3A_680 = arith.constant 48 : index
      %get3A_681 = tpu.vector_load %arg16[%get3A_679, %get3A_680] {strides = array<i32>} : memref<128x128xf32, #tpu.memory_space<vmem>>, vector<16xf32>,
      %mul3A_682 = arith.mulf %mul3A_678, %get3A_681 : vector<16xf32>
      %add3A_683 = arith.addf %add3A_671, %mul3A_682 : vector<16xf32>
      %get3A_684 = arith.index_cast %add3A_204 : i32 to index
      %get3A_685 = arith.constant 0 : index
      %get3A_686 = tpu.vector_load %arg12[%get3A_684, %get3A_685] {strides = array<i32>} : memref<128x128xf32, #tpu.memory_space<vmem>>, vector<16xf32>,
      %get3A_687 = arith.index_cast %add3A_204 : i32 to index
      %get3A_688 = arith.constant 0 : index
      %get3A_689 = tpu.vector_load %arg14[%get3A_687, %get3A_688] {strides = array<i32>} : memref<128x128xf32, #tpu.memory_space<vmem>>, vector<16xf32>,
      %mul3A_690 = arith.mulf %get3A_686, %get3A_689 : vector<16xf32>
      %get3A_691 = arith.index_cast %add3A_204 : i32 to index
      %get3A_692 = arith.constant 0 : index
      %get3A_693 = tpu.vector_load %arg16[%get3A_691, %get3A_692] {strides = array<i32>} : memref<128x128xf32, #tpu.memory_space<vmem>>, vector<16xf32>,
      %mul3A_694 = arith.mulf %mul3A_690, %get3A_693 : vector<16xf32>
      %get3A_695 = arith.index_cast %add3A_204 : i32 to index
      %get3A_696 = arith.constant 16 : index
      %get3A_697 = tpu.vector_load %arg12[%get3A_695, %get3A_696] {strides = array<i32>} : memref<128x128xf32, #tpu.memory_space<vmem>>, vector<16xf32>,
      %get3A_698 = arith.index_cast %add3A_204 : i32 to index
      %get3A_699 = arith.constant 16 : index
      %get3A_700 = tpu.vector_load %arg14[%get3A_698, %get3A_699] {strides = array<i32>} : memref<128x128xf32, #tpu.memory_space<vmem>>, vector<16xf32>,
      %mul3A_701 = arith.mulf %get3A_697, %get3A_700 : vector<16xf32>
      %get3A_702 = arith.index_cast %add3A_204 : i32 to index
      %get3A_703 = arith.constant 16 : index
      %get3A_704 = tpu.vector_load %arg16[%get3A_702, %get3A_703] {strides = array<i32>} : memref<128x128xf32, #tpu.memory_space<vmem>>, vector<16xf32>,
      %mul3A_705 = arith.mulf %mul3A_701, %get3A_704 : vector<16xf32>
      %add3A_706 = arith.addf %mul3A_694, %mul3A_705 : vector<16xf32>
      %get3A_707 = arith.index_cast %add3A_204 : i32 to index
      %get3A_708 = arith.constant 32 : index
      %get3A_709 = tpu.vector_load %arg12[%get3A_707, %get3A_708] {strides = array<i32>} : memref<128x128xf32, #tpu.memory_space<vmem>>, vector<16xf32>,
      %get3A_710 = arith.index_cast %add3A_204 : i32 to index
      %get3A_711 = arith.constant 32 : index
      %get3A_712 = tpu.vector_load %arg14[%get3A_710, %get3A_711] {strides = array<i32>} : memref<128x128xf32, #tpu.memory_space<vmem>>, vector<16xf32>,
      %mul3A_713 = arith.mulf %get3A_709, %get3A_712 : vector<16xf32>
      %get3A_714 = arith.index_cast %add3A_204 : i32 to index
      %get3A_715 = arith.constant 32 : index
      %get3A_716 = tpu.vector_load %arg16[%get3A_714, %get3A_715] {strides = array<i32>} : memref<128x128xf32, #tpu.memory_space<vmem>>, vector<16xf32>,
      %mul3A_717 = arith.mulf %mul3A_713, %get3A_716 : vector<16xf32>
      %add3A_718 = arith.addf %add3A_706, %mul3A_717 : vector<16xf32>
      %get3A_719 = arith.index_cast %add3A_204 : i32 to index
      %get3A_720 = arith.constant 48 : index
      %get3A_721 = tpu.vector_load %arg12[%get3A_719, %get3A_720] {strides = array<i32>} : memref<128x128xf32, #tpu.memory_space<vmem>>, vector<16xf32>,
      %get3A_722 = arith.index_cast %add3A_204 : i32 to index
      %get3A_723 = arith.constant 48 : index
      %get3A_724 = tpu.vector_load %arg14[%get3A_722, %get3A_723] {strides = array<i32>} : memref<128x128xf32, #tpu.memory_space<vmem>>, vector<16xf32>,
      %mul3A_725 = arith.mulf %get3A_721, %get3A_724 : vector<16xf32>
      %get3A_726 = arith.index_cast %add3A_204 : i32 to index
      %get3A_727 = arith.constant 48 : index
      %get3A_728 = tpu.vector_load %arg16[%get3A_726, %get3A_727] {strides = array<i32>} : memref<128x128xf32, #tpu.memory_space<vmem>>, vector<16xf32>,
      %mul3A_729 = arith.mulf %mul3A_725, %get3A_728 : vector<16xf32>
      %add3A_730 = arith.addf %add3A_718, %mul3A_729 : vector<16xf32>
      %get3A_731 = arith.index_cast %add3A_206 : i32 to index
      %get3A_732 = arith.constant 0 : index
      %get3A_733 = tpu.vector_load %arg12[%get3A_731, %get3A_732] {strides = array<i32>} : memref<128x128xf32, #tpu.memory_space<vmem>>, vector<16xf32>,
      %get3A_734 = arith.index_cast %add3A_206 : i32 to index
      %get3A_735 = arith.constant 0 : index
      %get3A_736 = tpu.vector_load %arg14[%get3A_734, %get3A_735] {strides = array<i32>} : memref<128x128xf32, #tpu.memory_space<vmem>>, vector<16xf32>,
      %mul3A_737 = arith.mulf %get3A_733, %get3A_736 : vector<16xf32>
      %get3A_738 = arith.index_cast %add3A_206 : i32 to index
      %get3A_739 = arith.constant 0 : index
      %get3A_740 = tpu.vector_load %arg16[%get3A_738, %get3A_739] {strides = array<i32>} : memref<128x128xf32, #tpu.memory_space<vmem>>, vector<16xf32>,
      %mul3A_741 = arith.mulf %mul3A_737, %get3A_740 : vector<16xf32>
      %get3A_742 = arith.index_cast %add3A_206 : i32 to index
      %get3A_743 = arith.constant 16 : index
      %get3A_744 = tpu.vector_load %arg12[%get3A_742, %get3A_743] {strides = array<i32>} : memref<128x128xf32, #tpu.memory_space<vmem>>, vector<16xf32>,
      %get3A_745 = arith.index_cast %add3A_206 : i32 to index
      %get3A_746 = arith.constant 16 : index
      %get3A_747 = tpu.vector_load %arg14[%get3A_745, %get3A_746] {strides = array<i32>} : memref<128x128xf32, #tpu.memory_space<vmem>>, vector<16xf32>,
      %mul3A_748 = arith.mulf %get3A_744, %get3A_747 : vector<16xf32>
      %get3A_749 = arith.index_cast %add3A_206 : i32 to index
      %get3A_750 = arith.constant 16 : index
      %get3A_751 = tpu.vector_load %arg16[%get3A_749, %get3A_750] {strides = array<i32>} : memref<128x128xf32, #tpu.memory_space<vmem>>, vector<16xf32>,
      %mul3A_752 = arith.mulf %mul3A_748, %get3A_751 : vector<16xf32>
      %add3A_753 = arith.addf %mul3A_741, %mul3A_752 : vector<16xf32>
      %get3A_754 = arith.index_cast %add3A_206 : i32 to index
      %get3A_755 = arith.constant 32 : index
      %get3A_756 = tpu.vector_load %arg12[%get3A_754, %get3A_755] {strides = array<i32>} : memref<128x128xf32, #tpu.memory_space<vmem>>, vector<16xf32>,
      %get3A_757 = arith.index_cast %add3A_206 : i32 to index
      %get3A_758 = arith.constant 32 : index
      %get3A_759 = tpu.vector_load %arg14[%get3A_757, %get3A_758] {strides = array<i32>} : memref<128x128xf32, #tpu.memory_space<vmem>>, vector<16xf32>,
      %mul3A_760 = arith.mulf %get3A_756, %get3A_759 : vector<16xf32>
      %get3A_761 = arith.index_cast %add3A_206 : i32 to index
      %get3A_762 = arith.constant 32 : index
      %get3A_763 = tpu.vector_load %arg16[%get3A_761, %get3A_762] {strides = array<i32>} : memref<128x128xf32, #tpu.memory_space<vmem>>, vector<16xf32>,
      %mul3A_764 = arith.mulf %mul3A_760, %get3A_763 : vector<16xf32>
      %add3A_765 = arith.addf %add3A_753, %mul3A_764 : vector<16xf32>
      %get3A_766 = arith.index_cast %add3A_206 : i32 to index
      %get3A_767 = arith.constant 48 : index
      %get3A_768 = tpu.vector_load %arg12[%get3A_766, %get3A_767] {strides = array<i32>} : memref<128x128xf32, #tpu.memory_space<vmem>>, vector<16xf32>,
      %get3A_769 = arith.index_cast %add3A_206 : i32 to index
      %get3A_770 = arith.constant 48 : index
      %get3A_771 = tpu.vector_load %arg14[%get3A_769, %get3A_770] {strides = array<i32>} : memref<128x128xf32, #tpu.memory_space<vmem>>, vector<16xf32>,
      %mul3A_772 = arith.mulf %get3A_768, %get3A_771 : vector<16xf32>
      %get3A_773 = arith.index_cast %add3A_206 : i32 to index
      %get3A_774 = arith.constant 48 : index
      %get3A_775 = tpu.vector_load %arg16[%get3A_773, %get3A_774] {strides = array<i32>} : memref<128x128xf32, #tpu.memory_space<vmem>>, vector<16xf32>,
      %mul3A_776 = arith.mulf %mul3A_772, %get3A_775 : vector<16xf32>
      %add3A_777 = arith.addf %add3A_765, %mul3A_776 : vector<16xf32>
      %get3A_778 = arith.index_cast %add3A_208 : i32 to index
      %get3A_779 = arith.constant 0 : index
      %get3A_780 = tpu.vector_load %arg12[%get3A_778, %get3A_779] {strides = array<i32>} : memref<128x128xf32, #tpu.memory_space<vmem>>, vector<16xf32>,
      %get3A_781 = arith.index_cast %add3A_208 : i32 to index
      %get3A_782 = arith.constant 0 : index
      %get3A_783 = tpu.vector_load %arg14[%get3A_781, %get3A_782] {strides = array<i32>} : memref<128x128xf32, #tpu.memory_space<vmem>>, vector<16xf32>,
      %mul3A_784 = arith.mulf %get3A_780, %get3A_783 : vector<16xf32>
      %get3A_785 = arith.index_cast %add3A_208 : i32 to index
      %get3A_786 = arith.constant 0 : index
      %get3A_787 = tpu.vector_load %arg16[%get3A_785, %get3A_786] {strides = array<i32>} : memref<128x128xf32, #tpu.memory_space<vmem>>, vector<16xf32>,
      %mul3A_788 = arith.mulf %mul3A_784, %get3A_787 : vector<16xf32>
      %get3A_789 = arith.index_cast %add3A_208 : i32 to index
      %get3A_790 = arith.constant 16 : index
      %get3A_791 = tpu.vector_load %arg12[%get3A_789, %get3A_790] {strides = array<i32>} : memref<128x128xf32, #tpu.memory_space<vmem>>, vector<16xf32>,
      %get3A_792 = arith.index_cast %add3A_208 : i32 to index
      %get3A_793 = arith.constant 16 : index
      %get3A_794 = tpu.vector_load %arg14[%get3A_792, %get3A_793] {strides = array<i32>} : memref<128x128xf32, #tpu.memory_space<vmem>>, vector<16xf32>,
      %mul3A_795 = arith.mulf %get3A_791, %get3A_794 : vector<16xf32>
      %get3A_796 = arith.index_cast %add3A_208 : i32 to index
      %get3A_797 = arith.constant 16 : index
      %get3A_798 = tpu.vector_load %arg16[%get3A_796, %get3A_797] {strides = array<i32>} : memref<128x128xf32, #tpu.memory_space<vmem>>, vector<16xf32>,
      %mul3A_799 = arith.mulf %mul3A_795, %get3A_798 : vector<16xf32>
      %add3A_800 = arith.addf %mul3A_788, %mul3A_799 : vector<16xf32>
      %get3A_801 = arith.index_cast %add3A_208 : i32 to index
      %get3A_802 = arith.constant 32 : index
      %get3A_803 = tpu.vector_load %arg12[%get3A_801, %get3A_802] {strides = array<i32>} : memref<128x128xf32, #tpu.memory_space<vmem>>, vector<16xf32>,
      %get3A_804 = arith.index_cast %add3A_208 : i32 to index
      %get3A_805 = arith.constant 32 : index
      %get3A_806 = tpu.vector_load %arg14[%get3A_804, %get3A_805] {strides = array<i32>} : memref<128x128xf32, #tpu.memory_space<vmem>>, vector<16xf32>,
      %mul3A_807 = arith.mulf %get3A_803, %get3A_806 : vector<16xf32>
      %get3A_808 = arith.index_cast %add3A_208 : i32 to index
      %get3A_809 = arith.constant 32 : index
      %get3A_810 = tpu.vector_load %arg16[%get3A_808, %get3A_809] {strides = array<i32>} : memref<128x128xf32, #tpu.memory_space<vmem>>, vector<16xf32>,
      %mul3A_811 = arith.mulf %mul3A_807, %get3A_810 : vector<16xf32>
      %add3A_812 = arith.addf %add3A_800, %mul3A_811 : vector<16xf32>
      %get3A_813 = arith.index_cast %add3A_208 : i32 to index
      %get3A_814 = arith.constant 48 : index
      %get3A_815 = tpu.vector_load %arg12[%get3A_813, %get3A_814] {strides = array<i32>} : memref<128x128xf32, #tpu.memory_space<vmem>>, vector<16xf32>,
      %get3A_816 = arith.index_cast %add3A_208 : i32 to index
      %get3A_817 = arith.constant 48 : index
      %get3A_818 = tpu.vector_load %arg14[%get3A_816, %get3A_817] {strides = array<i32>} : memref<128x128xf32, #tpu.memory_space<vmem>>, vector<16xf32>,
      %mul3A_819 = arith.mulf %get3A_815, %get3A_818 : vector<16xf32>
      %get3A_820 = arith.index_cast %add3A_208 : i32 to index
      %get3A_821 = arith.constant 48 : index
      %get3A_822 = tpu.vector_load %arg16[%get3A_820, %get3A_821] {strides = array<i32>} : memref<128x128xf32, #tpu.memory_space<vmem>>, vector<16xf32>,
      %mul3A_823 = arith.mulf %mul3A_819, %get3A_822 : vector<16xf32>
      %add3A_824 = arith.addf %add3A_812, %mul3A_823 : vector<16xf32>
      %get3A_825 = arith.index_cast %add3A_210 : i32 to index
      %get3A_826 = arith.constant 0 : index
      %get3A_827 = tpu.vector_load %arg12[%get3A_825, %get3A_826] {strides = array<i32>} : memref<128x128xf32, #tpu.memory_space<vmem>>, vector<16xf32>,
      %get3A_828 = arith.index_cast %add3A_210 : i32 to index
      %get3A_829 = arith.constant 0 : index
      %get3A_830 = tpu.vector_load %arg14[%get3A_828, %get3A_829] {strides = array<i32>} : memref<128x128xf32, #tpu.memory_space<vmem>>, vector<16xf32>,
      %mul3A_831 = arith.mulf %get3A_827, %get3A_830 : vector<16xf32>
      %get3A_832 = arith.index_cast %add3A_210 : i32 to index
      %get3A_833 = arith.constant 0 : index
      %get3A_834 = tpu.vector_load %arg16[%get3A_832, %get3A_833] {strides = array<i32>} : memref<128x128xf32, #tpu.memory_space<vmem>>, vector<16xf32>,
      %mul3A_835 = arith.mulf %mul3A_831, %get3A_834 : vector<16xf32>
      %get3A_836 = arith.index_cast %add3A_210 : i32 to index
      %get3A_837 = arith.constant 16 : index
      %get3A_838 = tpu.vector_load %arg12[%get3A_836, %get3A_837] {strides = array<i32>} : memref<128x128xf32, #tpu.memory_space<vmem>>, vector<16xf32>,
      %get3A_839 = arith.index_cast %add3A_210 : i32 to index
      %get3A_840 = arith.constant 16 : index
      %get3A_841 = tpu.vector_load %arg14[%get3A_839, %get3A_840] {strides = array<i32>} : memref<128x128xf32, #tpu.memory_space<vmem>>, vector<16xf32>,
      %mul3A_842 = arith.mulf %get3A_838, %get3A_841 : vector<16xf32>
      %get3A_843 = arith.index_cast %add3A_210 : i32 to index
      %get3A_844 = arith.constant 16 : index
      %get3A_845 = tpu.vector_load %arg16[%get3A_843, %get3A_844] {strides = array<i32>} : memref<128x128xf32, #tpu.memory_space<vmem>>, vector<16xf32>,
      %mul3A_846 = arith.mulf %mul3A_842, %get3A_845 : vector<16xf32>
      %add3A_847 = arith.addf %mul3A_835, %mul3A_846 : vector<16xf32>
      %get3A_848 = arith.index_cast %add3A_210 : i32 to index
      %get3A_849 = arith.constant 32 : index
      %get3A_850 = tpu.vector_load %arg12[%get3A_848, %get3A_849] {strides = array<i32>} : memref<128x128xf32, #tpu.memory_space<vmem>>, vector<16xf32>,
      %get3A_851 = arith.index_cast %add3A_210 : i32 to index
      %get3A_852 = arith.constant 32 : index
      %get3A_853 = tpu.vector_load %arg14[%get3A_851, %get3A_852] {strides = array<i32>} : memref<128x128xf32, #tpu.memory_space<vmem>>, vector<16xf32>,
      %mul3A_854 = arith.mulf %get3A_850, %get3A_853 : vector<16xf32>
      %get3A_855 = arith.index_cast %add3A_210 : i32 to index
      %get3A_856 = arith.constant 32 : index
      %get3A_857 = tpu.vector_load %arg16[%get3A_855, %get3A_856] {strides = array<i32>} : memref<128x128xf32, #tpu.memory_space<vmem>>, vector<16xf32>,
      %mul3A_858 = arith.mulf %mul3A_854, %get3A_857 : vector<16xf32>
      %add3A_859 = arith.addf %add3A_847, %mul3A_858 : vector<16xf32>
      %get3A_860 = arith.index_cast %add3A_210 : i32 to index
      %get3A_861 = arith.constant 48 : index
      %get3A_862 = tpu.vector_load %arg12[%get3A_860, %get3A_861] {strides = array<i32>} : memref<128x128xf32, #tpu.memory_space<vmem>>, vector<16xf32>,
      %get3A_863 = arith.index_cast %add3A_210 : i32 to index
      %get3A_864 = arith.constant 48 : index
      %get3A_865 = tpu.vector_load %arg14[%get3A_863, %get3A_864] {strides = array<i32>} : memref<128x128xf32, #tpu.memory_space<vmem>>, vector<16xf32>,
      %mul3A_866 = arith.mulf %get3A_862, %get3A_865 : vector<16xf32>
      %get3A_867 = arith.index_cast %add3A_210 : i32 to index
      %get3A_868 = arith.constant 48 : index
      %get3A_869 = tpu.vector_load %arg16[%get3A_867, %get3A_868] {strides = array<i32>} : memref<128x128xf32, #tpu.memory_space<vmem>>, vector<16xf32>,
      %mul3A_870 = arith.mulf %mul3A_866, %get3A_869 : vector<16xf32>
      %add3A_871 = arith.addf %add3A_859, %mul3A_870 : vector<16xf32>
      %get3A_872 = arith.index_cast %add3A_212 : i32 to index
      %get3A_873 = arith.constant 0 : index
      %get3A_874 = tpu.vector_load %arg12[%get3A_872, %get3A_873] {strides = array<i32>} : memref<128x128xf32, #tpu.memory_space<vmem>>, vector<16xf32>,
      %get3A_875 = arith.index_cast %add3A_212 : i32 to index
      %get3A_876 = arith.constant 0 : index
      %get3A_877 = tpu.vector_load %arg14[%get3A_875, %get3A_876] {strides = array<i32>} : memref<128x128xf32, #tpu.memory_space<vmem>>, vector<16xf32>,
      %mul3A_878 = arith.mulf %get3A_874, %get3A_877 : vector<16xf32>
      %get3A_879 = arith.index_cast %add3A_212 : i32 to index
      %get3A_880 = arith.constant 0 : index
      %get3A_881 = tpu.vector_load %arg16[%get3A_879, %get3A_880] {strides = array<i32>} : memref<128x128xf32, #tpu.memory_space<vmem>>, vector<16xf32>,
      %mul3A_882 = arith.mulf %mul3A_878, %get3A_881 : vector<16xf32>
      %get3A_883 = arith.index_cast %add3A_212 : i32 to index
      %get3A_884 = arith.constant 16 : index
      %get3A_885 = tpu.vector_load %arg12[%get3A_883, %get3A_884] {strides = array<i32>} : memref<128x128xf32, #tpu.memory_space<vmem>>, vector<16xf32>,
      %get3A_886 = arith.index_cast %add3A_212 : i32 to index
      %get3A_887 = arith.constant 16 : index
      %get3A_888 = tpu.vector_load %arg14[%get3A_886, %get3A_887] {strides = array<i32>} : memref<128x128xf32, #tpu.memory_space<vmem>>, vector<16xf32>,
      %mul3A_889 = arith.mulf %get3A_885, %get3A_888 : vector<16xf32>
      %get3A_890 = arith.index_cast %add3A_212 : i32 to index
      %get3A_891 = arith.constant 16 : index
      %get3A_892 = tpu.vector_load %arg16[%get3A_890, %get3A_891] {strides = array<i32>} : memref<128x128xf32, #tpu.memory_space<vmem>>, vector<16xf32>,
      %mul3A_893 = arith.mulf %mul3A_889, %get3A_892 : vector<16xf32>
      %add3A_894 = arith.addf %mul3A_882, %mul3A_893 : vector<16xf32>
      %get3A_895 = arith.index_cast %add3A_212 : i32 to index
      %get3A_896 = arith.constant 32 : index
      %get3A_897 = tpu.vector_load %arg12[%get3A_895, %get3A_896] {strides = array<i32>} : memref<128x128xf32, #tpu.memory_space<vmem>>, vector<16xf32>,
      %get3A_898 = arith.index_cast %add3A_212 : i32 to index
      %get3A_899 = arith.constant 32 : index
      %get3A_900 = tpu.vector_load %arg14[%get3A_898, %get3A_899] {strides = array<i32>} : memref<128x128xf32, #tpu.memory_space<vmem>>, vector<16xf32>,
      %mul3A_901 = arith.mulf %get3A_897, %get3A_900 : vector<16xf32>
      %get3A_902 = arith.index_cast %add3A_212 : i32 to index
      %get3A_903 = arith.constant 32 : index
      %get3A_904 = tpu.vector_load %arg16[%get3A_902, %get3A_903] {strides = array<i32>} : memref<128x128xf32, #tpu.memory_space<vmem>>, vector<16xf32>,
      %mul3A_905 = arith.mulf %mul3A_901, %get3A_904 : vector<16xf32>
      %add3A_906 = arith.addf %add3A_894, %mul3A_905 : vector<16xf32>
      %get3A_907 = arith.index_cast %add3A_212 : i32 to index
      %get3A_908 = arith.constant 48 : index
      %get3A_909 = tpu.vector_load %arg12[%get3A_907, %get3A_908] {strides = array<i32>} : memref<128x128xf32, #tpu.memory_space<vmem>>, vector<16xf32>,
      %get3A_910 = arith.index_cast %add3A_212 : i32 to index
      %get3A_911 = arith.constant 48 : index
      %get3A_912 = tpu.vector_load %arg14[%get3A_910, %get3A_911] {strides = array<i32>} : memref<128x128xf32, #tpu.memory_space<vmem>>, vector<16xf32>,
      %mul3A_913 = arith.mulf %get3A_909, %get3A_912 : vector<16xf32>
      %get3A_914 = arith.index_cast %add3A_212 : i32 to index
      %get3A_915 = arith.constant 48 : index
      %get3A_916 = tpu.vector_load %arg16[%get3A_914, %get3A_915] {strides = array<i32>} : memref<128x128xf32, #tpu.memory_space<vmem>>, vector<16xf32>,
      %mul3A_917 = arith.mulf %mul3A_913, %get3A_916 : vector<16xf32>
      %add3A_918 = arith.addf %add3A_906, %mul3A_917 : vector<16xf32>
      %get3A_919 = arith.index_cast %add3A_214 : i32 to index
      %get3A_920 = arith.constant 0 : index
      %get3A_921 = tpu.vector_load %arg12[%get3A_919, %get3A_920] {strides = array<i32>} : memref<128x128xf32, #tpu.memory_space<vmem>>, vector<16xf32>,
      %get3A_922 = arith.index_cast %add3A_214 : i32 to index
      %get3A_923 = arith.constant 0 : index
      %get3A_924 = tpu.vector_load %arg14[%get3A_922, %get3A_923] {strides = array<i32>} : memref<128x128xf32, #tpu.memory_space<vmem>>, vector<16xf32>,
      %mul3A_925 = arith.mulf %get3A_921, %get3A_924 : vector<16xf32>
      %get3A_926 = arith.index_cast %add3A_214 : i32 to index
      %get3A_927 = arith.constant 0 : index
      %get3A_928 = tpu.vector_load %arg16[%get3A_926, %get3A_927] {strides = array<i32>} : memref<128x128xf32, #tpu.memory_space<vmem>>, vector<16xf32>,
      %mul3A_929 = arith.mulf %mul3A_925, %get3A_928 : vector<16xf32>
      %get3A_930 = arith.index_cast %add3A_214 : i32 to index
      %get3A_931 = arith.constant 16 : index
      %get3A_932 = tpu.vector_load %arg12[%get3A_930, %get3A_931] {strides = array<i32>} : memref<128x128xf32, #tpu.memory_space<vmem>>, vector<16xf32>,
      %get3A_933 = arith.index_cast %add3A_214 : i32 to index
      %get3A_934 = arith.constant 16 : index
      %get3A_935 = tpu.vector_load %arg14[%get3A_933, %get3A_934] {strides = array<i32>} : memref<128x128xf32, #tpu.memory_space<vmem>>, vector<16xf32>,
      %mul3A_936 = arith.mulf %get3A_932, %get3A_935 : vector<16xf32>
      %get3A_937 = arith.index_cast %add3A_214 : i32 to index
      %get3A_938 = arith.constant 16 : index
      %get3A_939 = tpu.vector_load %arg16[%get3A_937, %get3A_938] {strides = array<i32>} : memref<128x128xf32, #tpu.memory_space<vmem>>, vector<16xf32>,
      %mul3A_940 = arith.mulf %mul3A_936, %get3A_939 : vector<16xf32>
      %add3A_941 = arith.addf %mul3A_929, %mul3A_940 : vector<16xf32>
      %get3A_942 = arith.index_cast %add3A_214 : i32 to index
      %get3A_943 = arith.constant 32 : index
      %get3A_944 = tpu.vector_load %arg12[%get3A_942, %get3A_943] {strides = array<i32>} : memref<128x128xf32, #tpu.memory_space<vmem>>, vector<16xf32>,
      %get3A_945 = arith.index_cast %add3A_214 : i32 to index
      %get3A_946 = arith.constant 32 : index
      %get3A_947 = tpu.vector_load %arg14[%get3A_945, %get3A_946] {strides = array<i32>} : memref<128x128xf32, #tpu.memory_space<vmem>>, vector<16xf32>,
      %mul3A_948 = arith.mulf %get3A_944, %get3A_947 : vector<16xf32>
      %get3A_949 = arith.index_cast %add3A_214 : i32 to index
      %get3A_950 = arith.constant 32 : index
      %get3A_951 = tpu.vector_load %arg16[%get3A_949, %get3A_950] {strides = array<i32>} : memref<128x128xf32, #tpu.memory_space<vmem>>, vector<16xf32>,
      %mul3A_952 = arith.mulf %mul3A_948, %get3A_951 : vector<16xf32>
      %add3A_953 = arith.addf %add3A_941, %mul3A_952 : vector<16xf32>
      %get3A_954 = arith.index_cast %add3A_214 : i32 to index
      %get3A_955 = arith.constant 48 : index
      %get3A_956 = tpu.vector_load %arg12[%get3A_954, %get3A_955] {strides = array<i32>} : memref<128x128xf32, #tpu.memory_space<vmem>>, vector<16xf32>,
      %get3A_957 = arith.index_cast %add3A_214 : i32 to index
      %get3A_958 = arith.constant 48 : index
      %get3A_959 = tpu.vector_load %arg14[%get3A_957, %get3A_958] {strides = array<i32>} : memref<128x128xf32, #tpu.memory_space<vmem>>, vector<16xf32>,
      %mul3A_960 = arith.mulf %get3A_956, %get3A_959 : vector<16xf32>
      %get3A_961 = arith.index_cast %add3A_214 : i32 to index
      %get3A_962 = arith.constant 48 : index
      %get3A_963 = tpu.vector_load %arg16[%get3A_961, %get3A_962] {strides = array<i32>} : memref<128x128xf32, #tpu.memory_space<vmem>>, vector<16xf32>,
      %mul3A_964 = arith.mulf %mul3A_960, %get3A_963 : vector<16xf32>
      %add3A_965 = arith.addf %add3A_953, %mul3A_964 : vector<16xf32>
      %broadcast_in_dim3A_966 = arith.constant true
      %broadcast_in_dim3A_967 = vector.broadcast %broadcast_in_dim3A_966 : i1 to vector<16xi1>
      %masked_cumsum3A = tpu.scan <sum>, %add3A_260 masked %broadcast_in_dim3A_967 : vector<16xf32>, vector<16xi1> -> vector<16xf32>
      %broadcast_in_dim3A_968 = arith.constant true
      %broadcast_in_dim3A_969 = vector.broadcast %broadcast_in_dim3A_968 : i1 to vector<16xi1>
      %masked_cumsum3A_970 = tpu.scan <sum>, %add3A_307 masked %broadcast_in_dim3A_969 : vector<16xf32>, vector<16xi1> -> vector<16xf32>
      %broadcast_in_dim3A_971 = arith.constant true
      %broadcast_in_dim3A_972 = vector.broadcast %broadcast_in_dim3A_971 : i1 to vector<16xi1>
      %masked_cumsum3A_973 = tpu.scan <sum>, %add3A_354 masked %broadcast_in_dim3A_972 : vector<16xf32>, vector<16xi1> -> vector<16xf32>
      %broadcast_in_dim3A_974 = arith.constant true
      %broadcast_in_dim3A_975 = vector.broadcast %broadcast_in_dim3A_974 : i1 to vector<16xi1>
      %masked_cumsum3A_976 = tpu.scan <sum>, %add3A_401 masked %broadcast_in_dim3A_975 : vector<16xf32>, vector<16xi1> -> vector<16xf32>
      %broadcast_in_dim3A_977 = arith.constant true
      %broadcast_in_dim3A_978 = vector.broadcast %broadcast_in_dim3A_977 : i1 to vector<16xi1>
      %masked_cumsum3A_979 = tpu.scan <sum>, %add3A_448 masked %broadcast_in_dim3A_978 : vector<16xf32>, vector<16xi1> -> vector<16xf32>
      %broadcast_in_dim3A_980 = arith.constant true
      %broadcast_in_dim3A_981 = vector.broadcast %broadcast_in_dim3A_980 : i1 to vector<16xi1>
      %masked_cumsum3A_982 = tpu.scan <sum>, %add3A_495 masked %broadcast_in_dim3A_981 : vector<16xf32>, vector<16xi1> -> vector<16xf32>
      %broadcast_in_dim3A_983 = arith.constant true
      %broadcast_in_dim3A_984 = vector.broadcast %broadcast_in_dim3A_983 : i1 to vector<16xi1>
      %masked_cumsum3A_985 = tpu.scan <sum>, %add3A_542 masked %broadcast_in_dim3A_984 : vector<16xf32>, vector<16xi1> -> vector<16xf32>
      %broadcast_in_dim3A_986 = arith.constant true
      %broadcast_in_dim3A_987 = vector.broadcast %broadcast_in_dim3A_986 : i1 to vector<16xi1>
      %masked_cumsum3A_988 = tpu.scan <sum>, %add3A_589 masked %broadcast_in_dim3A_987 : vector<16xf32>, vector<16xi1> -> vector<16xf32>
      %broadcast_in_dim3A_989 = arith.constant true
      %broadcast_in_dim3A_990 = vector.broadcast %broadcast_in_dim3A_989 : i1 to vector<16xi1>
      %masked_cumsum3A_991 = tpu.scan <sum>, %add3A_636 masked %broadcast_in_dim3A_990 : vector<16xf32>, vector<16xi1> -> vector<16xf32>
      %broadcast_in_dim3A_992 = arith.constant true
      %broadcast_in_dim3A_993 = vector.broadcast %broadcast_in_dim3A_992 : i1 to vector<16xi1>
      %masked_cumsum3A_994 = tpu.scan <sum>, %add3A_683 masked %broadcast_in_dim3A_993 : vector<16xf32>, vector<16xi1> -> vector<16xf32>
      %broadcast_in_dim3A_995 = arith.constant true
      %broadcast_in_dim3A_996 = vector.broadcast %broadcast_in_dim3A_995 : i1 to vector<16xi1>
      %masked_cumsum3A_997 = tpu.scan <sum>, %add3A_730 masked %broadcast_in_dim3A_996 : vector<16xf32>, vector<16xi1> -> vector<16xf32>
      %broadcast_in_dim3A_998 = arith.constant true
      %broadcast_in_dim3A_999 = vector.broadcast %broadcast_in_dim3A_998 : i1 to vector<16xi1>
      %masked_cumsum3A_1000 = tpu.scan <sum>, %add3A_777 masked %broadcast_in_dim3A_999 : vector<16xf32>, vector<16xi1> -> vector<16xf32>
      %broadcast_in_dim3A_1001 = arith.constant true
      %broadcast_in_dim3A_1002 = vector.broadcast %broadcast_in_dim3A_1001 : i1 to vector<16xi1>
      %masked_cumsum3A_1003 = tpu.scan <sum>, %add3A_824 masked %broadcast_in_dim3A_1002 : vector<16xf32>, vector<16xi1> -> vector<16xf32>
      %broadcast_in_dim3A_1004 = arith.constant true
      %broadcast_in_dim3A_1005 = vector.broadcast %broadcast_in_dim3A_1004 : i1 to vector<16xi1>
      %masked_cumsum3A_1006 = tpu.scan <sum>, %add3A_871 masked %broadcast_in_dim3A_1005 : vector<16xf32>, vector<16xi1> -> vector<16xf32>
      %broadcast_in_dim3A_1007 = arith.constant true
      %broadcast_in_dim3A_1008 = vector.broadcast %broadcast_in_dim3A_1007 : i1 to vector<16xi1>
      %masked_cumsum3A_1009 = tpu.scan <sum>, %add3A_918 masked %broadcast_in_dim3A_1008 : vector<16xf32>, vector<16xi1> -> vector<16xf32>
      %broadcast_in_dim3A_1010 = arith.constant true
      %broadcast_in_dim3A_1011 = vector.broadcast %broadcast_in_dim3A_1010 : i1 to vector<16xi1>
      %masked_cumsum3A_1012 = tpu.scan <sum>, %add3A_965 masked %broadcast_in_dim3A_1011 : vector<16xf32>, vector<16xi1> -> vector<16xf32>
      %add3A_1013 = arith.constant 128 : i32
      %add3A_1014 = arith.addi %add3A_1013, %add3A_184 : i32
      %add3A_1015 = vector.broadcast %add3A_1014 : i32 to vector<16xi32>
      %add3A_1016 = arith.addi %broadcast_in_dim3A_34, %add3A_1015 : vector<16xi32>
      tpu.vector_store_idx %arg17[%add3A_1016], %masked_cumsum3A masked %eq3A_33 : memref<512xf32, #tpu.memory_space<vmem>>[vector<16xi32>], vector<16xf32>, vector<16xi1>
      %add3A_1017 = arith.constant 128 : i32
      %add3A_1018 = arith.addi %add3A_1017, %add3A_186 : i32
      %add3A_1019 = vector.broadcast %add3A_1018 : i32 to vector<16xi32>
      %add3A_1020 = arith.addi %broadcast_in_dim3A_34, %add3A_1019 : vector<16xi32>
      tpu.vector_store_idx %arg17[%add3A_1020], %masked_cumsum3A_970 masked %eq3A_33 : memref<512xf32, #tpu.memory_space<vmem>>[vector<16xi32>], vector<16xf32>, vector<16xi1>
      %add3A_1021 = arith.constant 128 : i32
      %add3A_1022 = arith.addi %add3A_1021, %add3A_188 : i32
      %add3A_1023 = vector.broadcast %add3A_1022 : i32 to vector<16xi32>
      %add3A_1024 = arith.addi %broadcast_in_dim3A_34, %add3A_1023 : vector<16xi32>
      tpu.vector_store_idx %arg17[%add3A_1024], %masked_cumsum3A_973 masked %eq3A_33 : memref<512xf32, #tpu.memory_space<vmem>>[vector<16xi32>], vector<16xf32>, vector<16xi1>
      %add3A_1025 = arith.constant 128 : i32
      %add3A_1026 = arith.addi %add3A_1025, %add3A_190 : i32
      %add3A_1027 = vector.broadcast %add3A_1026 : i32 to vector<16xi32>
      %add3A_1028 = arith.addi %broadcast_in_dim3A_34, %add3A_1027 : vector<16xi32>
      tpu.vector_store_idx %arg17[%add3A_1028], %masked_cumsum3A_976 masked %eq3A_33 : memref<512xf32, #tpu.memory_space<vmem>>[vector<16xi32>], vector<16xf32>, vector<16xi1>
      %add3A_1029 = arith.constant 128 : i32
      %add3A_1030 = arith.addi %add3A_1029, %add3A_192 : i32
      %add3A_1031 = vector.broadcast %add3A_1030 : i32 to vector<16xi32>
      %add3A_1032 = arith.addi %broadcast_in_dim3A_34, %add3A_1031 : vector<16xi32>
      tpu.vector_store_idx %arg17[%add3A_1032], %masked_cumsum3A_979 masked %eq3A_33 : memref<512xf32, #tpu.memory_space<vmem>>[vector<16xi32>], vector<16xf32>, vector<16xi1>
      %add3A_1033 = arith.constant 128 : i32
      %add3A_1034 = arith.addi %add3A_1033, %add3A_194 : i32
      %add3A_1035 = vector.broadcast %add3A_1034 : i32 to vector<16xi32>
      %add3A_1036 = arith.addi %broadcast_in_dim3A_34, %add3A_1035 : vector<16xi32>
      tpu.vector_store_idx %arg17[%add3A_1036], %masked_cumsum3A_982 masked %eq3A_33 : memref<512xf32, #tpu.memory_space<vmem>>[vector<16xi32>], vector<16xf32>, vector<16xi1>
      %add3A_1037 = arith.constant 128 : i32
      %add3A_1038 = arith.addi %add3A_1037, %add3A_196 : i32
      %add3A_1039 = vector.broadcast %add3A_1038 : i32 to vector<16xi32>
      %add3A_1040 = arith.addi %broadcast_in_dim3A_34, %add3A_1039 : vector<16xi32>
      tpu.vector_store_idx %arg17[%add3A_1040], %masked_cumsum3A_985 masked %eq3A_33 : memref<512xf32, #tpu.memory_space<vmem>>[vector<16xi32>], vector<16xf32>, vector<16xi1>
      %add3A_1041 = arith.constant 128 : i32
      %add3A_1042 = arith.addi %add3A_1041, %add3A_198 : i32
      %add3A_1043 = vector.broadcast %add3A_1042 : i32 to vector<16xi32>
      %add3A_1044 = arith.addi %broadcast_in_dim3A_34, %add3A_1043 : vector<16xi32>
      tpu.vector_store_idx %arg17[%add3A_1044], %masked_cumsum3A_988 masked %eq3A_33 : memref<512xf32, #tpu.memory_space<vmem>>[vector<16xi32>], vector<16xf32>, vector<16xi1>
      %add3A_1045 = arith.constant 128 : i32
      %add3A_1046 = arith.addi %add3A_1045, %add3A_200 : i32
      %add3A_1047 = vector.broadcast %add3A_1046 : i32 to vector<16xi32>
      %add3A_1048 = arith.addi %broadcast_in_dim3A_34, %add3A_1047 : vector<16xi32>
      tpu.vector_store_idx %arg17[%add3A_1048], %masked_cumsum3A_991 masked %eq3A_33 : memref<512xf32, #tpu.memory_space<vmem>>[vector<16xi32>], vector<16xf32>, vector<16xi1>
      %add3A_1049 = arith.constant 128 : i32
      %add3A_1050 = arith.addi %add3A_1049, %add3A_202 : i32
      %add3A_1051 = vector.broadcast %add3A_1050 : i32 to vector<16xi32>
      %add3A_1052 = arith.addi %broadcast_in_dim3A_34, %add3A_1051 : vector<16xi32>
      tpu.vector_store_idx %arg17[%add3A_1052], %masked_cumsum3A_994 masked %eq3A_33 : memref<512xf32, #tpu.memory_space<vmem>>[vector<16xi32>], vector<16xf32>, vector<16xi1>
      %add3A_1053 = arith.constant 128 : i32
      %add3A_1054 = arith.addi %add3A_1053, %add3A_204 : i32
      %add3A_1055 = vector.broadcast %add3A_1054 : i32 to vector<16xi32>
      %add3A_1056 = arith.addi %broadcast_in_dim3A_34, %add3A_1055 : vector<16xi32>
      tpu.vector_store_idx %arg17[%add3A_1056], %masked_cumsum3A_997 masked %eq3A_33 : memref<512xf32, #tpu.memory_space<vmem>>[vector<16xi32>], vector<16xf32>, vector<16xi1>
      %add3A_1057 = arith.constant 128 : i32
      %add3A_1058 = arith.addi %add3A_1057, %add3A_206 : i32
      %add3A_1059 = vector.broadcast %add3A_1058 : i32 to vector<16xi32>
      %add3A_1060 = arith.addi %broadcast_in_dim3A_34, %add3A_1059 : vector<16xi32>
      tpu.vector_store_idx %arg17[%add3A_1060], %masked_cumsum3A_1000 masked %eq3A_33 : memref<512xf32, #tpu.memory_space<vmem>>[vector<16xi32>], vector<16xf32>, vector<16xi1>
      %add3A_1061 = arith.constant 128 : i32
      %add3A_1062 = arith.addi %add3A_1061, %add3A_208 : i32
      %add3A_1063 = vector.broadcast %add3A_1062 : i32 to vector<16xi32>
      %add3A_1064 = arith.addi %broadcast_in_dim3A_34, %add3A_1063 : vector<16xi32>
      tpu.vector_store_idx %arg17[%add3A_1064], %masked_cumsum3A_1003 masked %eq3A_33 : memref<512xf32, #tpu.memory_space<vmem>>[vector<16xi32>], vector<16xf32>, vector<16xi1>
      %add3A_1065 = arith.constant 128 : i32
      %add3A_1066 = arith.addi %add3A_1065, %add3A_210 : i32
      %add3A_1067 = vector.broadcast %add3A_1066 : i32 to vector<16xi32>
      %add3A_1068 = arith.addi %broadcast_in_dim3A_34, %add3A_1067 : vector<16xi32>
      tpu.vector_store_idx %arg17[%add3A_1068], %masked_cumsum3A_1006 masked %eq3A_33 : memref<512xf32, #tpu.memory_space<vmem>>[vector<16xi32>], vector<16xf32>, vector<16xi1>
      %add3A_1069 = arith.constant 128 : i32
      %add3A_1070 = arith.addi %add3A_1069, %add3A_212 : i32
      %add3A_1071 = vector.broadcast %add3A_1070 : i32 to vector<16xi32>
      %add3A_1072 = arith.addi %broadcast_in_dim3A_34, %add3A_1071 : vector<16xi32>
      tpu.vector_store_idx %arg17[%add3A_1072], %masked_cumsum3A_1009 masked %eq3A_33 : memref<512xf32, #tpu.memory_space<vmem>>[vector<16xi32>], vector<16xf32>, vector<16xi1>
      %add3A_1073 = arith.constant 128 : i32
      %add3A_1074 = arith.addi %add3A_1073, %add3A_214 : i32
      %add3A_1075 = vector.broadcast %add3A_1074 : i32 to vector<16xi32>
      %add3A_1076 = arith.addi %broadcast_in_dim3A_34, %add3A_1075 : vector<16xi32>
      tpu.vector_store_idx %arg17[%add3A_1076], %masked_cumsum3A_1012 masked %eq3A_33 : memref<512xf32, #tpu.memory_space<vmem>>[vector<16xi32>], vector<16xf32>, vector<16xi1>
      %scan3A_1077 = arith.constant 0 : i32
      scf.yield %scan3A_1077 : i32
    }
    %scan3A_98 = arith.constant 8 : i32
    %dma_start3A_99 = arith.constant 384 : i32
    %dma_start3A_100 = tpu.memref_slice %arg8[%dma_start3A_99] : memref<512xi32, #tpu.memory_space<vmem>> -> memref<128xi32, #tpu.memory_space<vmem>>
    %dma_start3A_101 = arith.constant 0 : i32
    %dma_start3A_102 = arith.constant 0 : i32
    %dma_start3A_103 = tpu.memref_slice %arg5[%dma_start3A_101, %dma_start3A_102] : memref<100000x128xf32, #tpu.memory_space<hbm>> -> memref<100000x128xf32, #tpu.memory_space<hbm>>
    tpu.enqueue_indirect_dma source(%dma_start3A_103 : memref<100000x128xf32, #tpu.memory_space<hbm>>) target(%arg12 : memref<128x128xf32, #tpu.memory_space<vmem>>) offsets(%dma_start3A_100 : memref<128xi32, #tpu.memory_space<vmem>>) semaphore(%arg21 : memref<!tpu.dma_semaphore, #tpu.memory_space<semaphore_mem>>)
    %dma_start3A_104 = arith.constant 384 : i32
    %dma_start3A_105 = tpu.memref_slice %arg9[%dma_start3A_104] : memref<512xi32, #tpu.memory_space<vmem>> -> memref<128xi32, #tpu.memory_space<vmem>>
    %dma_start3A_106 = arith.constant 0 : i32
    %dma_start3A_107 = arith.constant 0 : i32
    %dma_start3A_108 = tpu.memref_slice %arg6[%dma_start3A_106, %dma_start3A_107] : memref<1000x128xf32, #tpu.memory_space<hbm>> -> memref<1000x128xf32, #tpu.memory_space<hbm>>
    tpu.enqueue_indirect_dma source(%dma_start3A_108 : memref<1000x128xf32, #tpu.memory_space<hbm>>) target(%arg14 : memref<128x128xf32, #tpu.memory_space<vmem>>) offsets(%dma_start3A_105 : memref<128xi32, #tpu.memory_space<vmem>>) semaphore(%arg21 : memref<!tpu.dma_semaphore, #tpu.memory_space<semaphore_mem>>)
    %dma_start3A_109 = arith.constant 384 : i32
    %dma_start3A_110 = tpu.memref_slice %arg10[%dma_start3A_109] : memref<512xi32, #tpu.memory_space<vmem>> -> memref<128xi32, #tpu.memory_space<vmem>>
    %dma_start3A_111 = arith.constant 0 : i32
    %dma_start3A_112 = arith.constant 0 : i32
    %dma_start3A_113 = tpu.memref_slice %arg5[%dma_start3A_111, %dma_start3A_112] : memref<100000x128xf32, #tpu.memory_space<hbm>> -> memref<100000x128xf32, #tpu.memory_space<hbm>>
    tpu.enqueue_indirect_dma source(%dma_start3A_113 : memref<100000x128xf32, #tpu.memory_space<hbm>>) target(%arg16 : memref<128x128xf32, #tpu.memory_space<vmem>>) offsets(%dma_start3A_110 : memref<128xi32, #tpu.memory_space<vmem>>) semaphore(%arg21 : memref<!tpu.dma_semaphore, #tpu.memory_space<semaphore_mem>>)
    %scan3A_114 = arith.constant 0 : i32
    %scan3A_115 = arith.constant 0 : i32
    %scan3A_116 = arith.constant 8 : i32
    %scan3A_117 = arith.addi %scan3A_115, %scan3A_116 : i32
    %scan3A_118 = arith.constant 1 : i32
    %scan3A_119 = scf.for %scan3A_179 = %scan3A_115 to %scan3A_117 step %scan3A_118 iter_args(%scan3A_180 = %scan3A_114) -> (i32)  : i32 {
      %mul3A_181 = arith.constant 16 : i32
      %mul3A_182 = arith.muli %scan3A_179, %mul3A_181 : i32
      %add3A_183 = arith.constant 128 : i32
      %add3A_184 = arith.addi %add3A_183, %mul3A_182 : i32
      %get3A = arith.index_cast %add3A_184 : i32 to index
      %get3A_185 = tpu.vector_load %arg17[%get3A] {strides = array<i32>} : memref<512xf32, #tpu.memory_space<vmem>>, vector<16xf32>,
      %neg3A = arith.constant 0.000000e+00 : f32
      %neg3A_186 = vector.broadcast %neg3A : f32 to vector<16xf32>
      %neg3A_187 = arith.subf %neg3A_186, %get3A_185 : vector<16xf32>
      %exp3A = math.exp %neg3A_187 : vector<16xf32>
      %add3A_188 = arith.constant 1.000000e+00 : f32
      %add3A_189 = vector.broadcast %add3A_188 : f32 to vector<16xf32>
      %add3A_190 = arith.addf %add3A_189, %exp3A : vector<16xf32>
      %div3A = arith.constant 1.000000e+00 : f32
      %div3A_191 = vector.broadcast %div3A : f32 to vector<16xf32>
      %div3A_192 = arith.divf %div3A_191, %add3A_190 : vector<16xf32>
      %neg3A_193 = arith.constant 0.000000e+00 : f32
      %neg3A_194 = vector.broadcast %neg3A_193 : f32 to vector<16xf32>
      %neg3A_195 = arith.subf %neg3A_194, %div3A_192 : vector<16xf32>
      %exp3A_196 = math.exp %neg3A_195 : vector<16xf32>
      %add3A_197 = arith.constant 1.000000e+00 : f32
      %add3A_198 = vector.broadcast %add3A_197 : f32 to vector<16xf32>
      %add3A_199 = arith.addf %add3A_198, %exp3A_196 : vector<16xf32>
      %div3A_200 = arith.constant 1.000000e+00 : f32
      %div3A_201 = vector.broadcast %div3A_200 : f32 to vector<16xf32>
      %div3A_202 = arith.divf %div3A_201, %add3A_199 : vector<16xf32>
      %swap3A = arith.index_cast %add3A_184 : i32 to index
      %swap3A_203 = tpu.vector_load %arg17[%swap3A] {strides = array<i32>} : memref<512xf32, #tpu.memory_space<vmem>>, vector<16xf32>,
      tpu.vector_store %arg17[%swap3A], %div3A_202 {strides = array<i32>} : memref<512xf32, #tpu.memory_space<vmem>>, vector<16xf32>,
      %scan3A_204 = arith.constant 0 : i32
      scf.yield %scan3A_204 : i32
    }
    %scan3A_120 = arith.constant 8 : i32
    %dma_wait3A_121 = arith.constant 256 : i32
    %dma_wait3A_122 = tpu.memref_slice %arg8[%dma_wait3A_121] : memref<512xi32, #tpu.memory_space<vmem>> -> memref<128xi32, #tpu.memory_space<vmem>>
    %dma_wait3A_123 = arith.constant 0 : i32
    %dma_wait3A_124 = arith.constant 0 : i32
    %dma_wait3A_125 = tpu.memref_slice %arg5[%dma_wait3A_123, %dma_wait3A_124] : memref<100000x128xf32, #tpu.memory_space<hbm>> -> memref<100000x128xf32, #tpu.memory_space<hbm>>
    tpu.wait_indirect_dma semaphore(%arg20 : memref<!tpu.dma_semaphore, #tpu.memory_space<semaphore_mem>>) src(%dma_wait3A_125 : memref<100000x128xf32, #tpu.memory_space<hbm>>) dst(%arg11 : memref<128x128xf32, #tpu.memory_space<vmem>>)
    %dma_wait3A_126 = arith.constant 256 : i32
    %dma_wait3A_127 = tpu.memref_slice %arg9[%dma_wait3A_126] : memref<512xi32, #tpu.memory_space<vmem>> -> memref<128xi32, #tpu.memory_space<vmem>>
    %dma_wait3A_128 = arith.constant 0 : i32
    %dma_wait3A_129 = arith.constant 0 : i32
    %dma_wait3A_130 = tpu.memref_slice %arg6[%dma_wait3A_128, %dma_wait3A_129] : memref<1000x128xf32, #tpu.memory_space<hbm>> -> memref<1000x128xf32, #tpu.memory_space<hbm>>
    tpu.wait_indirect_dma semaphore(%arg20 : memref<!tpu.dma_semaphore, #tpu.memory_space<semaphore_mem>>) src(%dma_wait3A_130 : memref<1000x128xf32, #tpu.memory_space<hbm>>) dst(%arg13 : memref<128x128xf32, #tpu.memory_space<vmem>>)
    %dma_wait3A_131 = arith.constant 256 : i32
    %dma_wait3A_132 = tpu.memref_slice %arg10[%dma_wait3A_131] : memref<512xi32, #tpu.memory_space<vmem>> -> memref<128xi32, #tpu.memory_space<vmem>>
    %dma_wait3A_133 = arith.constant 0 : i32
    %dma_wait3A_134 = arith.constant 0 : i32
    %dma_wait3A_135 = tpu.memref_slice %arg5[%dma_wait3A_133, %dma_wait3A_134] : memref<100000x128xf32, #tpu.memory_space<hbm>> -> memref<100000x128xf32, #tpu.memory_space<hbm>>
    tpu.wait_indirect_dma semaphore(%arg20 : memref<!tpu.dma_semaphore, #tpu.memory_space<semaphore_mem>>) src(%dma_wait3A_135 : memref<100000x128xf32, #tpu.memory_space<hbm>>) dst(%arg15 : memref<128x128xf32, #tpu.memory_space<vmem>>)
    %scan3A_136 = arith.constant 0 : i32
    %scan3A_137 = arith.constant 0 : i32
    %scan3A_138 = arith.constant 8 : i32
    %scan3A_139 = arith.addi %scan3A_137, %scan3A_138 : i32
    %scan3A_140 = arith.constant 1 : i32
    %scan3A_141 = scf.for %scan3A_179 = %scan3A_137 to %scan3A_139 step %scan3A_140 iter_args(%scan3A_180 = %scan3A_136) -> (i32)  : i32 {
      %mul3A_181 = arith.constant 16 : i32
      %mul3A_182 = arith.muli %scan3A_179, %mul3A_181 : i32
      %add3A_183 = arith.constant 0 : i32
      %add3A_184 = arith.addi %mul3A_182, %add3A_183 : i32
      %add3A_185 = arith.constant 1 : i32
      %add3A_186 = arith.addi %mul3A_182, %add3A_185 : i32
      %add3A_187 = arith.constant 2 : i32
      %add3A_188 = arith.addi %mul3A_182, %add3A_187 : i32
      %add3A_189 = arith.constant 3 : i32
      %add3A_190 = arith.addi %mul3A_182, %add3A_189 : i32
      %add3A_191 = arith.constant 4 : i32
      %add3A_192 = arith.addi %mul3A_182, %add3A_191 : i32
      %add3A_193 = arith.constant 5 : i32
      %add3A_194 = arith.addi %mul3A_182, %add3A_193 : i32
      %add3A_195 = arith.constant 6 : i32
      %add3A_196 = arith.addi %mul3A_182, %add3A_195 : i32
      %add3A_197 = arith.constant 7 : i32
      %add3A_198 = arith.addi %mul3A_182, %add3A_197 : i32
      %add3A_199 = arith.constant 8 : i32
      %add3A_200 = arith.addi %mul3A_182, %add3A_199 : i32
      %add3A_201 = arith.constant 9 : i32
      %add3A_202 = arith.addi %mul3A_182, %add3A_201 : i32
      %add3A_203 = arith.constant 10 : i32
      %add3A_204 = arith.addi %mul3A_182, %add3A_203 : i32
      %add3A_205 = arith.constant 11 : i32
      %add3A_206 = arith.addi %mul3A_182, %add3A_205 : i32
      %add3A_207 = arith.constant 12 : i32
      %add3A_208 = arith.addi %mul3A_182, %add3A_207 : i32
      %add3A_209 = arith.constant 13 : i32
      %add3A_210 = arith.addi %mul3A_182, %add3A_209 : i32
      %add3A_211 = arith.constant 14 : i32
      %add3A_212 = arith.addi %mul3A_182, %add3A_211 : i32
      %add3A_213 = arith.constant 15 : i32
      %add3A_214 = arith.addi %mul3A_182, %add3A_213 : i32
      %get3A = arith.index_cast %add3A_184 : i32 to index
      %get3A_215 = arith.constant 0 : index
      %get3A_216 = tpu.vector_load %arg11[%get3A, %get3A_215] {strides = array<i32>} : memref<128x128xf32, #tpu.memory_space<vmem>>, vector<16xf32>,
      %get3A_217 = arith.index_cast %add3A_184 : i32 to index
      %get3A_218 = arith.constant 0 : index
      %get3A_219 = tpu.vector_load %arg13[%get3A_217, %get3A_218] {strides = array<i32>} : memref<128x128xf32, #tpu.memory_space<vmem>>, vector<16xf32>,
      %mul3A_220 = arith.mulf %get3A_216, %get3A_219 : vector<16xf32>
      %get3A_221 = arith.index_cast %add3A_184 : i32 to index
      %get3A_222 = arith.constant 0 : index
      %get3A_223 = tpu.vector_load %arg15[%get3A_221, %get3A_222] {strides = array<i32>} : memref<128x128xf32, #tpu.memory_space<vmem>>, vector<16xf32>,
      %mul3A_224 = arith.mulf %mul3A_220, %get3A_223 : vector<16xf32>
      %get3A_225 = arith.index_cast %add3A_184 : i32 to index
      %get3A_226 = arith.constant 16 : index
      %get3A_227 = tpu.vector_load %arg11[%get3A_225, %get3A_226] {strides = array<i32>} : memref<128x128xf32, #tpu.memory_space<vmem>>, vector<16xf32>,
      %get3A_228 = arith.index_cast %add3A_184 : i32 to index
      %get3A_229 = arith.constant 16 : index
      %get3A_230 = tpu.vector_load %arg13[%get3A_228, %get3A_229] {strides = array<i32>} : memref<128x128xf32, #tpu.memory_space<vmem>>, vector<16xf32>,
      %mul3A_231 = arith.mulf %get3A_227, %get3A_230 : vector<16xf32>
      %get3A_232 = arith.index_cast %add3A_184 : i32 to index
      %get3A_233 = arith.constant 16 : index
      %get3A_234 = tpu.vector_load %arg15[%get3A_232, %get3A_233] {strides = array<i32>} : memref<128x128xf32, #tpu.memory_space<vmem>>, vector<16xf32>,
      %mul3A_235 = arith.mulf %mul3A_231, %get3A_234 : vector<16xf32>
      %add3A_236 = arith.addf %mul3A_224, %mul3A_235 : vector<16xf32>
      %get3A_237 = arith.index_cast %add3A_184 : i32 to index
      %get3A_238 = arith.constant 32 : index
      %get3A_239 = tpu.vector_load %arg11[%get3A_237, %get3A_238] {strides = array<i32>} : memref<128x128xf32, #tpu.memory_space<vmem>>, vector<16xf32>,
      %get3A_240 = arith.index_cast %add3A_184 : i32 to index
      %get3A_241 = arith.constant 32 : index
      %get3A_242 = tpu.vector_load %arg13[%get3A_240, %get3A_241] {strides = array<i32>} : memref<128x128xf32, #tpu.memory_space<vmem>>, vector<16xf32>,
      %mul3A_243 = arith.mulf %get3A_239, %get3A_242 : vector<16xf32>
      %get3A_244 = arith.index_cast %add3A_184 : i32 to index
      %get3A_245 = arith.constant 32 : index
      %get3A_246 = tpu.vector_load %arg15[%get3A_244, %get3A_245] {strides = array<i32>} : memref<128x128xf32, #tpu.memory_space<vmem>>, vector<16xf32>,
      %mul3A_247 = arith.mulf %mul3A_243, %get3A_246 : vector<16xf32>
      %add3A_248 = arith.addf %add3A_236, %mul3A_247 : vector<16xf32>
      %get3A_249 = arith.index_cast %add3A_184 : i32 to index
      %get3A_250 = arith.constant 48 : index
      %get3A_251 = tpu.vector_load %arg11[%get3A_249, %get3A_250] {strides = array<i32>} : memref<128x128xf32, #tpu.memory_space<vmem>>, vector<16xf32>,
      %get3A_252 = arith.index_cast %add3A_184 : i32 to index
      %get3A_253 = arith.constant 48 : index
      %get3A_254 = tpu.vector_load %arg13[%get3A_252, %get3A_253] {strides = array<i32>} : memref<128x128xf32, #tpu.memory_space<vmem>>, vector<16xf32>,
      %mul3A_255 = arith.mulf %get3A_251, %get3A_254 : vector<16xf32>
      %get3A_256 = arith.index_cast %add3A_184 : i32 to index
      %get3A_257 = arith.constant 48 : index
      %get3A_258 = tpu.vector_load %arg15[%get3A_256, %get3A_257] {strides = array<i32>} : memref<128x128xf32, #tpu.memory_space<vmem>>, vector<16xf32>,
      %mul3A_259 = arith.mulf %mul3A_255, %get3A_258 : vector<16xf32>
      %add3A_260 = arith.addf %add3A_248, %mul3A_259 : vector<16xf32>
      %get3A_261 = arith.index_cast %add3A_186 : i32 to index
      %get3A_262 = arith.constant 0 : index
      %get3A_263 = tpu.vector_load %arg11[%get3A_261, %get3A_262] {strides = array<i32>} : memref<128x128xf32, #tpu.memory_space<vmem>>, vector<16xf32>,
      %get3A_264 = arith.index_cast %add3A_186 : i32 to index
      %get3A_265 = arith.constant 0 : index
      %get3A_266 = tpu.vector_load %arg13[%get3A_264, %get3A_265] {strides = array<i32>} : memref<128x128xf32, #tpu.memory_space<vmem>>, vector<16xf32>,
      %mul3A_267 = arith.mulf %get3A_263, %get3A_266 : vector<16xf32>
      %get3A_268 = arith.index_cast %add3A_186 : i32 to index
      %get3A_269 = arith.constant 0 : index
      %get3A_270 = tpu.vector_load %arg15[%get3A_268, %get3A_269] {strides = array<i32>} : memref<128x128xf32, #tpu.memory_space<vmem>>, vector<16xf32>,
      %mul3A_271 = arith.mulf %mul3A_267, %get3A_270 : vector<16xf32>
      %get3A_272 = arith.index_cast %add3A_186 : i32 to index
      %get3A_273 = arith.constant 16 : index
      %get3A_274 = tpu.vector_load %arg11[%get3A_272, %get3A_273] {strides = array<i32>} : memref<128x128xf32, #tpu.memory_space<vmem>>, vector<16xf32>,
      %get3A_275 = arith.index_cast %add3A_186 : i32 to index
      %get3A_276 = arith.constant 16 : index
      %get3A_277 = tpu.vector_load %arg13[%get3A_275, %get3A_276] {strides = array<i32>} : memref<128x128xf32, #tpu.memory_space<vmem>>, vector<16xf32>,
      %mul3A_278 = arith.mulf %get3A_274, %get3A_277 : vector<16xf32>
      %get3A_279 = arith.index_cast %add3A_186 : i32 to index
      %get3A_280 = arith.constant 16 : index
      %get3A_281 = tpu.vector_load %arg15[%get3A_279, %get3A_280] {strides = array<i32>} : memref<128x128xf32, #tpu.memory_space<vmem>>, vector<16xf32>,
      %mul3A_282 = arith.mulf %mul3A_278, %get3A_281 : vector<16xf32>
      %add3A_283 = arith.addf %mul3A_271, %mul3A_282 : vector<16xf32>
      %get3A_284 = arith.index_cast %add3A_186 : i32 to index
      %get3A_285 = arith.constant 32 : index
      %get3A_286 = tpu.vector_load %arg11[%get3A_284, %get3A_285] {strides = array<i32>} : memref<128x128xf32, #tpu.memory_space<vmem>>, vector<16xf32>,
      %get3A_287 = arith.index_cast %add3A_186 : i32 to index
      %get3A_288 = arith.constant 32 : index
      %get3A_289 = tpu.vector_load %arg13[%get3A_287, %get3A_288] {strides = array<i32>} : memref<128x128xf32, #tpu.memory_space<vmem>>, vector<16xf32>,
      %mul3A_290 = arith.mulf %get3A_286, %get3A_289 : vector<16xf32>
      %get3A_291 = arith.index_cast %add3A_186 : i32 to index
      %get3A_292 = arith.constant 32 : index
      %get3A_293 = tpu.vector_load %arg15[%get3A_291, %get3A_292] {strides = array<i32>} : memref<128x128xf32, #tpu.memory_space<vmem>>, vector<16xf32>,
      %mul3A_294 = arith.mulf %mul3A_290, %get3A_293 : vector<16xf32>
      %add3A_295 = arith.addf %add3A_283, %mul3A_294 : vector<16xf32>
      %get3A_296 = arith.index_cast %add3A_186 : i32 to index
      %get3A_297 = arith.constant 48 : index
      %get3A_298 = tpu.vector_load %arg11[%get3A_296, %get3A_297] {strides = array<i32>} : memref<128x128xf32, #tpu.memory_space<vmem>>, vector<16xf32>,
      %get3A_299 = arith.index_cast %add3A_186 : i32 to index
      %get3A_300 = arith.constant 48 : index
      %get3A_301 = tpu.vector_load %arg13[%get3A_299, %get3A_300] {strides = array<i32>} : memref<128x128xf32, #tpu.memory_space<vmem>>, vector<16xf32>,
      %mul3A_302 = arith.mulf %get3A_298, %get3A_301 : vector<16xf32>
      %get3A_303 = arith.index_cast %add3A_186 : i32 to index
      %get3A_304 = arith.constant 48 : index
      %get3A_305 = tpu.vector_load %arg15[%get3A_303, %get3A_304] {strides = array<i32>} : memref<128x128xf32, #tpu.memory_space<vmem>>, vector<16xf32>,
      %mul3A_306 = arith.mulf %mul3A_302, %get3A_305 : vector<16xf32>
      %add3A_307 = arith.addf %add3A_295, %mul3A_306 : vector<16xf32>
      %get3A_308 = arith.index_cast %add3A_188 : i32 to index
      %get3A_309 = arith.constant 0 : index
      %get3A_310 = tpu.vector_load %arg11[%get3A_308, %get3A_309] {strides = array<i32>} : memref<128x128xf32, #tpu.memory_space<vmem>>, vector<16xf32>,
      %get3A_311 = arith.index_cast %add3A_188 : i32 to index
      %get3A_312 = arith.constant 0 : index
      %get3A_313 = tpu.vector_load %arg13[%get3A_311, %get3A_312] {strides = array<i32>} : memref<128x128xf32, #tpu.memory_space<vmem>>, vector<16xf32>,
      %mul3A_314 = arith.mulf %get3A_310, %get3A_313 : vector<16xf32>
      %get3A_315 = arith.index_cast %add3A_188 : i32 to index
      %get3A_316 = arith.constant 0 : index
      %get3A_317 = tpu.vector_load %arg15[%get3A_315, %get3A_316] {strides = array<i32>} : memref<128x128xf32, #tpu.memory_space<vmem>>, vector<16xf32>,
      %mul3A_318 = arith.mulf %mul3A_314, %get3A_317 : vector<16xf32>
      %get3A_319 = arith.index_cast %add3A_188 : i32 to index
      %get3A_320 = arith.constant 16 : index
      %get3A_321 = tpu.vector_load %arg11[%get3A_319, %get3A_320] {strides = array<i32>} : memref<128x128xf32, #tpu.memory_space<vmem>>, vector<16xf32>,
      %get3A_322 = arith.index_cast %add3A_188 : i32 to index
      %get3A_323 = arith.constant 16 : index
      %get3A_324 = tpu.vector_load %arg13[%get3A_322, %get3A_323] {strides = array<i32>} : memref<128x128xf32, #tpu.memory_space<vmem>>, vector<16xf32>,
      %mul3A_325 = arith.mulf %get3A_321, %get3A_324 : vector<16xf32>
      %get3A_326 = arith.index_cast %add3A_188 : i32 to index
      %get3A_327 = arith.constant 16 : index
      %get3A_328 = tpu.vector_load %arg15[%get3A_326, %get3A_327] {strides = array<i32>} : memref<128x128xf32, #tpu.memory_space<vmem>>, vector<16xf32>,
      %mul3A_329 = arith.mulf %mul3A_325, %get3A_328 : vector<16xf32>
      %add3A_330 = arith.addf %mul3A_318, %mul3A_329 : vector<16xf32>
      %get3A_331 = arith.index_cast %add3A_188 : i32 to index
      %get3A_332 = arith.constant 32 : index
      %get3A_333 = tpu.vector_load %arg11[%get3A_331, %get3A_332] {strides = array<i32>} : memref<128x128xf32, #tpu.memory_space<vmem>>, vector<16xf32>,
      %get3A_334 = arith.index_cast %add3A_188 : i32 to index
      %get3A_335 = arith.constant 32 : index
      %get3A_336 = tpu.vector_load %arg13[%get3A_334, %get3A_335] {strides = array<i32>} : memref<128x128xf32, #tpu.memory_space<vmem>>, vector<16xf32>,
      %mul3A_337 = arith.mulf %get3A_333, %get3A_336 : vector<16xf32>
      %get3A_338 = arith.index_cast %add3A_188 : i32 to index
      %get3A_339 = arith.constant 32 : index
      %get3A_340 = tpu.vector_load %arg15[%get3A_338, %get3A_339] {strides = array<i32>} : memref<128x128xf32, #tpu.memory_space<vmem>>, vector<16xf32>,
      %mul3A_341 = arith.mulf %mul3A_337, %get3A_340 : vector<16xf32>
      %add3A_342 = arith.addf %add3A_330, %mul3A_341 : vector<16xf32>
      %get3A_343 = arith.index_cast %add3A_188 : i32 to index
      %get3A_344 = arith.constant 48 : index
      %get3A_345 = tpu.vector_load %arg11[%get3A_343, %get3A_344] {strides = array<i32>} : memref<128x128xf32, #tpu.memory_space<vmem>>, vector<16xf32>,
      %get3A_346 = arith.index_cast %add3A_188 : i32 to index
      %get3A_347 = arith.constant 48 : index
      %get3A_348 = tpu.vector_load %arg13[%get3A_346, %get3A_347] {strides = array<i32>} : memref<128x128xf32, #tpu.memory_space<vmem>>, vector<16xf32>,
      %mul3A_349 = arith.mulf %get3A_345, %get3A_348 : vector<16xf32>
      %get3A_350 = arith.index_cast %add3A_188 : i32 to index
      %get3A_351 = arith.constant 48 : index
      %get3A_352 = tpu.vector_load %arg15[%get3A_350, %get3A_351] {strides = array<i32>} : memref<128x128xf32, #tpu.memory_space<vmem>>, vector<16xf32>,
      %mul3A_353 = arith.mulf %mul3A_349, %get3A_352 : vector<16xf32>
      %add3A_354 = arith.addf %add3A_342, %mul3A_353 : vector<16xf32>
      %get3A_355 = arith.index_cast %add3A_190 : i32 to index
      %get3A_356 = arith.constant 0 : index
      %get3A_357 = tpu.vector_load %arg11[%get3A_355, %get3A_356] {strides = array<i32>} : memref<128x128xf32, #tpu.memory_space<vmem>>, vector<16xf32>,
      %get3A_358 = arith.index_cast %add3A_190 : i32 to index
      %get3A_359 = arith.constant 0 : index
      %get3A_360 = tpu.vector_load %arg13[%get3A_358, %get3A_359] {strides = array<i32>} : memref<128x128xf32, #tpu.memory_space<vmem>>, vector<16xf32>,
      %mul3A_361 = arith.mulf %get3A_357, %get3A_360 : vector<16xf32>
      %get3A_362 = arith.index_cast %add3A_190 : i32 to index
      %get3A_363 = arith.constant 0 : index
      %get3A_364 = tpu.vector_load %arg15[%get3A_362, %get3A_363] {strides = array<i32>} : memref<128x128xf32, #tpu.memory_space<vmem>>, vector<16xf32>,
      %mul3A_365 = arith.mulf %mul3A_361, %get3A_364 : vector<16xf32>
      %get3A_366 = arith.index_cast %add3A_190 : i32 to index
      %get3A_367 = arith.constant 16 : index
      %get3A_368 = tpu.vector_load %arg11[%get3A_366, %get3A_367] {strides = array<i32>} : memref<128x128xf32, #tpu.memory_space<vmem>>, vector<16xf32>,
      %get3A_369 = arith.index_cast %add3A_190 : i32 to index
      %get3A_370 = arith.constant 16 : index
      %get3A_371 = tpu.vector_load %arg13[%get3A_369, %get3A_370] {strides = array<i32>} : memref<128x128xf32, #tpu.memory_space<vmem>>, vector<16xf32>,
      %mul3A_372 = arith.mulf %get3A_368, %get3A_371 : vector<16xf32>
      %get3A_373 = arith.index_cast %add3A_190 : i32 to index
      %get3A_374 = arith.constant 16 : index
      %get3A_375 = tpu.vector_load %arg15[%get3A_373, %get3A_374] {strides = array<i32>} : memref<128x128xf32, #tpu.memory_space<vmem>>, vector<16xf32>,
      %mul3A_376 = arith.mulf %mul3A_372, %get3A_375 : vector<16xf32>
      %add3A_377 = arith.addf %mul3A_365, %mul3A_376 : vector<16xf32>
      %get3A_378 = arith.index_cast %add3A_190 : i32 to index
      %get3A_379 = arith.constant 32 : index
      %get3A_380 = tpu.vector_load %arg11[%get3A_378, %get3A_379] {strides = array<i32>} : memref<128x128xf32, #tpu.memory_space<vmem>>, vector<16xf32>,
      %get3A_381 = arith.index_cast %add3A_190 : i32 to index
      %get3A_382 = arith.constant 32 : index
      %get3A_383 = tpu.vector_load %arg13[%get3A_381, %get3A_382] {strides = array<i32>} : memref<128x128xf32, #tpu.memory_space<vmem>>, vector<16xf32>,
      %mul3A_384 = arith.mulf %get3A_380, %get3A_383 : vector<16xf32>
      %get3A_385 = arith.index_cast %add3A_190 : i32 to index
      %get3A_386 = arith.constant 32 : index
      %get3A_387 = tpu.vector_load %arg15[%get3A_385, %get3A_386] {strides = array<i32>} : memref<128x128xf32, #tpu.memory_space<vmem>>, vector<16xf32>,
      %mul3A_388 = arith.mulf %mul3A_384, %get3A_387 : vector<16xf32>
      %add3A_389 = arith.addf %add3A_377, %mul3A_388 : vector<16xf32>
      %get3A_390 = arith.index_cast %add3A_190 : i32 to index
      %get3A_391 = arith.constant 48 : index
      %get3A_392 = tpu.vector_load %arg11[%get3A_390, %get3A_391] {strides = array<i32>} : memref<128x128xf32, #tpu.memory_space<vmem>>, vector<16xf32>,
      %get3A_393 = arith.index_cast %add3A_190 : i32 to index
      %get3A_394 = arith.constant 48 : index
      %get3A_395 = tpu.vector_load %arg13[%get3A_393, %get3A_394] {strides = array<i32>} : memref<128x128xf32, #tpu.memory_space<vmem>>, vector<16xf32>,
      %mul3A_396 = arith.mulf %get3A_392, %get3A_395 : vector<16xf32>
      %get3A_397 = arith.index_cast %add3A_190 : i32 to index
      %get3A_398 = arith.constant 48 : index
      %get3A_399 = tpu.vector_load %arg15[%get3A_397, %get3A_398] {strides = array<i32>} : memref<128x128xf32, #tpu.memory_space<vmem>>, vector<16xf32>,
      %mul3A_400 = arith.mulf %mul3A_396, %get3A_399 : vector<16xf32>
      %add3A_401 = arith.addf %add3A_389, %mul3A_400 : vector<16xf32>
      %get3A_402 = arith.index_cast %add3A_192 : i32 to index
      %get3A_403 = arith.constant 0 : index
      %get3A_404 = tpu.vector_load %arg11[%get3A_402, %get3A_403] {strides = array<i32>} : memref<128x128xf32, #tpu.memory_space<vmem>>, vector<16xf32>,
      %get3A_405 = arith.index_cast %add3A_192 : i32 to index
      %get3A_406 = arith.constant 0 : index
      %get3A_407 = tpu.vector_load %arg13[%get3A_405, %get3A_406] {strides = array<i32>} : memref<128x128xf32, #tpu.memory_space<vmem>>, vector<16xf32>,
      %mul3A_408 = arith.mulf %get3A_404, %get3A_407 : vector<16xf32>
      %get3A_409 = arith.index_cast %add3A_192 : i32 to index
      %get3A_410 = arith.constant 0 : index
      %get3A_411 = tpu.vector_load %arg15[%get3A_409, %get3A_410] {strides = array<i32>} : memref<128x128xf32, #tpu.memory_space<vmem>>, vector<16xf32>,
      %mul3A_412 = arith.mulf %mul3A_408, %get3A_411 : vector<16xf32>
      %get3A_413 = arith.index_cast %add3A_192 : i32 to index
      %get3A_414 = arith.constant 16 : index
      %get3A_415 = tpu.vector_load %arg11[%get3A_413, %get3A_414] {strides = array<i32>} : memref<128x128xf32, #tpu.memory_space<vmem>>, vector<16xf32>,
      %get3A_416 = arith.index_cast %add3A_192 : i32 to index
      %get3A_417 = arith.constant 16 : index
      %get3A_418 = tpu.vector_load %arg13[%get3A_416, %get3A_417] {strides = array<i32>} : memref<128x128xf32, #tpu.memory_space<vmem>>, vector<16xf32>,
      %mul3A_419 = arith.mulf %get3A_415, %get3A_418 : vector<16xf32>
      %get3A_420 = arith.index_cast %add3A_192 : i32 to index
      %get3A_421 = arith.constant 16 : index
      %get3A_422 = tpu.vector_load %arg15[%get3A_420, %get3A_421] {strides = array<i32>} : memref<128x128xf32, #tpu.memory_space<vmem>>, vector<16xf32>,
      %mul3A_423 = arith.mulf %mul3A_419, %get3A_422 : vector<16xf32>
      %add3A_424 = arith.addf %mul3A_412, %mul3A_423 : vector<16xf32>
      %get3A_425 = arith.index_cast %add3A_192 : i32 to index
      %get3A_426 = arith.constant 32 : index
      %get3A_427 = tpu.vector_load %arg11[%get3A_425, %get3A_426] {strides = array<i32>} : memref<128x128xf32, #tpu.memory_space<vmem>>, vector<16xf32>,
      %get3A_428 = arith.index_cast %add3A_192 : i32 to index
      %get3A_429 = arith.constant 32 : index
      %get3A_430 = tpu.vector_load %arg13[%get3A_428, %get3A_429] {strides = array<i32>} : memref<128x128xf32, #tpu.memory_space<vmem>>, vector<16xf32>,
      %mul3A_431 = arith.mulf %get3A_427, %get3A_430 : vector<16xf32>
      %get3A_432 = arith.index_cast %add3A_192 : i32 to index
      %get3A_433 = arith.constant 32 : index
      %get3A_434 = tpu.vector_load %arg15[%get3A_432, %get3A_433] {strides = array<i32>} : memref<128x128xf32, #tpu.memory_space<vmem>>, vector<16xf32>,
      %mul3A_435 = arith.mulf %mul3A_431, %get3A_434 : vector<16xf32>
      %add3A_436 = arith.addf %add3A_424, %mul3A_435 : vector<16xf32>
      %get3A_437 = arith.index_cast %add3A_192 : i32 to index
      %get3A_438 = arith.constant 48 : index
      %get3A_439 = tpu.vector_load %arg11[%get3A_437, %get3A_438] {strides = array<i32>} : memref<128x128xf32, #tpu.memory_space<vmem>>, vector<16xf32>,
      %get3A_440 = arith.index_cast %add3A_192 : i32 to index
      %get3A_441 = arith.constant 48 : index
      %get3A_442 = tpu.vector_load %arg13[%get3A_440, %get3A_441] {strides = array<i32>} : memref<128x128xf32, #tpu.memory_space<vmem>>, vector<16xf32>,
      %mul3A_443 = arith.mulf %get3A_439, %get3A_442 : vector<16xf32>
      %get3A_444 = arith.index_cast %add3A_192 : i32 to index
      %get3A_445 = arith.constant 48 : index
      %get3A_446 = tpu.vector_load %arg15[%get3A_444, %get3A_445] {strides = array<i32>} : memref<128x128xf32, #tpu.memory_space<vmem>>, vector<16xf32>,
      %mul3A_447 = arith.mulf %mul3A_443, %get3A_446 : vector<16xf32>
      %add3A_448 = arith.addf %add3A_436, %mul3A_447 : vector<16xf32>
      %get3A_449 = arith.index_cast %add3A_194 : i32 to index
      %get3A_450 = arith.constant 0 : index
      %get3A_451 = tpu.vector_load %arg11[%get3A_449, %get3A_450] {strides = array<i32>} : memref<128x128xf32, #tpu.memory_space<vmem>>, vector<16xf32>,
      %get3A_452 = arith.index_cast %add3A_194 : i32 to index
      %get3A_453 = arith.constant 0 : index
      %get3A_454 = tpu.vector_load %arg13[%get3A_452, %get3A_453] {strides = array<i32>} : memref<128x128xf32, #tpu.memory_space<vmem>>, vector<16xf32>,
      %mul3A_455 = arith.mulf %get3A_451, %get3A_454 : vector<16xf32>
      %get3A_456 = arith.index_cast %add3A_194 : i32 to index
      %get3A_457 = arith.constant 0 : index
      %get3A_458 = tpu.vector_load %arg15[%get3A_456, %get3A_457] {strides = array<i32>} : memref<128x128xf32, #tpu.memory_space<vmem>>, vector<16xf32>,
      %mul3A_459 = arith.mulf %mul3A_455, %get3A_458 : vector<16xf32>
      %get3A_460 = arith.index_cast %add3A_194 : i32 to index
      %get3A_461 = arith.constant 16 : index
      %get3A_462 = tpu.vector_load %arg11[%get3A_460, %get3A_461] {strides = array<i32>} : memref<128x128xf32, #tpu.memory_space<vmem>>, vector<16xf32>,
      %get3A_463 = arith.index_cast %add3A_194 : i32 to index
      %get3A_464 = arith.constant 16 : index
      %get3A_465 = tpu.vector_load %arg13[%get3A_463, %get3A_464] {strides = array<i32>} : memref<128x128xf32, #tpu.memory_space<vmem>>, vector<16xf32>,
      %mul3A_466 = arith.mulf %get3A_462, %get3A_465 : vector<16xf32>
      %get3A_467 = arith.index_cast %add3A_194 : i32 to index
      %get3A_468 = arith.constant 16 : index
      %get3A_469 = tpu.vector_load %arg15[%get3A_467, %get3A_468] {strides = array<i32>} : memref<128x128xf32, #tpu.memory_space<vmem>>, vector<16xf32>,
      %mul3A_470 = arith.mulf %mul3A_466, %get3A_469 : vector<16xf32>
      %add3A_471 = arith.addf %mul3A_459, %mul3A_470 : vector<16xf32>
      %get3A_472 = arith.index_cast %add3A_194 : i32 to index
      %get3A_473 = arith.constant 32 : index
      %get3A_474 = tpu.vector_load %arg11[%get3A_472, %get3A_473] {strides = array<i32>} : memref<128x128xf32, #tpu.memory_space<vmem>>, vector<16xf32>,
      %get3A_475 = arith.index_cast %add3A_194 : i32 to index
      %get3A_476 = arith.constant 32 : index
      %get3A_477 = tpu.vector_load %arg13[%get3A_475, %get3A_476] {strides = array<i32>} : memref<128x128xf32, #tpu.memory_space<vmem>>, vector<16xf32>,
      %mul3A_478 = arith.mulf %get3A_474, %get3A_477 : vector<16xf32>
      %get3A_479 = arith.index_cast %add3A_194 : i32 to index
      %get3A_480 = arith.constant 32 : index
      %get3A_481 = tpu.vector_load %arg15[%get3A_479, %get3A_480] {strides = array<i32>} : memref<128x128xf32, #tpu.memory_space<vmem>>, vector<16xf32>,
      %mul3A_482 = arith.mulf %mul3A_478, %get3A_481 : vector<16xf32>
      %add3A_483 = arith.addf %add3A_471, %mul3A_482 : vector<16xf32>
      %get3A_484 = arith.index_cast %add3A_194 : i32 to index
      %get3A_485 = arith.constant 48 : index
      %get3A_486 = tpu.vector_load %arg11[%get3A_484, %get3A_485] {strides = array<i32>} : memref<128x128xf32, #tpu.memory_space<vmem>>, vector<16xf32>,
      %get3A_487 = arith.index_cast %add3A_194 : i32 to index
      %get3A_488 = arith.constant 48 : index
      %get3A_489 = tpu.vector_load %arg13[%get3A_487, %get3A_488] {strides = array<i32>} : memref<128x128xf32, #tpu.memory_space<vmem>>, vector<16xf32>,
      %mul3A_490 = arith.mulf %get3A_486, %get3A_489 : vector<16xf32>
      %get3A_491 = arith.index_cast %add3A_194 : i32 to index
      %get3A_492 = arith.constant 48 : index
      %get3A_493 = tpu.vector_load %arg15[%get3A_491, %get3A_492] {strides = array<i32>} : memref<128x128xf32, #tpu.memory_space<vmem>>, vector<16xf32>,
      %mul3A_494 = arith.mulf %mul3A_490, %get3A_493 : vector<16xf32>
      %add3A_495 = arith.addf %add3A_483, %mul3A_494 : vector<16xf32>
      %get3A_496 = arith.index_cast %add3A_196 : i32 to index
      %get3A_497 = arith.constant 0 : index
      %get3A_498 = tpu.vector_load %arg11[%get3A_496, %get3A_497] {strides = array<i32>} : memref<128x128xf32, #tpu.memory_space<vmem>>, vector<16xf32>,
      %get3A_499 = arith.index_cast %add3A_196 : i32 to index
      %get3A_500 = arith.constant 0 : index
      %get3A_501 = tpu.vector_load %arg13[%get3A_499, %get3A_500] {strides = array<i32>} : memref<128x128xf32, #tpu.memory_space<vmem>>, vector<16xf32>,
      %mul3A_502 = arith.mulf %get3A_498, %get3A_501 : vector<16xf32>
      %get3A_503 = arith.index_cast %add3A_196 : i32 to index
      %get3A_504 = arith.constant 0 : index
      %get3A_505 = tpu.vector_load %arg15[%get3A_503, %get3A_504] {strides = array<i32>} : memref<128x128xf32, #tpu.memory_space<vmem>>, vector<16xf32>,
      %mul3A_506 = arith.mulf %mul3A_502, %get3A_505 : vector<16xf32>
      %get3A_507 = arith.index_cast %add3A_196 : i32 to index
      %get3A_508 = arith.constant 16 : index
      %get3A_509 = tpu.vector_load %arg11[%get3A_507, %get3A_508] {strides = array<i32>} : memref<128x128xf32, #tpu.memory_space<vmem>>, vector<16xf32>,
      %get3A_510 = arith.index_cast %add3A_196 : i32 to index
      %get3A_511 = arith.constant 16 : index
      %get3A_512 = tpu.vector_load %arg13[%get3A_510, %get3A_511] {strides = array<i32>} : memref<128x128xf32, #tpu.memory_space<vmem>>, vector<16xf32>,
      %mul3A_513 = arith.mulf %get3A_509, %get3A_512 : vector<16xf32>
      %get3A_514 = arith.index_cast %add3A_196 : i32 to index
      %get3A_515 = arith.constant 16 : index
      %get3A_516 = tpu.vector_load %arg15[%get3A_514, %get3A_515] {strides = array<i32>} : memref<128x128xf32, #tpu.memory_space<vmem>>, vector<16xf32>,
      %mul3A_517 = arith.mulf %mul3A_513, %get3A_516 : vector<16xf32>
      %add3A_518 = arith.addf %mul3A_506, %mul3A_517 : vector<16xf32>
      %get3A_519 = arith.index_cast %add3A_196 : i32 to index
      %get3A_520 = arith.constant 32 : index
      %get3A_521 = tpu.vector_load %arg11[%get3A_519, %get3A_520] {strides = array<i32>} : memref<128x128xf32, #tpu.memory_space<vmem>>, vector<16xf32>,
      %get3A_522 = arith.index_cast %add3A_196 : i32 to index
      %get3A_523 = arith.constant 32 : index
      %get3A_524 = tpu.vector_load %arg13[%get3A_522, %get3A_523] {strides = array<i32>} : memref<128x128xf32, #tpu.memory_space<vmem>>, vector<16xf32>,
      %mul3A_525 = arith.mulf %get3A_521, %get3A_524 : vector<16xf32>
      %get3A_526 = arith.index_cast %add3A_196 : i32 to index
      %get3A_527 = arith.constant 32 : index
      %get3A_528 = tpu.vector_load %arg15[%get3A_526, %get3A_527] {strides = array<i32>} : memref<128x128xf32, #tpu.memory_space<vmem>>, vector<16xf32>,
      %mul3A_529 = arith.mulf %mul3A_525, %get3A_528 : vector<16xf32>
      %add3A_530 = arith.addf %add3A_518, %mul3A_529 : vector<16xf32>
      %get3A_531 = arith.index_cast %add3A_196 : i32 to index
      %get3A_532 = arith.constant 48 : index
      %get3A_533 = tpu.vector_load %arg11[%get3A_531, %get3A_532] {strides = array<i32>} : memref<128x128xf32, #tpu.memory_space<vmem>>, vector<16xf32>,
      %get3A_534 = arith.index_cast %add3A_196 : i32 to index
      %get3A_535 = arith.constant 48 : index
      %get3A_536 = tpu.vector_load %arg13[%get3A_534, %get3A_535] {strides = array<i32>} : memref<128x128xf32, #tpu.memory_space<vmem>>, vector<16xf32>,
      %mul3A_537 = arith.mulf %get3A_533, %get3A_536 : vector<16xf32>
      %get3A_538 = arith.index_cast %add3A_196 : i32 to index
      %get3A_539 = arith.constant 48 : index
      %get3A_540 = tpu.vector_load %arg15[%get3A_538, %get3A_539] {strides = array<i32>} : memref<128x128xf32, #tpu.memory_space<vmem>>, vector<16xf32>,
      %mul3A_541 = arith.mulf %mul3A_537, %get3A_540 : vector<16xf32>
      %add3A_542 = arith.addf %add3A_530, %mul3A_541 : vector<16xf32>
      %get3A_543 = arith.index_cast %add3A_198 : i32 to index
      %get3A_544 = arith.constant 0 : index
      %get3A_545 = tpu.vector_load %arg11[%get3A_543, %get3A_544] {strides = array<i32>} : memref<128x128xf32, #tpu.memory_space<vmem>>, vector<16xf32>,
      %get3A_546 = arith.index_cast %add3A_198 : i32 to index
      %get3A_547 = arith.constant 0 : index
      %get3A_548 = tpu.vector_load %arg13[%get3A_546, %get3A_547] {strides = array<i32>} : memref<128x128xf32, #tpu.memory_space<vmem>>, vector<16xf32>,
      %mul3A_549 = arith.mulf %get3A_545, %get3A_548 : vector<16xf32>
      %get3A_550 = arith.index_cast %add3A_198 : i32 to index
      %get3A_551 = arith.constant 0 : index
      %get3A_552 = tpu.vector_load %arg15[%get3A_550, %get3A_551] {strides = array<i32>} : memref<128x128xf32, #tpu.memory_space<vmem>>, vector<16xf32>,
      %mul3A_553 = arith.mulf %mul3A_549, %get3A_552 : vector<16xf32>
      %get3A_554 = arith.index_cast %add3A_198 : i32 to index
      %get3A_555 = arith.constant 16 : index
      %get3A_556 = tpu.vector_load %arg11[%get3A_554, %get3A_555] {strides = array<i32>} : memref<128x128xf32, #tpu.memory_space<vmem>>, vector<16xf32>,
      %get3A_557 = arith.index_cast %add3A_198 : i32 to index
      %get3A_558 = arith.constant 16 : index
      %get3A_559 = tpu.vector_load %arg13[%get3A_557, %get3A_558] {strides = array<i32>} : memref<128x128xf32, #tpu.memory_space<vmem>>, vector<16xf32>,
      %mul3A_560 = arith.mulf %get3A_556, %get3A_559 : vector<16xf32>
      %get3A_561 = arith.index_cast %add3A_198 : i32 to index
      %get3A_562 = arith.constant 16 : index
      %get3A_563 = tpu.vector_load %arg15[%get3A_561, %get3A_562] {strides = array<i32>} : memref<128x128xf32, #tpu.memory_space<vmem>>, vector<16xf32>,
      %mul3A_564 = arith.mulf %mul3A_560, %get3A_563 : vector<16xf32>
      %add3A_565 = arith.addf %mul3A_553, %mul3A_564 : vector<16xf32>
      %get3A_566 = arith.index_cast %add3A_198 : i32 to index
      %get3A_567 = arith.constant 32 : index
      %get3A_568 = tpu.vector_load %arg11[%get3A_566, %get3A_567] {strides = array<i32>} : memref<128x128xf32, #tpu.memory_space<vmem>>, vector<16xf32>,
      %get3A_569 = arith.index_cast %add3A_198 : i32 to index
      %get3A_570 = arith.constant 32 : index
      %get3A_571 = tpu.vector_load %arg13[%get3A_569, %get3A_570] {strides = array<i32>} : memref<128x128xf32, #tpu.memory_space<vmem>>, vector<16xf32>,
      %mul3A_572 = arith.mulf %get3A_568, %get3A_571 : vector<16xf32>
      %get3A_573 = arith.index_cast %add3A_198 : i32 to index
      %get3A_574 = arith.constant 32 : index
      %get3A_575 = tpu.vector_load %arg15[%get3A_573, %get3A_574] {strides = array<i32>} : memref<128x128xf32, #tpu.memory_space<vmem>>, vector<16xf32>,
      %mul3A_576 = arith.mulf %mul3A_572, %get3A_575 : vector<16xf32>
      %add3A_577 = arith.addf %add3A_565, %mul3A_576 : vector<16xf32>
      %get3A_578 = arith.index_cast %add3A_198 : i32 to index
      %get3A_579 = arith.constant 48 : index
      %get3A_580 = tpu.vector_load %arg11[%get3A_578, %get3A_579] {strides = array<i32>} : memref<128x128xf32, #tpu.memory_space<vmem>>, vector<16xf32>,
      %get3A_581 = arith.index_cast %add3A_198 : i32 to index
      %get3A_582 = arith.constant 48 : index
      %get3A_583 = tpu.vector_load %arg13[%get3A_581, %get3A_582] {strides = array<i32>} : memref<128x128xf32, #tpu.memory_space<vmem>>, vector<16xf32>,
      %mul3A_584 = arith.mulf %get3A_580, %get3A_583 : vector<16xf32>
      %get3A_585 = arith.index_cast %add3A_198 : i32 to index
      %get3A_586 = arith.constant 48 : index
      %get3A_587 = tpu.vector_load %arg15[%get3A_585, %get3A_586] {strides = array<i32>} : memref<128x128xf32, #tpu.memory_space<vmem>>, vector<16xf32>,
      %mul3A_588 = arith.mulf %mul3A_584, %get3A_587 : vector<16xf32>
      %add3A_589 = arith.addf %add3A_577, %mul3A_588 : vector<16xf32>
      %get3A_590 = arith.index_cast %add3A_200 : i32 to index
      %get3A_591 = arith.constant 0 : index
      %get3A_592 = tpu.vector_load %arg11[%get3A_590, %get3A_591] {strides = array<i32>} : memref<128x128xf32, #tpu.memory_space<vmem>>, vector<16xf32>,
      %get3A_593 = arith.index_cast %add3A_200 : i32 to index
      %get3A_594 = arith.constant 0 : index
      %get3A_595 = tpu.vector_load %arg13[%get3A_593, %get3A_594] {strides = array<i32>} : memref<128x128xf32, #tpu.memory_space<vmem>>, vector<16xf32>,
      %mul3A_596 = arith.mulf %get3A_592, %get3A_595 : vector<16xf32>
      %get3A_597 = arith.index_cast %add3A_200 : i32 to index
      %get3A_598 = arith.constant 0 : index
      %get3A_599 = tpu.vector_load %arg15[%get3A_597, %get3A_598] {strides = array<i32>} : memref<128x128xf32, #tpu.memory_space<vmem>>, vector<16xf32>,
      %mul3A_600 = arith.mulf %mul3A_596, %get3A_599 : vector<16xf32>
      %get3A_601 = arith.index_cast %add3A_200 : i32 to index
      %get3A_602 = arith.constant 16 : index
      %get3A_603 = tpu.vector_load %arg11[%get3A_601, %get3A_602] {strides = array<i32>} : memref<128x128xf32, #tpu.memory_space<vmem>>, vector<16xf32>,
      %get3A_604 = arith.index_cast %add3A_200 : i32 to index
      %get3A_605 = arith.constant 16 : index
      %get3A_606 = tpu.vector_load %arg13[%get3A_604, %get3A_605] {strides = array<i32>} : memref<128x128xf32, #tpu.memory_space<vmem>>, vector<16xf32>,
      %mul3A_607 = arith.mulf %get3A_603, %get3A_606 : vector<16xf32>
      %get3A_608 = arith.index_cast %add3A_200 : i32 to index
      %get3A_609 = arith.constant 16 : index
      %get3A_610 = tpu.vector_load %arg15[%get3A_608, %get3A_609] {strides = array<i32>} : memref<128x128xf32, #tpu.memory_space<vmem>>, vector<16xf32>,
      %mul3A_611 = arith.mulf %mul3A_607, %get3A_610 : vector<16xf32>
      %add3A_612 = arith.addf %mul3A_600, %mul3A_611 : vector<16xf32>
      %get3A_613 = arith.index_cast %add3A_200 : i32 to index
      %get3A_614 = arith.constant 32 : index
      %get3A_615 = tpu.vector_load %arg11[%get3A_613, %get3A_614] {strides = array<i32>} : memref<128x128xf32, #tpu.memory_space<vmem>>, vector<16xf32>,
      %get3A_616 = arith.index_cast %add3A_200 : i32 to index
      %get3A_617 = arith.constant 32 : index
      %get3A_618 = tpu.vector_load %arg13[%get3A_616, %get3A_617] {strides = array<i32>} : memref<128x128xf32, #tpu.memory_space<vmem>>, vector<16xf32>,
      %mul3A_619 = arith.mulf %get3A_615, %get3A_618 : vector<16xf32>
      %get3A_620 = arith.index_cast %add3A_200 : i32 to index
      %get3A_621 = arith.constant 32 : index
      %get3A_622 = tpu.vector_load %arg15[%get3A_620, %get3A_621] {strides = array<i32>} : memref<128x128xf32, #tpu.memory_space<vmem>>, vector<16xf32>,
      %mul3A_623 = arith.mulf %mul3A_619, %get3A_622 : vector<16xf32>
      %add3A_624 = arith.addf %add3A_612, %mul3A_623 : vector<16xf32>
      %get3A_625 = arith.index_cast %add3A_200 : i32 to index
      %get3A_626 = arith.constant 48 : index
      %get3A_627 = tpu.vector_load %arg11[%get3A_625, %get3A_626] {strides = array<i32>} : memref<128x128xf32, #tpu.memory_space<vmem>>, vector<16xf32>,
      %get3A_628 = arith.index_cast %add3A_200 : i32 to index
      %get3A_629 = arith.constant 48 : index
      %get3A_630 = tpu.vector_load %arg13[%get3A_628, %get3A_629] {strides = array<i32>} : memref<128x128xf32, #tpu.memory_space<vmem>>, vector<16xf32>,
      %mul3A_631 = arith.mulf %get3A_627, %get3A_630 : vector<16xf32>
      %get3A_632 = arith.index_cast %add3A_200 : i32 to index
      %get3A_633 = arith.constant 48 : index
      %get3A_634 = tpu.vector_load %arg15[%get3A_632, %get3A_633] {strides = array<i32>} : memref<128x128xf32, #tpu.memory_space<vmem>>, vector<16xf32>,
      %mul3A_635 = arith.mulf %mul3A_631, %get3A_634 : vector<16xf32>
      %add3A_636 = arith.addf %add3A_624, %mul3A_635 : vector<16xf32>
      %get3A_637 = arith.index_cast %add3A_202 : i32 to index
      %get3A_638 = arith.constant 0 : index
      %get3A_639 = tpu.vector_load %arg11[%get3A_637, %get3A_638] {strides = array<i32>} : memref<128x128xf32, #tpu.memory_space<vmem>>, vector<16xf32>,
      %get3A_640 = arith.index_cast %add3A_202 : i32 to index
      %get3A_641 = arith.constant 0 : index
      %get3A_642 = tpu.vector_load %arg13[%get3A_640, %get3A_641] {strides = array<i32>} : memref<128x128xf32, #tpu.memory_space<vmem>>, vector<16xf32>,
      %mul3A_643 = arith.mulf %get3A_639, %get3A_642 : vector<16xf32>
      %get3A_644 = arith.index_cast %add3A_202 : i32 to index
      %get3A_645 = arith.constant 0 : index
      %get3A_646 = tpu.vector_load %arg15[%get3A_644, %get3A_645] {strides = array<i32>} : memref<128x128xf32, #tpu.memory_space<vmem>>, vector<16xf32>,
      %mul3A_647 = arith.mulf %mul3A_643, %get3A_646 : vector<16xf32>
      %get3A_648 = arith.index_cast %add3A_202 : i32 to index
      %get3A_649 = arith.constant 16 : index
      %get3A_650 = tpu.vector_load %arg11[%get3A_648, %get3A_649] {strides = array<i32>} : memref<128x128xf32, #tpu.memory_space<vmem>>, vector<16xf32>,
      %get3A_651 = arith.index_cast %add3A_202 : i32 to index
      %get3A_652 = arith.constant 16 : index
      %get3A_653 = tpu.vector_load %arg13[%get3A_651, %get3A_652] {strides = array<i32>} : memref<128x128xf32, #tpu.memory_space<vmem>>, vector<16xf32>,
      %mul3A_654 = arith.mulf %get3A_650, %get3A_653 : vector<16xf32>
      %get3A_655 = arith.index_cast %add3A_202 : i32 to index
      %get3A_656 = arith.constant 16 : index
      %get3A_657 = tpu.vector_load %arg15[%get3A_655, %get3A_656] {strides = array<i32>} : memref<128x128xf32, #tpu.memory_space<vmem>>, vector<16xf32>,
      %mul3A_658 = arith.mulf %mul3A_654, %get3A_657 : vector<16xf32>
      %add3A_659 = arith.addf %mul3A_647, %mul3A_658 : vector<16xf32>
      %get3A_660 = arith.index_cast %add3A_202 : i32 to index
      %get3A_661 = arith.constant 32 : index
      %get3A_662 = tpu.vector_load %arg11[%get3A_660, %get3A_661] {strides = array<i32>} : memref<128x128xf32, #tpu.memory_space<vmem>>, vector<16xf32>,
      %get3A_663 = arith.index_cast %add3A_202 : i32 to index
      %get3A_664 = arith.constant 32 : index
      %get3A_665 = tpu.vector_load %arg13[%get3A_663, %get3A_664] {strides = array<i32>} : memref<128x128xf32, #tpu.memory_space<vmem>>, vector<16xf32>,
      %mul3A_666 = arith.mulf %get3A_662, %get3A_665 : vector<16xf32>
      %get3A_667 = arith.index_cast %add3A_202 : i32 to index
      %get3A_668 = arith.constant 32 : index
      %get3A_669 = tpu.vector_load %arg15[%get3A_667, %get3A_668] {strides = array<i32>} : memref<128x128xf32, #tpu.memory_space<vmem>>, vector<16xf32>,
      %mul3A_670 = arith.mulf %mul3A_666, %get3A_669 : vector<16xf32>
      %add3A_671 = arith.addf %add3A_659, %mul3A_670 : vector<16xf32>
      %get3A_672 = arith.index_cast %add3A_202 : i32 to index
      %get3A_673 = arith.constant 48 : index
      %get3A_674 = tpu.vector_load %arg11[%get3A_672, %get3A_673] {strides = array<i32>} : memref<128x128xf32, #tpu.memory_space<vmem>>, vector<16xf32>,
      %get3A_675 = arith.index_cast %add3A_202 : i32 to index
      %get3A_676 = arith.constant 48 : index
      %get3A_677 = tpu.vector_load %arg13[%get3A_675, %get3A_676] {strides = array<i32>} : memref<128x128xf32, #tpu.memory_space<vmem>>, vector<16xf32>,
      %mul3A_678 = arith.mulf %get3A_674, %get3A_677 : vector<16xf32>
      %get3A_679 = arith.index_cast %add3A_202 : i32 to index
      %get3A_680 = arith.constant 48 : index
      %get3A_681 = tpu.vector_load %arg15[%get3A_679, %get3A_680] {strides = array<i32>} : memref<128x128xf32, #tpu.memory_space<vmem>>, vector<16xf32>,
      %mul3A_682 = arith.mulf %mul3A_678, %get3A_681 : vector<16xf32>
      %add3A_683 = arith.addf %add3A_671, %mul3A_682 : vector<16xf32>
      %get3A_684 = arith.index_cast %add3A_204 : i32 to index
      %get3A_685 = arith.constant 0 : index
      %get3A_686 = tpu.vector_load %arg11[%get3A_684, %get3A_685] {strides = array<i32>} : memref<128x128xf32, #tpu.memory_space<vmem>>, vector<16xf32>,
      %get3A_687 = arith.index_cast %add3A_204 : i32 to index
      %get3A_688 = arith.constant 0 : index
      %get3A_689 = tpu.vector_load %arg13[%get3A_687, %get3A_688] {strides = array<i32>} : memref<128x128xf32, #tpu.memory_space<vmem>>, vector<16xf32>,
      %mul3A_690 = arith.mulf %get3A_686, %get3A_689 : vector<16xf32>
      %get3A_691 = arith.index_cast %add3A_204 : i32 to index
      %get3A_692 = arith.constant 0 : index
      %get3A_693 = tpu.vector_load %arg15[%get3A_691, %get3A_692] {strides = array<i32>} : memref<128x128xf32, #tpu.memory_space<vmem>>, vector<16xf32>,
      %mul3A_694 = arith.mulf %mul3A_690, %get3A_693 : vector<16xf32>
      %get3A_695 = arith.index_cast %add3A_204 : i32 to index
      %get3A_696 = arith.constant 16 : index
      %get3A_697 = tpu.vector_load %arg11[%get3A_695, %get3A_696] {strides = array<i32>} : memref<128x128xf32, #tpu.memory_space<vmem>>, vector<16xf32>,
      %get3A_698 = arith.index_cast %add3A_204 : i32 to index
      %get3A_699 = arith.constant 16 : index
      %get3A_700 = tpu.vector_load %arg13[%get3A_698, %get3A_699] {strides = array<i32>} : memref<128x128xf32, #tpu.memory_space<vmem>>, vector<16xf32>,
      %mul3A_701 = arith.mulf %get3A_697, %get3A_700 : vector<16xf32>
      %get3A_702 = arith.index_cast %add3A_204 : i32 to index
      %get3A_703 = arith.constant 16 : index
      %get3A_704 = tpu.vector_load %arg15[%get3A_702, %get3A_703] {strides = array<i32>} : memref<128x128xf32, #tpu.memory_space<vmem>>, vector<16xf32>,
      %mul3A_705 = arith.mulf %mul3A_701, %get3A_704 : vector<16xf32>
      %add3A_706 = arith.addf %mul3A_694, %mul3A_705 : vector<16xf32>
      %get3A_707 = arith.index_cast %add3A_204 : i32 to index
      %get3A_708 = arith.constant 32 : index
      %get3A_709 = tpu.vector_load %arg11[%get3A_707, %get3A_708] {strides = array<i32>} : memref<128x128xf32, #tpu.memory_space<vmem>>, vector<16xf32>,
      %get3A_710 = arith.index_cast %add3A_204 : i32 to index
      %get3A_711 = arith.constant 32 : index
      %get3A_712 = tpu.vector_load %arg13[%get3A_710, %get3A_711] {strides = array<i32>} : memref<128x128xf32, #tpu.memory_space<vmem>>, vector<16xf32>,
      %mul3A_713 = arith.mulf %get3A_709, %get3A_712 : vector<16xf32>
      %get3A_714 = arith.index_cast %add3A_204 : i32 to index
      %get3A_715 = arith.constant 32 : index
      %get3A_716 = tpu.vector_load %arg15[%get3A_714, %get3A_715] {strides = array<i32>} : memref<128x128xf32, #tpu.memory_space<vmem>>, vector<16xf32>,
      %mul3A_717 = arith.mulf %mul3A_713, %get3A_716 : vector<16xf32>
      %add3A_718 = arith.addf %add3A_706, %mul3A_717 : vector<16xf32>
      %get3A_719 = arith.index_cast %add3A_204 : i32 to index
      %get3A_720 = arith.constant 48 : index
      %get3A_721 = tpu.vector_load %arg11[%get3A_719, %get3A_720] {strides = array<i32>} : memref<128x128xf32, #tpu.memory_space<vmem>>, vector<16xf32>,
      %get3A_722 = arith.index_cast %add3A_204 : i32 to index
      %get3A_723 = arith.constant 48 : index
      %get3A_724 = tpu.vector_load %arg13[%get3A_722, %get3A_723] {strides = array<i32>} : memref<128x128xf32, #tpu.memory_space<vmem>>, vector<16xf32>,
      %mul3A_725 = arith.mulf %get3A_721, %get3A_724 : vector<16xf32>
      %get3A_726 = arith.index_cast %add3A_204 : i32 to index
      %get3A_727 = arith.constant 48 : index
      %get3A_728 = tpu.vector_load %arg15[%get3A_726, %get3A_727] {strides = array<i32>} : memref<128x128xf32, #tpu.memory_space<vmem>>, vector<16xf32>,
      %mul3A_729 = arith.mulf %mul3A_725, %get3A_728 : vector<16xf32>
      %add3A_730 = arith.addf %add3A_718, %mul3A_729 : vector<16xf32>
      %get3A_731 = arith.index_cast %add3A_206 : i32 to index
      %get3A_732 = arith.constant 0 : index
      %get3A_733 = tpu.vector_load %arg11[%get3A_731, %get3A_732] {strides = array<i32>} : memref<128x128xf32, #tpu.memory_space<vmem>>, vector<16xf32>,
      %get3A_734 = arith.index_cast %add3A_206 : i32 to index
      %get3A_735 = arith.constant 0 : index
      %get3A_736 = tpu.vector_load %arg13[%get3A_734, %get3A_735] {strides = array<i32>} : memref<128x128xf32, #tpu.memory_space<vmem>>, vector<16xf32>,
      %mul3A_737 = arith.mulf %get3A_733, %get3A_736 : vector<16xf32>
      %get3A_738 = arith.index_cast %add3A_206 : i32 to index
      %get3A_739 = arith.constant 0 : index
      %get3A_740 = tpu.vector_load %arg15[%get3A_738, %get3A_739] {strides = array<i32>} : memref<128x128xf32, #tpu.memory_space<vmem>>, vector<16xf32>,
      %mul3A_741 = arith.mulf %mul3A_737, %get3A_740 : vector<16xf32>
      %get3A_742 = arith.index_cast %add3A_206 : i32 to index
      %get3A_743 = arith.constant 16 : index
      %get3A_744 = tpu.vector_load %arg11[%get3A_742, %get3A_743] {strides = array<i32>} : memref<128x128xf32, #tpu.memory_space<vmem>>, vector<16xf32>,
      %get3A_745 = arith.index_cast %add3A_206 : i32 to index
      %get3A_746 = arith.constant 16 : index
      %get3A_747 = tpu.vector_load %arg13[%get3A_745, %get3A_746] {strides = array<i32>} : memref<128x128xf32, #tpu.memory_space<vmem>>, vector<16xf32>,
      %mul3A_748 = arith.mulf %get3A_744, %get3A_747 : vector<16xf32>
      %get3A_749 = arith.index_cast %add3A_206 : i32 to index
      %get3A_750 = arith.constant 16 : index
      %get3A_751 = tpu.vector_load %arg15[%get3A_749, %get3A_750] {strides = array<i32>} : memref<128x128xf32, #tpu.memory_space<vmem>>, vector<16xf32>,
      %mul3A_752 = arith.mulf %mul3A_748, %get3A_751 : vector<16xf32>
      %add3A_753 = arith.addf %mul3A_741, %mul3A_752 : vector<16xf32>
      %get3A_754 = arith.index_cast %add3A_206 : i32 to index
      %get3A_755 = arith.constant 32 : index
      %get3A_756 = tpu.vector_load %arg11[%get3A_754, %get3A_755] {strides = array<i32>} : memref<128x128xf32, #tpu.memory_space<vmem>>, vector<16xf32>,
      %get3A_757 = arith.index_cast %add3A_206 : i32 to index
      %get3A_758 = arith.constant 32 : index
      %get3A_759 = tpu.vector_load %arg13[%get3A_757, %get3A_758] {strides = array<i32>} : memref<128x128xf32, #tpu.memory_space<vmem>>, vector<16xf32>,
      %mul3A_760 = arith.mulf %get3A_756, %get3A_759 : vector<16xf32>
      %get3A_761 = arith.index_cast %add3A_206 : i32 to index
      %get3A_762 = arith.constant 32 : index
      %get3A_763 = tpu.vector_load %arg15[%get3A_761, %get3A_762] {strides = array<i32>} : memref<128x128xf32, #tpu.memory_space<vmem>>, vector<16xf32>,
      %mul3A_764 = arith.mulf %mul3A_760, %get3A_763 : vector<16xf32>
      %add3A_765 = arith.addf %add3A_753, %mul3A_764 : vector<16xf32>
      %get3A_766 = arith.index_cast %add3A_206 : i32 to index
      %get3A_767 = arith.constant 48 : index
      %get3A_768 = tpu.vector_load %arg11[%get3A_766, %get3A_767] {strides = array<i32>} : memref<128x128xf32, #tpu.memory_space<vmem>>, vector<16xf32>,
      %get3A_769 = arith.index_cast %add3A_206 : i32 to index
      %get3A_770 = arith.constant 48 : index
      %get3A_771 = tpu.vector_load %arg13[%get3A_769, %get3A_770] {strides = array<i32>} : memref<128x128xf32, #tpu.memory_space<vmem>>, vector<16xf32>,
      %mul3A_772 = arith.mulf %get3A_768, %get3A_771 : vector<16xf32>
      %get3A_773 = arith.index_cast %add3A_206 : i32 to index
      %get3A_774 = arith.constant 48 : index
      %get3A_775 = tpu.vector_load %arg15[%get3A_773, %get3A_774] {strides = array<i32>} : memref<128x128xf32, #tpu.memory_space<vmem>>, vector<16xf32>,
      %mul3A_776 = arith.mulf %mul3A_772, %get3A_775 : vector<16xf32>
      %add3A_777 = arith.addf %add3A_765, %mul3A_776 : vector<16xf32>
      %get3A_778 = arith.index_cast %add3A_208 : i32 to index
      %get3A_779 = arith.constant 0 : index
      %get3A_780 = tpu.vector_load %arg11[%get3A_778, %get3A_779] {strides = array<i32>} : memref<128x128xf32, #tpu.memory_space<vmem>>, vector<16xf32>,
      %get3A_781 = arith.index_cast %add3A_208 : i32 to index
      %get3A_782 = arith.constant 0 : index
      %get3A_783 = tpu.vector_load %arg13[%get3A_781, %get3A_782] {strides = array<i32>} : memref<128x128xf32, #tpu.memory_space<vmem>>, vector<16xf32>,
      %mul3A_784 = arith.mulf %get3A_780, %get3A_783 : vector<16xf32>
      %get3A_785 = arith.index_cast %add3A_208 : i32 to index
      %get3A_786 = arith.constant 0 : index
      %get3A_787 = tpu.vector_load %arg15[%get3A_785, %get3A_786] {strides = array<i32>} : memref<128x128xf32, #tpu.memory_space<vmem>>, vector<16xf32>,
      %mul3A_788 = arith.mulf %mul3A_784, %get3A_787 : vector<16xf32>
      %get3A_789 = arith.index_cast %add3A_208 : i32 to index
      %get3A_790 = arith.constant 16 : index
      %get3A_791 = tpu.vector_load %arg11[%get3A_789, %get3A_790] {strides = array<i32>} : memref<128x128xf32, #tpu.memory_space<vmem>>, vector<16xf32>,
      %get3A_792 = arith.index_cast %add3A_208 : i32 to index
      %get3A_793 = arith.constant 16 : index
      %get3A_794 = tpu.vector_load %arg13[%get3A_792, %get3A_793] {strides = array<i32>} : memref<128x128xf32, #tpu.memory_space<vmem>>, vector<16xf32>,
      %mul3A_795 = arith.mulf %get3A_791, %get3A_794 : vector<16xf32>
      %get3A_796 = arith.index_cast %add3A_208 : i32 to index
      %get3A_797 = arith.constant 16 : index
      %get3A_798 = tpu.vector_load %arg15[%get3A_796, %get3A_797] {strides = array<i32>} : memref<128x128xf32, #tpu.memory_space<vmem>>, vector<16xf32>,
      %mul3A_799 = arith.mulf %mul3A_795, %get3A_798 : vector<16xf32>
      %add3A_800 = arith.addf %mul3A_788, %mul3A_799 : vector<16xf32>
      %get3A_801 = arith.index_cast %add3A_208 : i32 to index
      %get3A_802 = arith.constant 32 : index
      %get3A_803 = tpu.vector_load %arg11[%get3A_801, %get3A_802] {strides = array<i32>} : memref<128x128xf32, #tpu.memory_space<vmem>>, vector<16xf32>,
      %get3A_804 = arith.index_cast %add3A_208 : i32 to index
      %get3A_805 = arith.constant 32 : index
      %get3A_806 = tpu.vector_load %arg13[%get3A_804, %get3A_805] {strides = array<i32>} : memref<128x128xf32, #tpu.memory_space<vmem>>, vector<16xf32>,
      %mul3A_807 = arith.mulf %get3A_803, %get3A_806 : vector<16xf32>
      %get3A_808 = arith.index_cast %add3A_208 : i32 to index
      %get3A_809 = arith.constant 32 : index
      %get3A_810 = tpu.vector_load %arg15[%get3A_808, %get3A_809] {strides = array<i32>} : memref<128x128xf32, #tpu.memory_space<vmem>>, vector<16xf32>,
      %mul3A_811 = arith.mulf %mul3A_807, %get3A_810 : vector<16xf32>
      %add3A_812 = arith.addf %add3A_800, %mul3A_811 : vector<16xf32>
      %get3A_813 = arith.index_cast %add3A_208 : i32 to index
      %get3A_814 = arith.constant 48 : index
      %get3A_815 = tpu.vector_load %arg11[%get3A_813, %get3A_814] {strides = array<i32>} : memref<128x128xf32, #tpu.memory_space<vmem>>, vector<16xf32>,
      %get3A_816 = arith.index_cast %add3A_208 : i32 to index
      %get3A_817 = arith.constant 48 : index
      %get3A_818 = tpu.vector_load %arg13[%get3A_816, %get3A_817] {strides = array<i32>} : memref<128x128xf32, #tpu.memory_space<vmem>>, vector<16xf32>,
      %mul3A_819 = arith.mulf %get3A_815, %get3A_818 : vector<16xf32>
      %get3A_820 = arith.index_cast %add3A_208 : i32 to index
      %get3A_821 = arith.constant 48 : index
      %get3A_822 = tpu.vector_load %arg15[%get3A_820, %get3A_821] {strides = array<i32>} : memref<128x128xf32, #tpu.memory_space<vmem>>, vector<16xf32>,
      %mul3A_823 = arith.mulf %mul3A_819, %get3A_822 : vector<16xf32>
      %add3A_824 = arith.addf %add3A_812, %mul3A_823 : vector<16xf32>
      %get3A_825 = arith.index_cast %add3A_210 : i32 to index
      %get3A_826 = arith.constant 0 : index
      %get3A_827 = tpu.vector_load %arg11[%get3A_825, %get3A_826] {strides = array<i32>} : memref<128x128xf32, #tpu.memory_space<vmem>>, vector<16xf32>,
      %get3A_828 = arith.index_cast %add3A_210 : i32 to index
      %get3A_829 = arith.constant 0 : index
      %get3A_830 = tpu.vector_load %arg13[%get3A_828, %get3A_829] {strides = array<i32>} : memref<128x128xf32, #tpu.memory_space<vmem>>, vector<16xf32>,
      %mul3A_831 = arith.mulf %get3A_827, %get3A_830 : vector<16xf32>
      %get3A_832 = arith.index_cast %add3A_210 : i32 to index
      %get3A_833 = arith.constant 0 : index
      %get3A_834 = tpu.vector_load %arg15[%get3A_832, %get3A_833] {strides = array<i32>} : memref<128x128xf32, #tpu.memory_space<vmem>>, vector<16xf32>,
      %mul3A_835 = arith.mulf %mul3A_831, %get3A_834 : vector<16xf32>
      %get3A_836 = arith.index_cast %add3A_210 : i32 to index
      %get3A_837 = arith.constant 16 : index
      %get3A_838 = tpu.vector_load %arg11[%get3A_836, %get3A_837] {strides = array<i32>} : memref<128x128xf32, #tpu.memory_space<vmem>>, vector<16xf32>,
      %get3A_839 = arith.index_cast %add3A_210 : i32 to index
      %get3A_840 = arith.constant 16 : index
      %get3A_841 = tpu.vector_load %arg13[%get3A_839, %get3A_840] {strides = array<i32>} : memref<128x128xf32, #tpu.memory_space<vmem>>, vector<16xf32>,
      %mul3A_842 = arith.mulf %get3A_838, %get3A_841 : vector<16xf32>
      %get3A_843 = arith.index_cast %add3A_210 : i32 to index
      %get3A_844 = arith.constant 16 : index
      %get3A_845 = tpu.vector_load %arg15[%get3A_843, %get3A_844] {strides = array<i32>} : memref<128x128xf32, #tpu.memory_space<vmem>>, vector<16xf32>,
      %mul3A_846 = arith.mulf %mul3A_842, %get3A_845 : vector<16xf32>
      %add3A_847 = arith.addf %mul3A_835, %mul3A_846 : vector<16xf32>
      %get3A_848 = arith.index_cast %add3A_210 : i32 to index
      %get3A_849 = arith.constant 32 : index
      %get3A_850 = tpu.vector_load %arg11[%get3A_848, %get3A_849] {strides = array<i32>} : memref<128x128xf32, #tpu.memory_space<vmem>>, vector<16xf32>,
      %get3A_851 = arith.index_cast %add3A_210 : i32 to index
      %get3A_852 = arith.constant 32 : index
      %get3A_853 = tpu.vector_load %arg13[%get3A_851, %get3A_852] {strides = array<i32>} : memref<128x128xf32, #tpu.memory_space<vmem>>, vector<16xf32>,
      %mul3A_854 = arith.mulf %get3A_850, %get3A_853 : vector<16xf32>
      %get3A_855 = arith.index_cast %add3A_210 : i32 to index
      %get3A_856 = arith.constant 32 : index
      %get3A_857 = tpu.vector_load %arg15[%get3A_855, %get3A_856] {strides = array<i32>} : memref<128x128xf32, #tpu.memory_space<vmem>>, vector<16xf32>,
      %mul3A_858 = arith.mulf %mul3A_854, %get3A_857 : vector<16xf32>
      %add3A_859 = arith.addf %add3A_847, %mul3A_858 : vector<16xf32>
      %get3A_860 = arith.index_cast %add3A_210 : i32 to index
      %get3A_861 = arith.constant 48 : index
      %get3A_862 = tpu.vector_load %arg11[%get3A_860, %get3A_861] {strides = array<i32>} : memref<128x128xf32, #tpu.memory_space<vmem>>, vector<16xf32>,
      %get3A_863 = arith.index_cast %add3A_210 : i32 to index
      %get3A_864 = arith.constant 48 : index
      %get3A_865 = tpu.vector_load %arg13[%get3A_863, %get3A_864] {strides = array<i32>} : memref<128x128xf32, #tpu.memory_space<vmem>>, vector<16xf32>,
      %mul3A_866 = arith.mulf %get3A_862, %get3A_865 : vector<16xf32>
      %get3A_867 = arith.index_cast %add3A_210 : i32 to index
      %get3A_868 = arith.constant 48 : index
      %get3A_869 = tpu.vector_load %arg15[%get3A_867, %get3A_868] {strides = array<i32>} : memref<128x128xf32, #tpu.memory_space<vmem>>, vector<16xf32>,
      %mul3A_870 = arith.mulf %mul3A_866, %get3A_869 : vector<16xf32>
      %add3A_871 = arith.addf %add3A_859, %mul3A_870 : vector<16xf32>
      %get3A_872 = arith.index_cast %add3A_212 : i32 to index
      %get3A_873 = arith.constant 0 : index
      %get3A_874 = tpu.vector_load %arg11[%get3A_872, %get3A_873] {strides = array<i32>} : memref<128x128xf32, #tpu.memory_space<vmem>>, vector<16xf32>,
      %get3A_875 = arith.index_cast %add3A_212 : i32 to index
      %get3A_876 = arith.constant 0 : index
      %get3A_877 = tpu.vector_load %arg13[%get3A_875, %get3A_876] {strides = array<i32>} : memref<128x128xf32, #tpu.memory_space<vmem>>, vector<16xf32>,
      %mul3A_878 = arith.mulf %get3A_874, %get3A_877 : vector<16xf32>
      %get3A_879 = arith.index_cast %add3A_212 : i32 to index
      %get3A_880 = arith.constant 0 : index
      %get3A_881 = tpu.vector_load %arg15[%get3A_879, %get3A_880] {strides = array<i32>} : memref<128x128xf32, #tpu.memory_space<vmem>>, vector<16xf32>,
      %mul3A_882 = arith.mulf %mul3A_878, %get3A_881 : vector<16xf32>
      %get3A_883 = arith.index_cast %add3A_212 : i32 to index
      %get3A_884 = arith.constant 16 : index
      %get3A_885 = tpu.vector_load %arg11[%get3A_883, %get3A_884] {strides = array<i32>} : memref<128x128xf32, #tpu.memory_space<vmem>>, vector<16xf32>,
      %get3A_886 = arith.index_cast %add3A_212 : i32 to index
      %get3A_887 = arith.constant 16 : index
      %get3A_888 = tpu.vector_load %arg13[%get3A_886, %get3A_887] {strides = array<i32>} : memref<128x128xf32, #tpu.memory_space<vmem>>, vector<16xf32>,
      %mul3A_889 = arith.mulf %get3A_885, %get3A_888 : vector<16xf32>
      %get3A_890 = arith.index_cast %add3A_212 : i32 to index
      %get3A_891 = arith.constant 16 : index
      %get3A_892 = tpu.vector_load %arg15[%get3A_890, %get3A_891] {strides = array<i32>} : memref<128x128xf32, #tpu.memory_space<vmem>>, vector<16xf32>,
      %mul3A_893 = arith.mulf %mul3A_889, %get3A_892 : vector<16xf32>
      %add3A_894 = arith.addf %mul3A_882, %mul3A_893 : vector<16xf32>
      %get3A_895 = arith.index_cast %add3A_212 : i32 to index
      %get3A_896 = arith.constant 32 : index
      %get3A_897 = tpu.vector_load %arg11[%get3A_895, %get3A_896] {strides = array<i32>} : memref<128x128xf32, #tpu.memory_space<vmem>>, vector<16xf32>,
      %get3A_898 = arith.index_cast %add3A_212 : i32 to index
      %get3A_899 = arith.constant 32 : index
      %get3A_900 = tpu.vector_load %arg13[%get3A_898, %get3A_899] {strides = array<i32>} : memref<128x128xf32, #tpu.memory_space<vmem>>, vector<16xf32>,
      %mul3A_901 = arith.mulf %get3A_897, %get3A_900 : vector<16xf32>
      %get3A_902 = arith.index_cast %add3A_212 : i32 to index
      %get3A_903 = arith.constant 32 : index
      %get3A_904 = tpu.vector_load %arg15[%get3A_902, %get3A_903] {strides = array<i32>} : memref<128x128xf32, #tpu.memory_space<vmem>>, vector<16xf32>,
      %mul3A_905 = arith.mulf %mul3A_901, %get3A_904 : vector<16xf32>
      %add3A_906 = arith.addf %add3A_894, %mul3A_905 : vector<16xf32>
      %get3A_907 = arith.index_cast %add3A_212 : i32 to index
      %get3A_908 = arith.constant 48 : index
      %get3A_909 = tpu.vector_load %arg11[%get3A_907, %get3A_908] {strides = array<i32>} : memref<128x128xf32, #tpu.memory_space<vmem>>, vector<16xf32>,
      %get3A_910 = arith.index_cast %add3A_212 : i32 to index
      %get3A_911 = arith.constant 48 : index
      %get3A_912 = tpu.vector_load %arg13[%get3A_910, %get3A_911] {strides = array<i32>} : memref<128x128xf32, #tpu.memory_space<vmem>>, vector<16xf32>,
      %mul3A_913 = arith.mulf %get3A_909, %get3A_912 : vector<16xf32>
      %get3A_914 = arith.index_cast %add3A_212 : i32 to index
      %get3A_915 = arith.constant 48 : index
      %get3A_916 = tpu.vector_load %arg15[%get3A_914, %get3A_915] {strides = array<i32>} : memref<128x128xf32, #tpu.memory_space<vmem>>, vector<16xf32>,
      %mul3A_917 = arith.mulf %mul3A_913, %get3A_916 : vector<16xf32>
      %add3A_918 = arith.addf %add3A_906, %mul3A_917 : vector<16xf32>
      %get3A_919 = arith.index_cast %add3A_214 : i32 to index
      %get3A_920 = arith.constant 0 : index
      %get3A_921 = tpu.vector_load %arg11[%get3A_919, %get3A_920] {strides = array<i32>} : memref<128x128xf32, #tpu.memory_space<vmem>>, vector<16xf32>,
      %get3A_922 = arith.index_cast %add3A_214 : i32 to index
      %get3A_923 = arith.constant 0 : index
      %get3A_924 = tpu.vector_load %arg13[%get3A_922, %get3A_923] {strides = array<i32>} : memref<128x128xf32, #tpu.memory_space<vmem>>, vector<16xf32>,
      %mul3A_925 = arith.mulf %get3A_921, %get3A_924 : vector<16xf32>
      %get3A_926 = arith.index_cast %add3A_214 : i32 to index
      %get3A_927 = arith.constant 0 : index
      %get3A_928 = tpu.vector_load %arg15[%get3A_926, %get3A_927] {strides = array<i32>} : memref<128x128xf32, #tpu.memory_space<vmem>>, vector<16xf32>,
      %mul3A_929 = arith.mulf %mul3A_925, %get3A_928 : vector<16xf32>
      %get3A_930 = arith.index_cast %add3A_214 : i32 to index
      %get3A_931 = arith.constant 16 : index
      %get3A_932 = tpu.vector_load %arg11[%get3A_930, %get3A_931] {strides = array<i32>} : memref<128x128xf32, #tpu.memory_space<vmem>>, vector<16xf32>,
      %get3A_933 = arith.index_cast %add3A_214 : i32 to index
      %get3A_934 = arith.constant 16 : index
      %get3A_935 = tpu.vector_load %arg13[%get3A_933, %get3A_934] {strides = array<i32>} : memref<128x128xf32, #tpu.memory_space<vmem>>, vector<16xf32>,
      %mul3A_936 = arith.mulf %get3A_932, %get3A_935 : vector<16xf32>
      %get3A_937 = arith.index_cast %add3A_214 : i32 to index
      %get3A_938 = arith.constant 16 : index
      %get3A_939 = tpu.vector_load %arg15[%get3A_937, %get3A_938] {strides = array<i32>} : memref<128x128xf32, #tpu.memory_space<vmem>>, vector<16xf32>,
      %mul3A_940 = arith.mulf %mul3A_936, %get3A_939 : vector<16xf32>
      %add3A_941 = arith.addf %mul3A_929, %mul3A_940 : vector<16xf32>
      %get3A_942 = arith.index_cast %add3A_214 : i32 to index
      %get3A_943 = arith.constant 32 : index
      %get3A_944 = tpu.vector_load %arg11[%get3A_942, %get3A_943] {strides = array<i32>} : memref<128x128xf32, #tpu.memory_space<vmem>>, vector<16xf32>,
      %get3A_945 = arith.index_cast %add3A_214 : i32 to index
      %get3A_946 = arith.constant 32 : index
      %get3A_947 = tpu.vector_load %arg13[%get3A_945, %get3A_946] {strides = array<i32>} : memref<128x128xf32, #tpu.memory_space<vmem>>, vector<16xf32>,
      %mul3A_948 = arith.mulf %get3A_944, %get3A_947 : vector<16xf32>
      %get3A_949 = arith.index_cast %add3A_214 : i32 to index
      %get3A_950 = arith.constant 32 : index
      %get3A_951 = tpu.vector_load %arg15[%get3A_949, %get3A_950] {strides = array<i32>} : memref<128x128xf32, #tpu.memory_space<vmem>>, vector<16xf32>,
      %mul3A_952 = arith.mulf %mul3A_948, %get3A_951 : vector<16xf32>
      %add3A_953 = arith.addf %add3A_941, %mul3A_952 : vector<16xf32>
      %get3A_954 = arith.index_cast %add3A_214 : i32 to index
      %get3A_955 = arith.constant 48 : index
      %get3A_956 = tpu.vector_load %arg11[%get3A_954, %get3A_955] {strides = array<i32>} : memref<128x128xf32, #tpu.memory_space<vmem>>, vector<16xf32>,
      %get3A_957 = arith.index_cast %add3A_214 : i32 to index
      %get3A_958 = arith.constant 48 : index
      %get3A_959 = tpu.vector_load %arg13[%get3A_957, %get3A_958] {strides = array<i32>} : memref<128x128xf32, #tpu.memory_space<vmem>>, vector<16xf32>,
      %mul3A_960 = arith.mulf %get3A_956, %get3A_959 : vector<16xf32>
      %get3A_961 = arith.index_cast %add3A_214 : i32 to index
      %get3A_962 = arith.constant 48 : index
      %get3A_963 = tpu.vector_load %arg15[%get3A_961, %get3A_962] {strides = array<i32>} : memref<128x128xf32, #tpu.memory_space<vmem>>, vector<16xf32>,
      %mul3A_964 = arith.mulf %mul3A_960, %get3A_963 : vector<16xf32>
      %add3A_965 = arith.addf %add3A_953, %mul3A_964 : vector<16xf32>
      %broadcast_in_dim3A_966 = arith.constant true
      %broadcast_in_dim3A_967 = vector.broadcast %broadcast_in_dim3A_966 : i1 to vector<16xi1>
      %masked_cumsum3A = tpu.scan <sum>, %add3A_260 masked %broadcast_in_dim3A_967 : vector<16xf32>, vector<16xi1> -> vector<16xf32>
      %broadcast_in_dim3A_968 = arith.constant true
      %broadcast_in_dim3A_969 = vector.broadcast %broadcast_in_dim3A_968 : i1 to vector<16xi1>
      %masked_cumsum3A_970 = tpu.scan <sum>, %add3A_307 masked %broadcast_in_dim3A_969 : vector<16xf32>, vector<16xi1> -> vector<16xf32>
      %broadcast_in_dim3A_971 = arith.constant true
      %broadcast_in_dim3A_972 = vector.broadcast %broadcast_in_dim3A_971 : i1 to vector<16xi1>
      %masked_cumsum3A_973 = tpu.scan <sum>, %add3A_354 masked %broadcast_in_dim3A_972 : vector<16xf32>, vector<16xi1> -> vector<16xf32>
      %broadcast_in_dim3A_974 = arith.constant true
      %broadcast_in_dim3A_975 = vector.broadcast %broadcast_in_dim3A_974 : i1 to vector<16xi1>
      %masked_cumsum3A_976 = tpu.scan <sum>, %add3A_401 masked %broadcast_in_dim3A_975 : vector<16xf32>, vector<16xi1> -> vector<16xf32>
      %broadcast_in_dim3A_977 = arith.constant true
      %broadcast_in_dim3A_978 = vector.broadcast %broadcast_in_dim3A_977 : i1 to vector<16xi1>
      %masked_cumsum3A_979 = tpu.scan <sum>, %add3A_448 masked %broadcast_in_dim3A_978 : vector<16xf32>, vector<16xi1> -> vector<16xf32>
      %broadcast_in_dim3A_980 = arith.constant true
      %broadcast_in_dim3A_981 = vector.broadcast %broadcast_in_dim3A_980 : i1 to vector<16xi1>
      %masked_cumsum3A_982 = tpu.scan <sum>, %add3A_495 masked %broadcast_in_dim3A_981 : vector<16xf32>, vector<16xi1> -> vector<16xf32>
      %broadcast_in_dim3A_983 = arith.constant true
      %broadcast_in_dim3A_984 = vector.broadcast %broadcast_in_dim3A_983 : i1 to vector<16xi1>
      %masked_cumsum3A_985 = tpu.scan <sum>, %add3A_542 masked %broadcast_in_dim3A_984 : vector<16xf32>, vector<16xi1> -> vector<16xf32>
      %broadcast_in_dim3A_986 = arith.constant true
      %broadcast_in_dim3A_987 = vector.broadcast %broadcast_in_dim3A_986 : i1 to vector<16xi1>
      %masked_cumsum3A_988 = tpu.scan <sum>, %add3A_589 masked %broadcast_in_dim3A_987 : vector<16xf32>, vector<16xi1> -> vector<16xf32>
      %broadcast_in_dim3A_989 = arith.constant true
      %broadcast_in_dim3A_990 = vector.broadcast %broadcast_in_dim3A_989 : i1 to vector<16xi1>
      %masked_cumsum3A_991 = tpu.scan <sum>, %add3A_636 masked %broadcast_in_dim3A_990 : vector<16xf32>, vector<16xi1> -> vector<16xf32>
      %broadcast_in_dim3A_992 = arith.constant true
      %broadcast_in_dim3A_993 = vector.broadcast %broadcast_in_dim3A_992 : i1 to vector<16xi1>
      %masked_cumsum3A_994 = tpu.scan <sum>, %add3A_683 masked %broadcast_in_dim3A_993 : vector<16xf32>, vector<16xi1> -> vector<16xf32>
      %broadcast_in_dim3A_995 = arith.constant true
      %broadcast_in_dim3A_996 = vector.broadcast %broadcast_in_dim3A_995 : i1 to vector<16xi1>
      %masked_cumsum3A_997 = tpu.scan <sum>, %add3A_730 masked %broadcast_in_dim3A_996 : vector<16xf32>, vector<16xi1> -> vector<16xf32>
      %broadcast_in_dim3A_998 = arith.constant true
      %broadcast_in_dim3A_999 = vector.broadcast %broadcast_in_dim3A_998 : i1 to vector<16xi1>
      %masked_cumsum3A_1000 = tpu.scan <sum>, %add3A_777 masked %broadcast_in_dim3A_999 : vector<16xf32>, vector<16xi1> -> vector<16xf32>
      %broadcast_in_dim3A_1001 = arith.constant true
      %broadcast_in_dim3A_1002 = vector.broadcast %broadcast_in_dim3A_1001 : i1 to vector<16xi1>
      %masked_cumsum3A_1003 = tpu.scan <sum>, %add3A_824 masked %broadcast_in_dim3A_1002 : vector<16xf32>, vector<16xi1> -> vector<16xf32>
      %broadcast_in_dim3A_1004 = arith.constant true
      %broadcast_in_dim3A_1005 = vector.broadcast %broadcast_in_dim3A_1004 : i1 to vector<16xi1>
      %masked_cumsum3A_1006 = tpu.scan <sum>, %add3A_871 masked %broadcast_in_dim3A_1005 : vector<16xf32>, vector<16xi1> -> vector<16xf32>
      %broadcast_in_dim3A_1007 = arith.constant true
      %broadcast_in_dim3A_1008 = vector.broadcast %broadcast_in_dim3A_1007 : i1 to vector<16xi1>
      %masked_cumsum3A_1009 = tpu.scan <sum>, %add3A_918 masked %broadcast_in_dim3A_1008 : vector<16xf32>, vector<16xi1> -> vector<16xf32>
      %broadcast_in_dim3A_1010 = arith.constant true
      %broadcast_in_dim3A_1011 = vector.broadcast %broadcast_in_dim3A_1010 : i1 to vector<16xi1>
      %masked_cumsum3A_1012 = tpu.scan <sum>, %add3A_965 masked %broadcast_in_dim3A_1011 : vector<16xf32>, vector<16xi1> -> vector<16xf32>
      %add3A_1013 = arith.constant 256 : i32
      %add3A_1014 = arith.addi %add3A_1013, %add3A_184 : i32
      %add3A_1015 = vector.broadcast %add3A_1014 : i32 to vector<16xi32>
      %add3A_1016 = arith.addi %broadcast_in_dim3A_34, %add3A_1015 : vector<16xi32>
      tpu.vector_store_idx %arg17[%add3A_1016], %masked_cumsum3A masked %eq3A_33 : memref<512xf32, #tpu.memory_space<vmem>>[vector<16xi32>], vector<16xf32>, vector<16xi1>
      %add3A_1017 = arith.constant 256 : i32
      %add3A_1018 = arith.addi %add3A_1017, %add3A_186 : i32
      %add3A_1019 = vector.broadcast %add3A_1018 : i32 to vector<16xi32>
      %add3A_1020 = arith.addi %broadcast_in_dim3A_34, %add3A_1019 : vector<16xi32>
      tpu.vector_store_idx %arg17[%add3A_1020], %masked_cumsum3A_970 masked %eq3A_33 : memref<512xf32, #tpu.memory_space<vmem>>[vector<16xi32>], vector<16xf32>, vector<16xi1>
      %add3A_1021 = arith.constant 256 : i32
      %add3A_1022 = arith.addi %add3A_1021, %add3A_188 : i32
      %add3A_1023 = vector.broadcast %add3A_1022 : i32 to vector<16xi32>
      %add3A_1024 = arith.addi %broadcast_in_dim3A_34, %add3A_1023 : vector<16xi32>
      tpu.vector_store_idx %arg17[%add3A_1024], %masked_cumsum3A_973 masked %eq3A_33 : memref<512xf32, #tpu.memory_space<vmem>>[vector<16xi32>], vector<16xf32>, vector<16xi1>
      %add3A_1025 = arith.constant 256 : i32
      %add3A_1026 = arith.addi %add3A_1025, %add3A_190 : i32
      %add3A_1027 = vector.broadcast %add3A_1026 : i32 to vector<16xi32>
      %add3A_1028 = arith.addi %broadcast_in_dim3A_34, %add3A_1027 : vector<16xi32>
      tpu.vector_store_idx %arg17[%add3A_1028], %masked_cumsum3A_976 masked %eq3A_33 : memref<512xf32, #tpu.memory_space<vmem>>[vector<16xi32>], vector<16xf32>, vector<16xi1>
      %add3A_1029 = arith.constant 256 : i32
      %add3A_1030 = arith.addi %add3A_1029, %add3A_192 : i32
      %add3A_1031 = vector.broadcast %add3A_1030 : i32 to vector<16xi32>
      %add3A_1032 = arith.addi %broadcast_in_dim3A_34, %add3A_1031 : vector<16xi32>
      tpu.vector_store_idx %arg17[%add3A_1032], %masked_cumsum3A_979 masked %eq3A_33 : memref<512xf32, #tpu.memory_space<vmem>>[vector<16xi32>], vector<16xf32>, vector<16xi1>
      %add3A_1033 = arith.constant 256 : i32
      %add3A_1034 = arith.addi %add3A_1033, %add3A_194 : i32
      %add3A_1035 = vector.broadcast %add3A_1034 : i32 to vector<16xi32>
      %add3A_1036 = arith.addi %broadcast_in_dim3A_34, %add3A_1035 : vector<16xi32>
      tpu.vector_store_idx %arg17[%add3A_1036], %masked_cumsum3A_982 masked %eq3A_33 : memref<512xf32, #tpu.memory_space<vmem>>[vector<16xi32>], vector<16xf32>, vector<16xi1>
      %add3A_1037 = arith.constant 256 : i32
      %add3A_1038 = arith.addi %add3A_1037, %add3A_196 : i32
      %add3A_1039 = vector.broadcast %add3A_1038 : i32 to vector<16xi32>
      %add3A_1040 = arith.addi %broadcast_in_dim3A_34, %add3A_1039 : vector<16xi32>
      tpu.vector_store_idx %arg17[%add3A_1040], %masked_cumsum3A_985 masked %eq3A_33 : memref<512xf32, #tpu.memory_space<vmem>>[vector<16xi32>], vector<16xf32>, vector<16xi1>
      %add3A_1041 = arith.constant 256 : i32
      %add3A_1042 = arith.addi %add3A_1041, %add3A_198 : i32
      %add3A_1043 = vector.broadcast %add3A_1042 : i32 to vector<16xi32>
      %add3A_1044 = arith.addi %broadcast_in_dim3A_34, %add3A_1043 : vector<16xi32>
      tpu.vector_store_idx %arg17[%add3A_1044], %masked_cumsum3A_988 masked %eq3A_33 : memref<512xf32, #tpu.memory_space<vmem>>[vector<16xi32>], vector<16xf32>, vector<16xi1>
      %add3A_1045 = arith.constant 256 : i32
      %add3A_1046 = arith.addi %add3A_1045, %add3A_200 : i32
      %add3A_1047 = vector.broadcast %add3A_1046 : i32 to vector<16xi32>
      %add3A_1048 = arith.addi %broadcast_in_dim3A_34, %add3A_1047 : vector<16xi32>
      tpu.vector_store_idx %arg17[%add3A_1048], %masked_cumsum3A_991 masked %eq3A_33 : memref<512xf32, #tpu.memory_space<vmem>>[vector<16xi32>], vector<16xf32>, vector<16xi1>
      %add3A_1049 = arith.constant 256 : i32
      %add3A_1050 = arith.addi %add3A_1049, %add3A_202 : i32
      %add3A_1051 = vector.broadcast %add3A_1050 : i32 to vector<16xi32>
      %add3A_1052 = arith.addi %broadcast_in_dim3A_34, %add3A_1051 : vector<16xi32>
      tpu.vector_store_idx %arg17[%add3A_1052], %masked_cumsum3A_994 masked %eq3A_33 : memref<512xf32, #tpu.memory_space<vmem>>[vector<16xi32>], vector<16xf32>, vector<16xi1>
      %add3A_1053 = arith.constant 256 : i32
      %add3A_1054 = arith.addi %add3A_1053, %add3A_204 : i32
      %add3A_1055 = vector.broadcast %add3A_1054 : i32 to vector<16xi32>
      %add3A_1056 = arith.addi %broadcast_in_dim3A_34, %add3A_1055 : vector<16xi32>
      tpu.vector_store_idx %arg17[%add3A_1056], %masked_cumsum3A_997 masked %eq3A_33 : memref<512xf32, #tpu.memory_space<vmem>>[vector<16xi32>], vector<16xf32>, vector<16xi1>
      %add3A_1057 = arith.constant 256 : i32
      %add3A_1058 = arith.addi %add3A_1057, %add3A_206 : i32
      %add3A_1059 = vector.broadcast %add3A_1058 : i32 to vector<16xi32>
      %add3A_1060 = arith.addi %broadcast_in_dim3A_34, %add3A_1059 : vector<16xi32>
      tpu.vector_store_idx %arg17[%add3A_1060], %masked_cumsum3A_1000 masked %eq3A_33 : memref<512xf32, #tpu.memory_space<vmem>>[vector<16xi32>], vector<16xf32>, vector<16xi1>
      %add3A_1061 = arith.constant 256 : i32
      %add3A_1062 = arith.addi %add3A_1061, %add3A_208 : i32
      %add3A_1063 = vector.broadcast %add3A_1062 : i32 to vector<16xi32>
      %add3A_1064 = arith.addi %broadcast_in_dim3A_34, %add3A_1063 : vector<16xi32>
      tpu.vector_store_idx %arg17[%add3A_1064], %masked_cumsum3A_1003 masked %eq3A_33 : memref<512xf32, #tpu.memory_space<vmem>>[vector<16xi32>], vector<16xf32>, vector<16xi1>
      %add3A_1065 = arith.constant 256 : i32
      %add3A_1066 = arith.addi %add3A_1065, %add3A_210 : i32
      %add3A_1067 = vector.broadcast %add3A_1066 : i32 to vector<16xi32>
      %add3A_1068 = arith.addi %broadcast_in_dim3A_34, %add3A_1067 : vector<16xi32>
      tpu.vector_store_idx %arg17[%add3A_1068], %masked_cumsum3A_1006 masked %eq3A_33 : memref<512xf32, #tpu.memory_space<vmem>>[vector<16xi32>], vector<16xf32>, vector<16xi1>
      %add3A_1069 = arith.constant 256 : i32
      %add3A_1070 = arith.addi %add3A_1069, %add3A_212 : i32
      %add3A_1071 = vector.broadcast %add3A_1070 : i32 to vector<16xi32>
      %add3A_1072 = arith.addi %broadcast_in_dim3A_34, %add3A_1071 : vector<16xi32>
      tpu.vector_store_idx %arg17[%add3A_1072], %masked_cumsum3A_1009 masked %eq3A_33 : memref<512xf32, #tpu.memory_space<vmem>>[vector<16xi32>], vector<16xf32>, vector<16xi1>
      %add3A_1073 = arith.constant 256 : i32
      %add3A_1074 = arith.addi %add3A_1073, %add3A_214 : i32
      %add3A_1075 = vector.broadcast %add3A_1074 : i32 to vector<16xi32>
      %add3A_1076 = arith.addi %broadcast_in_dim3A_34, %add3A_1075 : vector<16xi32>
      tpu.vector_store_idx %arg17[%add3A_1076], %masked_cumsum3A_1012 masked %eq3A_33 : memref<512xf32, #tpu.memory_space<vmem>>[vector<16xi32>], vector<16xf32>, vector<16xi1>
      %scan3A_1077 = arith.constant 0 : i32
      scf.yield %scan3A_1077 : i32
    }
    %scan3A_142 = arith.constant 8 : i32
    %scan3A_143 = arith.constant 0 : i32
    %scan3A_144 = arith.constant 0 : i32
    %scan3A_145 = arith.constant 8 : i32
    %scan3A_146 = arith.addi %scan3A_144, %scan3A_145 : i32
    %scan3A_147 = arith.constant 1 : i32
    %scan3A_148 = scf.for %scan3A_179 = %scan3A_144 to %scan3A_146 step %scan3A_147 iter_args(%scan3A_180 = %scan3A_143) -> (i32)  : i32 {
      %mul3A_181 = arith.constant 16 : i32
      %mul3A_182 = arith.muli %scan3A_179, %mul3A_181 : i32
      %add3A_183 = arith.constant 256 : i32
      %add3A_184 = arith.addi %add3A_183, %mul3A_182 : i32
      %get3A = arith.index_cast %add3A_184 : i32 to index
      %get3A_185 = tpu.vector_load %arg17[%get3A] {strides = array<i32>} : memref<512xf32, #tpu.memory_space<vmem>>, vector<16xf32>,
      %neg3A = arith.constant 0.000000e+00 : f32
      %neg3A_186 = vector.broadcast %neg3A : f32 to vector<16xf32>
      %neg3A_187 = arith.subf %neg3A_186, %get3A_185 : vector<16xf32>
      %exp3A = math.exp %neg3A_187 : vector<16xf32>
      %add3A_188 = arith.constant 1.000000e+00 : f32
      %add3A_189 = vector.broadcast %add3A_188 : f32 to vector<16xf32>
      %add3A_190 = arith.addf %add3A_189, %exp3A : vector<16xf32>
      %div3A = arith.constant 1.000000e+00 : f32
      %div3A_191 = vector.broadcast %div3A : f32 to vector<16xf32>
      %div3A_192 = arith.divf %div3A_191, %add3A_190 : vector<16xf32>
      %neg3A_193 = arith.constant 0.000000e+00 : f32
      %neg3A_194 = vector.broadcast %neg3A_193 : f32 to vector<16xf32>
      %neg3A_195 = arith.subf %neg3A_194, %div3A_192 : vector<16xf32>
      %exp3A_196 = math.exp %neg3A_195 : vector<16xf32>
      %add3A_197 = arith.constant 1.000000e+00 : f32
      %add3A_198 = vector.broadcast %add3A_197 : f32 to vector<16xf32>
      %add3A_199 = arith.addf %add3A_198, %exp3A_196 : vector<16xf32>
      %div3A_200 = arith.constant 1.000000e+00 : f32
      %div3A_201 = vector.broadcast %div3A_200 : f32 to vector<16xf32>
      %div3A_202 = arith.divf %div3A_201, %add3A_199 : vector<16xf32>
      %swap3A = arith.index_cast %add3A_184 : i32 to index
      %swap3A_203 = tpu.vector_load %arg17[%swap3A] {strides = array<i32>} : memref<512xf32, #tpu.memory_space<vmem>>, vector<16xf32>,
      tpu.vector_store %arg17[%swap3A], %div3A_202 {strides = array<i32>} : memref<512xf32, #tpu.memory_space<vmem>>, vector<16xf32>,
      %scan3A_204 = arith.constant 0 : i32
      scf.yield %scan3A_204 : i32
    }
    %scan3A_149 = arith.constant 8 : i32
    %dma_wait3A_150 = arith.constant 384 : i32
    %dma_wait3A_151 = tpu.memref_slice %arg8[%dma_wait3A_150] : memref<512xi32, #tpu.memory_space<vmem>> -> memref<128xi32, #tpu.memory_space<vmem>>
    %dma_wait3A_152 = arith.constant 0 : i32
    %dma_wait3A_153 = arith.constant 0 : i32
    %dma_wait3A_154 = tpu.memref_slice %arg5[%dma_wait3A_152, %dma_wait3A_153] : memref<100000x128xf32, #tpu.memory_space<hbm>> -> memref<100000x128xf32, #tpu.memory_space<hbm>>
    tpu.wait_indirect_dma semaphore(%arg21 : memref<!tpu.dma_semaphore, #tpu.memory_space<semaphore_mem>>) src(%dma_wait3A_154 : memref<100000x128xf32, #tpu.memory_space<hbm>>) dst(%arg12 : memref<128x128xf32, #tpu.memory_space<vmem>>)
    %dma_wait3A_155 = arith.constant 384 : i32
    %dma_wait3A_156 = tpu.memref_slice %arg9[%dma_wait3A_155] : memref<512xi32, #tpu.memory_space<vmem>> -> memref<128xi32, #tpu.memory_space<vmem>>
    %dma_wait3A_157 = arith.constant 0 : i32
    %dma_wait3A_158 = arith.constant 0 : i32
    %dma_wait3A_159 = tpu.memref_slice %arg6[%dma_wait3A_157, %dma_wait3A_158] : memref<1000x128xf32, #tpu.memory_space<hbm>> -> memref<1000x128xf32, #tpu.memory_space<hbm>>
    tpu.wait_indirect_dma semaphore(%arg21 : memref<!tpu.dma_semaphore, #tpu.memory_space<semaphore_mem>>) src(%dma_wait3A_159 : memref<1000x128xf32, #tpu.memory_space<hbm>>) dst(%arg14 : memref<128x128xf32, #tpu.memory_space<vmem>>)
    %dma_wait3A_160 = arith.constant 384 : i32
    %dma_wait3A_161 = tpu.memref_slice %arg10[%dma_wait3A_160] : memref<512xi32, #tpu.memory_space<vmem>> -> memref<128xi32, #tpu.memory_space<vmem>>
    %dma_wait3A_162 = arith.constant 0 : i32
    %dma_wait3A_163 = arith.constant 0 : i32
    %dma_wait3A_164 = tpu.memref_slice %arg5[%dma_wait3A_162, %dma_wait3A_163] : memref<100000x128xf32, #tpu.memory_space<hbm>> -> memref<100000x128xf32, #tpu.memory_space<hbm>>
    tpu.wait_indirect_dma semaphore(%arg21 : memref<!tpu.dma_semaphore, #tpu.memory_space<semaphore_mem>>) src(%dma_wait3A_164 : memref<100000x128xf32, #tpu.memory_space<hbm>>) dst(%arg16 : memref<128x128xf32, #tpu.memory_space<vmem>>)
    %scan3A_165 = arith.constant 0 : i32
    %scan3A_166 = arith.constant 0 : i32
    %scan3A_167 = arith.constant 8 : i32
    %scan3A_168 = arith.addi %scan3A_166, %scan3A_167 : i32
    %scan3A_169 = arith.constant 1 : i32
    %scan3A_170 = scf.for %scan3A_179 = %scan3A_166 to %scan3A_168 step %scan3A_169 iter_args(%scan3A_180 = %scan3A_165) -> (i32)  : i32 {
      %mul3A_181 = arith.constant 16 : i32
      %mul3A_182 = arith.muli %scan3A_179, %mul3A_181 : i32
      %add3A_183 = arith.constant 0 : i32
      %add3A_184 = arith.addi %mul3A_182, %add3A_183 : i32
      %add3A_185 = arith.constant 1 : i32
      %add3A_186 = arith.addi %mul3A_182, %add3A_185 : i32
      %add3A_187 = arith.constant 2 : i32
      %add3A_188 = arith.addi %mul3A_182, %add3A_187 : i32
      %add3A_189 = arith.constant 3 : i32
      %add3A_190 = arith.addi %mul3A_182, %add3A_189 : i32
      %add3A_191 = arith.constant 4 : i32
      %add3A_192 = arith.addi %mul3A_182, %add3A_191 : i32
      %add3A_193 = arith.constant 5 : i32
      %add3A_194 = arith.addi %mul3A_182, %add3A_193 : i32
      %add3A_195 = arith.constant 6 : i32
      %add3A_196 = arith.addi %mul3A_182, %add3A_195 : i32
      %add3A_197 = arith.constant 7 : i32
      %add3A_198 = arith.addi %mul3A_182, %add3A_197 : i32
      %add3A_199 = arith.constant 8 : i32
      %add3A_200 = arith.addi %mul3A_182, %add3A_199 : i32
      %add3A_201 = arith.constant 9 : i32
      %add3A_202 = arith.addi %mul3A_182, %add3A_201 : i32
      %add3A_203 = arith.constant 10 : i32
      %add3A_204 = arith.addi %mul3A_182, %add3A_203 : i32
      %add3A_205 = arith.constant 11 : i32
      %add3A_206 = arith.addi %mul3A_182, %add3A_205 : i32
      %add3A_207 = arith.constant 12 : i32
      %add3A_208 = arith.addi %mul3A_182, %add3A_207 : i32
      %add3A_209 = arith.constant 13 : i32
      %add3A_210 = arith.addi %mul3A_182, %add3A_209 : i32
      %add3A_211 = arith.constant 14 : i32
      %add3A_212 = arith.addi %mul3A_182, %add3A_211 : i32
      %add3A_213 = arith.constant 15 : i32
      %add3A_214 = arith.addi %mul3A_182, %add3A_213 : i32
      %get3A = arith.index_cast %add3A_184 : i32 to index
      %get3A_215 = arith.constant 0 : index
      %get3A_216 = tpu.vector_load %arg12[%get3A, %get3A_215] {strides = array<i32>} : memref<128x128xf32, #tpu.memory_space<vmem>>, vector<16xf32>,
      %get3A_217 = arith.index_cast %add3A_184 : i32 to index
      %get3A_218 = arith.constant 0 : index
      %get3A_219 = tpu.vector_load %arg14[%get3A_217, %get3A_218] {strides = array<i32>} : memref<128x128xf32, #tpu.memory_space<vmem>>, vector<16xf32>,
      %mul3A_220 = arith.mulf %get3A_216, %get3A_219 : vector<16xf32>
      %get3A_221 = arith.index_cast %add3A_184 : i32 to index
      %get3A_222 = arith.constant 0 : index
      %get3A_223 = tpu.vector_load %arg16[%get3A_221, %get3A_222] {strides = array<i32>} : memref<128x128xf32, #tpu.memory_space<vmem>>, vector<16xf32>,
      %mul3A_224 = arith.mulf %mul3A_220, %get3A_223 : vector<16xf32>
      %get3A_225 = arith.index_cast %add3A_184 : i32 to index
      %get3A_226 = arith.constant 16 : index
      %get3A_227 = tpu.vector_load %arg12[%get3A_225, %get3A_226] {strides = array<i32>} : memref<128x128xf32, #tpu.memory_space<vmem>>, vector<16xf32>,
      %get3A_228 = arith.index_cast %add3A_184 : i32 to index
      %get3A_229 = arith.constant 16 : index
      %get3A_230 = tpu.vector_load %arg14[%get3A_228, %get3A_229] {strides = array<i32>} : memref<128x128xf32, #tpu.memory_space<vmem>>, vector<16xf32>,
      %mul3A_231 = arith.mulf %get3A_227, %get3A_230 : vector<16xf32>
      %get3A_232 = arith.index_cast %add3A_184 : i32 to index
      %get3A_233 = arith.constant 16 : index
      %get3A_234 = tpu.vector_load %arg16[%get3A_232, %get3A_233] {strides = array<i32>} : memref<128x128xf32, #tpu.memory_space<vmem>>, vector<16xf32>,
      %mul3A_235 = arith.mulf %mul3A_231, %get3A_234 : vector<16xf32>
      %add3A_236 = arith.addf %mul3A_224, %mul3A_235 : vector<16xf32>
      %get3A_237 = arith.index_cast %add3A_184 : i32 to index
      %get3A_238 = arith.constant 32 : index
      %get3A_239 = tpu.vector_load %arg12[%get3A_237, %get3A_238] {strides = array<i32>} : memref<128x128xf32, #tpu.memory_space<vmem>>, vector<16xf32>,
      %get3A_240 = arith.index_cast %add3A_184 : i32 to index
      %get3A_241 = arith.constant 32 : index
      %get3A_242 = tpu.vector_load %arg14[%get3A_240, %get3A_241] {strides = array<i32>} : memref<128x128xf32, #tpu.memory_space<vmem>>, vector<16xf32>,
      %mul3A_243 = arith.mulf %get3A_239, %get3A_242 : vector<16xf32>
      %get3A_244 = arith.index_cast %add3A_184 : i32 to index
      %get3A_245 = arith.constant 32 : index
      %get3A_246 = tpu.vector_load %arg16[%get3A_244, %get3A_245] {strides = array<i32>} : memref<128x128xf32, #tpu.memory_space<vmem>>, vector<16xf32>,
      %mul3A_247 = arith.mulf %mul3A_243, %get3A_246 : vector<16xf32>
      %add3A_248 = arith.addf %add3A_236, %mul3A_247 : vector<16xf32>
      %get3A_249 = arith.index_cast %add3A_184 : i32 to index
      %get3A_250 = arith.constant 48 : index
      %get3A_251 = tpu.vector_load %arg12[%get3A_249, %get3A_250] {strides = array<i32>} : memref<128x128xf32, #tpu.memory_space<vmem>>, vector<16xf32>,
      %get3A_252 = arith.index_cast %add3A_184 : i32 to index
      %get3A_253 = arith.constant 48 : index
      %get3A_254 = tpu.vector_load %arg14[%get3A_252, %get3A_253] {strides = array<i32>} : memref<128x128xf32, #tpu.memory_space<vmem>>, vector<16xf32>,
      %mul3A_255 = arith.mulf %get3A_251, %get3A_254 : vector<16xf32>
      %get3A_256 = arith.index_cast %add3A_184 : i32 to index
      %get3A_257 = arith.constant 48 : index
      %get3A_258 = tpu.vector_load %arg16[%get3A_256, %get3A_257] {strides = array<i32>} : memref<128x128xf32, #tpu.memory_space<vmem>>, vector<16xf32>,
      %mul3A_259 = arith.mulf %mul3A_255, %get3A_258 : vector<16xf32>
      %add3A_260 = arith.addf %add3A_248, %mul3A_259 : vector<16xf32>
      %get3A_261 = arith.index_cast %add3A_186 : i32 to index
      %get3A_262 = arith.constant 0 : index
      %get3A_263 = tpu.vector_load %arg12[%get3A_261, %get3A_262] {strides = array<i32>} : memref<128x128xf32, #tpu.memory_space<vmem>>, vector<16xf32>,
      %get3A_264 = arith.index_cast %add3A_186 : i32 to index
      %get3A_265 = arith.constant 0 : index
      %get3A_266 = tpu.vector_load %arg14[%get3A_264, %get3A_265] {strides = array<i32>} : memref<128x128xf32, #tpu.memory_space<vmem>>, vector<16xf32>,
      %mul3A_267 = arith.mulf %get3A_263, %get3A_266 : vector<16xf32>
      %get3A_268 = arith.index_cast %add3A_186 : i32 to index
      %get3A_269 = arith.constant 0 : index
      %get3A_270 = tpu.vector_load %arg16[%get3A_268, %get3A_269] {strides = array<i32>} : memref<128x128xf32, #tpu.memory_space<vmem>>, vector<16xf32>,
      %mul3A_271 = arith.mulf %mul3A_267, %get3A_270 : vector<16xf32>
      %get3A_272 = arith.index_cast %add3A_186 : i32 to index
      %get3A_273 = arith.constant 16 : index
      %get3A_274 = tpu.vector_load %arg12[%get3A_272, %get3A_273] {strides = array<i32>} : memref<128x128xf32, #tpu.memory_space<vmem>>, vector<16xf32>,
      %get3A_275 = arith.index_cast %add3A_186 : i32 to index
      %get3A_276 = arith.constant 16 : index
      %get3A_277 = tpu.vector_load %arg14[%get3A_275, %get3A_276] {strides = array<i32>} : memref<128x128xf32, #tpu.memory_space<vmem>>, vector<16xf32>,
      %mul3A_278 = arith.mulf %get3A_274, %get3A_277 : vector<16xf32>
      %get3A_279 = arith.index_cast %add3A_186 : i32 to index
      %get3A_280 = arith.constant 16 : index
      %get3A_281 = tpu.vector_load %arg16[%get3A_279, %get3A_280] {strides = array<i32>} : memref<128x128xf32, #tpu.memory_space<vmem>>, vector<16xf32>,
      %mul3A_282 = arith.mulf %mul3A_278, %get3A_281 : vector<16xf32>
      %add3A_283 = arith.addf %mul3A_271, %mul3A_282 : vector<16xf32>
      %get3A_284 = arith.index_cast %add3A_186 : i32 to index
      %get3A_285 = arith.constant 32 : index
      %get3A_286 = tpu.vector_load %arg12[%get3A_284, %get3A_285] {strides = array<i32>} : memref<128x128xf32, #tpu.memory_space<vmem>>, vector<16xf32>,
      %get3A_287 = arith.index_cast %add3A_186 : i32 to index
      %get3A_288 = arith.constant 32 : index
      %get3A_289 = tpu.vector_load %arg14[%get3A_287, %get3A_288] {strides = array<i32>} : memref<128x128xf32, #tpu.memory_space<vmem>>, vector<16xf32>,
      %mul3A_290 = arith.mulf %get3A_286, %get3A_289 : vector<16xf32>
      %get3A_291 = arith.index_cast %add3A_186 : i32 to index
      %get3A_292 = arith.constant 32 : index
      %get3A_293 = tpu.vector_load %arg16[%get3A_291, %get3A_292] {strides = array<i32>} : memref<128x128xf32, #tpu.memory_space<vmem>>, vector<16xf32>,
      %mul3A_294 = arith.mulf %mul3A_290, %get3A_293 : vector<16xf32>
      %add3A_295 = arith.addf %add3A_283, %mul3A_294 : vector<16xf32>
      %get3A_296 = arith.index_cast %add3A_186 : i32 to index
      %get3A_297 = arith.constant 48 : index
      %get3A_298 = tpu.vector_load %arg12[%get3A_296, %get3A_297] {strides = array<i32>} : memref<128x128xf32, #tpu.memory_space<vmem>>, vector<16xf32>,
      %get3A_299 = arith.index_cast %add3A_186 : i32 to index
      %get3A_300 = arith.constant 48 : index
      %get3A_301 = tpu.vector_load %arg14[%get3A_299, %get3A_300] {strides = array<i32>} : memref<128x128xf32, #tpu.memory_space<vmem>>, vector<16xf32>,
      %mul3A_302 = arith.mulf %get3A_298, %get3A_301 : vector<16xf32>
      %get3A_303 = arith.index_cast %add3A_186 : i32 to index
      %get3A_304 = arith.constant 48 : index
      %get3A_305 = tpu.vector_load %arg16[%get3A_303, %get3A_304] {strides = array<i32>} : memref<128x128xf32, #tpu.memory_space<vmem>>, vector<16xf32>,
      %mul3A_306 = arith.mulf %mul3A_302, %get3A_305 : vector<16xf32>
      %add3A_307 = arith.addf %add3A_295, %mul3A_306 : vector<16xf32>
      %get3A_308 = arith.index_cast %add3A_188 : i32 to index
      %get3A_309 = arith.constant 0 : index
      %get3A_310 = tpu.vector_load %arg12[%get3A_308, %get3A_309] {strides = array<i32>} : memref<128x128xf32, #tpu.memory_space<vmem>>, vector<16xf32>,
      %get3A_311 = arith.index_cast %add3A_188 : i32 to index
      %get3A_312 = arith.constant 0 : index
      %get3A_313 = tpu.vector_load %arg14[%get3A_311, %get3A_312] {strides = array<i32>} : memref<128x128xf32, #tpu.memory_space<vmem>>, vector<16xf32>,
      %mul3A_314 = arith.mulf %get3A_310, %get3A_313 : vector<16xf32>
      %get3A_315 = arith.index_cast %add3A_188 : i32 to index
      %get3A_316 = arith.constant 0 : index
      %get3A_317 = tpu.vector_load %arg16[%get3A_315, %get3A_316] {strides = array<i32>} : memref<128x128xf32, #tpu.memory_space<vmem>>, vector<16xf32>,
      %mul3A_318 = arith.mulf %mul3A_314, %get3A_317 : vector<16xf32>
      %get3A_319 = arith.index_cast %add3A_188 : i32 to index
      %get3A_320 = arith.constant 16 : index
      %get3A_321 = tpu.vector_load %arg12[%get3A_319, %get3A_320] {strides = array<i32>} : memref<128x128xf32, #tpu.memory_space<vmem>>, vector<16xf32>,
      %get3A_322 = arith.index_cast %add3A_188 : i32 to index
      %get3A_323 = arith.constant 16 : index
      %get3A_324 = tpu.vector_load %arg14[%get3A_322, %get3A_323] {strides = array<i32>} : memref<128x128xf32, #tpu.memory_space<vmem>>, vector<16xf32>,
      %mul3A_325 = arith.mulf %get3A_321, %get3A_324 : vector<16xf32>
      %get3A_326 = arith.index_cast %add3A_188 : i32 to index
      %get3A_327 = arith.constant 16 : index
      %get3A_328 = tpu.vector_load %arg16[%get3A_326, %get3A_327] {strides = array<i32>} : memref<128x128xf32, #tpu.memory_space<vmem>>, vector<16xf32>,
      %mul3A_329 = arith.mulf %mul3A_325, %get3A_328 : vector<16xf32>
      %add3A_330 = arith.addf %mul3A_318, %mul3A_329 : vector<16xf32>
      %get3A_331 = arith.index_cast %add3A_188 : i32 to index
      %get3A_332 = arith.constant 32 : index
      %get3A_333 = tpu.vector_load %arg12[%get3A_331, %get3A_332] {strides = array<i32>} : memref<128x128xf32, #tpu.memory_space<vmem>>, vector<16xf32>,
      %get3A_334 = arith.index_cast %add3A_188 : i32 to index
      %get3A_335 = arith.constant 32 : index
      %get3A_336 = tpu.vector_load %arg14[%get3A_334, %get3A_335] {strides = array<i32>} : memref<128x128xf32, #tpu.memory_space<vmem>>, vector<16xf32>,
      %mul3A_337 = arith.mulf %get3A_333, %get3A_336 : vector<16xf32>
      %get3A_338 = arith.index_cast %add3A_188 : i32 to index
      %get3A_339 = arith.constant 32 : index
      %get3A_340 = tpu.vector_load %arg16[%get3A_338, %get3A_339] {strides = array<i32>} : memref<128x128xf32, #tpu.memory_space<vmem>>, vector<16xf32>,
      %mul3A_341 = arith.mulf %mul3A_337, %get3A_340 : vector<16xf32>
      %add3A_342 = arith.addf %add3A_330, %mul3A_341 : vector<16xf32>
      %get3A_343 = arith.index_cast %add3A_188 : i32 to index
      %get3A_344 = arith.constant 48 : index
      %get3A_345 = tpu.vector_load %arg12[%get3A_343, %get3A_344] {strides = array<i32>} : memref<128x128xf32, #tpu.memory_space<vmem>>, vector<16xf32>,
      %get3A_346 = arith.index_cast %add3A_188 : i32 to index
      %get3A_347 = arith.constant 48 : index
      %get3A_348 = tpu.vector_load %arg14[%get3A_346, %get3A_347] {strides = array<i32>} : memref<128x128xf32, #tpu.memory_space<vmem>>, vector<16xf32>,
      %mul3A_349 = arith.mulf %get3A_345, %get3A_348 : vector<16xf32>
      %get3A_350 = arith.index_cast %add3A_188 : i32 to index
      %get3A_351 = arith.constant 48 : index
      %get3A_352 = tpu.vector_load %arg16[%get3A_350, %get3A_351] {strides = array<i32>} : memref<128x128xf32, #tpu.memory_space<vmem>>, vector<16xf32>,
      %mul3A_353 = arith.mulf %mul3A_349, %get3A_352 : vector<16xf32>
      %add3A_354 = arith.addf %add3A_342, %mul3A_353 : vector<16xf32>
      %get3A_355 = arith.index_cast %add3A_190 : i32 to index
      %get3A_356 = arith.constant 0 : index
      %get3A_357 = tpu.vector_load %arg12[%get3A_355, %get3A_356] {strides = array<i32>} : memref<128x128xf32, #tpu.memory_space<vmem>>, vector<16xf32>,
      %get3A_358 = arith.index_cast %add3A_190 : i32 to index
      %get3A_359 = arith.constant 0 : index
      %get3A_360 = tpu.vector_load %arg14[%get3A_358, %get3A_359] {strides = array<i32>} : memref<128x128xf32, #tpu.memory_space<vmem>>, vector<16xf32>,
      %mul3A_361 = arith.mulf %get3A_357, %get3A_360 : vector<16xf32>
      %get3A_362 = arith.index_cast %add3A_190 : i32 to index
      %get3A_363 = arith.constant 0 : index
      %get3A_364 = tpu.vector_load %arg16[%get3A_362, %get3A_363] {strides = array<i32>} : memref<128x128xf32, #tpu.memory_space<vmem>>, vector<16xf32>,
      %mul3A_365 = arith.mulf %mul3A_361, %get3A_364 : vector<16xf32>
      %get3A_366 = arith.index_cast %add3A_190 : i32 to index
      %get3A_367 = arith.constant 16 : index
      %get3A_368 = tpu.vector_load %arg12[%get3A_366, %get3A_367] {strides = array<i32>} : memref<128x128xf32, #tpu.memory_space<vmem>>, vector<16xf32>,
      %get3A_369 = arith.index_cast %add3A_190 : i32 to index
      %get3A_370 = arith.constant 16 : index
      %get3A_371 = tpu.vector_load %arg14[%get3A_369, %get3A_370] {strides = array<i32>} : memref<128x128xf32, #tpu.memory_space<vmem>>, vector<16xf32>,
      %mul3A_372 = arith.mulf %get3A_368, %get3A_371 : vector<16xf32>
      %get3A_373 = arith.index_cast %add3A_190 : i32 to index
      %get3A_374 = arith.constant 16 : index
      %get3A_375 = tpu.vector_load %arg16[%get3A_373, %get3A_374] {strides = array<i32>} : memref<128x128xf32, #tpu.memory_space<vmem>>, vector<16xf32>,
      %mul3A_376 = arith.mulf %mul3A_372, %get3A_375 : vector<16xf32>
      %add3A_377 = arith.addf %mul3A_365, %mul3A_376 : vector<16xf32>
      %get3A_378 = arith.index_cast %add3A_190 : i32 to index
      %get3A_379 = arith.constant 32 : index
      %get3A_380 = tpu.vector_load %arg12[%get3A_378, %get3A_379] {strides = array<i32>} : memref<128x128xf32, #tpu.memory_space<vmem>>, vector<16xf32>,
      %get3A_381 = arith.index_cast %add3A_190 : i32 to index
      %get3A_382 = arith.constant 32 : index
      %get3A_383 = tpu.vector_load %arg14[%get3A_381, %get3A_382] {strides = array<i32>} : memref<128x128xf32, #tpu.memory_space<vmem>>, vector<16xf32>,
      %mul3A_384 = arith.mulf %get3A_380, %get3A_383 : vector<16xf32>
      %get3A_385 = arith.index_cast %add3A_190 : i32 to index
      %get3A_386 = arith.constant 32 : index
      %get3A_387 = tpu.vector_load %arg16[%get3A_385, %get3A_386] {strides = array<i32>} : memref<128x128xf32, #tpu.memory_space<vmem>>, vector<16xf32>,
      %mul3A_388 = arith.mulf %mul3A_384, %get3A_387 : vector<16xf32>
      %add3A_389 = arith.addf %add3A_377, %mul3A_388 : vector<16xf32>
      %get3A_390 = arith.index_cast %add3A_190 : i32 to index
      %get3A_391 = arith.constant 48 : index
      %get3A_392 = tpu.vector_load %arg12[%get3A_390, %get3A_391] {strides = array<i32>} : memref<128x128xf32, #tpu.memory_space<vmem>>, vector<16xf32>,
      %get3A_393 = arith.index_cast %add3A_190 : i32 to index
      %get3A_394 = arith.constant 48 : index
      %get3A_395 = tpu.vector_load %arg14[%get3A_393, %get3A_394] {strides = array<i32>} : memref<128x128xf32, #tpu.memory_space<vmem>>, vector<16xf32>,
      %mul3A_396 = arith.mulf %get3A_392, %get3A_395 : vector<16xf32>
      %get3A_397 = arith.index_cast %add3A_190 : i32 to index
      %get3A_398 = arith.constant 48 : index
      %get3A_399 = tpu.vector_load %arg16[%get3A_397, %get3A_398] {strides = array<i32>} : memref<128x128xf32, #tpu.memory_space<vmem>>, vector<16xf32>,
      %mul3A_400 = arith.mulf %mul3A_396, %get3A_399 : vector<16xf32>
      %add3A_401 = arith.addf %add3A_389, %mul3A_400 : vector<16xf32>
      %get3A_402 = arith.index_cast %add3A_192 : i32 to index
      %get3A_403 = arith.constant 0 : index
      %get3A_404 = tpu.vector_load %arg12[%get3A_402, %get3A_403] {strides = array<i32>} : memref<128x128xf32, #tpu.memory_space<vmem>>, vector<16xf32>,
      %get3A_405 = arith.index_cast %add3A_192 : i32 to index
      %get3A_406 = arith.constant 0 : index
      %get3A_407 = tpu.vector_load %arg14[%get3A_405, %get3A_406] {strides = array<i32>} : memref<128x128xf32, #tpu.memory_space<vmem>>, vector<16xf32>,
      %mul3A_408 = arith.mulf %get3A_404, %get3A_407 : vector<16xf32>
      %get3A_409 = arith.index_cast %add3A_192 : i32 to index
      %get3A_410 = arith.constant 0 : index
      %get3A_411 = tpu.vector_load %arg16[%get3A_409, %get3A_410] {strides = array<i32>} : memref<128x128xf32, #tpu.memory_space<vmem>>, vector<16xf32>,
      %mul3A_412 = arith.mulf %mul3A_408, %get3A_411 : vector<16xf32>
      %get3A_413 = arith.index_cast %add3A_192 : i32 to index
      %get3A_414 = arith.constant 16 : index
      %get3A_415 = tpu.vector_load %arg12[%get3A_413, %get3A_414] {strides = array<i32>} : memref<128x128xf32, #tpu.memory_space<vmem>>, vector<16xf32>,
      %get3A_416 = arith.index_cast %add3A_192 : i32 to index
      %get3A_417 = arith.constant 16 : index
      %get3A_418 = tpu.vector_load %arg14[%get3A_416, %get3A_417] {strides = array<i32>} : memref<128x128xf32, #tpu.memory_space<vmem>>, vector<16xf32>,
      %mul3A_419 = arith.mulf %get3A_415, %get3A_418 : vector<16xf32>
      %get3A_420 = arith.index_cast %add3A_192 : i32 to index
      %get3A_421 = arith.constant 16 : index
      %get3A_422 = tpu.vector_load %arg16[%get3A_420, %get3A_421] {strides = array<i32>} : memref<128x128xf32, #tpu.memory_space<vmem>>, vector<16xf32>,
      %mul3A_423 = arith.mulf %mul3A_419, %get3A_422 : vector<16xf32>
      %add3A_424 = arith.addf %mul3A_412, %mul3A_423 : vector<16xf32>
      %get3A_425 = arith.index_cast %add3A_192 : i32 to index
      %get3A_426 = arith.constant 32 : index
      %get3A_427 = tpu.vector_load %arg12[%get3A_425, %get3A_426] {strides = array<i32>} : memref<128x128xf32, #tpu.memory_space<vmem>>, vector<16xf32>,
      %get3A_428 = arith.index_cast %add3A_192 : i32 to index
      %get3A_429 = arith.constant 32 : index
      %get3A_430 = tpu.vector_load %arg14[%get3A_428, %get3A_429] {strides = array<i32>} : memref<128x128xf32, #tpu.memory_space<vmem>>, vector<16xf32>,
      %mul3A_431 = arith.mulf %get3A_427, %get3A_430 : vector<16xf32>
      %get3A_432 = arith.index_cast %add3A_192 : i32 to index
      %get3A_433 = arith.constant 32 : index
      %get3A_434 = tpu.vector_load %arg16[%get3A_432, %get3A_433] {strides = array<i32>} : memref<128x128xf32, #tpu.memory_space<vmem>>, vector<16xf32>,
      %mul3A_435 = arith.mulf %mul3A_431, %get3A_434 : vector<16xf32>
      %add3A_436 = arith.addf %add3A_424, %mul3A_435 : vector<16xf32>
      %get3A_437 = arith.index_cast %add3A_192 : i32 to index
      %get3A_438 = arith.constant 48 : index
      %get3A_439 = tpu.vector_load %arg12[%get3A_437, %get3A_438] {strides = array<i32>} : memref<128x128xf32, #tpu.memory_space<vmem>>, vector<16xf32>,
      %get3A_440 = arith.index_cast %add3A_192 : i32 to index
      %get3A_441 = arith.constant 48 : index
      %get3A_442 = tpu.vector_load %arg14[%get3A_440, %get3A_441] {strides = array<i32>} : memref<128x128xf32, #tpu.memory_space<vmem>>, vector<16xf32>,
      %mul3A_443 = arith.mulf %get3A_439, %get3A_442 : vector<16xf32>
      %get3A_444 = arith.index_cast %add3A_192 : i32 to index
      %get3A_445 = arith.constant 48 : index
      %get3A_446 = tpu.vector_load %arg16[%get3A_444, %get3A_445] {strides = array<i32>} : memref<128x128xf32, #tpu.memory_space<vmem>>, vector<16xf32>,
      %mul3A_447 = arith.mulf %mul3A_443, %get3A_446 : vector<16xf32>
      %add3A_448 = arith.addf %add3A_436, %mul3A_447 : vector<16xf32>
      %get3A_449 = arith.index_cast %add3A_194 : i32 to index
      %get3A_450 = arith.constant 0 : index
      %get3A_451 = tpu.vector_load %arg12[%get3A_449, %get3A_450] {strides = array<i32>} : memref<128x128xf32, #tpu.memory_space<vmem>>, vector<16xf32>,
      %get3A_452 = arith.index_cast %add3A_194 : i32 to index
      %get3A_453 = arith.constant 0 : index
      %get3A_454 = tpu.vector_load %arg14[%get3A_452, %get3A_453] {strides = array<i32>} : memref<128x128xf32, #tpu.memory_space<vmem>>, vector<16xf32>,
      %mul3A_455 = arith.mulf %get3A_451, %get3A_454 : vector<16xf32>
      %get3A_456 = arith.index_cast %add3A_194 : i32 to index
      %get3A_457 = arith.constant 0 : index
      %get3A_458 = tpu.vector_load %arg16[%get3A_456, %get3A_457] {strides = array<i32>} : memref<128x128xf32, #tpu.memory_space<vmem>>, vector<16xf32>,
      %mul3A_459 = arith.mulf %mul3A_455, %get3A_458 : vector<16xf32>
      %get3A_460 = arith.index_cast %add3A_194 : i32 to index
      %get3A_461 = arith.constant 16 : index
      %get3A_462 = tpu.vector_load %arg12[%get3A_460, %get3A_461] {strides = array<i32>} : memref<128x128xf32, #tpu.memory_space<vmem>>, vector<16xf32>,
      %get3A_463 = arith.index_cast %add3A_194 : i32 to index
      %get3A_464 = arith.constant 16 : index
      %get3A_465 = tpu.vector_load %arg14[%get3A_463, %get3A_464] {strides = array<i32>} : memref<128x128xf32, #tpu.memory_space<vmem>>, vector<16xf32>,
      %mul3A_466 = arith.mulf %get3A_462, %get3A_465 : vector<16xf32>
      %get3A_467 = arith.index_cast %add3A_194 : i32 to index
      %get3A_468 = arith.constant 16 : index
      %get3A_469 = tpu.vector_load %arg16[%get3A_467, %get3A_468] {strides = array<i32>} : memref<128x128xf32, #tpu.memory_space<vmem>>, vector<16xf32>,
      %mul3A_470 = arith.mulf %mul3A_466, %get3A_469 : vector<16xf32>
      %add3A_471 = arith.addf %mul3A_459, %mul3A_470 : vector<16xf32>
      %get3A_472 = arith.index_cast %add3A_194 : i32 to index
      %get3A_473 = arith.constant 32 : index
      %get3A_474 = tpu.vector_load %arg12[%get3A_472, %get3A_473] {strides = array<i32>} : memref<128x128xf32, #tpu.memory_space<vmem>>, vector<16xf32>,
      %get3A_475 = arith.index_cast %add3A_194 : i32 to index
      %get3A_476 = arith.constant 32 : index
      %get3A_477 = tpu.vector_load %arg14[%get3A_475, %get3A_476] {strides = array<i32>} : memref<128x128xf32, #tpu.memory_space<vmem>>, vector<16xf32>,
      %mul3A_478 = arith.mulf %get3A_474, %get3A_477 : vector<16xf32>
      %get3A_479 = arith.index_cast %add3A_194 : i32 to index
      %get3A_480 = arith.constant 32 : index
      %get3A_481 = tpu.vector_load %arg16[%get3A_479, %get3A_480] {strides = array<i32>} : memref<128x128xf32, #tpu.memory_space<vmem>>, vector<16xf32>,
      %mul3A_482 = arith.mulf %mul3A_478, %get3A_481 : vector<16xf32>
      %add3A_483 = arith.addf %add3A_471, %mul3A_482 : vector<16xf32>
      %get3A_484 = arith.index_cast %add3A_194 : i32 to index
      %get3A_485 = arith.constant 48 : index
      %get3A_486 = tpu.vector_load %arg12[%get3A_484, %get3A_485] {strides = array<i32>} : memref<128x128xf32, #tpu.memory_space<vmem>>, vector<16xf32>,
      %get3A_487 = arith.index_cast %add3A_194 : i32 to index
      %get3A_488 = arith.constant 48 : index
      %get3A_489 = tpu.vector_load %arg14[%get3A_487, %get3A_488] {strides = array<i32>} : memref<128x128xf32, #tpu.memory_space<vmem>>, vector<16xf32>,
      %mul3A_490 = arith.mulf %get3A_486, %get3A_489 : vector<16xf32>
      %get3A_491 = arith.index_cast %add3A_194 : i32 to index
      %get3A_492 = arith.constant 48 : index
      %get3A_493 = tpu.vector_load %arg16[%get3A_491, %get3A_492] {strides = array<i32>} : memref<128x128xf32, #tpu.memory_space<vmem>>, vector<16xf32>,
      %mul3A_494 = arith.mulf %mul3A_490, %get3A_493 : vector<16xf32>
      %add3A_495 = arith.addf %add3A_483, %mul3A_494 : vector<16xf32>
      %get3A_496 = arith.index_cast %add3A_196 : i32 to index
      %get3A_497 = arith.constant 0 : index
      %get3A_498 = tpu.vector_load %arg12[%get3A_496, %get3A_497] {strides = array<i32>} : memref<128x128xf32, #tpu.memory_space<vmem>>, vector<16xf32>,
      %get3A_499 = arith.index_cast %add3A_196 : i32 to index
      %get3A_500 = arith.constant 0 : index
      %get3A_501 = tpu.vector_load %arg14[%get3A_499, %get3A_500] {strides = array<i32>} : memref<128x128xf32, #tpu.memory_space<vmem>>, vector<16xf32>,
      %mul3A_502 = arith.mulf %get3A_498, %get3A_501 : vector<16xf32>
      %get3A_503 = arith.index_cast %add3A_196 : i32 to index
      %get3A_504 = arith.constant 0 : index
      %get3A_505 = tpu.vector_load %arg16[%get3A_503, %get3A_504] {strides = array<i32>} : memref<128x128xf32, #tpu.memory_space<vmem>>, vector<16xf32>,
      %mul3A_506 = arith.mulf %mul3A_502, %get3A_505 : vector<16xf32>
      %get3A_507 = arith.index_cast %add3A_196 : i32 to index
      %get3A_508 = arith.constant 16 : index
      %get3A_509 = tpu.vector_load %arg12[%get3A_507, %get3A_508] {strides = array<i32>} : memref<128x128xf32, #tpu.memory_space<vmem>>, vector<16xf32>,
      %get3A_510 = arith.index_cast %add3A_196 : i32 to index
      %get3A_511 = arith.constant 16 : index
      %get3A_512 = tpu.vector_load %arg14[%get3A_510, %get3A_511] {strides = array<i32>} : memref<128x128xf32, #tpu.memory_space<vmem>>, vector<16xf32>,
      %mul3A_513 = arith.mulf %get3A_509, %get3A_512 : vector<16xf32>
      %get3A_514 = arith.index_cast %add3A_196 : i32 to index
      %get3A_515 = arith.constant 16 : index
      %get3A_516 = tpu.vector_load %arg16[%get3A_514, %get3A_515] {strides = array<i32>} : memref<128x128xf32, #tpu.memory_space<vmem>>, vector<16xf32>,
      %mul3A_517 = arith.mulf %mul3A_513, %get3A_516 : vector<16xf32>
      %add3A_518 = arith.addf %mul3A_506, %mul3A_517 : vector<16xf32>
      %get3A_519 = arith.index_cast %add3A_196 : i32 to index
      %get3A_520 = arith.constant 32 : index
      %get3A_521 = tpu.vector_load %arg12[%get3A_519, %get3A_520] {strides = array<i32>} : memref<128x128xf32, #tpu.memory_space<vmem>>, vector<16xf32>,
      %get3A_522 = arith.index_cast %add3A_196 : i32 to index
      %get3A_523 = arith.constant 32 : index
      %get3A_524 = tpu.vector_load %arg14[%get3A_522, %get3A_523] {strides = array<i32>} : memref<128x128xf32, #tpu.memory_space<vmem>>, vector<16xf32>,
      %mul3A_525 = arith.mulf %get3A_521, %get3A_524 : vector<16xf32>
      %get3A_526 = arith.index_cast %add3A_196 : i32 to index
      %get3A_527 = arith.constant 32 : index
      %get3A_528 = tpu.vector_load %arg16[%get3A_526, %get3A_527] {strides = array<i32>} : memref<128x128xf32, #tpu.memory_space<vmem>>, vector<16xf32>,
      %mul3A_529 = arith.mulf %mul3A_525, %get3A_528 : vector<16xf32>
      %add3A_530 = arith.addf %add3A_518, %mul3A_529 : vector<16xf32>
      %get3A_531 = arith.index_cast %add3A_196 : i32 to index
      %get3A_532 = arith.constant 48 : index
      %get3A_533 = tpu.vector_load %arg12[%get3A_531, %get3A_532] {strides = array<i32>} : memref<128x128xf32, #tpu.memory_space<vmem>>, vector<16xf32>,
      %get3A_534 = arith.index_cast %add3A_196 : i32 to index
      %get3A_535 = arith.constant 48 : index
      %get3A_536 = tpu.vector_load %arg14[%get3A_534, %get3A_535] {strides = array<i32>} : memref<128x128xf32, #tpu.memory_space<vmem>>, vector<16xf32>,
      %mul3A_537 = arith.mulf %get3A_533, %get3A_536 : vector<16xf32>
      %get3A_538 = arith.index_cast %add3A_196 : i32 to index
      %get3A_539 = arith.constant 48 : index
      %get3A_540 = tpu.vector_load %arg16[%get3A_538, %get3A_539] {strides = array<i32>} : memref<128x128xf32, #tpu.memory_space<vmem>>, vector<16xf32>,
      %mul3A_541 = arith.mulf %mul3A_537, %get3A_540 : vector<16xf32>
      %add3A_542 = arith.addf %add3A_530, %mul3A_541 : vector<16xf32>
      %get3A_543 = arith.index_cast %add3A_198 : i32 to index
      %get3A_544 = arith.constant 0 : index
      %get3A_545 = tpu.vector_load %arg12[%get3A_543, %get3A_544] {strides = array<i32>} : memref<128x128xf32, #tpu.memory_space<vmem>>, vector<16xf32>,
      %get3A_546 = arith.index_cast %add3A_198 : i32 to index
      %get3A_547 = arith.constant 0 : index
      %get3A_548 = tpu.vector_load %arg14[%get3A_546, %get3A_547] {strides = array<i32>} : memref<128x128xf32, #tpu.memory_space<vmem>>, vector<16xf32>,
      %mul3A_549 = arith.mulf %get3A_545, %get3A_548 : vector<16xf32>
      %get3A_550 = arith.index_cast %add3A_198 : i32 to index
      %get3A_551 = arith.constant 0 : index
      %get3A_552 = tpu.vector_load %arg16[%get3A_550, %get3A_551] {strides = array<i32>} : memref<128x128xf32, #tpu.memory_space<vmem>>, vector<16xf32>,
      %mul3A_553 = arith.mulf %mul3A_549, %get3A_552 : vector<16xf32>
      %get3A_554 = arith.index_cast %add3A_198 : i32 to index
      %get3A_555 = arith.constant 16 : index
      %get3A_556 = tpu.vector_load %arg12[%get3A_554, %get3A_555] {strides = array<i32>} : memref<128x128xf32, #tpu.memory_space<vmem>>, vector<16xf32>,
      %get3A_557 = arith.index_cast %add3A_198 : i32 to index
      %get3A_558 = arith.constant 16 : index
      %get3A_559 = tpu.vector_load %arg14[%get3A_557, %get3A_558] {strides = array<i32>} : memref<128x128xf32, #tpu.memory_space<vmem>>, vector<16xf32>,
      %mul3A_560 = arith.mulf %get3A_556, %get3A_559 : vector<16xf32>
      %get3A_561 = arith.index_cast %add3A_198 : i32 to index
      %get3A_562 = arith.constant 16 : index
      %get3A_563 = tpu.vector_load %arg16[%get3A_561, %get3A_562] {strides = array<i32>} : memref<128x128xf32, #tpu.memory_space<vmem>>, vector<16xf32>,
      %mul3A_564 = arith.mulf %mul3A_560, %get3A_563 : vector<16xf32>
      %add3A_565 = arith.addf %mul3A_553, %mul3A_564 : vector<16xf32>
      %get3A_566 = arith.index_cast %add3A_198 : i32 to index
      %get3A_567 = arith.constant 32 : index
      %get3A_568 = tpu.vector_load %arg12[%get3A_566, %get3A_567] {strides = array<i32>} : memref<128x128xf32, #tpu.memory_space<vmem>>, vector<16xf32>,
      %get3A_569 = arith.index_cast %add3A_198 : i32 to index
      %get3A_570 = arith.constant 32 : index
      %get3A_571 = tpu.vector_load %arg14[%get3A_569, %get3A_570] {strides = array<i32>} : memref<128x128xf32, #tpu.memory_space<vmem>>, vector<16xf32>,
      %mul3A_572 = arith.mulf %get3A_568, %get3A_571 : vector<16xf32>
      %get3A_573 = arith.index_cast %add3A_198 : i32 to index
      %get3A_574 = arith.constant 32 : index
      %get3A_575 = tpu.vector_load %arg16[%get3A_573, %get3A_574] {strides = array<i32>} : memref<128x128xf32, #tpu.memory_space<vmem>>, vector<16xf32>,
      %mul3A_576 = arith.mulf %mul3A_572, %get3A_575 : vector<16xf32>
      %add3A_577 = arith.addf %add3A_565, %mul3A_576 : vector<16xf32>
      %get3A_578 = arith.index_cast %add3A_198 : i32 to index
      %get3A_579 = arith.constant 48 : index
      %get3A_580 = tpu.vector_load %arg12[%get3A_578, %get3A_579] {strides = array<i32>} : memref<128x128xf32, #tpu.memory_space<vmem>>, vector<16xf32>,
      %get3A_581 = arith.index_cast %add3A_198 : i32 to index
      %get3A_582 = arith.constant 48 : index
      %get3A_583 = tpu.vector_load %arg14[%get3A_581, %get3A_582] {strides = array<i32>} : memref<128x128xf32, #tpu.memory_space<vmem>>, vector<16xf32>,
      %mul3A_584 = arith.mulf %get3A_580, %get3A_583 : vector<16xf32>
      %get3A_585 = arith.index_cast %add3A_198 : i32 to index
      %get3A_586 = arith.constant 48 : index
      %get3A_587 = tpu.vector_load %arg16[%get3A_585, %get3A_586] {strides = array<i32>} : memref<128x128xf32, #tpu.memory_space<vmem>>, vector<16xf32>,
      %mul3A_588 = arith.mulf %mul3A_584, %get3A_587 : vector<16xf32>
      %add3A_589 = arith.addf %add3A_577, %mul3A_588 : vector<16xf32>
      %get3A_590 = arith.index_cast %add3A_200 : i32 to index
      %get3A_591 = arith.constant 0 : index
      %get3A_592 = tpu.vector_load %arg12[%get3A_590, %get3A_591] {strides = array<i32>} : memref<128x128xf32, #tpu.memory_space<vmem>>, vector<16xf32>,
      %get3A_593 = arith.index_cast %add3A_200 : i32 to index
      %get3A_594 = arith.constant 0 : index
      %get3A_595 = tpu.vector_load %arg14[%get3A_593, %get3A_594] {strides = array<i32>} : memref<128x128xf32, #tpu.memory_space<vmem>>, vector<16xf32>,
      %mul3A_596 = arith.mulf %get3A_592, %get3A_595 : vector<16xf32>
      %get3A_597 = arith.index_cast %add3A_200 : i32 to index
      %get3A_598 = arith.constant 0 : index
      %get3A_599 = tpu.vector_load %arg16[%get3A_597, %get3A_598] {strides = array<i32>} : memref<128x128xf32, #tpu.memory_space<vmem>>, vector<16xf32>,
      %mul3A_600 = arith.mulf %mul3A_596, %get3A_599 : vector<16xf32>
      %get3A_601 = arith.index_cast %add3A_200 : i32 to index
      %get3A_602 = arith.constant 16 : index
      %get3A_603 = tpu.vector_load %arg12[%get3A_601, %get3A_602] {strides = array<i32>} : memref<128x128xf32, #tpu.memory_space<vmem>>, vector<16xf32>,
      %get3A_604 = arith.index_cast %add3A_200 : i32 to index
      %get3A_605 = arith.constant 16 : index
      %get3A_606 = tpu.vector_load %arg14[%get3A_604, %get3A_605] {strides = array<i32>} : memref<128x128xf32, #tpu.memory_space<vmem>>, vector<16xf32>,
      %mul3A_607 = arith.mulf %get3A_603, %get3A_606 : vector<16xf32>
      %get3A_608 = arith.index_cast %add3A_200 : i32 to index
      %get3A_609 = arith.constant 16 : index
      %get3A_610 = tpu.vector_load %arg16[%get3A_608, %get3A_609] {strides = array<i32>} : memref<128x128xf32, #tpu.memory_space<vmem>>, vector<16xf32>,
      %mul3A_611 = arith.mulf %mul3A_607, %get3A_610 : vector<16xf32>
      %add3A_612 = arith.addf %mul3A_600, %mul3A_611 : vector<16xf32>
      %get3A_613 = arith.index_cast %add3A_200 : i32 to index
      %get3A_614 = arith.constant 32 : index
      %get3A_615 = tpu.vector_load %arg12[%get3A_613, %get3A_614] {strides = array<i32>} : memref<128x128xf32, #tpu.memory_space<vmem>>, vector<16xf32>,
      %get3A_616 = arith.index_cast %add3A_200 : i32 to index
      %get3A_617 = arith.constant 32 : index
      %get3A_618 = tpu.vector_load %arg14[%get3A_616, %get3A_617] {strides = array<i32>} : memref<128x128xf32, #tpu.memory_space<vmem>>, vector<16xf32>,
      %mul3A_619 = arith.mulf %get3A_615, %get3A_618 : vector<16xf32>
      %get3A_620 = arith.index_cast %add3A_200 : i32 to index
      %get3A_621 = arith.constant 32 : index
      %get3A_622 = tpu.vector_load %arg16[%get3A_620, %get3A_621] {strides = array<i32>} : memref<128x128xf32, #tpu.memory_space<vmem>>, vector<16xf32>,
      %mul3A_623 = arith.mulf %mul3A_619, %get3A_622 : vector<16xf32>
      %add3A_624 = arith.addf %add3A_612, %mul3A_623 : vector<16xf32>
      %get3A_625 = arith.index_cast %add3A_200 : i32 to index
      %get3A_626 = arith.constant 48 : index
      %get3A_627 = tpu.vector_load %arg12[%get3A_625, %get3A_626] {strides = array<i32>} : memref<128x128xf32, #tpu.memory_space<vmem>>, vector<16xf32>,
      %get3A_628 = arith.index_cast %add3A_200 : i32 to index
      %get3A_629 = arith.constant 48 : index
      %get3A_630 = tpu.vector_load %arg14[%get3A_628, %get3A_629] {strides = array<i32>} : memref<128x128xf32, #tpu.memory_space<vmem>>, vector<16xf32>,
      %mul3A_631 = arith.mulf %get3A_627, %get3A_630 : vector<16xf32>
      %get3A_632 = arith.index_cast %add3A_200 : i32 to index
      %get3A_633 = arith.constant 48 : index
      %get3A_634 = tpu.vector_load %arg16[%get3A_632, %get3A_633] {strides = array<i32>} : memref<128x128xf32, #tpu.memory_space<vmem>>, vector<16xf32>,
      %mul3A_635 = arith.mulf %mul3A_631, %get3A_634 : vector<16xf32>
      %add3A_636 = arith.addf %add3A_624, %mul3A_635 : vector<16xf32>
      %get3A_637 = arith.index_cast %add3A_202 : i32 to index
      %get3A_638 = arith.constant 0 : index
      %get3A_639 = tpu.vector_load %arg12[%get3A_637, %get3A_638] {strides = array<i32>} : memref<128x128xf32, #tpu.memory_space<vmem>>, vector<16xf32>,
      %get3A_640 = arith.index_cast %add3A_202 : i32 to index
      %get3A_641 = arith.constant 0 : index
      %get3A_642 = tpu.vector_load %arg14[%get3A_640, %get3A_641] {strides = array<i32>} : memref<128x128xf32, #tpu.memory_space<vmem>>, vector<16xf32>,
      %mul3A_643 = arith.mulf %get3A_639, %get3A_642 : vector<16xf32>
      %get3A_644 = arith.index_cast %add3A_202 : i32 to index
      %get3A_645 = arith.constant 0 : index
      %get3A_646 = tpu.vector_load %arg16[%get3A_644, %get3A_645] {strides = array<i32>} : memref<128x128xf32, #tpu.memory_space<vmem>>, vector<16xf32>,
      %mul3A_647 = arith.mulf %mul3A_643, %get3A_646 : vector<16xf32>
      %get3A_648 = arith.index_cast %add3A_202 : i32 to index
      %get3A_649 = arith.constant 16 : index
      %get3A_650 = tpu.vector_load %arg12[%get3A_648, %get3A_649] {strides = array<i32>} : memref<128x128xf32, #tpu.memory_space<vmem>>, vector<16xf32>,
      %get3A_651 = arith.index_cast %add3A_202 : i32 to index
      %get3A_652 = arith.constant 16 : index
      %get3A_653 = tpu.vector_load %arg14[%get3A_651, %get3A_652] {strides = array<i32>} : memref<128x128xf32, #tpu.memory_space<vmem>>, vector<16xf32>,
      %mul3A_654 = arith.mulf %get3A_650, %get3A_653 : vector<16xf32>
      %get3A_655 = arith.index_cast %add3A_202 : i32 to index
      %get3A_656 = arith.constant 16 : index
      %get3A_657 = tpu.vector_load %arg16[%get3A_655, %get3A_656] {strides = array<i32>} : memref<128x128xf32, #tpu.memory_space<vmem>>, vector<16xf32>,
      %mul3A_658 = arith.mulf %mul3A_654, %get3A_657 : vector<16xf32>
      %add3A_659 = arith.addf %mul3A_647, %mul3A_658 : vector<16xf32>
      %get3A_660 = arith.index_cast %add3A_202 : i32 to index
      %get3A_661 = arith.constant 32 : index
      %get3A_662 = tpu.vector_load %arg12[%get3A_660, %get3A_661] {strides = array<i32>} : memref<128x128xf32, #tpu.memory_space<vmem>>, vector<16xf32>,
      %get3A_663 = arith.index_cast %add3A_202 : i32 to index
      %get3A_664 = arith.constant 32 : index
      %get3A_665 = tpu.vector_load %arg14[%get3A_663, %get3A_664] {strides = array<i32>} : memref<128x128xf32, #tpu.memory_space<vmem>>, vector<16xf32>,
      %mul3A_666 = arith.mulf %get3A_662, %get3A_665 : vector<16xf32>
      %get3A_667 = arith.index_cast %add3A_202 : i32 to index
      %get3A_668 = arith.constant 32 : index
      %get3A_669 = tpu.vector_load %arg16[%get3A_667, %get3A_668] {strides = array<i32>} : memref<128x128xf32, #tpu.memory_space<vmem>>, vector<16xf32>,
      %mul3A_670 = arith.mulf %mul3A_666, %get3A_669 : vector<16xf32>
      %add3A_671 = arith.addf %add3A_659, %mul3A_670 : vector<16xf32>
      %get3A_672 = arith.index_cast %add3A_202 : i32 to index
      %get3A_673 = arith.constant 48 : index
      %get3A_674 = tpu.vector_load %arg12[%get3A_672, %get3A_673] {strides = array<i32>} : memref<128x128xf32, #tpu.memory_space<vmem>>, vector<16xf32>,
      %get3A_675 = arith.index_cast %add3A_202 : i32 to index
      %get3A_676 = arith.constant 48 : index
      %get3A_677 = tpu.vector_load %arg14[%get3A_675, %get3A_676] {strides = array<i32>} : memref<128x128xf32, #tpu.memory_space<vmem>>, vector<16xf32>,
      %mul3A_678 = arith.mulf %get3A_674, %get3A_677 : vector<16xf32>
      %get3A_679 = arith.index_cast %add3A_202 : i32 to index
      %get3A_680 = arith.constant 48 : index
      %get3A_681 = tpu.vector_load %arg16[%get3A_679, %get3A_680] {strides = array<i32>} : memref<128x128xf32, #tpu.memory_space<vmem>>, vector<16xf32>,
      %mul3A_682 = arith.mulf %mul3A_678, %get3A_681 : vector<16xf32>
      %add3A_683 = arith.addf %add3A_671, %mul3A_682 : vector<16xf32>
      %get3A_684 = arith.index_cast %add3A_204 : i32 to index
      %get3A_685 = arith.constant 0 : index
      %get3A_686 = tpu.vector_load %arg12[%get3A_684, %get3A_685] {strides = array<i32>} : memref<128x128xf32, #tpu.memory_space<vmem>>, vector<16xf32>,
      %get3A_687 = arith.index_cast %add3A_204 : i32 to index
      %get3A_688 = arith.constant 0 : index
      %get3A_689 = tpu.vector_load %arg14[%get3A_687, %get3A_688] {strides = array<i32>} : memref<128x128xf32, #tpu.memory_space<vmem>>, vector<16xf32>,
      %mul3A_690 = arith.mulf %get3A_686, %get3A_689 : vector<16xf32>
      %get3A_691 = arith.index_cast %add3A_204 : i32 to index
      %get3A_692 = arith.constant 0 : index
      %get3A_693 = tpu.vector_load %arg16[%get3A_691, %get3A_692] {strides = array<i32>} : memref<128x128xf32, #tpu.memory_space<vmem>>, vector<16xf32>,
      %mul3A_694 = arith.mulf %mul3A_690, %get3A_693 : vector<16xf32>
      %get3A_695 = arith.index_cast %add3A_204 : i32 to index
      %get3A_696 = arith.constant 16 : index
      %get3A_697 = tpu.vector_load %arg12[%get3A_695, %get3A_696] {strides = array<i32>} : memref<128x128xf32, #tpu.memory_space<vmem>>, vector<16xf32>,
      %get3A_698 = arith.index_cast %add3A_204 : i32 to index
      %get3A_699 = arith.constant 16 : index
      %get3A_700 = tpu.vector_load %arg14[%get3A_698, %get3A_699] {strides = array<i32>} : memref<128x128xf32, #tpu.memory_space<vmem>>, vector<16xf32>,
      %mul3A_701 = arith.mulf %get3A_697, %get3A_700 : vector<16xf32>
      %get3A_702 = arith.index_cast %add3A_204 : i32 to index
      %get3A_703 = arith.constant 16 : index
      %get3A_704 = tpu.vector_load %arg16[%get3A_702, %get3A_703] {strides = array<i32>} : memref<128x128xf32, #tpu.memory_space<vmem>>, vector<16xf32>,
      %mul3A_705 = arith.mulf %mul3A_701, %get3A_704 : vector<16xf32>
      %add3A_706 = arith.addf %mul3A_694, %mul3A_705 : vector<16xf32>
      %get3A_707 = arith.index_cast %add3A_204 : i32 to index
      %get3A_708 = arith.constant 32 : index
      %get3A_709 = tpu.vector_load %arg12[%get3A_707, %get3A_708] {strides = array<i32>} : memref<128x128xf32, #tpu.memory_space<vmem>>, vector<16xf32>,
      %get3A_710 = arith.index_cast %add3A_204 : i32 to index
      %get3A_711 = arith.constant 32 : index
      %get3A_712 = tpu.vector_load %arg14[%get3A_710, %get3A_711] {strides = array<i32>} : memref<128x128xf32, #tpu.memory_space<vmem>>, vector<16xf32>,
      %mul3A_713 = arith.mulf %get3A_709, %get3A_712 : vector<16xf32>
      %get3A_714 = arith.index_cast %add3A_204 : i32 to index
      %get3A_715 = arith.constant 32 : index
      %get3A_716 = tpu.vector_load %arg16[%get3A_714, %get3A_715] {strides = array<i32>} : memref<128x128xf32, #tpu.memory_space<vmem>>, vector<16xf32>,
      %mul3A_717 = arith.mulf %mul3A_713, %get3A_716 : vector<16xf32>
      %add3A_718 = arith.addf %add3A_706, %mul3A_717 : vector<16xf32>
      %get3A_719 = arith.index_cast %add3A_204 : i32 to index
      %get3A_720 = arith.constant 48 : index
      %get3A_721 = tpu.vector_load %arg12[%get3A_719, %get3A_720] {strides = array<i32>} : memref<128x128xf32, #tpu.memory_space<vmem>>, vector<16xf32>,
      %get3A_722 = arith.index_cast %add3A_204 : i32 to index
      %get3A_723 = arith.constant 48 : index
      %get3A_724 = tpu.vector_load %arg14[%get3A_722, %get3A_723] {strides = array<i32>} : memref<128x128xf32, #tpu.memory_space<vmem>>, vector<16xf32>,
      %mul3A_725 = arith.mulf %get3A_721, %get3A_724 : vector<16xf32>
      %get3A_726 = arith.index_cast %add3A_204 : i32 to index
      %get3A_727 = arith.constant 48 : index
      %get3A_728 = tpu.vector_load %arg16[%get3A_726, %get3A_727] {strides = array<i32>} : memref<128x128xf32, #tpu.memory_space<vmem>>, vector<16xf32>,
      %mul3A_729 = arith.mulf %mul3A_725, %get3A_728 : vector<16xf32>
      %add3A_730 = arith.addf %add3A_718, %mul3A_729 : vector<16xf32>
      %get3A_731 = arith.index_cast %add3A_206 : i32 to index
      %get3A_732 = arith.constant 0 : index
      %get3A_733 = tpu.vector_load %arg12[%get3A_731, %get3A_732] {strides = array<i32>} : memref<128x128xf32, #tpu.memory_space<vmem>>, vector<16xf32>,
      %get3A_734 = arith.index_cast %add3A_206 : i32 to index
      %get3A_735 = arith.constant 0 : index
      %get3A_736 = tpu.vector_load %arg14[%get3A_734, %get3A_735] {strides = array<i32>} : memref<128x128xf32, #tpu.memory_space<vmem>>, vector<16xf32>,
      %mul3A_737 = arith.mulf %get3A_733, %get3A_736 : vector<16xf32>
      %get3A_738 = arith.index_cast %add3A_206 : i32 to index
      %get3A_739 = arith.constant 0 : index
      %get3A_740 = tpu.vector_load %arg16[%get3A_738, %get3A_739] {strides = array<i32>} : memref<128x128xf32, #tpu.memory_space<vmem>>, vector<16xf32>,
      %mul3A_741 = arith.mulf %mul3A_737, %get3A_740 : vector<16xf32>
      %get3A_742 = arith.index_cast %add3A_206 : i32 to index
      %get3A_743 = arith.constant 16 : index
      %get3A_744 = tpu.vector_load %arg12[%get3A_742, %get3A_743] {strides = array<i32>} : memref<128x128xf32, #tpu.memory_space<vmem>>, vector<16xf32>,
      %get3A_745 = arith.index_cast %add3A_206 : i32 to index
      %get3A_746 = arith.constant 16 : index
      %get3A_747 = tpu.vector_load %arg14[%get3A_745, %get3A_746] {strides = array<i32>} : memref<128x128xf32, #tpu.memory_space<vmem>>, vector<16xf32>,
      %mul3A_748 = arith.mulf %get3A_744, %get3A_747 : vector<16xf32>
      %get3A_749 = arith.index_cast %add3A_206 : i32 to index
      %get3A_750 = arith.constant 16 : index
      %get3A_751 = tpu.vector_load %arg16[%get3A_749, %get3A_750] {strides = array<i32>} : memref<128x128xf32, #tpu.memory_space<vmem>>, vector<16xf32>,
      %mul3A_752 = arith.mulf %mul3A_748, %get3A_751 : vector<16xf32>
      %add3A_753 = arith.addf %mul3A_741, %mul3A_752 : vector<16xf32>
      %get3A_754 = arith.index_cast %add3A_206 : i32 to index
      %get3A_755 = arith.constant 32 : index
      %get3A_756 = tpu.vector_load %arg12[%get3A_754, %get3A_755] {strides = array<i32>} : memref<128x128xf32, #tpu.memory_space<vmem>>, vector<16xf32>,
      %get3A_757 = arith.index_cast %add3A_206 : i32 to index
      %get3A_758 = arith.constant 32 : index
      %get3A_759 = tpu.vector_load %arg14[%get3A_757, %get3A_758] {strides = array<i32>} : memref<128x128xf32, #tpu.memory_space<vmem>>, vector<16xf32>,
      %mul3A_760 = arith.mulf %get3A_756, %get3A_759 : vector<16xf32>
      %get3A_761 = arith.index_cast %add3A_206 : i32 to index
      %get3A_762 = arith.constant 32 : index
      %get3A_763 = tpu.vector_load %arg16[%get3A_761, %get3A_762] {strides = array<i32>} : memref<128x128xf32, #tpu.memory_space<vmem>>, vector<16xf32>,
      %mul3A_764 = arith.mulf %mul3A_760, %get3A_763 : vector<16xf32>
      %add3A_765 = arith.addf %add3A_753, %mul3A_764 : vector<16xf32>
      %get3A_766 = arith.index_cast %add3A_206 : i32 to index
      %get3A_767 = arith.constant 48 : index
      %get3A_768 = tpu.vector_load %arg12[%get3A_766, %get3A_767] {strides = array<i32>} : memref<128x128xf32, #tpu.memory_space<vmem>>, vector<16xf32>,
      %get3A_769 = arith.index_cast %add3A_206 : i32 to index
      %get3A_770 = arith.constant 48 : index
      %get3A_771 = tpu.vector_load %arg14[%get3A_769, %get3A_770] {strides = array<i32>} : memref<128x128xf32, #tpu.memory_space<vmem>>, vector<16xf32>,
      %mul3A_772 = arith.mulf %get3A_768, %get3A_771 : vector<16xf32>
      %get3A_773 = arith.index_cast %add3A_206 : i32 to index
      %get3A_774 = arith.constant 48 : index
      %get3A_775 = tpu.vector_load %arg16[%get3A_773, %get3A_774] {strides = array<i32>} : memref<128x128xf32, #tpu.memory_space<vmem>>, vector<16xf32>,
      %mul3A_776 = arith.mulf %mul3A_772, %get3A_775 : vector<16xf32>
      %add3A_777 = arith.addf %add3A_765, %mul3A_776 : vector<16xf32>
      %get3A_778 = arith.index_cast %add3A_208 : i32 to index
      %get3A_779 = arith.constant 0 : index
      %get3A_780 = tpu.vector_load %arg12[%get3A_778, %get3A_779] {strides = array<i32>} : memref<128x128xf32, #tpu.memory_space<vmem>>, vector<16xf32>,
      %get3A_781 = arith.index_cast %add3A_208 : i32 to index
      %get3A_782 = arith.constant 0 : index
      %get3A_783 = tpu.vector_load %arg14[%get3A_781, %get3A_782] {strides = array<i32>} : memref<128x128xf32, #tpu.memory_space<vmem>>, vector<16xf32>,
      %mul3A_784 = arith.mulf %get3A_780, %get3A_783 : vector<16xf32>
      %get3A_785 = arith.index_cast %add3A_208 : i32 to index
      %get3A_786 = arith.constant 0 : index
      %get3A_787 = tpu.vector_load %arg16[%get3A_785, %get3A_786] {strides = array<i32>} : memref<128x128xf32, #tpu.memory_space<vmem>>, vector<16xf32>,
      %mul3A_788 = arith.mulf %mul3A_784, %get3A_787 : vector<16xf32>
      %get3A_789 = arith.index_cast %add3A_208 : i32 to index
      %get3A_790 = arith.constant 16 : index
      %get3A_791 = tpu.vector_load %arg12[%get3A_789, %get3A_790] {strides = array<i32>} : memref<128x128xf32, #tpu.memory_space<vmem>>, vector<16xf32>,
      %get3A_792 = arith.index_cast %add3A_208 : i32 to index
      %get3A_793 = arith.constant 16 : index
      %get3A_794 = tpu.vector_load %arg14[%get3A_792, %get3A_793] {strides = array<i32>} : memref<128x128xf32, #tpu.memory_space<vmem>>, vector<16xf32>,
      %mul3A_795 = arith.mulf %get3A_791, %get3A_794 : vector<16xf32>
      %get3A_796 = arith.index_cast %add3A_208 : i32 to index
      %get3A_797 = arith.constant 16 : index
      %get3A_798 = tpu.vector_load %arg16[%get3A_796, %get3A_797] {strides = array<i32>} : memref<128x128xf32, #tpu.memory_space<vmem>>, vector<16xf32>,
      %mul3A_799 = arith.mulf %mul3A_795, %get3A_798 : vector<16xf32>
      %add3A_800 = arith.addf %mul3A_788, %mul3A_799 : vector<16xf32>
      %get3A_801 = arith.index_cast %add3A_208 : i32 to index
      %get3A_802 = arith.constant 32 : index
      %get3A_803 = tpu.vector_load %arg12[%get3A_801, %get3A_802] {strides = array<i32>} : memref<128x128xf32, #tpu.memory_space<vmem>>, vector<16xf32>,
      %get3A_804 = arith.index_cast %add3A_208 : i32 to index
      %get3A_805 = arith.constant 32 : index
      %get3A_806 = tpu.vector_load %arg14[%get3A_804, %get3A_805] {strides = array<i32>} : memref<128x128xf32, #tpu.memory_space<vmem>>, vector<16xf32>,
      %mul3A_807 = arith.mulf %get3A_803, %get3A_806 : vector<16xf32>
      %get3A_808 = arith.index_cast %add3A_208 : i32 to index
      %get3A_809 = arith.constant 32 : index
      %get3A_810 = tpu.vector_load %arg16[%get3A_808, %get3A_809] {strides = array<i32>} : memref<128x128xf32, #tpu.memory_space<vmem>>, vector<16xf32>,
      %mul3A_811 = arith.mulf %mul3A_807, %get3A_810 : vector<16xf32>
      %add3A_812 = arith.addf %add3A_800, %mul3A_811 : vector<16xf32>
      %get3A_813 = arith.index_cast %add3A_208 : i32 to index
      %get3A_814 = arith.constant 48 : index
      %get3A_815 = tpu.vector_load %arg12[%get3A_813, %get3A_814] {strides = array<i32>} : memref<128x128xf32, #tpu.memory_space<vmem>>, vector<16xf32>,
      %get3A_816 = arith.index_cast %add3A_208 : i32 to index
      %get3A_817 = arith.constant 48 : index
      %get3A_818 = tpu.vector_load %arg14[%get3A_816, %get3A_817] {strides = array<i32>} : memref<128x128xf32, #tpu.memory_space<vmem>>, vector<16xf32>,
      %mul3A_819 = arith.mulf %get3A_815, %get3A_818 : vector<16xf32>
      %get3A_820 = arith.index_cast %add3A_208 : i32 to index
      %get3A_821 = arith.constant 48 : index
      %get3A_822 = tpu.vector_load %arg16[%get3A_820, %get3A_821] {strides = array<i32>} : memref<128x128xf32, #tpu.memory_space<vmem>>, vector<16xf32>,
      %mul3A_823 = arith.mulf %mul3A_819, %get3A_822 : vector<16xf32>
      %add3A_824 = arith.addf %add3A_812, %mul3A_823 : vector<16xf32>
      %get3A_825 = arith.index_cast %add3A_210 : i32 to index
      %get3A_826 = arith.constant 0 : index
      %get3A_827 = tpu.vector_load %arg12[%get3A_825, %get3A_826] {strides = array<i32>} : memref<128x128xf32, #tpu.memory_space<vmem>>, vector<16xf32>,
      %get3A_828 = arith.index_cast %add3A_210 : i32 to index
      %get3A_829 = arith.constant 0 : index
      %get3A_830 = tpu.vector_load %arg14[%get3A_828, %get3A_829] {strides = array<i32>} : memref<128x128xf32, #tpu.memory_space<vmem>>, vector<16xf32>,
      %mul3A_831 = arith.mulf %get3A_827, %get3A_830 : vector<16xf32>
      %get3A_832 = arith.index_cast %add3A_210 : i32 to index
      %get3A_833 = arith.constant 0 : index
      %get3A_834 = tpu.vector_load %arg16[%get3A_832, %get3A_833] {strides = array<i32>} : memref<128x128xf32, #tpu.memory_space<vmem>>, vector<16xf32>,
      %mul3A_835 = arith.mulf %mul3A_831, %get3A_834 : vector<16xf32>
      %get3A_836 = arith.index_cast %add3A_210 : i32 to index
      %get3A_837 = arith.constant 16 : index
      %get3A_838 = tpu.vector_load %arg12[%get3A_836, %get3A_837] {strides = array<i32>} : memref<128x128xf32, #tpu.memory_space<vmem>>, vector<16xf32>,
      %get3A_839 = arith.index_cast %add3A_210 : i32 to index
      %get3A_840 = arith.constant 16 : index
      %get3A_841 = tpu.vector_load %arg14[%get3A_839, %get3A_840] {strides = array<i32>} : memref<128x128xf32, #tpu.memory_space<vmem>>, vector<16xf32>,
      %mul3A_842 = arith.mulf %get3A_838, %get3A_841 : vector<16xf32>
      %get3A_843 = arith.index_cast %add3A_210 : i32 to index
      %get3A_844 = arith.constant 16 : index
      %get3A_845 = tpu.vector_load %arg16[%get3A_843, %get3A_844] {strides = array<i32>} : memref<128x128xf32, #tpu.memory_space<vmem>>, vector<16xf32>,
      %mul3A_846 = arith.mulf %mul3A_842, %get3A_845 : vector<16xf32>
      %add3A_847 = arith.addf %mul3A_835, %mul3A_846 : vector<16xf32>
      %get3A_848 = arith.index_cast %add3A_210 : i32 to index
      %get3A_849 = arith.constant 32 : index
      %get3A_850 = tpu.vector_load %arg12[%get3A_848, %get3A_849] {strides = array<i32>} : memref<128x128xf32, #tpu.memory_space<vmem>>, vector<16xf32>,
      %get3A_851 = arith.index_cast %add3A_210 : i32 to index
      %get3A_852 = arith.constant 32 : index
      %get3A_853 = tpu.vector_load %arg14[%get3A_851, %get3A_852] {strides = array<i32>} : memref<128x128xf32, #tpu.memory_space<vmem>>, vector<16xf32>,
      %mul3A_854 = arith.mulf %get3A_850, %get3A_853 : vector<16xf32>
      %get3A_855 = arith.index_cast %add3A_210 : i32 to index
      %get3A_856 = arith.constant 32 : index
      %get3A_857 = tpu.vector_load %arg16[%get3A_855, %get3A_856] {strides = array<i32>} : memref<128x128xf32, #tpu.memory_space<vmem>>, vector<16xf32>,
      %mul3A_858 = arith.mulf %mul3A_854, %get3A_857 : vector<16xf32>
      %add3A_859 = arith.addf %add3A_847, %mul3A_858 : vector<16xf32>
      %get3A_860 = arith.index_cast %add3A_210 : i32 to index
      %get3A_861 = arith.constant 48 : index
      %get3A_862 = tpu.vector_load %arg12[%get3A_860, %get3A_861] {strides = array<i32>} : memref<128x128xf32, #tpu.memory_space<vmem>>, vector<16xf32>,
      %get3A_863 = arith.index_cast %add3A_210 : i32 to index
      %get3A_864 = arith.constant 48 : index
      %get3A_865 = tpu.vector_load %arg14[%get3A_863, %get3A_864] {strides = array<i32>} : memref<128x128xf32, #tpu.memory_space<vmem>>, vector<16xf32>,
      %mul3A_866 = arith.mulf %get3A_862, %get3A_865 : vector<16xf32>
      %get3A_867 = arith.index_cast %add3A_210 : i32 to index
      %get3A_868 = arith.constant 48 : index
      %get3A_869 = tpu.vector_load %arg16[%get3A_867, %get3A_868] {strides = array<i32>} : memref<128x128xf32, #tpu.memory_space<vmem>>, vector<16xf32>,
      %mul3A_870 = arith.mulf %mul3A_866, %get3A_869 : vector<16xf32>
      %add3A_871 = arith.addf %add3A_859, %mul3A_870 : vector<16xf32>
      %get3A_872 = arith.index_cast %add3A_212 : i32 to index
      %get3A_873 = arith.constant 0 : index
      %get3A_874 = tpu.vector_load %arg12[%get3A_872, %get3A_873] {strides = array<i32>} : memref<128x128xf32, #tpu.memory_space<vmem>>, vector<16xf32>,
      %get3A_875 = arith.index_cast %add3A_212 : i32 to index
      %get3A_876 = arith.constant 0 : index
      %get3A_877 = tpu.vector_load %arg14[%get3A_875, %get3A_876] {strides = array<i32>} : memref<128x128xf32, #tpu.memory_space<vmem>>, vector<16xf32>,
      %mul3A_878 = arith.mulf %get3A_874, %get3A_877 : vector<16xf32>
      %get3A_879 = arith.index_cast %add3A_212 : i32 to index
      %get3A_880 = arith.constant 0 : index
      %get3A_881 = tpu.vector_load %arg16[%get3A_879, %get3A_880] {strides = array<i32>} : memref<128x128xf32, #tpu.memory_space<vmem>>, vector<16xf32>,
      %mul3A_882 = arith.mulf %mul3A_878, %get3A_881 : vector<16xf32>
      %get3A_883 = arith.index_cast %add3A_212 : i32 to index
      %get3A_884 = arith.constant 16 : index
      %get3A_885 = tpu.vector_load %arg12[%get3A_883, %get3A_884] {strides = array<i32>} : memref<128x128xf32, #tpu.memory_space<vmem>>, vector<16xf32>,
      %get3A_886 = arith.index_cast %add3A_212 : i32 to index
      %get3A_887 = arith.constant 16 : index
      %get3A_888 = tpu.vector_load %arg14[%get3A_886, %get3A_887] {strides = array<i32>} : memref<128x128xf32, #tpu.memory_space<vmem>>, vector<16xf32>,
      %mul3A_889 = arith.mulf %get3A_885, %get3A_888 : vector<16xf32>
      %get3A_890 = arith.index_cast %add3A_212 : i32 to index
      %get3A_891 = arith.constant 16 : index
      %get3A_892 = tpu.vector_load %arg16[%get3A_890, %get3A_891] {strides = array<i32>} : memref<128x128xf32, #tpu.memory_space<vmem>>, vector<16xf32>,
      %mul3A_893 = arith.mulf %mul3A_889, %get3A_892 : vector<16xf32>
      %add3A_894 = arith.addf %mul3A_882, %mul3A_893 : vector<16xf32>
      %get3A_895 = arith.index_cast %add3A_212 : i32 to index
      %get3A_896 = arith.constant 32 : index
      %get3A_897 = tpu.vector_load %arg12[%get3A_895, %get3A_896] {strides = array<i32>} : memref<128x128xf32, #tpu.memory_space<vmem>>, vector<16xf32>,
      %get3A_898 = arith.index_cast %add3A_212 : i32 to index
      %get3A_899 = arith.constant 32 : index
      %get3A_900 = tpu.vector_load %arg14[%get3A_898, %get3A_899] {strides = array<i32>} : memref<128x128xf32, #tpu.memory_space<vmem>>, vector<16xf32>,
      %mul3A_901 = arith.mulf %get3A_897, %get3A_900 : vector<16xf32>
      %get3A_902 = arith.index_cast %add3A_212 : i32 to index
      %get3A_903 = arith.constant 32 : index
      %get3A_904 = tpu.vector_load %arg16[%get3A_902, %get3A_903] {strides = array<i32>} : memref<128x128xf32, #tpu.memory_space<vmem>>, vector<16xf32>,
      %mul3A_905 = arith.mulf %mul3A_901, %get3A_904 : vector<16xf32>
      %add3A_906 = arith.addf %add3A_894, %mul3A_905 : vector<16xf32>
      %get3A_907 = arith.index_cast %add3A_212 : i32 to index
      %get3A_908 = arith.constant 48 : index
      %get3A_909 = tpu.vector_load %arg12[%get3A_907, %get3A_908] {strides = array<i32>} : memref<128x128xf32, #tpu.memory_space<vmem>>, vector<16xf32>,
      %get3A_910 = arith.index_cast %add3A_212 : i32 to index
      %get3A_911 = arith.constant 48 : index
      %get3A_912 = tpu.vector_load %arg14[%get3A_910, %get3A_911] {strides = array<i32>} : memref<128x128xf32, #tpu.memory_space<vmem>>, vector<16xf32>,
      %mul3A_913 = arith.mulf %get3A_909, %get3A_912 : vector<16xf32>
      %get3A_914 = arith.index_cast %add3A_212 : i32 to index
      %get3A_915 = arith.constant 48 : index
      %get3A_916 = tpu.vector_load %arg16[%get3A_914, %get3A_915] {strides = array<i32>} : memref<128x128xf32, #tpu.memory_space<vmem>>, vector<16xf32>,
      %mul3A_917 = arith.mulf %mul3A_913, %get3A_916 : vector<16xf32>
      %add3A_918 = arith.addf %add3A_906, %mul3A_917 : vector<16xf32>
      %get3A_919 = arith.index_cast %add3A_214 : i32 to index
      %get3A_920 = arith.constant 0 : index
      %get3A_921 = tpu.vector_load %arg12[%get3A_919, %get3A_920] {strides = array<i32>} : memref<128x128xf32, #tpu.memory_space<vmem>>, vector<16xf32>,
      %get3A_922 = arith.index_cast %add3A_214 : i32 to index
      %get3A_923 = arith.constant 0 : index
      %get3A_924 = tpu.vector_load %arg14[%get3A_922, %get3A_923] {strides = array<i32>} : memref<128x128xf32, #tpu.memory_space<vmem>>, vector<16xf32>,
      %mul3A_925 = arith.mulf %get3A_921, %get3A_924 : vector<16xf32>
      %get3A_926 = arith.index_cast %add3A_214 : i32 to index
      %get3A_927 = arith.constant 0 : index
      %get3A_928 = tpu.vector_load %arg16[%get3A_926, %get3A_927] {strides = array<i32>} : memref<128x128xf32, #tpu.memory_space<vmem>>, vector<16xf32>,
      %mul3A_929 = arith.mulf %mul3A_925, %get3A_928 : vector<16xf32>
      %get3A_930 = arith.index_cast %add3A_214 : i32 to index
      %get3A_931 = arith.constant 16 : index
      %get3A_932 = tpu.vector_load %arg12[%get3A_930, %get3A_931] {strides = array<i32>} : memref<128x128xf32, #tpu.memory_space<vmem>>, vector<16xf32>,
      %get3A_933 = arith.index_cast %add3A_214 : i32 to index
      %get3A_934 = arith.constant 16 : index
      %get3A_935 = tpu.vector_load %arg14[%get3A_933, %get3A_934] {strides = array<i32>} : memref<128x128xf32, #tpu.memory_space<vmem>>, vector<16xf32>,
      %mul3A_936 = arith.mulf %get3A_932, %get3A_935 : vector<16xf32>
      %get3A_937 = arith.index_cast %add3A_214 : i32 to index
      %get3A_938 = arith.constant 16 : index
      %get3A_939 = tpu.vector_load %arg16[%get3A_937, %get3A_938] {strides = array<i32>} : memref<128x128xf32, #tpu.memory_space<vmem>>, vector<16xf32>,
      %mul3A_940 = arith.mulf %mul3A_936, %get3A_939 : vector<16xf32>
      %add3A_941 = arith.addf %mul3A_929, %mul3A_940 : vector<16xf32>
      %get3A_942 = arith.index_cast %add3A_214 : i32 to index
      %get3A_943 = arith.constant 32 : index
      %get3A_944 = tpu.vector_load %arg12[%get3A_942, %get3A_943] {strides = array<i32>} : memref<128x128xf32, #tpu.memory_space<vmem>>, vector<16xf32>,
      %get3A_945 = arith.index_cast %add3A_214 : i32 to index
      %get3A_946 = arith.constant 32 : index
      %get3A_947 = tpu.vector_load %arg14[%get3A_945, %get3A_946] {strides = array<i32>} : memref<128x128xf32, #tpu.memory_space<vmem>>, vector<16xf32>,
      %mul3A_948 = arith.mulf %get3A_944, %get3A_947 : vector<16xf32>
      %get3A_949 = arith.index_cast %add3A_214 : i32 to index
      %get3A_950 = arith.constant 32 : index
      %get3A_951 = tpu.vector_load %arg16[%get3A_949, %get3A_950] {strides = array<i32>} : memref<128x128xf32, #tpu.memory_space<vmem>>, vector<16xf32>,
      %mul3A_952 = arith.mulf %mul3A_948, %get3A_951 : vector<16xf32>
      %add3A_953 = arith.addf %add3A_941, %mul3A_952 : vector<16xf32>
      %get3A_954 = arith.index_cast %add3A_214 : i32 to index
      %get3A_955 = arith.constant 48 : index
      %get3A_956 = tpu.vector_load %arg12[%get3A_954, %get3A_955] {strides = array<i32>} : memref<128x128xf32, #tpu.memory_space<vmem>>, vector<16xf32>,
      %get3A_957 = arith.index_cast %add3A_214 : i32 to index
      %get3A_958 = arith.constant 48 : index
      %get3A_959 = tpu.vector_load %arg14[%get3A_957, %get3A_958] {strides = array<i32>} : memref<128x128xf32, #tpu.memory_space<vmem>>, vector<16xf32>,
      %mul3A_960 = arith.mulf %get3A_956, %get3A_959 : vector<16xf32>
      %get3A_961 = arith.index_cast %add3A_214 : i32 to index
      %get3A_962 = arith.constant 48 : index
      %get3A_963 = tpu.vector_load %arg16[%get3A_961, %get3A_962] {strides = array<i32>} : memref<128x128xf32, #tpu.memory_space<vmem>>, vector<16xf32>,
      %mul3A_964 = arith.mulf %mul3A_960, %get3A_963 : vector<16xf32>
      %add3A_965 = arith.addf %add3A_953, %mul3A_964 : vector<16xf32>
      %broadcast_in_dim3A_966 = arith.constant true
      %broadcast_in_dim3A_967 = vector.broadcast %broadcast_in_dim3A_966 : i1 to vector<16xi1>
      %masked_cumsum3A = tpu.scan <sum>, %add3A_260 masked %broadcast_in_dim3A_967 : vector<16xf32>, vector<16xi1> -> vector<16xf32>
      %broadcast_in_dim3A_968 = arith.constant true
      %broadcast_in_dim3A_969 = vector.broadcast %broadcast_in_dim3A_968 : i1 to vector<16xi1>
      %masked_cumsum3A_970 = tpu.scan <sum>, %add3A_307 masked %broadcast_in_dim3A_969 : vector<16xf32>, vector<16xi1> -> vector<16xf32>
      %broadcast_in_dim3A_971 = arith.constant true
      %broadcast_in_dim3A_972 = vector.broadcast %broadcast_in_dim3A_971 : i1 to vector<16xi1>
      %masked_cumsum3A_973 = tpu.scan <sum>, %add3A_354 masked %broadcast_in_dim3A_972 : vector<16xf32>, vector<16xi1> -> vector<16xf32>
      %broadcast_in_dim3A_974 = arith.constant true
      %broadcast_in_dim3A_975 = vector.broadcast %broadcast_in_dim3A_974 : i1 to vector<16xi1>
      %masked_cumsum3A_976 = tpu.scan <sum>, %add3A_401 masked %broadcast_in_dim3A_975 : vector<16xf32>, vector<16xi1> -> vector<16xf32>
      %broadcast_in_dim3A_977 = arith.constant true
      %broadcast_in_dim3A_978 = vector.broadcast %broadcast_in_dim3A_977 : i1 to vector<16xi1>
      %masked_cumsum3A_979 = tpu.scan <sum>, %add3A_448 masked %broadcast_in_dim3A_978 : vector<16xf32>, vector<16xi1> -> vector<16xf32>
      %broadcast_in_dim3A_980 = arith.constant true
      %broadcast_in_dim3A_981 = vector.broadcast %broadcast_in_dim3A_980 : i1 to vector<16xi1>
      %masked_cumsum3A_982 = tpu.scan <sum>, %add3A_495 masked %broadcast_in_dim3A_981 : vector<16xf32>, vector<16xi1> -> vector<16xf32>
      %broadcast_in_dim3A_983 = arith.constant true
      %broadcast_in_dim3A_984 = vector.broadcast %broadcast_in_dim3A_983 : i1 to vector<16xi1>
      %masked_cumsum3A_985 = tpu.scan <sum>, %add3A_542 masked %broadcast_in_dim3A_984 : vector<16xf32>, vector<16xi1> -> vector<16xf32>
      %broadcast_in_dim3A_986 = arith.constant true
      %broadcast_in_dim3A_987 = vector.broadcast %broadcast_in_dim3A_986 : i1 to vector<16xi1>
      %masked_cumsum3A_988 = tpu.scan <sum>, %add3A_589 masked %broadcast_in_dim3A_987 : vector<16xf32>, vector<16xi1> -> vector<16xf32>
      %broadcast_in_dim3A_989 = arith.constant true
      %broadcast_in_dim3A_990 = vector.broadcast %broadcast_in_dim3A_989 : i1 to vector<16xi1>
      %masked_cumsum3A_991 = tpu.scan <sum>, %add3A_636 masked %broadcast_in_dim3A_990 : vector<16xf32>, vector<16xi1> -> vector<16xf32>
      %broadcast_in_dim3A_992 = arith.constant true
      %broadcast_in_dim3A_993 = vector.broadcast %broadcast_in_dim3A_992 : i1 to vector<16xi1>
      %masked_cumsum3A_994 = tpu.scan <sum>, %add3A_683 masked %broadcast_in_dim3A_993 : vector<16xf32>, vector<16xi1> -> vector<16xf32>
      %broadcast_in_dim3A_995 = arith.constant true
      %broadcast_in_dim3A_996 = vector.broadcast %broadcast_in_dim3A_995 : i1 to vector<16xi1>
      %masked_cumsum3A_997 = tpu.scan <sum>, %add3A_730 masked %broadcast_in_dim3A_996 : vector<16xf32>, vector<16xi1> -> vector<16xf32>
      %broadcast_in_dim3A_998 = arith.constant true
      %broadcast_in_dim3A_999 = vector.broadcast %broadcast_in_dim3A_998 : i1 to vector<16xi1>
      %masked_cumsum3A_1000 = tpu.scan <sum>, %add3A_777 masked %broadcast_in_dim3A_999 : vector<16xf32>, vector<16xi1> -> vector<16xf32>
      %broadcast_in_dim3A_1001 = arith.constant true
      %broadcast_in_dim3A_1002 = vector.broadcast %broadcast_in_dim3A_1001 : i1 to vector<16xi1>
      %masked_cumsum3A_1003 = tpu.scan <sum>, %add3A_824 masked %broadcast_in_dim3A_1002 : vector<16xf32>, vector<16xi1> -> vector<16xf32>
      %broadcast_in_dim3A_1004 = arith.constant true
      %broadcast_in_dim3A_1005 = vector.broadcast %broadcast_in_dim3A_1004 : i1 to vector<16xi1>
      %masked_cumsum3A_1006 = tpu.scan <sum>, %add3A_871 masked %broadcast_in_dim3A_1005 : vector<16xf32>, vector<16xi1> -> vector<16xf32>
      %broadcast_in_dim3A_1007 = arith.constant true
      %broadcast_in_dim3A_1008 = vector.broadcast %broadcast_in_dim3A_1007 : i1 to vector<16xi1>
      %masked_cumsum3A_1009 = tpu.scan <sum>, %add3A_918 masked %broadcast_in_dim3A_1008 : vector<16xf32>, vector<16xi1> -> vector<16xf32>
      %broadcast_in_dim3A_1010 = arith.constant true
      %broadcast_in_dim3A_1011 = vector.broadcast %broadcast_in_dim3A_1010 : i1 to vector<16xi1>
      %masked_cumsum3A_1012 = tpu.scan <sum>, %add3A_965 masked %broadcast_in_dim3A_1011 : vector<16xf32>, vector<16xi1> -> vector<16xf32>
      %add3A_1013 = arith.constant 384 : i32
      %add3A_1014 = arith.addi %add3A_1013, %add3A_184 : i32
      %add3A_1015 = vector.broadcast %add3A_1014 : i32 to vector<16xi32>
      %add3A_1016 = arith.addi %broadcast_in_dim3A_34, %add3A_1015 : vector<16xi32>
      tpu.vector_store_idx %arg17[%add3A_1016], %masked_cumsum3A masked %eq3A_33 : memref<512xf32, #tpu.memory_space<vmem>>[vector<16xi32>], vector<16xf32>, vector<16xi1>
      %add3A_1017 = arith.constant 384 : i32
      %add3A_1018 = arith.addi %add3A_1017, %add3A_186 : i32
      %add3A_1019 = vector.broadcast %add3A_1018 : i32 to vector<16xi32>
      %add3A_1020 = arith.addi %broadcast_in_dim3A_34, %add3A_1019 : vector<16xi32>
      tpu.vector_store_idx %arg17[%add3A_1020], %masked_cumsum3A_970 masked %eq3A_33 : memref<512xf32, #tpu.memory_space<vmem>>[vector<16xi32>], vector<16xf32>, vector<16xi1>
      %add3A_1021 = arith.constant 384 : i32
      %add3A_1022 = arith.addi %add3A_1021, %add3A_188 : i32
      %add3A_1023 = vector.broadcast %add3A_1022 : i32 to vector<16xi32>
      %add3A_1024 = arith.addi %broadcast_in_dim3A_34, %add3A_1023 : vector<16xi32>
      tpu.vector_store_idx %arg17[%add3A_1024], %masked_cumsum3A_973 masked %eq3A_33 : memref<512xf32, #tpu.memory_space<vmem>>[vector<16xi32>], vector<16xf32>, vector<16xi1>
      %add3A_1025 = arith.constant 384 : i32
      %add3A_1026 = arith.addi %add3A_1025, %add3A_190 : i32
      %add3A_1027 = vector.broadcast %add3A_1026 : i32 to vector<16xi32>
      %add3A_1028 = arith.addi %broadcast_in_dim3A_34, %add3A_1027 : vector<16xi32>
      tpu.vector_store_idx %arg17[%add3A_1028], %masked_cumsum3A_976 masked %eq3A_33 : memref<512xf32, #tpu.memory_space<vmem>>[vector<16xi32>], vector<16xf32>, vector<16xi1>
      %add3A_1029 = arith.constant 384 : i32
      %add3A_1030 = arith.addi %add3A_1029, %add3A_192 : i32
      %add3A_1031 = vector.broadcast %add3A_1030 : i32 to vector<16xi32>
      %add3A_1032 = arith.addi %broadcast_in_dim3A_34, %add3A_1031 : vector<16xi32>
      tpu.vector_store_idx %arg17[%add3A_1032], %masked_cumsum3A_979 masked %eq3A_33 : memref<512xf32, #tpu.memory_space<vmem>>[vector<16xi32>], vector<16xf32>, vector<16xi1>
      %add3A_1033 = arith.constant 384 : i32
      %add3A_1034 = arith.addi %add3A_1033, %add3A_194 : i32
      %add3A_1035 = vector.broadcast %add3A_1034 : i32 to vector<16xi32>
      %add3A_1036 = arith.addi %broadcast_in_dim3A_34, %add3A_1035 : vector<16xi32>
      tpu.vector_store_idx %arg17[%add3A_1036], %masked_cumsum3A_982 masked %eq3A_33 : memref<512xf32, #tpu.memory_space<vmem>>[vector<16xi32>], vector<16xf32>, vector<16xi1>
      %add3A_1037 = arith.constant 384 : i32
      %add3A_1038 = arith.addi %add3A_1037, %add3A_196 : i32
      %add3A_1039 = vector.broadcast %add3A_1038 : i32 to vector<16xi32>
      %add3A_1040 = arith.addi %broadcast_in_dim3A_34, %add3A_1039 : vector<16xi32>
      tpu.vector_store_idx %arg17[%add3A_1040], %masked_cumsum3A_985 masked %eq3A_33 : memref<512xf32, #tpu.memory_space<vmem>>[vector<16xi32>], vector<16xf32>, vector<16xi1>
      %add3A_1041 = arith.constant 384 : i32
      %add3A_1042 = arith.addi %add3A_1041, %add3A_198 : i32
      %add3A_1043 = vector.broadcast %add3A_1042 : i32 to vector<16xi32>
      %add3A_1044 = arith.addi %broadcast_in_dim3A_34, %add3A_1043 : vector<16xi32>
      tpu.vector_store_idx %arg17[%add3A_1044], %masked_cumsum3A_988 masked %eq3A_33 : memref<512xf32, #tpu.memory_space<vmem>>[vector<16xi32>], vector<16xf32>, vector<16xi1>
      %add3A_1045 = arith.constant 384 : i32
      %add3A_1046 = arith.addi %add3A_1045, %add3A_200 : i32
      %add3A_1047 = vector.broadcast %add3A_1046 : i32 to vector<16xi32>
      %add3A_1048 = arith.addi %broadcast_in_dim3A_34, %add3A_1047 : vector<16xi32>
      tpu.vector_store_idx %arg17[%add3A_1048], %masked_cumsum3A_991 masked %eq3A_33 : memref<512xf32, #tpu.memory_space<vmem>>[vector<16xi32>], vector<16xf32>, vector<16xi1>
      %add3A_1049 = arith.constant 384 : i32
      %add3A_1050 = arith.addi %add3A_1049, %add3A_202 : i32
      %add3A_1051 = vector.broadcast %add3A_1050 : i32 to vector<16xi32>
      %add3A_1052 = arith.addi %broadcast_in_dim3A_34, %add3A_1051 : vector<16xi32>
      tpu.vector_store_idx %arg17[%add3A_1052], %masked_cumsum3A_994 masked %eq3A_33 : memref<512xf32, #tpu.memory_space<vmem>>[vector<16xi32>], vector<16xf32>, vector<16xi1>
      %add3A_1053 = arith.constant 384 : i32
      %add3A_1054 = arith.addi %add3A_1053, %add3A_204 : i32
      %add3A_1055 = vector.broadcast %add3A_1054 : i32 to vector<16xi32>
      %add3A_1056 = arith.addi %broadcast_in_dim3A_34, %add3A_1055 : vector<16xi32>
      tpu.vector_store_idx %arg17[%add3A_1056], %masked_cumsum3A_997 masked %eq3A_33 : memref<512xf32, #tpu.memory_space<vmem>>[vector<16xi32>], vector<16xf32>, vector<16xi1>
      %add3A_1057 = arith.constant 384 : i32
      %add3A_1058 = arith.addi %add3A_1057, %add3A_206 : i32
      %add3A_1059 = vector.broadcast %add3A_1058 : i32 to vector<16xi32>
      %add3A_1060 = arith.addi %broadcast_in_dim3A_34, %add3A_1059 : vector<16xi32>
      tpu.vector_store_idx %arg17[%add3A_1060], %masked_cumsum3A_1000 masked %eq3A_33 : memref<512xf32, #tpu.memory_space<vmem>>[vector<16xi32>], vector<16xf32>, vector<16xi1>
      %add3A_1061 = arith.constant 384 : i32
      %add3A_1062 = arith.addi %add3A_1061, %add3A_208 : i32
      %add3A_1063 = vector.broadcast %add3A_1062 : i32 to vector<16xi32>
      %add3A_1064 = arith.addi %broadcast_in_dim3A_34, %add3A_1063 : vector<16xi32>
      tpu.vector_store_idx %arg17[%add3A_1064], %masked_cumsum3A_1003 masked %eq3A_33 : memref<512xf32, #tpu.memory_space<vmem>>[vector<16xi32>], vector<16xf32>, vector<16xi1>
      %add3A_1065 = arith.constant 384 : i32
      %add3A_1066 = arith.addi %add3A_1065, %add3A_210 : i32
      %add3A_1067 = vector.broadcast %add3A_1066 : i32 to vector<16xi32>
      %add3A_1068 = arith.addi %broadcast_in_dim3A_34, %add3A_1067 : vector<16xi32>
      tpu.vector_store_idx %arg17[%add3A_1068], %masked_cumsum3A_1006 masked %eq3A_33 : memref<512xf32, #tpu.memory_space<vmem>>[vector<16xi32>], vector<16xf32>, vector<16xi1>
      %add3A_1069 = arith.constant 384 : i32
      %add3A_1070 = arith.addi %add3A_1069, %add3A_212 : i32
      %add3A_1071 = vector.broadcast %add3A_1070 : i32 to vector<16xi32>
      %add3A_1072 = arith.addi %broadcast_in_dim3A_34, %add3A_1071 : vector<16xi32>
      tpu.vector_store_idx %arg17[%add3A_1072], %masked_cumsum3A_1009 masked %eq3A_33 : memref<512xf32, #tpu.memory_space<vmem>>[vector<16xi32>], vector<16xf32>, vector<16xi1>
      %add3A_1073 = arith.constant 384 : i32
      %add3A_1074 = arith.addi %add3A_1073, %add3A_214 : i32
      %add3A_1075 = vector.broadcast %add3A_1074 : i32 to vector<16xi32>
      %add3A_1076 = arith.addi %broadcast_in_dim3A_34, %add3A_1075 : vector<16xi32>
      tpu.vector_store_idx %arg17[%add3A_1076], %masked_cumsum3A_1012 masked %eq3A_33 : memref<512xf32, #tpu.memory_space<vmem>>[vector<16xi32>], vector<16xf32>, vector<16xi1>
      %scan3A_1077 = arith.constant 0 : i32
      scf.yield %scan3A_1077 : i32
    }
    %scan3A_171 = arith.constant 8 : i32
    %scan3A_172 = arith.constant 0 : i32
    %scan3A_173 = arith.constant 0 : i32
    %scan3A_174 = arith.constant 8 : i32
    %scan3A_175 = arith.addi %scan3A_173, %scan3A_174 : i32
    %scan3A_176 = arith.constant 1 : i32
    %scan3A_177 = scf.for %scan3A_179 = %scan3A_173 to %scan3A_175 step %scan3A_176 iter_args(%scan3A_180 = %scan3A_172) -> (i32)  : i32 {
      %mul3A_181 = arith.constant 16 : i32
      %mul3A_182 = arith.muli %scan3A_179, %mul3A_181 : i32
      %add3A_183 = arith.constant 384 : i32
      %add3A_184 = arith.addi %add3A_183, %mul3A_182 : i32
      %get3A = arith.index_cast %add3A_184 : i32 to index
      %get3A_185 = tpu.vector_load %arg17[%get3A] {strides = array<i32>} : memref<512xf32, #tpu.memory_space<vmem>>, vector<16xf32>,
      %neg3A = arith.constant 0.000000e+00 : f32
      %neg3A_186 = vector.broadcast %neg3A : f32 to vector<16xf32>
      %neg3A_187 = arith.subf %neg3A_186, %get3A_185 : vector<16xf32>
      %exp3A = math.exp %neg3A_187 : vector<16xf32>
      %add3A_188 = arith.constant 1.000000e+00 : f32
      %add3A_189 = vector.broadcast %add3A_188 : f32 to vector<16xf32>
      %add3A_190 = arith.addf %add3A_189, %exp3A : vector<16xf32>
      %div3A = arith.constant 1.000000e+00 : f32
      %div3A_191 = vector.broadcast %div3A : f32 to vector<16xf32>
      %div3A_192 = arith.divf %div3A_191, %add3A_190 : vector<16xf32>
      %neg3A_193 = arith.constant 0.000000e+00 : f32
      %neg3A_194 = vector.broadcast %neg3A_193 : f32 to vector<16xf32>
      %neg3A_195 = arith.subf %neg3A_194, %div3A_192 : vector<16xf32>
      %exp3A_196 = math.exp %neg3A_195 : vector<16xf32>
      %add3A_197 = arith.constant 1.000000e+00 : f32
      %add3A_198 = vector.broadcast %add3A_197 : f32 to vector<16xf32>
      %add3A_199 = arith.addf %add3A_198, %exp3A_196 : vector<16xf32>
      %div3A_200 = arith.constant 1.000000e+00 : f32
      %div3A_201 = vector.broadcast %div3A_200 : f32 to vector<16xf32>
      %div3A_202 = arith.divf %div3A_201, %add3A_199 : vector<16xf32>
      %swap3A = arith.index_cast %add3A_184 : i32 to index
      %swap3A_203 = tpu.vector_load %arg17[%swap3A] {strides = array<i32>} : memref<512xf32, #tpu.memory_space<vmem>>, vector<16xf32>,
      tpu.vector_store %arg17[%swap3A], %div3A_202 {strides = array<i32>} : memref<512xf32, #tpu.memory_space<vmem>>, vector<16xf32>,
      %scan3A_204 = arith.constant 0 : i32
      scf.yield %scan3A_204 : i32
    }
    %scan3A_178 = arith.constant 8 : i32
    "tpu.region"() ({
      %run_scoped3A = tpu.sem_alloc : memref<!tpu.dma_semaphore, #tpu.memory_space<semaphore_mem>>
      %dma_start3A_179 = tpu.memref_slice %arg7[%mul3A_2] : memref<16384xf32, #tpu.memory_space<hbm>> -> memref<512xf32, #tpu.memory_space<hbm>>
      %dma_start3A_180 = tpu.memref_slice %arg7[%mul3A_2] : memref<16384xf32, #tpu.memory_space<hbm>> -> memref<512xf32, #tpu.memory_space<hbm>>
      tpu.enqueue_dma source(%arg17 : memref<512xf32, #tpu.memory_space<vmem>>) target(%dma_start3A_180 : memref<512xf32, #tpu.memory_space<hbm>>) target_semaphore(%run_scoped3A : memref<!tpu.dma_semaphore, #tpu.memory_space<semaphore_mem>>)
      %dma_wait3A_181 = tpu.memref_slice %arg7[%mul3A_2] : memref<16384xf32, #tpu.memory_space<hbm>> -> memref<512xf32, #tpu.memory_space<hbm>>
      %dma_wait3A_182 = tpu.memref_slice %arg7[%mul3A_2] : memref<16384xf32, #tpu.memory_space<hbm>> -> memref<512xf32, #tpu.memory_space<hbm>>
      tpu.wait_dma2 semaphore(%run_scoped3A : memref<!tpu.dma_semaphore, #tpu.memory_space<semaphore_mem>>) src(%arg17 : memref<512xf32, #tpu.memory_space<vmem>>) dst(%dma_wait3A_182 : memref<512xf32, #tpu.memory_space<hbm>>)
      tpu.yield
    }) : () -> ()
    return
  }
}

</mosaic_0001>

<sc_bundles>
// kernel: kernel.3.cloned.1.call-start
scs
__scs_entry_jumppad:
0x0: {  	(pc) =	sbr.rel $0x88, $3  }
0x1: {  	(tag) =	ssettag $0x0;
	lr =	simm.s32 $0x1  }
0x2: {  	[smem:$0x3F9C] =	sst lr;
	_ =	strace $0xD0000000  }
0x3: {  	_ = 	snop  }
0x4: {  	_ = 	snop  }
0x5: {  	_ = 	snop  }
0x6: {  	_ = 	snop  }
0x7: {  	_ = 	snop  }
__scs_overlays_trampoline_lowered:
0x8: {  	[smem:$0x3FAB] =	sst s0  }
0x9: {  	[smem:$0x3FAC] =	sst s1  }
0xa: {  	[smem:$0x3FAD] =	sst s2  }
0xb: {  	[smem:$0x3FAE] =	sst s3  }
0xc: {  	[smem:$0x3FAF] =	sst s4  }
0xd: {  	[smem:$0x3FB0] =	sst s5  }
0xe: {  	[smem:$0x3FB1] =	sst s6  }
0xf: {  	[smem:$0x3FB2] =	sst s7  }
0x10: {  	[smem:$0x3FB3] =	sst s8  }
0x11: {  	[smem:$0x3FB4] =	sst s9;
	s0 =	simm.s32 @!p0 $0x0  }
0x12: {  	s1 =	sld [smem:$0x3F9A];
	s0 =	simm.s32 @p0 $0x1  }
0x13: {  	[smem:$0x3FB5] =	sst s0;
	s0 =	simm.s32 @!p1 $0x0  }
0x14: {  	s2 =	sld [smem:$0x3F99];
	s0 =	simm.s32 @p1 $0x1  }
0x15: {  	[smem:$0x3FB6] =	sst s0;
	s0 =	simm.s32 @!p2 $0x0  }
0x16: {  	s3 =	sld [smem:$0x3FDB];
	s0 =	simm.s32 @p2 $0x1  }
0x17: {  	s4 =	simm.s32 $0x1BF5;
	[smem:$0x3FB8] =	sst s0  }
0x18: {  	s0 =	sld [smem:$0x3F9B];
	_ =	swait.ge [sflag:s4], $0x0  }
0x19: {  	s7 =	sld [smem:$0x3F9C]  }
0x1a: {  	s8 =	sadd.s32 $0xFFFFE003, lr  }
0x1b: {  	s9 =	sadd.s32 $0xFFFFFEF7, lr;
	s5 =	simm.s32 $0xFFFFFFFF;
	p2 =	slt.u32 s8, $0xFFFFF086  }
0x1c: {  	p1 =	slt.u32 s9, $0xF7A;
	s5 =	simm.s32 @!p2 $0x0  }
0x1d: {  	s5 =	simm.s32 @p1 $0x1;
	p0 =	seq.s32 s7, s2  }
0x1e: {  	s7 =	smul.u32 @!p0 $0xF7A, s2;
	p2 =	seq.s32 @!p0 s5, $0x0  }
0x1f: {  	s9 =	smul.u32 $0xF7A, s1;
	s8 =	simm.s32 @!p0 $0x1BF5;
	p2 =	por !p2, p0  }
0x20: {  	[sflag:s8] =	ssyncset.s32 @!p0 $0xFFFFF086;
	s6 =	sadd.s32 @!p0 s3, s7;
	s7 =	simm.s32 @!p0 $0x108  }
0x21: {  	s3 =	sadd.s32 s3, s9;
	s6 =	sadd.s32 @!p0 $0x88, s6;
	s7 =	simm.s32 @p2 $0x1082  }
0x22: {  	[simem:s7], [sflag:s8] =	dma.local @!p0 [hbm:s6], $0xF7A  }
0x23: {  	s9 =	sor.u32 $0xD0000000, s2;
	s6 =	simm.s32 $0x108;
	_ =	swait.ge @!p0 [sflag:s8], $0x0  }
0x24: {  	s3 =	sadd.s32 $0x88, s3;
	s6 =	simm.s32 @!p1 $0x1082;
	[sflag:s4] =	ssyncset.s32 $0xFFFFF086  }
0x25: {  	[simem:s6], [sflag:s4] =	dma.local [hbm:s3], $0xF7A  }
0x26: {  	[smem:$0x3F9C] =	sst s1;
	(tag) =	ssettag s2;
	_ =	strace s9  }
0x27: {  	s1 =	sld [smem:$0x3FAC]  }
0x28: {  	s2 =	sld [smem:$0x3FAD]  }
0x29: {  	s4 =	sld [smem:$0x3FAF]  }
0x2a: {  	p0 =	seq.s32 s5, $0x0;
	s5 =	sld [smem:$0x3FB0]  }
0x2b: {  	s6 =	sld [smem:$0x3FB1]  }
0x2c: {  	s7 =	sld [smem:$0x3FB2]  }
0x2d: {  	s3 =	simm.s32 $0x108;
	s8 =	sld [smem:$0x3FB3]  }
0x2e: {  	s3 =	simm.s32 @!p0 $0x1082;
	s9 =	sld [smem:$0x3FB4]  }
0x2f: {  	lr =	sadd.s32 s0, s3;
	s0 =	sld [smem:$0x3FAB]  }
0x30: {  	s3 =	sld [smem:$0x3FAE]  }
0x31: {  	[smem:$0x3FB7] =	sst s10  }
0x32: {  	s10 =	sld [smem:$0x3FB5];
	_ =	sdelay $0x3  }
0x33: {  	p0 =	seq.s32 s10, $0x1;
	s10 =	sld [smem:$0x3FB7];
	_ =	sdelay $0x3  }
0x34: {  	[smem:$0x3FB7] =	sst s10  }
0x35: {  	s10 =	sld [smem:$0x3FB6];
	_ =	sdelay $0x3  }
0x36: {  	p1 =	seq.s32 s10, $0x1;
	s10 =	sld [smem:$0x3FB7];
	_ =	sdelay $0x3  }
0x37: {  	[smem:$0x3FB7] =	sst s10  }
0x38: {  	s10 =	sld [smem:$0x3FB8]  }
0x39: {  	_ = 	snop;
	(pc) =	sbr.ind lr, $3  }
0x3a: {  	_ = 	snop  }
0x3b: {  	_ = 	snop  }
0x3c: {  	p2 =	seq.s32 s10, $0x1;
	s10 =	sld [smem:$0x3FB7]  }
0x3d: {  	_ =	shalt  }
0x3e: {  	_ =	shalt  }
0x3f: {  	_ =	shalt  }
0x40: {  	_ =	shalt  }
0x41: {  	_ =	shalt  }
0x42: {  	_ =	shalt  }
0x43: {  	_ =	shalt  }
0x44: {  	_ =	shalt  }
0x45: {  	_ =	shalt  }
0x46: {  	_ =	shalt  }
0x47: {  	_ =	shalt  }
0x48: {  	_ =	shalt  }
0x49: {  	_ =	shalt  }
0x4a: {  	_ =	shalt  }
0x4b: {  	_ =	shalt  }
0x4c: {  	_ =	shalt  }
0x4d: {  	_ =	shalt  }
0x4e: {  	_ =	shalt  }
0x4f: {  	_ =	shalt  }
0x50: {  	_ =	shalt  }
0x51: {  	_ =	shalt  }
0x52: {  	_ =	shalt  }
0x53: {  	_ =	shalt  }
0x54: {  	_ =	shalt  }
0x55: {  	_ =	shalt  }
0x56: {  	_ =	shalt  }
0x57: {  	_ =	shalt  }
0x58: {  	_ =	shalt  }
0x59: {  	_ =	shalt  }
0x5a: {  	_ =	shalt  }
0x5b: {  	_ =	shalt  }
0x5c: {  	_ =	shalt  }
0x5d: {  	_ =	shalt  }
0x5e: {  	_ =	shalt  }
0x5f: {  	_ =	shalt  }
0x60: {  	_ =	shalt  }
0x61: {  	_ =	shalt  }
0x62: {  	_ =	shalt  }
0x63: {  	_ =	shalt  }
0x64: {  	_ =	shalt  }
0x65: {  	_ =	shalt  }
0x66: {  	_ =	shalt  }
0x67: {  	_ =	shalt  }
0x68: {  	_ =	shalt  }
0x69: {  	_ =	shalt  }
0x6a: {  	_ =	shalt  }
0x6b: {  	_ =	shalt  }
0x6c: {  	_ =	shalt  }
0x6d: {  	_ =	shalt  }
0x6e: {  	_ =	shalt  }
0x6f: {  	_ =	shalt  }
0x70: {  	_ =	shalt  }
0x71: {  	_ =	shalt  }
0x72: {  	_ =	shalt  }
0x73: {  	_ =	shalt  }
0x74: {  	_ =	shalt  }
0x75: {  	_ =	shalt  }
0x76: {  	_ =	shalt  }
0x77: {  	_ =	shalt  }
0x78: {  	_ =	shalt  }
0x79: {  	_ =	shalt  }
0x7a: {  	_ =	shalt  }
0x7b: {  	_ =	shalt  }
0x7c: {  	_ =	shalt  }
0x7d: {  	_ =	shalt  }
0x7e: {  	_ =	shalt  }
0x7f: {  	_ =	shalt  }
0x80: {  	_ =	shalt  }
0x81: {  	_ =	shalt  }
0x82: {  	_ =	shalt  }
0x83: {  	_ =	shalt  }
0x84: {  	_ =	shalt  }
0x85: {  	_ =	shalt  }
0x86: {  	_ =	shalt  }
0x87: {  	_ =	shalt  }
.Lfunc_end0:
.L_simem_size_0:
called_computation_lowered:
.L_overlay_start_0:
0x88: {  	s2 =	sld [smem:$0x3FD9]  }
0x89: {  	s3 =	sld [smem:$0x3FFE];
	_ =	sdelay $0x1  }
0x8a: {  	s1 =	srdreg.scid  }
0x8b: {  	s0 =	sand.u32 $0x1, s1  }
0x8c: {  	s17 =	sshll.u32 s0, $0xA;
	s2 =	sadd.s32 s3, s2  }
0x8d: {  	s2 =	sadd.s32 s2, s17  }
0x8e: {  	[smem:$0x3FC3] =	sst s2  }
0x8f: {  	_ = 	snop  }
0x90: {  	s2 =	sld [smem:$0x3FC9]  }
0x91: {  	s18 =	sld [smem:$0x3FC8]  }
0x92: {  	s4 =	sld [smem:$0x3FC7]  }
0x93: {  	s5 =	sld [smem:$0x3FD0];
	(tm) =	ssettm $0x1  }
0x94: {  	s6 =	sld [smem:$0x3FFB];
	_ =	sdelay $0x3  }
0x95: {  	_ =	strace s6  }
0x96: {  	s6 =	sld [smem:$0x3FFC];
	_ =	sdelay $0x3  }
0x97: {  	_ =	strace s6  }
0x98: {  	s6 =	sld [smem:$0x3FFD];
	_ =	sdelay $0x3  }
0x99: {  	_ =	strace s6  }
0x9a: {  	_ =	strace $0x8FFFFFFF  }
0x9b: {  	s19 =	sld [smem:$0x3FDB];
	_ =	sdelay $0x1  }
0x9c: {  	s7 =	simm.s32 $_scs_section_size  }
0x9d: {  	s8 =	simm.s32 $_size__tile_overlayer_lowered;
	s9 =	simm.s32 $_tile_overlayer_lowered  }
0x9e: {  	s22 =	simm.s32 $0x1BFF;
	s21 =	sshll.u32 s9, $0x1;
	s6 =	sadd.s32 s7, s19  }
0x9f: {  	s10 =	simm.s32 $0x0;
	s20 =	sshll.u32 s8, $0x1;
	s8 =	sadd.s32 s21, s6  }
0xa0: {  	[timem:s10], [sflag:s22] =	dma.local [hbm:s8], s20  }
0xa1: {  	_ =	swait.ge [sflag:s22], s20  }
0xa2: {  	s7 =	ssub.s32 $0x0, s20;
	[sflag:s22] =	ssyncset.done $0x0  }
0xa3: {  	[sflag:s22] =	ssyncadd.s32 s7;
	_ =	sdelay $0x1  }
0xa4: {  	s23 =	simm.s32 $0x1B8B  }
0xa5: {  	_ =	swait.ge [sflag:s23], $0x1  }
0xa6: {  	[sflag:s23] =	ssyncset.done $0x0  }
0xa7: {  	s25 =	simm.s32 $0x1B8E;
	s24 =	sld [smem:$0x3FFE];
	[sflag:s23] =	ssyncadd.s32 $0xFFFFFFFF  }
0xa8: {  	s26 =	simm.s32 $execute0_lowered;
	[smem:$0x3FD2] =	sst s25  }
0xa9: {  	s8 =	sshll.u32 s26, $0x1;
	_ =	strace $0x80000046;
	[dreg:$0x1] =	wrdreg $0xFFFFFFFF  }
0xaa: {  	s28 =	simm.s32 $_size_execute0_lowered;
	s6 =	sadd.s32 s6, s8;
	[dreg:$0x0] =	wrdreg $0x0  }
0xab: {  	s8 =	sshll.u32 s28, $0x1;
	[dreg:$0x2] =	wrdreg s6  }
0xac: {  	[dreg:$0x3] =	wrdreg s8  }
0xad: {  	[dreg:$0x4] =	wrdreg $0xC0  }
0xae: {  	_ =	task [dreg:s10], $0x5FFFF  }
0xaf: {  	[dreg:$0x1] =	wrdreg $0xFFFFFFFF  }
0xb0: {  	[dreg:$0x0] =	wrdreg $0x60  }
0xb1: {  	[dreg:$0x2] =	wrdreg s2  }
0xb2: {  	[dreg:$0x3] =	wrdreg s18  }
0xb3: {  	[dreg:$0x4] =	wrdreg s4  }
0xb4: {  	[dreg:$0x5] =	wrdreg s24  }
0xb5: {  	[dreg:$0x6] =	wrdreg s5  }
0xb6: {  	[dreg:$0x7] =	wrdreg $0x9  }
0xb7: {  	_ =	task.clear_ibuf [dreg:s10], $0x8FFFF;
	_ =	strace $0x90000046  }
0xb8: {  	s29 =	simm.s32 $0x9;
	_ =	strace $0x80000048  }
0xb9: {  	_ =	swait.ge [sflag:s29], $0x1  }
0xba: {  	[sflag:s29] =	ssyncadd.s32 $0xFFFFFFFF  }
0xbb: {  	_ =	strace $0x90000048  }
0xbc: {  	_ =	sfence  }
0xbd: {  	s30 =	sld [smem:$0x0];
	_ =	sdelay $0x2  }
0xbe: {  	s31 =	sshll.u32 s1, $0xD;
	s1 =	sshrl.u32 s1, $0x2  }
0xbf: {  	s3 =	sand.u32 $0x4000, s31;
	s1 =	sadd.s32 s1, s30  }
0xc0: {  	s0 =	sor.u32 s3, s0;
	s1 =	sshll.u32 s1, $0x11  }
0xc1: {  	s0 =	sor.u32 s1, s0  }
0xc2: {  	s0 =	sadd.s32 $0x8F2B, s0  }
0xc3: {  	[sflag:s0] =	ssyncadd.remote.s32 $0x1  }
0xc4: {  	_ =	sfence.sel $0xFFFF  }
0xc5: {  	[dreg:$0x0] =	wrdreg $0xFFFFFFFF;
	(pc) =	sbr.abs _section_cstart, $3  }
0xc6: {  	[dreg:$0x1] =	wrdreg $0xFFFFFFFF  }
0xc7: {  	_ =	task.clear_ibuf [dreg:s10], $0x2FFFF;
	_ =	strace $0x9FFFFFFF  }
0xc8: {  	(tm) =	ssettm $0x7FFFFFFF  }
0xc9: {  	_ =	shalt  }
tec
execute0_lowered:
.L_overlay_start_1:
0x0: {  	(tag) =	ssettag $0x1  }
0x1: {  	s0 =	rddreg [dreg:$0x0]  }
0x2: {  	s2 =	rddreg [dreg:$0x1]  }
0x3: {  	s5 =	rddreg [dreg:$0x2]  }
0x4: {  	s4 =	rddreg [dreg:$0x3]  }
0x5: {  	s6 =	rddreg [dreg:$0x4];
	s1 =	simm.s32 $0x0  }
0x6: {  	s7 =	srdreg.scid;
	s9 =	stileid.u32;
	s13 =	simm.s32 $0x80  }
0x7: {  	s11 =	simm.s32 $0x8600;
	s12 =	simm.s32 $0x10600;
	s14 =	simm.s32 $0x4600  }
0x8: {  	s15 =	simm.s32 $0xC600;
	s16 =	simm.s32 $0x14600;
	s22 =	simm.s32 $0x1  }
0x9: {  	s23 =	simm.s32 $0x18600;
	s28 =	simm.s32 $0x2;
	s7 =	sand.u32 $0x1, s7  }
0xa: {  	s9 =	sshll.u32 s9, $0x7;
	s8 =	ssub.s32 $0x2, s7;
	s7 =	sshll.u32 s7, $0x6  }
0xb: {  	s18 =	simm.s32 $0x0;
	[smem:$0x7FF] =	sst s1;
	s9 =	sor.u32 s7, s9  }
0xc: {  	s3 =	sadd.s32 $0x187000, s4;
	s4 =	sadd.s32 $0x600, s4;
	s0 =	sadd.s32 s0, s9  }
0xd: {  	_ =	strace $0x80000047;
	s29 =	sadd.s32 s2, s9;
	[dreg:$0x6] =	wrdreg s0  }
0xe: {  	s10 =	sshrl.u32 s8, $0x1;
	s30 =	sadd.s32 s5, s9;
	[dreg:$0x7] =	wrdreg s29  }
0xf: {  	s10 =	ssub.s32 s8, s10;
	s31 =	sadd.s32 s6, s9;
	[dreg:$0x8] =	wrdreg s30  }
0x10: {  	s8 =	simm.s32 $0x600;
	s2 =	simm.s32 $0x4;
	[dreg:$0x9] =	wrdreg s31  }
0x11: {  	vm0 =	vcmask $0x3F3C;
	s9 =	smax.u32 s10, $0x1;
	s10 =	simm.s32 $0x5;
	s0 =	simm.s32 $0x3  }
.LBB2_1:
0x12: {  	s5 =	rddreg [dreg:$0x6]  }
0x13: {  	[tilespmem:s1], [sflag:$0x5] =	stream.linear.gather [hbm4b:s5+s1], $0x200, $0x38;
	[tilespmem:$0x18800] =	vst v63  }
0x14: {  	_ =	swait.ge [sflag:s10], $0x200  }
0x15: {  	[sflag:s10] =	ssyncset.done $0x0  }
0x16: {  	s6 =	simm.s32 $0x200;
	s26 =	rddreg [dreg:$0x7];
	[sflag:s10] =	ssyncadd.s32 $0xFFFFFE00  }
0x17: {  	[tilespmem:s6], [sflag:$0x5] =	stream.linear.gather [hbm4b:s26+s1], $0x200, $0x38;
	[tilespmem:$0x18800] =	vst v63  }
0x18: {  	_ =	swait.ge [sflag:s10], $0x200  }
0x19: {  	[sflag:s10] =	ssyncset.done $0x0  }
0x1a: {  	s7 =	simm.s32 $0x400;
	s29 =	rddreg [dreg:$0x8];
	[sflag:s10] =	ssyncadd.s32 $0xFFFFFE00  }
0x1b: {  	[tilespmem:s7], [sflag:$0x5] =	stream.linear.gather [hbm4b:s29+s1], $0x200, $0x38;
	[tilespmem:$0x18800] =	vst v63  }
0x1c: {  	_ =	swait.ge [sflag:s10], $0x200  }
0x1d: {  	[sflag:s10] =	ssyncset.done $0x0  }
0x1e: {  	[sflag:s10] =	ssyncadd.s32 $0xFFFFFE00  }
0x1f: {  	[tilespmem:s8], [sflag:$0x1] =	stream.indirect.gather [hbm4b:s3+s13], $0x80, s1, s13, $0xb8;
	[tilespmem:$0x18800] =	vst v63  }
0x20: {  	_ = 	snop  }
0x21: {  	[tilespmem:s11], [sflag:$0x1] =	stream.indirect.gather [hbm4b:s4+s13], $0x80, s6, s13, $0xb8;
	[tilespmem:$0x18800] =	vst v63  }
0x22: {  	_ = 	snop  }
0x23: {  	[tilespmem:s12], [sflag:$0x1] =	stream.indirect.gather [hbm4b:s3+s13], $0x80, s7, s13, $0xb8;
	[tilespmem:$0x18800] =	vst v63  }
0x24: {  	_ = 	snop  }
0x25: {  	[tilespmem:s14], [sflag:$0x2] =	stream.indirect.gather [hbm4b:s3+s13], $0x80, s13, s13, $0xb8;
	[tilespmem:$0x18800] =	vst v63  }
0x26: {  	s30 =	simm.s32 $0x280  }
0x27: {  	[tilespmem:s15], [sflag:$0x2] =	stream.indirect.gather [hbm4b:s4+s13], $0x80, s30, s13, $0xb8;
	[tilespmem:$0x18800] =	vst v63  }
0x28: {  	s31 =	simm.s32 $0x480  }
0x29: {  	[tilespmem:s16], [sflag:$0x2] =	stream.indirect.gather [hbm4b:s3+s13], $0x80, s31, s13, $0xb8;
	[tilespmem:$0x18800] =	vst v63  }
0x2a: {  	_ =	swait.ge [sflag:s22], $0x4000  }
0x2b: {  	[sflag:s22] =	ssyncset.done $0x0  }
0x2c: {  	[sflag:s22] =	ssyncadd.s32 $0xFFFFC000  }
0x2d: {  	_ =	swait.ge [sflag:s22], $0x4000  }
0x2e: {  	[sflag:s22] =	ssyncset.done $0x0  }
0x2f: {  	[sflag:s22] =	ssyncadd.s32 $0xFFFFC000  }
0x30: {  	_ =	swait.ge [sflag:s22], $0x4000  }
0x31: {  	[sflag:s22] =	ssyncset.done $0x0  }
0x32: {  	s20 =	simm.s32 $0x0;
	[sflag:s22] =	ssyncadd.s32 $0xFFFFC000  }
.LBB2_2:
0x33: {  	s25 =	sshll.u32 s20, $0x4  }
0x34: {  	s5 =	sshll.u32 s20, $0xB;
	s24 =	sor.u32 $0x1, s25  }
0x35: {  	v0 =	vld [tilespmem:s5+$0x600];
	s8 =	sshll.u32 s24, $0x7  }
0x36: {  	v27 =	vld [tilespmem:s8+$0x10600]  }
0x37: {  	v28 =	vld [tilespmem:s8+$0x10610]  }
0x38: {  	s26 =	sor.u32 $0x2, s25;
	v30 =	vld [tilespmem:s8+$0x10620]  }
0x39: {  	s30 =	sor.u32 $0x4, s25;
	s11 =	sshll.u32 s26, $0x7;
	v31 =	vld [tilespmem:s8+$0x10630]  }
0x3a: {  	s14 =	sshll.u32 s30, $0x7;
	v35 =	vld [tilespmem:s11+$0x10630]  }
0x3b: {  	v18 =	vld [tilespmem:s14+$0x600]  }
0x3c: {  	v8 =	vld [tilespmem:s14+$0x8600]  }
0x3d: {  	v19 =	vld [tilespmem:s14+$0x610]  }
0x3e: {  	v9 =	vld [tilespmem:s14+$0x8610]  }
0x3f: {  	v38 =	vld [tilespmem:s14+$0x10620]  }
0x40: {  	v12 =	vld [tilespmem:s14+$0x8630]  }
0x41: {  	v39 =	vld [tilespmem:s14+$0x10630]  }
0x42: {  	[tilespmem:$0x1FC80] =	vst v35;
	v35 =	vld [tilespmem:s14+$0x10600]  }
0x43: {  	[tilespmem:$0x1FC40] =	vst v30;
	v30 =	vld [tilespmem:s14+$0x10610]  }
0x44: {  	[tilespmem:$0x1FC50] =	vst v31;
	v31 =	vld [tilespmem:s14+$0x620]  }
0x45: {  	[tilespmem:$0x1FC10] =	vst v27;
	v27 =	vld [tilespmem:s14+$0x8620]  }
0x46: {  	[tilespmem:$0x1FC20] =	vst v28;
	v28 =	vld [tilespmem:s14+$0x630];
	s14 =	sor.u32 $0x8, s25  }
0x47: {  	s17 =	sshll.u32 s14, $0x7  }
0x48: {  	[tilespmem:$0x1FBB0] =	vst v0;
	v0 =	vld [tilespmem:s17+$0x10610];
	_ =	sdelay $0x4  }
0x49: {  	[tilespmem:$0x1FE10] =	vst v0;
	v0 =	vld [tilespmem:s17+$0x620]  }
0x4a: {  	v55 =	vld [tilespmem:s5+$0x8600]  }
0x4b: {  	v1 =	vld [tilespmem:s5+$0x10600]  }
0x4c: {  	v56 =	vld [tilespmem:s5+$0x610]  }
0x4d: {  	v50 =	vld [tilespmem:s5+$0x8610]  }
0x4e: {  	[tilespmem:$0x1FE20] =	vst v0;
	v0 =	vld [tilespmem:s17+$0x8620]  }
0x4f: {  	v22 =	vld [tilespmem:s5+$0x10610]  }
0x50: {  	v23 =	vld [tilespmem:s5+$0x620]  }
0x51: {  	v24 =	vld [tilespmem:s5+$0x8620]  }
0x52: {  	v29 =	vld [tilespmem:s8+$0x620]  }
0x53: {  	s29 =	sor.u32 $0x3, s25;
	[tilespmem:$0x1FE30] =	vst v0;
	v0 =	vld [tilespmem:s17+$0x10620]  }
0x54: {  	s12 =	sshll.u32 s29, $0x7;
	v32 =	vld [tilespmem:s11+$0x10600]  }
0x55: {  	s31 =	sor.u32 $0x5, s25;
	v36 =	vld [tilespmem:s12+$0x10620]  }
0x56: {  	s15 =	sshll.u32 s31, $0x7;
	v37 =	vld [tilespmem:s12+$0x10630]  }
0x57: {  	v4 =	vld [tilespmem:s15+$0x600]  }
0x58: {  	[tilespmem:$0x1FE80] =	vst v0;
	v0 =	vld [tilespmem:s17+$0x630]  }
0x59: {  	v3 =	vld [tilespmem:s15+$0x8600]  }
0x5a: {  	v10 =	vld [tilespmem:s15+$0x610]  }
0x5b: {  	v5 =	vld [tilespmem:s15+$0x8610]  }
0x5c: {  	v40 =	vld [tilespmem:s15+$0x10620]  }
0x5d: {  	[tilespmem:$0x1FE40] =	vst v0;
	v0 =	vld [tilespmem:s17+$0x8630]  }
0x5e: {  	v42 =	vld [tilespmem:s15+$0x10630]  }
0x5f: {  	[tilespmem:$0x1FC90] =	vst v36;
	v36 =	vld [tilespmem:s15+$0x10600]  }
0x60: {  	[tilespmem:$0x1FCA0] =	vst v37;
	v37 =	vld [tilespmem:s15+$0x10610]  }
0x61: {  	[tilespmem:$0x1FCB0] =	vst v38;
	v38 =	vld [tilespmem:s15+$0x620]  }
0x62: {  	[tilespmem:$0x1FE50] =	vst v0;
	v0 =	vld [tilespmem:s17+$0x10630]  }
0x63: {  	[tilespmem:$0x1FC60] =	vst v32;
	v32 =	vld [tilespmem:s15+$0x8620]  }
0x64: {  	[tilespmem:$0x1FCC0] =	vst v39;
	v39 =	vld [tilespmem:s15+$0x630]  }
0x65: {  	[tilespmem:$0x1FC30] =	vst v29;
	v29 =	vld [tilespmem:s15+$0x8630];
	s15 =	sor.u32 $0x9, s25  }
0x66: {  	v2 =	vld [tilespmem:s5+$0x10620];
	s19 =	sshll.u32 s15, $0x7  }
0x67: {  	[tilespmem:$0x1FEB0] =	vst v0;
	v0 =	vld [tilespmem:s19+$0x600]  }
0x68: {  	v25 =	vld [tilespmem:s5+$0x630]  }
0x69: {  	v59 =	vld [tilespmem:s5+$0x8630]  }
0x6a: {  	v26 =	vld [tilespmem:s5+$0x10630]  }
0x6b: {  	v41 =	vld [tilespmem:s8+$0x600]  }
0x6c: {  	[tilespmem:$0x1FE60] =	vst v0;
	v0 =	vld [tilespmem:s19+$0x8600]  }
0x6d: {  	v43 =	vld [tilespmem:s8+$0x610]  }
0x6e: {  	v33 =	vld [tilespmem:s8+$0x8610]  }
0x6f: {  	v62 =	vld [tilespmem:s8+$0x8620]  }
0x70: {  	v21 =	vld [tilespmem:s11+$0x8600]  }
0x71: {  	[tilespmem:$0x1FE70] =	vst v0;
	v0 =	vld [tilespmem:s19+$0x10600]  }
0x72: {  	v17 =	vld [tilespmem:s11+$0x8610]  }
0x73: {  	v49 =	vld [tilespmem:s11+$0x10610]  }
0x74: {  	v51 =	vld [tilespmem:s11+$0x620]  }
0x75: {  	v44 =	vld [tilespmem:s11+$0x8620]  }
0x76: {  	[tilespmem:$0x1FEC0] =	vst v0;
	v0 =	vld [tilespmem:s19+$0x610]  }
0x77: {  	v34 =	vld [tilespmem:s11+$0x10620]  }
0x78: {  	v45 =	vld [tilespmem:s11+$0x630]  }
0x79: {  	v15 =	vld [tilespmem:s12+$0x600]  }
0x7a: {  	v6 =	vld [tilespmem:s12+$0x8600]  }
0x7b: {  	[tilespmem:$0x1FE90] =	vst v0;
	v0 =	vld [tilespmem:s19+$0x8610]  }
0x7c: {  	v52 =	vld [tilespmem:s12+$0x10600]  }
0x7d: {  	v16 =	vld [tilespmem:s12+$0x610]  }
0x7e: {  	v7 =	vld [tilespmem:s12+$0x8610]  }
0x7f: {  	v53 =	vld [tilespmem:s12+$0x10610]  }
0x80: {  	[tilespmem:$0x1FEA0] =	vst v0;
	v0 =	vld [tilespmem:s19+$0x10610]  }
0x81: {  	v54 =	vld [tilespmem:s12+$0x620]  }
0x82: {  	v47 =	vld [tilespmem:s12+$0x8620]  }
0x83: {  	v48 =	vld [tilespmem:s12+$0x630]  }
0x84: {  	[tilespmem:$0x1FBC0] =	vst v22;
	v22 =	vld [tilespmem:s11+$0x600]  }
0x85: {  	[tilespmem:$0x1FED0] =	vst v0;
	v0 =	vld [tilespmem:s19+$0x620]  }
0x86: {  	[tilespmem:$0x1FBD0] =	vst v23;
	v23 =	vld [tilespmem:s11+$0x610]  }
0x87: {  	[tilespmem:$0x1FBE0] =	vst v24;
	v24 =	vld [tilespmem:s11+$0x8630];
	s11 =	sor.u32 $0x6, s25  }
0x88: {  	[tilespmem:$0x1FBF0] =	vst v25;
	v25 =	vld [tilespmem:s12+$0x8630];
	s6 =	sshll.u32 s11, $0x7  }
0x89: {  	v57 =	vld [tilespmem:s6+$0x10600]  }
0x8a: {  	[tilespmem:$0x1FEE0] =	vst v0;
	v0 =	vld [tilespmem:s19+$0x8620]  }
0x8b: {  	v58 =	vld [tilespmem:s6+$0x10610]  }
0x8c: {  	v60 =	vld [tilespmem:s6+$0x620]  }
0x8d: {  	v61 =	vld [tilespmem:s6+$0x8620]  }
0x8e: {  	[tilespmem:$0x1FCD0] =	vst v40;
	v40 =	vld [tilespmem:s6+$0x630]  }
0x8f: {  	[tilespmem:$0x1FEF0] =	vst v0;
	v0 =	vld [tilespmem:s19+$0x10620]  }
0x90: {  	[tilespmem:$0x1FC70] =	vst v34;
	v34 =	vld [tilespmem:s6+$0x10620]  }
0x91: {  	s12 =	sor.u32 $0x7, s25;
	[tilespmem:$0x1FCE0] =	vst v42;
	v42 =	vld [tilespmem:s6+$0x8630]  }
0x92: {  	s16 =	sshll.u32 s12, $0x7;
	[tilespmem:$0x1FCF0] =	vst v57;
	v57 =	vld [tilespmem:s6+$0x10630]  }
0x93: {  	[tilespmem:$0x1FD30] =	vst v40;
	v40 =	vld [tilespmem:s16+$0x600]  }
0x94: {  	[tilespmem:$0x1FF40] =	vst v0;
	v0 =	vld [tilespmem:s19+$0x630]  }
0x95: {  	[tilespmem:$0x1FD50] =	vst v34;
	v34 =	vld [tilespmem:s16+$0x8600]  }
0x96: {  	[tilespmem:$0x1FD00] =	vst v58;
	v58 =	vld [tilespmem:s16+$0x10600]  }
0x97: {  	[tilespmem:$0x1FD10] =	vst v60;
	v60 =	vld [tilespmem:s16+$0x10610]  }
0x98: {  	[tilespmem:$0x1FD40] =	vst v42;
	v42 =	vld [tilespmem:s16+$0x8610]  }
0x99: {  	[tilespmem:$0x1FF00] =	vst v0;
	v0 =	vld [tilespmem:s19+$0x8630]  }
0x9a: {  	[tilespmem:$0x1FD20] =	vst v61;
	v61 =	vld [tilespmem:s16+$0x620]  }
0x9b: {  	[tilespmem:$0x1FD70] =	vst v58;
	v58 =	vld [tilespmem:s16+$0x8620]  }
0x9c: {  	[tilespmem:$0x1FD80] =	vst v60;
	v60 =	vld [tilespmem:s16+$0x10620]  }
0x9d: {  	[tilespmem:$0x1FD60] =	vst v57;
	v57 =	vld [tilespmem:s16+$0x610]  }
0x9e: {  	[tilespmem:$0x1FF10] =	vst v0;
	v0 =	vld [tilespmem:s19+$0x10630]  }
0x9f: {  	[tilespmem:$0x1FD90] =	vst v61;
	v61 =	vld [tilespmem:s16+$0x630]  }
0xa0: {  	[tilespmem:$0x1FDA0] =	vst v58;
	v58 =	vld [tilespmem:s16+$0x8630]  }
0xa1: {  	[tilespmem:$0x1FDD0] =	vst v60;
	v60 =	vld [tilespmem:s16+$0x10630];
	s16 =	sor.u32 $0xA, s25  }
0xa2: {  	v63 =	vld [tilespmem:s8+$0x630];
	s21 =	sshll.u32 s16, $0x7  }
0xa3: {  	[tilespmem:$0x1FF70] =	vst v0;
	v0 =	vld [tilespmem:s21+$0x600]  }
0xa4: {  	v46 =	vld [tilespmem:s8+$0x8630]  }
0xa5: {  	[tilespmem:$0x1FC00] =	vst v26;
	v26 =	vld [tilespmem:s8+$0x8600]  }
0xa6: {  	v13 =	vld [tilespmem:s6+$0x600]  }
0xa7: {  	v11 =	vld [tilespmem:s6+$0x8600]  }
0xa8: {  	[tilespmem:$0x1FF20] =	vst v0;
	v0 =	vld [tilespmem:s21+$0x8600]  }
0xa9: {  	v20 =	vld [tilespmem:s6+$0x610]  }
0xaa: {  	v14 =	vld [tilespmem:s6+$0x8610]  }
0xab: {  	v44 =	vmul.f32 v44, v51;
	v51 =	vld [tilespmem:$0x1FC70]  }
0xac: {  	v47 =	vmul.f32 v47, v54;
	v54 =	vld [tilespmem:$0x1FC90]  }
0xad: {  	[tilespmem:$0x1FF30] =	vst v0;
	v0 =	vld [tilespmem:s21+$0x10600]  }
0xae: {  	v26 =	vmul.f32 v26, v41;
	v41 =	vld [tilespmem:$0x1FC00]  }
0xaf: {  	v6 =	vmul.f32 v6, v15;
	v21 =	vmul.f32 v21, v22;
	v22 =	vld [tilespmem:$0x1FC40]  }
0xb0: {  	v3 =	vmul.f32 v3, v4;
	v23 =	vmul.f32 v17, v23;
	v17 =	vld [tilespmem:$0x1FC50]  }
0xb1: {  	v24 =	vmul.f32 v24, v45;
	v45 =	vmul.f32 v52, v6;
	v52 =	vld [tilespmem:$0x1FCA0]  }
0xb2: {  	[tilespmem:$0x1FF80] =	vst v0;
	v0 =	vld [tilespmem:s21+$0x610]  }
0xb3: {  	v27 =	vmul.f32 v27, v31;
	v31 =	vmul.f32 v36, v3;
	v36 =	vld [tilespmem:$0x1FCD0]  }
0xb4: {  	v32 =	vmul.f32 v32, v38;
	v38 =	vld [tilespmem:$0x1FCE0]  }
0xb5: {  	v63 =	vmul.f32 v46, v63;
	v44 =	vmul.f32 v51, v44;
	v51 =	vld [tilespmem:$0x1FC80]  }
0xb6: {  	v18 =	vmul.f32 v8, v18;
	v47 =	vmul.f32 v54, v47;
	v54 =	vld [tilespmem:$0x1FCB0]  }
0xb7: {  	v16 =	vmul.f32 v7, v16;
	v25 =	vmul.f32 v25, v48;
	[tilespmem:$0x1FF50] =	vst v0;
	v0 =	vld [tilespmem:s21+$0x8610]  }
0xb8: {  	v18 =	vmul.f32 v35, v18;
	v35 =	vmul.f32 v29, v39;
	v39 =	vld [tilespmem:$0x1FCF0]  }
0xb9: {  	v9 =	vmul.f32 v9, v19;
	v63 =	vmul.f32 v17, v63;
	v17 =	vld [tilespmem:$0x1FC60]  }
0xba: {  	v19 =	vmul.f32 v52, v25;
	v52 =	vld [tilespmem:$0x1FD10];
	v34 =	vmul.f32 v34, v40  }
0xbb: {  	v40 =	vld [tilespmem:$0x1FD50];
	v24 =	vmul.f32 v51, v24;
	v51 =	vmul.f32 v53, v16  }
0xbc: {  	[tilespmem:$0x1FF60] =	vst v0;
	v0 =	vld [tilespmem:s21+$0x10610]  }
0xbd: {  	v27 =	vmul.f32 v54, v27;
	v54 =	vadd.f32 v51, v45;
	v45 =	vld [tilespmem:$0x1FD60]  }
0xbe: {  	[tilespmem:$0x1FDB0] =	vst v61;
	v61 =	vld [tilespmem:s17+$0x10600]  }
0xbf: {  	v5 =	vmul.f32 v5, v10;
	[tilespmem:$0x1FDF0] =	vst v60;
	v60 =	vld [tilespmem:s17+$0x600]  }
0xc0: {  	[tilespmem:$0x1FDC0] =	vst v58;
	v58 =	vld [tilespmem:s17+$0x8600]  }
0xc1: {  	v5 =	vmul.f32 v37, v5;
	[tilespmem:$0x1FF90] =	vst v0;
	v0 =	vld [tilespmem:s21+$0x620]  }
0xc2: {  	v37 =	vmul.f32 v14, v20;
	v20 =	vmul.f32 v38, v35;
	v35 =	vadd.f32 v47, v54;
	v47 =	vld [tilespmem:$0x1FD70]  }
0xc3: {  	[tilespmem:$0x1FE00] =	vst v61;
	v61 =	vld [tilespmem:s17+$0x610]  }
0xc4: {  	v51 =	vld [tilespmem:$0x1FDA0]  }
0xc5: {  	v54 =	vmul.f32 v58, v60;
	v60 =	vld [tilespmem:$0x1FE00]  }
0xc6: {  	[tilespmem:$0x1FFA0] =	vst v0;
	v0 =	vld [tilespmem:s21+$0x8620]  }
0xc7: {  	v50 =	vmul.f32 v50, v56;
	v56 =	vld [tilespmem:s21+$0x8630]  }
0xc8: {  	[tilespmem:$0x1FDE0] =	vst v61;
	v61 =	vld [tilespmem:s17+$0x8610]  }
0xc9: {  	v58 =	vld [tilespmem:$0x1FDF0]  }
0xca: {  	v5 =	vadd.f32 v5, v31;
	v31 =	vmul.f32 v60, v54;
	s17 =	sor.u32 $0xB, s25;
	v54 =	vld [tilespmem:$0x1FE50]  }
0xcb: {  	s7 =	sshll.u32 s17, $0x7;
	[tilespmem:$0x1FFB0] =	vst v0;
	v0 =	vld [tilespmem:s21+$0x10620]  }
0xcc: {  	v33 =	vmul.f32 v33, v43;
	v43 =	vld [tilespmem:s7+$0x10600]  }
0xcd: {  	v46 =	vld [tilespmem:s7+$0x10610]  }
0xce: {  	v21 =	vmul.f32 v17, v21;
	v17 =	vld [tilespmem:s7+$0x8620]  }
0xcf: {  	v49 =	vmul.f32 v49, v23;
	v23 =	vld [tilespmem:s7+$0x10620]  }
0xd0: {  	[tilespmem:$0x1FFE0] =	vst v0;
	v0 =	vld [tilespmem:$0x1FBB0]  }
0xd1: {  	v15 =	vld [tilespmem:s7+$0x630]  }
0xd2: {  	v7 =	vld [tilespmem:s7+$0x8630]  }
0xd3: {  	v6 =	vld [tilespmem:s7+$0x10630];
	s19 =	sor.u32 $0xC, s25  }
0xd4: {  	v60 =	vld [tilespmem:$0x1FE90];
	s8 =	sshll.u32 s19, $0x7  }
0xd5: {  	v16 =	vld [tilespmem:s8+$0x600];
	v55 =	vmul.f32 v55, v0  }
0xd6: {  	v48 =	vld [tilespmem:s8+$0x8600]  }
0xd7: {  	[tilespmem:$0x1FFD0] =	vst v56;
	v56 =	vmul.f32 v1, v55;
	v55 =	vld [tilespmem:s21+$0x10630]  }
0xd8: {  	v8 =	vld [tilespmem:s8+$0x10600]  }
0xd9: {  	v25 =	vld [tilespmem:s8+$0x610]  }
0xda: {  	v0 =	vld [tilespmem:s21+$0x630]  }
0xdb: {  	v1 =	vld [tilespmem:$0x1FBF0]  }
0xdc: {  	[tilespmem:$0x1FFF0] =	vst v55;
	v55 =	vld [tilespmem:$0x1FBC0]  }
0xdd: {  	v9 =	vmul.f32 v30, v9;
	v30 =	vld [tilespmem:s8+$0x8610]  }
0xde: {  	v4 =	vld [tilespmem:s8+$0x10610]  }
0xdf: {  	v10 =	vld [tilespmem:s8+$0x620]  }
0xe0: {  	[tilespmem:$0x1FFC0] =	vst v0;
	v0 =	vld [tilespmem:$0x1FBD0];
	v1 =	vmul.f32 v59, v1  }
0xe1: {  	v50 =	vmul.f32 v55, v50;
	v55 =	vld [tilespmem:$0x1FBE0]  }
0xe2: {  	v1 =	vmul.f32 v41, v1;
	v41 =	vld [tilespmem:$0x1FC10]  }
0xe3: {  	v12 =	vmul.f32 v12, v28;
	v28 =	vld [tilespmem:s8+$0x10620]  }
0xe4: {  	v11 =	vmul.f32 v11, v13;
	v13 =	vld [tilespmem:s8+$0x630]  }
0xe5: {  	v14 =	vld [tilespmem:s8+$0x8630]  }
0xe6: {  	v59 =	vld [tilespmem:s7+$0x8600];
	v0 =	vmul.f32 v55, v0  }
0xe7: {  	v26 =	vmul.f32 v41, v26;
	v41 =	vld [tilespmem:s7+$0x610]  }
0xe8: {  	v53 =	vadd.f32 v50, v56;
	v2 =	vmul.f32 v2, v0;
	v0 =	vld [tilespmem:$0x1FC20]  }
0xe9: {  	v56 =	vld [tilespmem:$0x1FCC0]  }
0xea: {  	v2 =	vadd.f32 v2, v53;
	v53 =	vld [tilespmem:$0x1FD20]  }
0xeb: {  	v50 =	vld [tilespmem:$0x1FD00]  }
0xec: {  	v55 =	vld [tilespmem:s7+$0x600]  }
0xed: {  	v33 =	vmul.f32 v0, v33;
	v0 =	vld [tilespmem:$0x1FC30]  }
0xee: {  	v12 =	vmul.f32 v56, v12;
	v56 =	vld [tilespmem:$0x1FD30]  }
0xef: {  	v3 =	vmul.f32 v53, v52;
	v52 =	vld [tilespmem:$0x1FDB0]  }
0xf0: {  	v53 =	vld [tilespmem:$0x1FDC0]  }
0xf1: {  	v49 =	vadd.f32 v49, v21;
	v21 =	vmul.f32 v50, v37;
	v50 =	vld [tilespmem:$0x1FD90]  }
0xf2: {  	v26 =	vadd.f32 v33, v26;
	v33 =	vld [tilespmem:s8+$0x8620];
	v0 =	vmul.f32 v62, v0  }
0xf3: {  	v62 =	vld [tilespmem:s7+$0x8610]  }
0xf4: {  	v0 =	vmul.f32 v22, v0;
	v22 =	vld [tilespmem:s7+$0x620]  }
0xf5: {  	s21 =	sor.u32 $0xD, s25;
	v38 =	vmul.f32 v40, v3;
	v3 =	vadd.f32 v19, v35;
	v19 =	vmul.f32 v53, v52;
	v52 =	vld [tilespmem:$0x1FE30]  }
0xf6: {  	s7 =	sshll.u32 s21, $0x7;
	v53 =	vld [tilespmem:$0x1FE40]  }
0xf7: {  	v29 =	vmul.f32 v36, v32;
	v32 =	vld [tilespmem:s7+$0x600]  }
0xf8: {  	v37 =	vld [tilespmem:s7+$0x8600]  }
0xf9: {  	v11 =	vmul.f32 v39, v11;
	v39 =	vld [tilespmem:s7+$0x10600]  }
0xfa: {  	v40 =	vld [tilespmem:s7+$0x610]  }
0xfb: {  	v34 =	vmul.f32 v47, v34;
	v47 =	vld [tilespmem:s7+$0x620]  }
0xfc: {  	v35 =	vld [tilespmem:s7+$0x8620]  }
0xfd: {  	v0 =	vadd.f32 v0, v26;
	v26 =	vld [tilespmem:s8+$0x10630]  }
0xfe: {  	s5 =	sor.u32 $0xE, s25;
	v19 =	vmul.f32 v58, v19;
	v58 =	vld [tilespmem:$0x1FE80]  }
0xff: {  	v55 =	vmul.f32 v59, v55;
	v1 =	vadd.f32 v1, v2;
	s8 =	sshll.u32 s5, $0x7;
	v2 =	vadd.f32 v63, v0;
	v63 =	vld [tilespmem:$0x1FD40]  }
0x100: {  	v59 =	vld [tilespmem:s8+$0x10610]  }
0x101: {  	v41 =	vmul.f32 v62, v41;
	v62 =	vmul.f32 v43, v55;
	v43 =	vld [tilespmem:s8+$0x8620]  }
0x102: {  	v0 =	vadd.f32 v44, v49;
	v49 =	vld [tilespmem:$0x1FD80]  }
0x103: {  	v44 =	vmul.f32 v42, v57;
	v57 =	vld [tilespmem:$0x1FDE0]  }
0x104: {  	v36 =	vmul.f32 v63, v56;
	v56 =	vld [tilespmem:$0x1FDD0]  }
0x105: {  	v42 =	vmul.f32 v51, v50;
	v51 =	vld [tilespmem:s7+$0x630]  }
0x106: {  	v5 =	vadd.f32 v29, v5;
	v29 =	vmul.f32 v54, v53;
	v53 =	vld [tilespmem:$0x1FEC0]  }
0x107: {  	v54 =	vld [tilespmem:$0x1FED0]  }
0x108: {  	v17 =	vmul.f32 v17, v22;
	v22 =	vld [tilespmem:s8+$0x10620]  }
0x109: {  	v9 =	vadd.f32 v9, v18;
	v18 =	vmul.f32 v56, v42;
	v42 =	vmul.f32 v61, v57;
	v61 =	vld [tilespmem:$0x1FE10]  }
0x10a: {  	v17 =	vmul.f32 v23, v17;
	v23 =	vld [tilespmem:s8+$0x8630]  }
0x10b: {  	v63 =	vld [tilespmem:$0x1FE20]  }
0x10c: {  	v0 =	vadd.f32 v24, v0;
	v24 =	vmul.f32 v49, v44;
	v44 =	vld [tilespmem:s7+$0x8610]  }
0x10d: {  	v49 =	vld [tilespmem:s7+$0x10620]  }
0x10e: {  	v9 =	vadd.f32 v27, v9;
	v27 =	vmul.f32 v61, v42;
	v61 =	vld [tilespmem:$0x1FEA0]  }
0x10f: {  	v56 =	vld [tilespmem:$0x1FE60]  }
0x110: {  	v42 =	vmul.f32 v52, v63;
	v63 =	vld [tilespmem:$0x1FEB0]  }
0x111: {  	v57 =	vld [tilespmem:$0x1FE70]  }
0x112: {  	v9 =	vadd.f32 v12, v9;
	v12 =	vmul.f32 v58, v42;
	v58 =	vld [tilespmem:$0x1FF00]  }
0x113: {  	v42 =	vmul.f32 v61, v60;
	v60 =	vld [tilespmem:$0x1FF10]  }
0x114: {  	v61 =	vld [tilespmem:$0x1FF20]  }
0x115: {  	v5 =	vadd.f32 v20, v5;
	v20 =	vmul.f32 v63, v29;
	v63 =	vld [tilespmem:$0x1FF30]  }
0x116: {  	v50 =	vmul.f32 v57, v56;
	v56 =	vld [tilespmem:$0x1FEE0]  }
0x117: {  	v57 =	vld [tilespmem:$0x1FEF0]  }
0x118: {  	v24 =	vadd.f32 v24, v34;
	v34 =	vmul.f32 v60, v58;
	v58 =	vld [tilespmem:$0x1FF40]  }
0x119: {  	v11 =	vadd.f32 v21, v11;
	v60 =	vld [tilespmem:$0x1FF50]  }
0x11a: {  	v18 =	vadd.f32 v18, v24;
	v21 =	vmul.f32 v54, v42;
	v54 =	vmul.f32 v63, v61;
	v61 =	vld [tilespmem:$0x1FF60]  }
0x11b: {  	v36 =	vmul.f32 v45, v36;
	v45 =	vld [tilespmem:s7+$0x10610]  }
0x11c: {  	v18 =	vadd.f32 v19, v18;
	v19 =	vld [tilespmem:$0x1FFC0]  }
0x11d: {  	v52 =	vld [tilespmem:s7+$0x8630];
	v42 =	vmul.f32 v57, v56  }
0x11e: {  	v29 =	vmul.f32 v53, v50;
	v50 =	vld [tilespmem:s7+$0x10630]  }
0x11f: {  	v11 =	vadd.f32 v38, v11;
	v38 =	vmul.f32 v58, v42;
	v42 =	vmul.f32 v61, v60;
	v60 =	vld [tilespmem:$0x1FF90]  }
0x120: {  	v63 =	vld [tilespmem:$0x1FF70]  }
0x121: {  	v53 =	vld [tilespmem:s8+$0x600]  }
0x122: {  	v58 =	vld [tilespmem:$0x1FF80]  }
0x123: {  	v61 =	vld [tilespmem:$0x1FFA0]  }
0x124: {  	v11 =	vadd.f32 v36, v11;
	v36 =	vmul.f32 v60, v42;
	v60 =	vld [tilespmem:$0x1FFD0]  }
0x125: {  	v7 =	vmul.f32 v7, v15;
	v24 =	vmul.f32 v63, v34;
	v63 =	vld [tilespmem:$0x1FFB0]  }
0x126: {  	(xrf2) =	vadd.scan.msk.f32 $0xffff, v1;
	v10 =	vmul.f32 v33, v10;
	v56 =	vld [tilespmem:s8+$0x8600]  }
0x127: {  	v6 =	vmul.f32 v6, v7;
	v13 =	vmul.f32 v14, v13;
	(xrf2) =	vadd.scan.msk.f32 $0xffff, v2;
	v27 =	vadd.f32 v27, v31;
	v57 =	vld [tilespmem:s8+$0x10600]  }
0x128: {  	v10 =	vmul.f32 v28, v10;
	(xrf2) =	vadd.scan.msk.f32 $0xffff, v0;
	v21 =	vadd.f32 v21, v29;
	v34 =	vmul.f32 v58, v54;
	v54 =	vld [tilespmem:s8+$0x610]  }
0x129: {  	v13 =	vmul.f32 v26, v13;
	(xrf2) =	vadd.scan.msk.f32 $0xffff, v3;
	v12 =	vadd.f32 v12, v27;
	v19 =	vmul.f32 v60, v19;
	v60 =	vld [tilespmem:$0x1FFE0]  }
0x12a: {  	(xrf2) =	vadd.scan.msk.f32 $0xffff, v9;
	v27 =	vmov s30;
	v21 =	vadd.f32 v38, v21;
	v42 =	vmul.f32 v63, v61;
	v58 =	vld [tilespmem:s8+$0x8610]  }
0x12b: {  	(xrf2) =	vadd.scan.msk.f32 $0xffff, v5;
	v29 =	vmov s31;
	v61 =	vld [tilespmem:$0x1FFF0];
	v63 =	vmul.f32 v46, v41;
	v41 =	vmul.f32 v48, v16  }
0x12c: {  	(xrf2) =	vadd.scan.msk.f32 $0xffff, v11;
	v28 =	vbroadcast v27, $0x0;
	v11 =	vbroadcast v29, $0x0;
	v21 =	vadd.f32 v24, v21;
	v16 =	vld [tilespmem:s8+$0x630]  }
0x12d: {  	s6 =	sshllo.u32 s20, $0x4;
	v24 =	vmov s26;
	v46 =	vmul.f32 v30, v25;
	v48 =	vmul.f32 v8, v41;
	v8 =	vld [tilespmem:s8+$0x10630]  }
0x12e: {  	v9 =	vbroadcast v24, $0x0;
	v25 =	vmov s29;
	v31 =	vmul.f32 v60, v42;
	v42 =	vld [tilespmem:s8+$0x620];
	s8 =	sshll.u32 s6, $0x7  }
0x12f: {  	v26 =	vbroadcast v25, $0x0;
	v55 =	vadd.f32 v36, v34;
	v4 =	vmul.f32 v4, v46;
	v60 =	vld [tilespmem:s8+$0x600]  }
0x130: {  	v34 =	vmul.f32 v44, v40;
	v19 =	vmul.f32 v61, v19;
	v61 =	vadd.f32 v63, v62;
	v63 =	vld [tilespmem:s8+$0x8600]  }
0x131: {  	v12 =	vadd.f32 v20, v12;
	v41 =	vmul.f32 v52, v51;
	v44 =	vmul.f32 v56, v53;
	v36 =	vld [tilespmem:s8+$0x10600]  }
0x132: {  	v38 =	vmul.f32 v45, v34;
	v4 =	vadd.f32 v4, v48;
	v62 =	vmul.f32 v37, v32;
	v37 =	vld [tilespmem:s8+$0x610]  }
0x133: {  	v34 =	vmov s12;
	v16 =	vmul.f32 v23, v16;
	v17 =	vadd.f32 v17, v61;
	v40 =	vld [tilespmem:s8+$0x8610]  }
0x134: {  	v4 =	vadd.f32 v10, v4;
	v14 =	vmul.f32 v39, v62;
	v39 =	vmul.f32 v35, v47;
	v45 =	vld [tilespmem:s8+$0x10610]  }
0x135: {  	v8 =	vmul.f32 v8, v16;
	v47 =	vmul.f32 v58, v54;
	v6 =	vadd.f32 v6, v17;
	v48 =	vld [tilespmem:s8+$0x620]  }
0x136: {  	v46 =	vmul.f32 v49, v39;
	v17 =	vmul.f32 v50, v41;
	v50 =	vld [tilespmem:s8+$0x8620];
	v15 =	vadd.f32 v31, v55  }
0x137: {  	v14 =	vadd.f32 v38, v14;
	v49 =	vmul.f32 v57, v44;
	v51 =	vmul.f32 v59, v47;
	v56 =	vld [tilespmem:s8+$0x630]  }
0x138: {  	v58 =	vld [tilespmem:s8+$0x8630];
	v15 =	vadd.f32 v19, v15;
	v19 =	vmov s25;
	v52 =	vmul.f32 v43, v42  }
0x139: {  	v53 =	vld [tilespmem:s8+$0x10620];
	v7 =	vadd.f32 v46, v14;
	v20 =	vbroadcast v19, $0x0;
	v54 =	vmul.f32 v63, v60  }
0x13a: {  	v55 =	vmul.f32 v40, v37;
	v57 =	vmul.f32 v22, v52;
	v22 =	vmov s24  }
0x13b: {  	v61 =	vadd.f32 v17, v7;
	v17 =	vld [tilespmem:s8+$0x10630];
	v63 =	vmul.f32 v50, v48;
	v23 =	vbroadcast v22, $0x0  }
0x13c: {  	(xrf2) =	vadd.scan.msk.f32 $0xffff, v18;
	v10 =	vadd.f32 v51, v49;
	v59 =	vmul.f32 v36, v54;
	v60 =	vmul.f32 v45, v55  }
0x13d: {  	(xrf2) =	vadd.scan.msk.f32 $0xffff, v12;
	v4 =	vadd.f32 v13, v4;
	v31 =	vmov s11;
	v1 =	vmul.f32 v58, v56  }
0x13e: {  	(xrf2) =	vadd.scan.msk.f32 $0xffff, v21;
	v62 =	vadd.f32 v57, v10;
	v10 =	vmul.f32 v53, v63;
	v13 =	vadd.f32 v60, v59  }
0x13f: {  	v30, _, _ =	vpop (xrf2);
	v33 =	vbroadcast v31, $0x0;
	(xrf2) =	vadd.scan.msk.f32 $0xffff, v15;
	v37 =	vmov s14;
	v40 =	vmov s15  }
0x140: {  	v32, _, _ =	vpop (xrf2);
	(xrf2) =	vadd.scan.msk.f32 $0xffff, v6;
	v1 =	vmul.f32 v17, v1;
	[tilespmem:v20+s23+$0x0] =	vst.idx.msk vm0, v30;
	v10 =	vadd.f32 v10, v13  }
0x141: {  	v35, _, _ =	vpop (xrf2);
	(xrf2) =	vadd.scan.msk.f32 $0xffff, v4;
	v36 =	vbroadcast v34, $0x0;
	v7 =	vadd.f32 v8, v62;
	[tilespmem:v23+s23+$0x0] =	vst.idx.msk vm0, v32  }
0x142: {  	v38, _, _ =	vpop (xrf2);
	v39 =	vbroadcast v37, $0x0;
	(xrf2) =	vadd.scan.msk.f32 $0xffff, v61;
	v1 =	vadd.f32 v1, v10;
	[tilespmem:v9+s23+$0x0] =	vst.idx.msk vm0, v35  }
0x143: {  	v41, _, _ =	vpop (xrf2);
	v43 =	vmov s16;
	v42 =	vbroadcast v40, $0x0;
	(xrf2) =	vadd.scan.msk.f32 $0xffff, v7;
	[tilespmem:v26+s23+$0x0] =	vst.idx.msk vm0, v38  }
0x144: {  	v44, _, _ =	vpop (xrf2);
	v46 =	vmov s17;
	v45 =	vbroadcast v43, $0x0;
	(xrf2) =	vadd.scan.msk.f32 $0xffff, v1;
	[tilespmem:v28+s23+$0x0] =	vst.idx.msk vm0, v41  }
0x145: {  	v47, _, _ =	vpop (xrf2);
	v48 =	vmov s19;
	v4 =	vbroadcast v46, $0x0;
	[tilespmem:v11+s23+$0x0] =	vst.idx.msk vm0, v44  }
0x146: {  	v51 =	vmov s21;
	v49, _, _ =	vpop (xrf2);
	v50 =	vbroadcast v48, $0x0;
	[tilespmem:v33+s23+$0x0] =	vst.idx.msk vm0, v47  }
0x147: {  	v54 =	vmov s5;
	v52, _, _ =	vpop (xrf2);
	v53 =	vbroadcast v51, $0x0;
	[tilespmem:v36+s23+$0x0] =	vst.idx.msk vm0, v49  }
0x148: {  	v56 =	vbroadcast v54, $0x0;
	v55, _, _ =	vpop (xrf2);
	[tilespmem:v39+s23+$0x0] =	vst.idx.msk vm0, v52  }
0x149: {  	v57, _, _ =	vpop (xrf2);
	[tilespmem:v42+s23+$0x0] =	vst.idx.msk vm0, v55  }
0x14a: {  	p0 =	sne.s32 s20, $0x7;
	v59 =	vmov s6;
	v58, _, _ =	vpop (xrf2);
	[tilespmem:v45+s23+$0x0] =	vst.idx.msk vm0, v57  }
.Ltmp0:
0x14b: {  	v60, _, _ =	vpop (xrf2);
	[tilespmem:v4+s23+$0x0] =	vst.idx.msk vm0, v58;
	(pc) =	sbr.rel @p0 .LBB2_2-.Ltmp0, $4  }
0x14c: {  	v61, _, _ =	vpop (xrf2);
	[tilespmem:v50+s23+$0x0] =	vst.idx.msk vm0, v60  }
0x14d: {  	v62, _, _ =	vpop (xrf2);
	[tilespmem:v53+s23+$0x0] =	vst.idx.msk vm0, v61  }
0x14e: {  	v63, _, _ =	vpop (xrf2);
	[tilespmem:v56+s23+$0x0] =	vst.idx.msk vm0, v62  }
0x14f: {  	s20 =	sadd.s32 $0x1, s20;
	[tilespmem:v59+s23+$0x0] =	vst.idx.msk vm0, v63  }
0x150: {  	s8 =	simm.s32 $0x600;
	s5 =	simm.s32 $0x100  }
0x151: {  	[tilespmem:s8], [sflag:$0x3] =	stream.indirect.gather [hbm4b:s3+s13], $0x80, s5, s13, $0xb8;
	[tilespmem:$0x18800] =	vst v63  }
0x152: {  	s11 =	simm.s32 $0x8600;
	s30 =	simm.s32 $0x300  }
0x153: {  	[tilespmem:s11], [sflag:$0x3] =	stream.indirect.gather [hbm4b:s4+s13], $0x80, s30, s13, $0xb8;
	[tilespmem:$0x18800] =	vst v63  }
0x154: {  	s12 =	simm.s32 $0x10600;
	s31 =	simm.s32 $0x500  }
0x155: {  	[tilespmem:s12], [sflag:$0x3] =	stream.indirect.gather [hbm4b:s3+s13], $0x80, s31, s13, $0xb8;
	[tilespmem:$0x18800] =	vst v63  }
0x156: {  	v0 =	vld [tilespmem:$0x18600];
	_ =	sdelay $0x4  }
0x157: {  	v0 =	vsub.f32 $0.0e+00, v0;
	_ =	sdelay $0x1  }
0x158: {  	v0 =	vmul.f32 $1.442695020e+00, v0;
	_ =	sdelay $0x1  }
0x159: {  	(erf) = vpow2.f32 v0;
	_ =	sdelay $0x8  }
0x15a: {  	v0 =	vpop (erf)  }
0x15b: {  	v0 =	vadd.f32 $1.000000000e+00, v0;
	_ =	sdelay $0x1  }
0x15c: {  	(erf) = vrcp.f32 v0;
	_ =	sdelay $0x8  }
0x15d: {  	v0 =	vpop (erf)  }
0x15e: {  	v0 =	vsub.f32 $0.0e+00, v0;
	_ =	sdelay $0x1  }
0x15f: {  	v0 =	vmul.f32 $1.442695020e+00, v0;
	_ =	sdelay $0x1  }
0x160: {  	(erf) = vpow2.f32 v0;
	_ =	sdelay $0x3  }
0x161: {  	v42 =	vld [tilespmem:$0x18610];
	_ =	sdelay $0x4  }
0x162: {  	v0 =	vsub.f32 $0.0e+00, v42;
	v1 =	vpop (erf)  }
0x163: {  	v1 =	vadd.f32 $1.000000000e+00, v1  }
0x164: {  	v0 =	vmul.f32 $1.442695020e+00, v0  }
0x165: {  	(erf) = vrcp.f32 v1  }
0x166: {  	(erf) = vpow2.f32 v0;
	_ =	sdelay $0x7  }
0x167: {  	v43 =	vpop (erf)  }
0x168: {  	v44 =	vpop (erf)  }
0x169: {  	v1 =	vadd.f32 $1.000000000e+00, v44;
	_ =	sdelay $0x1  }
0x16a: {  	(erf) = vrcp.f32 v1;
	_ =	sdelay $0x8  }
0x16b: {  	v1 =	vpop (erf)  }
0x16c: {  	v1 =	vsub.f32 $0.0e+00, v1;
	_ =	sdelay $0x1  }
0x16d: {  	v1 =	vmul.f32 $1.442695020e+00, v1;
	_ =	sdelay $0x1  }
0x16e: {  	(erf) = vpow2.f32 v1;
	_ =	sdelay $0x3  }
0x16f: {  	v45 =	vld [tilespmem:$0x18620];
	_ =	sdelay $0x4  }
0x170: {  	v1 =	vsub.f32 $0.0e+00, v45;
	v2 =	vpop (erf)  }
0x171: {  	v2 =	vadd.f32 $1.000000000e+00, v2  }
0x172: {  	v1 =	vmul.f32 $1.442695020e+00, v1  }
0x173: {  	(erf) = vrcp.f32 v2  }
0x174: {  	(erf) = vpow2.f32 v1;
	_ =	sdelay $0x7  }
0x175: {  	v46 =	vpop (erf)  }
0x176: {  	v47 =	vpop (erf)  }
0x177: {  	v2 =	vadd.f32 $1.000000000e+00, v47;
	_ =	sdelay $0x1  }
0x178: {  	(erf) = vrcp.f32 v2;
	_ =	sdelay $0x8  }
0x179: {  	v2 =	vpop (erf)  }
0x17a: {  	v2 =	vsub.f32 $0.0e+00, v2;
	_ =	sdelay $0x1  }
0x17b: {  	v2 =	vmul.f32 $1.442695020e+00, v2;
	_ =	sdelay $0x1  }
0x17c: {  	(erf) = vpow2.f32 v2;
	_ =	sdelay $0x3  }
0x17d: {  	v48 =	vld [tilespmem:$0x18630];
	_ =	sdelay $0x4  }
0x17e: {  	v2 =	vsub.f32 $0.0e+00, v48;
	v3 =	vpop (erf)  }
0x17f: {  	v3 =	vadd.f32 $1.000000000e+00, v3  }
0x180: {  	v2 =	vmul.f32 $1.442695020e+00, v2  }
0x181: {  	(erf) = vrcp.f32 v3  }
0x182: {  	(erf) = vpow2.f32 v2;
	_ =	sdelay $0x7  }
0x183: {  	v49 =	vpop (erf)  }
0x184: {  	v50 =	vpop (erf)  }
0x185: {  	v3 =	vadd.f32 $1.000000000e+00, v50;
	_ =	sdelay $0x1  }
0x186: {  	(erf) = vrcp.f32 v3;
	_ =	sdelay $0x8  }
0x187: {  	v3 =	vpop (erf)  }
0x188: {  	v3 =	vsub.f32 $0.0e+00, v3;
	_ =	sdelay $0x1  }
0x189: {  	v3 =	vmul.f32 $1.442695020e+00, v3;
	_ =	sdelay $0x1  }
0x18a: {  	(erf) = vpow2.f32 v3;
	_ =	sdelay $0x3  }
0x18b: {  	v51 =	vld [tilespmem:$0x18640];
	_ =	sdelay $0x4  }
0x18c: {  	v3 =	vsub.f32 $0.0e+00, v51;
	v4 =	vpop (erf)  }
0x18d: {  	v4 =	vadd.f32 $1.000000000e+00, v4  }
0x18e: {  	v3 =	vmul.f32 $1.442695020e+00, v3  }
0x18f: {  	(erf) = vrcp.f32 v4  }
0x190: {  	(erf) = vpow2.f32 v3;
	_ =	sdelay $0x7  }
0x191: {  	v52 =	vpop (erf)  }
0x192: {  	v53 =	vpop (erf)  }
0x193: {  	v4 =	vadd.f32 $1.000000000e+00, v53;
	_ =	sdelay $0x1  }
0x194: {  	(erf) = vrcp.f32 v4;
	_ =	sdelay $0x8  }
0x195: {  	v4 =	vpop (erf)  }
0x196: {  	v4 =	vsub.f32 $0.0e+00, v4;
	_ =	sdelay $0x1  }
0x197: {  	v4 =	vmul.f32 $1.442695020e+00, v4;
	_ =	sdelay $0x1  }
0x198: {  	(erf) = vpow2.f32 v4;
	_ =	sdelay $0x3  }
0x199: {  	v54 =	vld [tilespmem:$0x18650];
	_ =	sdelay $0x4  }
0x19a: {  	v4 =	vsub.f32 $0.0e+00, v54;
	v5 =	vpop (erf)  }
0x19b: {  	v5 =	vadd.f32 $1.000000000e+00, v5  }
0x19c: {  	v4 =	vmul.f32 $1.442695020e+00, v4  }
0x19d: {  	(erf) = vrcp.f32 v5  }
0x19e: {  	(erf) = vpow2.f32 v4;
	_ =	sdelay $0x7  }
0x19f: {  	v55 =	vpop (erf)  }
0x1a0: {  	v56 =	vpop (erf)  }
0x1a1: {  	v5 =	vadd.f32 $1.000000000e+00, v56;
	_ =	sdelay $0x1  }
0x1a2: {  	(erf) = vrcp.f32 v5;
	_ =	sdelay $0x8  }
0x1a3: {  	v5 =	vpop (erf)  }
0x1a4: {  	v5 =	vsub.f32 $0.0e+00, v5;
	_ =	sdelay $0x1  }
0x1a5: {  	v5 =	vmul.f32 $1.442695020e+00, v5;
	_ =	sdelay $0x1  }
0x1a6: {  	(erf) = vpow2.f32 v5;
	_ =	sdelay $0x3  }
0x1a7: {  	v57 =	vld [tilespmem:$0x18660];
	_ =	sdelay $0x4  }
0x1a8: {  	v5 =	vsub.f32 $0.0e+00, v57;
	v6 =	vpop (erf)  }
0x1a9: {  	v6 =	vadd.f32 $1.000000000e+00, v6  }
0x1aa: {  	v5 =	vmul.f32 $1.442695020e+00, v5  }
0x1ab: {  	(erf) = vrcp.f32 v6  }
0x1ac: {  	(erf) = vpow2.f32 v5;
	_ =	sdelay $0x7  }
0x1ad: {  	v58 =	vpop (erf)  }
0x1ae: {  	v59 =	vpop (erf)  }
0x1af: {  	v6 =	vadd.f32 $1.000000000e+00, v59;
	_ =	sdelay $0x1  }
0x1b0: {  	(erf) = vrcp.f32 v6;
	_ =	sdelay $0x8  }
0x1b1: {  	v6 =	vpop (erf)  }
0x1b2: {  	v6 =	vsub.f32 $0.0e+00, v6;
	_ =	sdelay $0x1  }
0x1b3: {  	v6 =	vmul.f32 $1.442695020e+00, v6;
	_ =	sdelay $0x1  }
0x1b4: {  	(erf) = vpow2.f32 v6;
	_ =	sdelay $0x3  }
0x1b5: {  	v60 =	vld [tilespmem:$0x18670];
	_ =	sdelay $0x4  }
0x1b6: {  	v6 =	vsub.f32 $0.0e+00, v60;
	v7 =	vpop (erf)  }
0x1b7: {  	v7 =	vadd.f32 $1.000000000e+00, v7  }
0x1b8: {  	v6 =	vmul.f32 $1.442695020e+00, v6  }
0x1b9: {  	(erf) = vrcp.f32 v7  }
0x1ba: {  	(erf) = vpow2.f32 v6;
	_ =	sdelay $0x7  }
0x1bb: {  	v61 =	vpop (erf)  }
0x1bc: {  	v62 =	vpop (erf)  }
0x1bd: {  	v7 =	vadd.f32 $1.000000000e+00, v62;
	_ =	sdelay $0x1  }
0x1be: {  	(erf) = vrcp.f32 v7;
	_ =	sdelay $0x8  }
0x1bf: {  	v7 =	vpop (erf)  }
0x1c0: {  	v7 =	vsub.f32 $0.0e+00, v7;
	_ =	sdelay $0x1  }
0x1c1: {  	v7 =	vmul.f32 $1.442695020e+00, v7;
	_ =	sdelay $0x1  }
0x1c2: {  	(erf) = vpow2.f32 v7;
	_ =	sdelay $0x8  }
0x1c3: {  	v7 =	vpop (erf)  }
0x1c4: {  	v7 =	vadd.f32 $1.000000000e+00, v7;
	_ =	sdelay $0x1  }
0x1c5: {  	(erf) = vrcp.f32 v7;
	_ =	sdelay $0x2  }
0x1c6: {  	[tilespmem:$0x18600] =	vst v43  }
0x1c7: {  	[tilespmem:$0x18610] =	vst v46  }
0x1c8: {  	[tilespmem:$0x18620] =	vst v49  }
0x1c9: {  	[tilespmem:$0x18630] =	vst v52  }
0x1ca: {  	[tilespmem:$0x18640] =	vst v55  }
0x1cb: {  	[tilespmem:$0x18650] =	vst v58  }
0x1cc: {  	[tilespmem:$0x18660] =	vst v61;
	v63 =	vpop (erf)  }
0x1cd: {  	[tilespmem:$0x18670] =	vst v63  }
0x1ce: {  	_ =	swait.ge [sflag:s28], $0x4000  }
0x1cf: {  	[sflag:s28] =	ssyncset.done $0x0  }
0x1d0: {  	[sflag:s28] =	ssyncadd.s32 $0xFFFFC000  }
0x1d1: {  	_ =	swait.ge [sflag:s28], $0x4000  }
0x1d2: {  	[sflag:s28] =	ssyncset.done $0x0  }
0x1d3: {  	[sflag:s28] =	ssyncadd.s32 $0xFFFFC000  }
0x1d4: {  	_ =	swait.ge [sflag:s28], $0x4000  }
0x1d5: {  	[sflag:s28] =	ssyncset.done $0x0  }
0x1d6: {  	s20 =	simm.s32 $0x0;
	[sflag:s28] =	ssyncadd.s32 $0xFFFFC000  }
.LBB2_4:
0x1d7: {  	s24 =	sshll.u32 s20, $0xB  }
0x1d8: {  	v60 =	vld [tilespmem:s24+$0x14910];
	_ =	sdelay $0x4  }
0x1d9: {  	[tilespmem:$0x1F840] =	vst v60;
	v60 =	vld [tilespmem:s24+$0x4920];
	_ =	sdelay $0x4  }
0x1da: {  	[tilespmem:$0x1F850] =	vst v60;
	v60 =	vld [tilespmem:s24+$0xC920];
	_ =	sdelay $0x4  }
0x1db: {  	[tilespmem:$0x1F860] =	vst v60;
	v60 =	vld [tilespmem:s24+$0x14920];
	_ =	sdelay $0x4  }
0x1dc: {  	[tilespmem:$0x1F8B0] =	vst v60;
	v60 =	vld [tilespmem:s24+$0x4930];
	_ =	sdelay $0x4  }
0x1dd: {  	[tilespmem:$0x1F870] =	vst v60;
	v60 =	vld [tilespmem:s24+$0xC930];
	_ =	sdelay $0x2  }
0x1de: {  	v33 =	vld [tilespmem:s24+$0x4600]  }
0x1df: {  	v20 =	vld [tilespmem:s24+$0xC600]  }
0x1e0: {  	[tilespmem:$0x1F880] =	vst v60;
	v60 =	vld [tilespmem:s24+$0x14930]  }
0x1e1: {  	v53 =	vld [tilespmem:s24+$0x14600]  }
0x1e2: {  	v22 =	vld [tilespmem:s24+$0x4610]  }
0x1e3: {  	v14 =	vld [tilespmem:s24+$0xC610]  }
0x1e4: {  	v47 =	vld [tilespmem:s24+$0x14610]  }
0x1e5: {  	[tilespmem:$0x1F8E0] =	vst v60;
	v60 =	vld [tilespmem:s24+$0x4980]  }
0x1e6: {  	v51 =	vld [tilespmem:s24+$0x4620]  }
0x1e7: {  	v34 =	vld [tilespmem:s24+$0xC620]  }
0x1e8: {  	v0 =	vld [tilespmem:s24+$0x14620]  }
0x1e9: {  	v35 =	vld [tilespmem:s24+$0x4630]  }
0x1ea: {  	[tilespmem:$0x1F890] =	vst v60;
	v60 =	vld [tilespmem:s24+$0xC980]  }
0x1eb: {  	v21 =	vld [tilespmem:s24+$0xC630]  }
0x1ec: {  	v44 =	vld [tilespmem:s24+$0x14630]  }
0x1ed: {  	v10 =	vld [tilespmem:s24+$0x4680]  }
0x1ee: {  	v48 =	vld [tilespmem:s24+$0x14680]  }
0x1ef: {  	[tilespmem:$0x1F8A0] =	vst v60;
	v60 =	vld [tilespmem:s24+$0x14980]  }
0x1f0: {  	v18 =	vld [tilespmem:s24+$0x4690]  }
0x1f1: {  	v1 =	vld [tilespmem:s24+$0xC690]  }
0x1f2: {  	v56 =	vld [tilespmem:s24+$0x14690]  }
0x1f3: {  	v41 =	vld [tilespmem:s24+$0x46A0]  }
0x1f4: {  	[tilespmem:$0x1F8F0] =	vst v60;
	v60 =	vld [tilespmem:s24+$0x4990]  }
0x1f5: {  	v36 =	vld [tilespmem:s24+$0xC6A0]  }
0x1f6: {  	v2 =	vld [tilespmem:s24+$0x146A0]  }
0x1f7: {  	v37 =	vld [tilespmem:s24+$0x46B0]  }
0x1f8: {  	v24 =	vld [tilespmem:s24+$0xC6B0]  }
0x1f9: {  	[tilespmem:$0x1F8C0] =	vst v60;
	v60 =	vld [tilespmem:s24+$0xC990]  }
0x1fa: {  	v61 =	vld [tilespmem:s24+$0x146B0]  }
0x1fb: {  	v12 =	vld [tilespmem:s24+$0x4700]  }
0x1fc: {  	v54 =	vld [tilespmem:s24+$0x14700]  }
0x1fd: {  	v16 =	vld [tilespmem:s24+$0x4710]  }
0x1fe: {  	[tilespmem:$0x1F8D0] =	vst v60;
	v60 =	vld [tilespmem:s24+$0x14990]  }
0x1ff: {  	v3 =	vld [tilespmem:s24+$0xC710]  }
0x200: {  	v42 =	vld [tilespmem:s24+$0x14710]  }
0x201: {  	v43 =	vld [tilespmem:s24+$0x4720]  }
0x202: {  	v38 =	vld [tilespmem:s24+$0xC720]  }
0x203: {  	[tilespmem:$0x1F900] =	vst v60;
	v60 =	vld [tilespmem:s24+$0x49A0]  }
0x204: {  	v4 =	vld [tilespmem:s24+$0x14720]  }
0x205: {  	v28 =	vld [tilespmem:s24+$0x4730]  }
0x206: {  	v27 =	vld [tilespmem:s24+$0xC730]  }
0x207: {  	v45 =	vld [tilespmem:s24+$0x14730]  }
0x208: {  	[tilespmem:$0x1F910] =	vst v60;
	v60 =	vld [tilespmem:s24+$0xC9A0]  }
0x209: {  	v9 =	vld [tilespmem:s24+$0x4780]  }
0x20a: {  	v52 =	vld [tilespmem:s24+$0x14780]  }
0x20b: {  	v11 =	vld [tilespmem:s24+$0x4790]  }
0x20c: {  	v5 =	vld [tilespmem:s24+$0xC790]  }
0x20d: {  	[tilespmem:$0x1F920] =	vst v60;
	v60 =	vld [tilespmem:s24+$0x149A0]  }
0x20e: {  	v29 =	vld [tilespmem:s24+$0xC7A0]  }
0x20f: {  	v6 =	vld [tilespmem:s24+$0x147A0]  }
0x210: {  	v30 =	vld [tilespmem:s24+$0x47B0]  }
0x211: {  	v25 =	vld [tilespmem:s24+$0xC7B0]  }
0x212: {  	[tilespmem:$0x1F970] =	vst v60;
	v60 =	vld [tilespmem:s24+$0x49B0]  }
0x213: {  	v46 =	vld [tilespmem:s24+$0x147B0]  }
0x214: {  	v13 =	vld [tilespmem:s24+$0x4800]  }
0x215: {  	v55 =	vld [tilespmem:s24+$0x14800]  }
0x216: {  	v15 =	vld [tilespmem:s24+$0x4810]  }
0x217: {  	[tilespmem:$0x1F930] =	vst v60;
	v60 =	vld [tilespmem:s24+$0xC9B0]  }
0x218: {  	v7 =	vld [tilespmem:s24+$0xC810]  }
0x219: {  	v39 =	vld [tilespmem:s24+$0x4820]  }
0x21a: {  	v31 =	vld [tilespmem:s24+$0xC820]  }
0x21b: {  	v8 =	vld [tilespmem:s24+$0x14820]  }
0x21c: {  	[tilespmem:$0x1F940] =	vst v60;
	v60 =	vld [tilespmem:s24+$0x149B0]  }
0x21d: {  	v32 =	vld [tilespmem:s24+$0x4830]  }
0x21e: {  	v23 =	vld [tilespmem:s24+$0xC830]  }
0x21f: {  	v49 =	vld [tilespmem:s24+$0x14830]  }
0x220: {  	v17 =	vld [tilespmem:s24+$0x4880]  }
0x221: {  	[tilespmem:$0x1F9A0] =	vst v60;
	v60 =	vld [tilespmem:s24+$0x4A00]  }
0x222: {  	v19 =	vld [tilespmem:s24+$0x14880]  }
0x223: {  	v26 =	vld [tilespmem:s24+$0x4890]  }
0x224: {  	v40 =	vld [tilespmem:s24+$0x14890]  }
0x225: {  	v62 =	vld [tilespmem:s24+$0x48A0]  }
0x226: {  	[tilespmem:$0x1F950] =	vst v60;
	v60 =	vld [tilespmem:s24+$0xCA00]  }
0x227: {  	v58 =	vld [tilespmem:s24+$0xC8A0]  }
0x228: {  	v50 =	vld [tilespmem:s24+$0x148A0]  }
0x229: {  	v63 =	vld [tilespmem:s24+$0x48B0]  }
0x22a: {  	v59 =	vld [tilespmem:s24+$0xC8B0]  }
0x22b: {  	[tilespmem:$0x1F960] =	vst v60;
	v60 =	vld [tilespmem:s24+$0x14A00]  }
0x22c: {  	v57 =	vld [tilespmem:s24+$0x148B0]  }
0x22d: {  	[tilespmem:$0x1F760] =	vst v0;
	v0 =	vld [tilespmem:s24+$0xC680]  }
0x22e: {  	[tilespmem:$0x1F780] =	vst v2;
	v2 =	vld [tilespmem:s24+$0xC700]  }
0x22f: {  	[tilespmem:$0x1F790] =	vst v4;
	v4 =	vld [tilespmem:s24+$0xC780]  }
0x230: {  	[tilespmem:$0x1F9B0] =	vst v60;
	v60 =	vld [tilespmem:s24+$0x4A10]  }
0x231: {  	[tilespmem:$0x1F770] =	vst v44;
	v44 =	vld [tilespmem:s24+$0x14790]  }
0x232: {  	[tilespmem:$0x1F7A0] =	vst v45;
	v45 =	vld [tilespmem:s24+$0x47A0]  }
0x233: {  	[tilespmem:$0x1F7B0] =	vst v6;
	v6 =	vld [tilespmem:s24+$0xC800]  }
0x234: {  	[tilespmem:$0x1F7C0] =	vst v46;
	v46 =	vld [tilespmem:s24+$0x14810]  }
0x235: {  	[tilespmem:$0x1F980] =	vst v60;
	v60 =	vld [tilespmem:s24+$0xCA10]  }
0x236: {  	[tilespmem:$0x1F7D0] =	vst v8;
	v8 =	vld [tilespmem:s24+$0xC880]  }
0x237: {  	[tilespmem:$0x1F7F0] =	vst v19;
	v19 =	vld [tilespmem:s24+$0xC890]  }
0x238: {  	[tilespmem:$0x1F7E0] =	vst v49;
	v49 =	vld [tilespmem:s24+$0x4900]  }
0x239: {  	[tilespmem:$0x1F800] =	vst v40;
	v40 =	vld [tilespmem:s24+$0xC900]  }
0x23a: {  	[tilespmem:$0x1F990] =	vst v60;
	v60 =	vld [tilespmem:s24+$0x14A10]  }
0x23b: {  	[tilespmem:$0x1F810] =	vst v50;
	v50 =	vld [tilespmem:s24+$0x14900]  }
0x23c: {  	[tilespmem:$0x1F820] =	vst v57;
	v57 =	vld [tilespmem:s24+$0x4910]  }
0x23d: {  	v20 =	vmul.f32 v20, v33;
	v33 =	vld [tilespmem:s24+$0xCB30]  }
0x23e: {  	v11 =	vmul.f32 v5, v11;
	v5 =	vld [tilespmem:s24+$0xCBB0]  }
0x23f: {  	[tilespmem:$0x1F9C0] =	vst v60;
	v60 =	vld [tilespmem:s24+$0x4A20]  }
0x240: {  	v7 =	vmul.f32 v7, v15;
	v15 =	vld [tilespmem:s24+$0x14C00]  }
0x241: {  	v25 =	vmul.f32 v25, v30;
	v30 =	vld [tilespmem:s24+$0x4C10]  }
0x242: {  	v23 =	vmul.f32 v23, v32;
	v32 =	vld [tilespmem:s24+$0xCC20]  }
0x243: {  	v27 =	vmul.f32 v27, v28;
	v28 =	vld [tilespmem:$0x1F7A0]  }
0x244: {  	[tilespmem:$0x1F9D0] =	vst v60;
	v60 =	vld [tilespmem:s24+$0xCA20]  }
0x245: {  	v14 =	vmul.f32 v14, v22;
	v31 =	vmul.f32 v31, v39;
	v39 =	vld [tilespmem:$0x1F7D0]  }
0x246: {  	v22 =	vmul.f32 v53, v20;
	v53 =	vmul.f32 v21, v35;
	v21 =	vld [tilespmem:s24+$0xCB80]  }
0x247: {  	v35 =	vld [tilespmem:$0x1F760]  }
0x248: {  	v1 =	vmul.f32 v1, v18;
	v20 =	vld [tilespmem:s24+$0x4B90]  }
0x249: {  	[tilespmem:$0x1F9E0] =	vst v60;
	v60 =	vld [tilespmem:s24+$0x14A20]  }
0x24a: {  	v1 =	vmul.f32 v56, v1;
	v56 =	vld [tilespmem:s24+$0xCB90]  }
0x24b: {  	[tilespmem:$0x1F830] =	vst v50;
	v50 =	vld [tilespmem:s24+$0xC910]  }
0x24c: {  	[tilespmem:$0x1FB80] =	vst v33;
	v33 =	vmul.f32 v47, v14;
	v14 =	vld [tilespmem:s24+$0x4B80]  }
0x24d: {  	v47 =	vld [tilespmem:s24+$0x14B80]  }
0x24e: {  	[tilespmem:$0x1FA30] =	vst v60;
	v60 =	vld [tilespmem:s24+$0x4A30]  }
0x24f: {  	v0 =	vmul.f32 v0, v10;
	v10 =	vld [tilespmem:s24+$0x14BA0]  }
0x250: {  	v6 =	vmul.f32 v6, v13;
	v13 =	vld [tilespmem:s24+$0xCC00]  }
0x251: {  	v8 =	vmul.f32 v8, v17;
	v17 =	vld [tilespmem:s24+$0x14C10]  }
0x252: {  	v19 =	vmul.f32 v19, v26;
	v26 =	vld [tilespmem:s24+$0x4C20]  }
0x253: {  	[tilespmem:$0x1F9F0] =	vst v60;
	v60 =	vld [tilespmem:s24+$0xCA30]  }
0x254: {  	v51 =	vmul.f32 v34, v51;
	v11 =	vmul.f32 v44, v11;
	v44 =	vld [tilespmem:$0x1F800]  }
0x255: {  	v31 =	vmul.f32 v39, v31;
	v39 =	vld [tilespmem:s24+$0x14C30]  }
0x256: {  	v35 =	vmul.f32 v35, v51;
	v51 =	vld [tilespmem:$0x1F770]  }
0x257: {  	v34 =	vmul.f32 v48, v0;
	v0 =	vld [tilespmem:s24+$0x14BB0]  }
0x258: {  	[tilespmem:$0x1FA00] =	vst v60;
	v60 =	vld [tilespmem:s24+$0x14A30]  }
0x259: {  	v4 =	vmul.f32 v4, v9;
	v48 =	vld [tilespmem:$0x1F810]  }
0x25a: {  	v22 =	vadd.f32 v33, v22;
	v33 =	vld [tilespmem:s24+$0xCC30]  }
0x25b: {  	v4 =	vmul.f32 v52, v4;
	v52 =	vld [tilespmem:$0x1F830]  }
0x25c: {  	v6 =	vmul.f32 v55, v6;
	v55 =	vld [tilespmem:$0x1F850]  }
0x25d: {  	v2 =	vmul.f32 v2, v12;
	[tilespmem:$0x1FA60] =	vst v60;
	v60 =	vld [tilespmem:s24+$0x4A80]  }
0x25e: {  	v22 =	vadd.f32 v35, v22;
	v35 =	vld [tilespmem:s24+$0x14C20]  }
0x25f: {  	[tilespmem:$0x1FBA0] =	vst v47;
	v47 =	vmul.f32 v3, v16;
	v16 =	vmul.f32 v54, v2;
	v2 =	vld [tilespmem:s24+$0x4BB0]  }
0x260: {  	v54 =	vld [tilespmem:$0x1F790]  }
0x261: {  	v19 =	vmul.f32 v44, v19;
	v44 =	vld [tilespmem:s24+$0x4C90]  }
0x262: {  	[tilespmem:$0x1FA10] =	vst v60;
	v60 =	vld [tilespmem:s24+$0xCA80]  }
0x263: {  	v14 =	vmul.f32 v21, v14;
	v21 =	vld [tilespmem:s24+$0x14D10]  }
0x264: {  	v18 =	vmul.f32 v51, v53;
	v53 =	vmul.f32 v36, v41;
	v41 =	vld [tilespmem:s24+$0x14B90]  }
0x265: {  	v36 =	vmul.f32 v24, v37;
	v37 =	vld [tilespmem:$0x1F780]  }
0x266: {  	v51 =	vld [tilespmem:s24+$0x4BA0]  }
0x267: {  	[tilespmem:$0x1FA20] =	vst v60;
	v60 =	vld [tilespmem:s24+$0x14A80]  }
0x268: {  	v24 =	vmul.f32 v42, v47;
	v42 =	vld [tilespmem:$0x1F7E0]  }
0x269: {  	v47 =	vmul.f32 v40, v49;
	v49 =	vmul.f32 v50, v57;
	v50 =	vld [tilespmem:$0x1F820]  }
0x26a: {  	v57 =	vld [tilespmem:$0x1F860]  }
0x26b: {  	v3 =	vmul.f32 v61, v36;
	v61 =	vld [tilespmem:s24+$0xCBA0]  }
0x26c: {  	[tilespmem:$0x1FA70] =	vst v60;
	v60 =	vld [tilespmem:s24+$0x4A90]  }
0x26d: {  	v36 =	vmul.f32 v29, v45;
	v29 =	vld [tilespmem:s24+$0x4C00];
	v45 =	vmul.f32 v58, v62  }
0x26e: {  	v2 =	vmul.f32 v5, v2;
	v5 =	vld [tilespmem:s24+$0x14D30]  }
0x26f: {  	v1 =	vadd.f32 v1, v34;
	v34 =	vadd.f32 v18, v22;
	v18 =	vmul.f32 v48, v45;
	v45 =	vld [tilespmem:$0x1F8B0]  }
0x270: {  	v12 =	vmul.f32 v37, v53;
	v37 =	vld [tilespmem:$0x1F7B0]  }
0x271: {  	[tilespmem:$0x1FA40] =	vst v60;
	v60 =	vld [tilespmem:s24+$0xCA90]  }
0x272: {  	v53 =	vmul.f32 v38, v43;
	v38 =	vld [tilespmem:$0x1F7C0]  }
0x273: {  	v20 =	vmul.f32 v56, v20;
	v43 =	vld [tilespmem:$0x1F7F0]  }
0x274: {  	v23 =	vmul.f32 v42, v23;
	v42 =	vld [tilespmem:s24+$0xCC80]  }
0x275: {  	v20 =	vmul.f32 v41, v20;
	v41 =	vld [tilespmem:s24+$0x14D20]  }
0x276: {  	[tilespmem:$0x1FA50] =	vst v60;
	v60 =	vld [tilespmem:s24+$0x14A90]  }
0x277: {  	v9 =	vmul.f32 v54, v53;
	v54 =	vld [tilespmem:$0x1F840]  }
0x278: {  	v53 =	vadd.f32 v24, v16;
	v24 =	vld [tilespmem:s24+$0x4C80]  }
0x279: {  	v29 =	vmul.f32 v13, v29;
	v13 =	vld [tilespmem:s24+$0x4D30]  }
0x27a: {  	v22 =	vmul.f32 v57, v55;
	v1 =	vadd.f32 v12, v1;
	v58 =	vld [tilespmem:$0x1F870]  }
0x27b: {  	[tilespmem:$0x1FA80] =	vst v60;
	v60 =	vld [tilespmem:s24+$0x4AA0]  }
0x27c: {  	v3 =	vadd.f32 v3, v1;
	v1 =	vadd.f32 v9, v53;
	v9 =	vmul.f32 v45, v22;
	v45 =	vld [tilespmem:s24+$0xCC90]  }
0x27d: {  	v27 =	vmul.f32 v28, v27;
	v28 =	vmul.f32 v37, v36;
	v36 =	vld [tilespmem:s24+$0xCC10]  }
0x27e: {  	v25 =	vmul.f32 v38, v25;
	v38 =	vld [tilespmem:s24+$0x4C30]  }
0x27f: {  	v8 =	vmul.f32 v43, v8;
	v43 =	vld [tilespmem:s24+$0x14C80]  }
0x280: {  	[tilespmem:$0x1FA90] =	vst v60;
	v60 =	vld [tilespmem:s24+$0xCAA0]  }
0x281: {  	v7 =	vmul.f32 v46, v7;
	v46 =	vmul.f32 v59, v63;
	v59 =	vld [tilespmem:$0x1F880]  }
0x282: {  	v48 =	vld [tilespmem:$0x1F8E0]  }
0x283: {  	v62 =	vld [tilespmem:$0x1F890]  }
0x284: {  	v12 =	vmul.f32 v50, v46;
	v46 =	vld [tilespmem:$0x1F8C0]  }
0x285: {  	[tilespmem:$0x1FAA0] =	vst v60;
	v60 =	vld [tilespmem:s24+$0x14AA0]  }
0x286: {  	v37 =	vmul.f32 v52, v47;
	v47 =	vld [tilespmem:$0x1F8D0]  }
0x287: {  	v63 =	vld [tilespmem:$0x1F8A0]  }
0x288: {  	v16 =	vmul.f32 v54, v49;
	v49 =	vld [tilespmem:$0x1F8F0]  }
0x289: {  	v50 =	vld [tilespmem:$0x1F900]  }
0x28a: {  	[tilespmem:$0x1FAF0] =	vst v60;
	v60 =	vld [tilespmem:s24+$0x4AB0]  }
0x28b: {  	v22 =	vmul.f32 v47, v46;
	v46 =	vld [tilespmem:s24+$0x14C90]  }
0x28c: {  	v47 =	vld [tilespmem:s24+$0x4CA0]  }
0x28d: {  	v54 =	vld [tilespmem:$0x1F930]  }
0x28e: {  	v55 =	vld [tilespmem:$0x1F940]  }
0x28f: {  	v4 =	vadd.f32 v11, v4;
	v11 =	vmul.f32 v59, v58;
	[tilespmem:$0x1FAB0] =	vst v60;
	v60 =	vld [tilespmem:s24+$0xCAB0]  }
0x290: {  	v52 =	vld [tilespmem:$0x1F910]  }
0x291: {  	v11 =	vmul.f32 v48, v11;
	v48 =	vld [tilespmem:$0x1F9A0]  }
0x292: {  	v28 =	vadd.f32 v28, v4;
	v53 =	vld [tilespmem:$0x1F920]  }
0x293: {  	v59 =	vld [tilespmem:$0x1F970]  }
0x294: {  	v4 =	vadd.f32 v27, v1;
	v1 =	vadd.f32 v25, v28;
	v25 =	vmul.f32 v55, v54;
	[tilespmem:$0x1FAC0] =	vst v60;
	v60 =	vld [tilespmem:s24+$0x14AB0]  }
0x295: {  	v57 =	vld [tilespmem:$0x1F950]  }
0x296: {  	v8 =	vadd.f32 v19, v8;
	v19 =	vmul.f32 v48, v25;
	v48 =	vld [tilespmem:s24+$0x14CA0]  }
0x297: {  	v58 =	vld [tilespmem:$0x1F960]  }
0x298: {  	v40 =	vmul.f32 v63, v62;
	v62 =	vld [tilespmem:$0x1F980]  }
0x299: {  	[tilespmem:$0x1FB20] =	vst v60;
	v60 =	vld [tilespmem:s24+$0x4B00]  }
0x29a: {  	v63 =	vld [tilespmem:$0x1F990]  }
0x29b: {  	v40 =	vmul.f32 v49, v40;
	v49 =	vld [tilespmem:$0x1F9B0]  }
0x29c: {  	v22 =	vmul.f32 v50, v22;
	v50 =	vld [tilespmem:$0x1F9C0]  }
0x29d: {  	v27 =	vmul.f32 v53, v52;
	v52 =	vld [tilespmem:$0x1F9D0]  }
0x29e: {  	v28 =	vmul.f32 v58, v57;
	[tilespmem:$0x1FAD0] =	vst v60;
	v60 =	vld [tilespmem:s24+$0xCB00]  }
0x29f: {  	v6 =	vadd.f32 v7, v6;
	v7 =	vmul.f32 v59, v27;
	v27 =	vmul.f32 v63, v62;
	v53 =	vld [tilespmem:$0x1F9E0]  }
0x2a0: {  	v25 =	vmul.f32 v49, v28;
	v28 =	vld [tilespmem:s24+$0xCCA0]  }
0x2a1: {  	v27 =	vmul.f32 v50, v27;
	v50 =	vld [tilespmem:s24+$0x4CB0]  }
0x2a2: {  	v59 =	vld [tilespmem:$0x1FA30]  }
0x2a3: {  	[tilespmem:$0x1FAE0] =	vst v60;
	v60 =	vld [tilespmem:s24+$0x14B00]  }
0x2a4: {  	v6 =	vadd.f32 v31, v6;
	v31 =	vmul.f32 v53, v52;
	v52 =	vld [tilespmem:s24+$0xCCB0]  }
0x2a5: {  	v53 =	vld [tilespmem:s24+$0x4D00]  }
0x2a6: {  	v54 =	vld [tilespmem:$0x1F9F0]  }
0x2a7: {  	v55 =	vld [tilespmem:$0x1FA00]  }
0x2a8: {  	[tilespmem:$0x1FB30] =	vst v60;
	v60 =	vld [tilespmem:s24+$0x4B10]  }
0x2a9: {  	v57 =	vld [tilespmem:$0x1FA10]  }
0x2aa: {  	v58 =	vld [tilespmem:$0x1FA20]  }
0x2ab: {  	v62 =	vld [tilespmem:$0x1FA40]  }
0x2ac: {  	v63 =	vld [tilespmem:$0x1FA50]  }
0x2ad: {  	[tilespmem:$0x1FB00] =	vst v60;
	v60 =	vld [tilespmem:s24+$0xCB10]  }
0x2ae: {  	v8 =	vadd.f32 v18, v8;
	v18 =	vmul.f32 v55, v54;
	v55 =	vld [tilespmem:$0x1FA60]  }
0x2af: {  	v49 =	vmul.f32 v58, v57;
	v57 =	vld [tilespmem:$0x1FA70]  }
0x2b0: {  	v6 =	vadd.f32 v23, v6;
	v23 =	vmul.f32 v59, v31;
	v59 =	vld [tilespmem:$0x1FA90]  }
0x2b1: {  	v31 =	vmul.f32 v63, v62;
	v62 =	vld [tilespmem:$0x1FAA0]  }
0x2b2: {  	[tilespmem:$0x1FB10] =	vst v60;
	v60 =	vld [tilespmem:s24+$0x14B10]  }
0x2b3: {  	v58 =	vld [tilespmem:$0x1FA80]  }
0x2b4: {  	v63 =	vld [tilespmem:$0x1FAB0]  }
0x2b5: {  	v8 =	vadd.f32 v12, v8;
	v12 =	vmul.f32 v55, v18;
	v18 =	vmul.f32 v57, v49;
	v57 =	vld [tilespmem:$0x1FAC0]  }
0x2b6: {  	v16 =	vadd.f32 v16, v37;
	v37 =	vmul.f32 v62, v59;
	v62 =	vld [tilespmem:$0x1FAF0]  }
0x2b7: {  	[tilespmem:$0x1FB40] =	vst v60;
	v60 =	vld [tilespmem:s24+$0x4B20]  }
0x2b8: {  	v55 =	vld [tilespmem:s24+$0xCD00]  }
0x2b9: {  	v31 =	vmul.f32 v58, v31;
	v58 =	vld [tilespmem:$0x1FAD0]  }
0x2ba: {  	v22 =	vadd.f32 v22, v40;
	v25 =	vadd.f32 v27, v25;
	v40 =	vmul.f32 v57, v63;
	v63 =	vld [tilespmem:$0x1FB00]  }
0x2bb: {  	v9 =	vadd.f32 v9, v16;
	v16 =	vmul.f32 v62, v37;
	v62 =	vld [tilespmem:$0x1FB10]  }
0x2bc: {  	v23 =	vadd.f32 v23, v25;
	[tilespmem:$0x1FB50] =	vst v60;
	v60 =	vld [tilespmem:s24+$0xCB20]  }
0x2bd: {  	v59 =	vld [tilespmem:$0x1FAE0]  }
0x2be: {  	v12 =	vadd.f32 v12, v23;
	v23 =	vld [tilespmem:s24+$0xCD30]  }
0x2bf: {  	v18 =	vadd.f32 v31, v18;
	v31 =	vld [tilespmem:s24+$0xCD20]  }
0x2c0: {  	v37 =	vmul.f32 v62, v63;
	v63 =	vld [tilespmem:$0x1FB20]  }
0x2c1: {  	[tilespmem:$0x1FB60] =	vst v60;
	v60 =	vld [tilespmem:s24+$0x14B20]  }
0x2c2: {  	v54 =	vmul.f32 v59, v58;
	v58 =	vld [tilespmem:$0x1FB30]  }
0x2c3: {  	v59 =	vld [tilespmem:$0x1FB40]  }
0x2c4: {  	v62 =	vld [tilespmem:$0x1FB50]  }
0x2c5: {  	(xrf2) =	vadd.scan.msk.f32 $0xffff, v34;
	v7 =	vadd.f32 v7, v22;
	v22 =	vmul.f32 v63, v40;
	v63 =	vld [tilespmem:$0x1FB60]  }
0x2c6: {  	(xrf2) =	vadd.scan.msk.f32 $0xffff, v3;
	[tilespmem:$0x1FB90] =	vst v60;
	v60 =	vld [tilespmem:s24+$0x4B30]  }
0x2c7: {  	s5 =	sshll.u32 s20, $0x4;
	(xrf2) =	vadd.scan.msk.f32 $0xffff, v4;
	v40 =	vmul.f32 v58, v54;
	v54 =	vld [tilespmem:s24+$0x4D10]  }
0x2c8: {  	s31 =	sor.u32 $0x81, s5;
	v0 =	vmul.f32 v0, v2;
	v36 =	vmul.f32 v36, v30;
	(xrf2) =	vadd.scan.msk.f32 $0xffff, v1;
	v9 =	vadd.f32 v11, v9;
	v58 =	vld [tilespmem:s24+$0xCD10]  }
0x2c9: {  	(xrf2) =	vadd.scan.msk.f32 $0xffff, v6;
	v13 =	vmul.f32 v23, v13;
	v23 =	vmov s31;
	v11 =	vmul.f32 v59, v37;
	v59 =	vld [tilespmem:$0x1FB90]  }
0x2ca: {  	v56 =	vmul.f32 v17, v36;
	(xrf2) =	vadd.scan.msk.f32 $0xffff, v8;
	v8 =	vbroadcast v23, $0x0;
	v57 =	vld [tilespmem:s24+$0x14D00]  }
0x2cb: {  	s15 =	sor.u32 $0x84, s5;
	v5 =	vmul.f32 v5, v13;
	v37 =	vmul.f32 v63, v62;
	v63 =	vld [tilespmem:$0x1FB80];
	[tilespmem:$0x1FB70] =	vst v60  }
0x2cc: {  	v11 =	vadd.f32 v11, v40;
	v40 =	vmul.f32 v28, v47;
	v28 =	vmov s15;
	v62 =	vld [tilespmem:$0x1FB70]  }
0x2cd: {  	(xrf2) =	vadd.scan.msk.f32 $0xffff, v9;
	v9 =	vbroadcast v28, $0x0;
	v47 =	vmul.f32 v58, v54;
	v60 =	vld [tilespmem:s24+$0x14B30]  }
0x2ce: {  	s14 =	sor.u32 $0x83, s5;
	v7 =	vadd.f32 v19, v7;
	v27 =	vmul.f32 v59, v37;
	v37 =	vld [tilespmem:s24+$0x4D20];
	v59 =	vmul.f32 v32, v26  }
0x2cf: {  	v58 =	vld [tilespmem:s24+$0xCDB0];
	v32 =	vmul.f32 v45, v44;
	v44 =	vmul.f32 v55, v53;
	v26 =	vmov s14  }
0x2d0: {  	v45 =	vld [tilespmem:s24+$0x14D90];
	v11 =	vadd.f32 v27, v11;
	v17 =	vmul.f32 v35, v59;
	v27 =	vbroadcast v26, $0x0  }
0x2d1: {  	s19 =	sor.u32 $0x87, s5;
	v16 =	vadd.f32 v16, v18;
	v19 =	vmul.f32 v63, v62;
	v62 =	vld [tilespmem:$0x1FBA0];
	v63 =	vmul.f32 v61, v51  }
0x2d2: {  	v34 =	vmov s19;
	v51 =	vmul.f32 v15, v29;
	v61 =	vmul.f32 v33, v38;
	v38 =	vld [tilespmem:s24+$0x4D90]  }
0x2d3: {  	s16 =	sor.u32 $0x85, s5;
	v16 =	vadd.f32 v22, v16;
	v53 =	vmul.f32 v31, v37;
	v19 =	vmul.f32 v60, v19;
	v60 =	vld [tilespmem:s24+$0x4D80]  }
0x2d4: {  	v29 =	vmov s16;
	v10 =	vmul.f32 v10, v63;
	v63 =	vld [tilespmem:s24+$0xCD80];
	v35 =	vmul.f32 v39, v61  }
0x2d5: {  	s7 =	sor.u32 $0x82, s5;
	v39 =	vmul.f32 v46, v32;
	v2 =	vadd.f32 v56, v51;
	v46 =	vmul.f32 v48, v40;
	v48 =	vld [tilespmem:s24+$0x4DA0]  }
0x2d6: {  	s17 =	sor.u32 $0x86, s5;
	s21 =	sor.u32 $0x88, s5;
	v51 =	vld [tilespmem:s24+$0xCDA0];
	v14 =	vmul.f32 v62, v14;
	v62 =	vmul.f32 v42, v24;
	v24 =	vmov s7  }
0x2d7: {  	v31 =	vmov s17;
	v37 =	vmov s21;
	v42 =	vld [tilespmem:s24+$0xCD90];
	v25 =	vbroadcast v24, $0x0  }
0x2d8: {  	v56 =	vld [tilespmem:s24+$0x4DB0];
	v11 =	vadd.f32 v19, v11;
	v36 =	vmul.f32 v43, v62;
	v43 =	vmul.f32 v52, v50  }
0x2d9: {  	v33 =	vld [tilespmem:s24+$0x14D80];
	v2 =	vadd.f32 v17, v2;
	v50 =	vmul.f32 v57, v44;
	v52 =	vmul.f32 v21, v47  }
0x2da: {  	s6 =	sor.u32 $0x80, s5;
	v49 =	vld [tilespmem:s24+$0x14CB0];
	v14 =	vadd.f32 v20, v14;
	v18 =	vmul.f32 v63, v60;
	v57 =	vmul.f32 v41, v53  }
0x2db: {  	v54 =	vld [tilespmem:s24+$0x14DA0];
	v63 =	vmul.f32 v51, v48;
	v20 =	vmov s6;
	v17 =	vadd.f32 v52, v50  }
0x2dc: {  	v6 =	vbroadcast v20, $0x0;
	v10 =	vadd.f32 v10, v14;
	v55 =	vmul.f32 v42, v38  }
0x2dd: {  	v3 =	vmul.f32 v58, v56;
	v19 =	vadd.f32 v39, v36;
	v62 =	vadd.f32 v57, v17;
	v17 =	vld [tilespmem:s24+$0x14DB0]  }
0x2de: {  	(xrf2) =	vadd.scan.msk.f32 $0xffff, v7;
	v2 =	vadd.f32 v35, v2;
	v59 =	vmul.f32 v33, v18;
	v60 =	vmul.f32 v45, v55  }
0x2df: {  	(xrf2) =	vadd.scan.msk.f32 $0xffff, v12;
	v0 =	vadd.f32 v0, v10;
	v10 =	vmul.f32 v49, v43;
	v15 =	vadd.f32 v46, v19  }
0x2e0: {  	(xrf2) =	vadd.scan.msk.f32 $0xffff, v16;
	v21 =	vmul.f32 v54, v63;
	v33 =	vbroadcast v31, $0x0;
	v19 =	vadd.f32 v60, v59  }
0x2e1: {  	v30, _, _ =	vpop (xrf2);
	(xrf2) =	vadd.scan.msk.f32 $0xffff, v11;
	v36 =	vbroadcast v34, $0x0;
	v61 =	vadd.f32 v10, v15;
	v10 =	vbroadcast v29, $0x0  }
0x2e2: {  	v32, _, _ =	vpop (xrf2);
	(xrf2) =	vadd.scan.msk.f32 $0xffff, v0;
	[tilespmem:v6+s23+$0x0] =	vst.idx.msk vm0, v30;
	v13 =	vadd.f32 v21, v19;
	v1 =	vmul.f32 v17, v3  }
0x2e3: {  	v35, _, _ =	vpop (xrf2);
	v39 =	vbroadcast v37, $0x0;
	s24 =	sor.u32 $0x89, s5;
	v5 =	vadd.f32 v5, v62;
	(xrf2) =	vadd.scan.msk.f32 $0xffff, v2;
	[tilespmem:v8+s23+$0x0] =	vst.idx.msk vm0, v32  }
0x2e4: {  	s25 =	sor.u32 $0x8A, s5;
	v38, _, _ =	vpop (xrf2);
	v40 =	vmov s24;
	(xrf2) =	vadd.scan.msk.f32 $0xffff, v61;
	[tilespmem:v25+s23+$0x0] =	vst.idx.msk vm0, v35;
	v1 =	vadd.f32 v1, v13  }
0x2e5: {  	s26 =	sor.u32 $0x8B, s5;
	v41, _, _ =	vpop (xrf2);
	v43 =	vmov s25;
	v42 =	vbroadcast v40, $0x0;
	(xrf2) =	vadd.scan.msk.f32 $0xffff, v5;
	[tilespmem:v27+s23+$0x0] =	vst.idx.msk vm0, v38  }
0x2e6: {  	s29 =	sor.u32 $0x8C, s5;
	v46 =	vmov s26;
	v44, _, _ =	vpop (xrf2);
	v45 =	vbroadcast v43, $0x0;
	[tilespmem:v9+s23+$0x0] =	vst.idx.msk vm0, v41;
	(xrf2) =	vadd.scan.msk.f32 $0xffff, v1  }
0x2e7: {  	s30 =	sor.u32 $0x8D, s5;
	v48 =	vmov s29;
	v47, _, _ =	vpop (xrf2);
	v5 =	vbroadcast v46, $0x0;
	[tilespmem:v10+s23+$0x0] =	vst.idx.msk vm0, v44  }
0x2e8: {  	s31 =	sor.u32 $0x8E, s5;
	v51 =	vmov s30;
	v50 =	vbroadcast v48, $0x0;
	v49, _, _ =	vpop (xrf2);
	[tilespmem:v33+s23+$0x0] =	vst.idx.msk vm0, v47  }
0x2e9: {  	v53 =	vbroadcast v51, $0x0;
	v54 =	vmov s31;
	v52, _, _ =	vpop (xrf2);
	[tilespmem:v36+s23+$0x0] =	vst.idx.msk vm0, v49  }
0x2ea: {  	v56 =	vbroadcast v54, $0x0;
	v55, _, _ =	vpop (xrf2);
	[tilespmem:v39+s23+$0x0] =	vst.idx.msk vm0, v52  }
0x2eb: {  	s5 =	sor.u32 $0x8F, s5;
	v57, _, _ =	vpop (xrf2);
	[tilespmem:v42+s23+$0x0] =	vst.idx.msk vm0, v55  }
0x2ec: {  	p0 =	sne.s32 s20, $0x7;
	v59 =	vmov s5;
	v58, _, _ =	vpop (xrf2);
	[tilespmem:v45+s23+$0x0] =	vst.idx.msk vm0, v57  }
.Ltmp1:
0x2ed: {  	v60, _, _ =	vpop (xrf2);
	[tilespmem:v5+s23+$0x0] =	vst.idx.msk vm0, v58;
	(pc) =	sbr.rel @p0 .LBB2_4-.Ltmp1, $4  }
0x2ee: {  	v61, _, _ =	vpop (xrf2);
	[tilespmem:v50+s23+$0x0] =	vst.idx.msk vm0, v60  }
0x2ef: {  	v62, _, _ =	vpop (xrf2);
	[tilespmem:v53+s23+$0x0] =	vst.idx.msk vm0, v61  }
0x2f0: {  	[tilespmem:v56+s23+$0x0] =	vst.idx.msk vm0, v62;
	v63, _, _ =	vpop (xrf2)  }
0x2f1: {  	s20 =	sadd.s32 $0x1, s20;
	[tilespmem:v59+s23+$0x0] =	vst.idx.msk vm0, v63  }
0x2f2: {  	s14 =	simm.s32 $0x4600;
	s5 =	simm.s32 $0x180  }
0x2f3: {  	[tilespmem:s14], [sflag:$0x4] =	stream.indirect.gather [hbm4b:s3+s13], $0x80, s5, s13, $0xb8;
	[tilespmem:$0x18800] =	vst v63  }
0x2f4: {  	s15 =	simm.s32 $0xC600;
	s30 =	simm.s32 $0x380  }
0x2f5: {  	[tilespmem:s15], [sflag:$0x4] =	stream.indirect.gather [hbm4b:s4+s13], $0x80, s30, s13, $0xb8;
	[tilespmem:$0x18800] =	vst v63  }
0x2f6: {  	s16 =	simm.s32 $0x14600;
	s31 =	simm.s32 $0x580  }
0x2f7: {  	[tilespmem:s16], [sflag:$0x4] =	stream.indirect.gather [hbm4b:s3+s13], $0x80, s31, s13, $0xb8;
	[tilespmem:$0x18800] =	vst v63  }
0x2f8: {  	v0 =	vld [tilespmem:$0x18680];
	_ =	sdelay $0x4  }
0x2f9: {  	v0 =	vsub.f32 $0.0e+00, v0;
	_ =	sdelay $0x1  }
0x2fa: {  	v0 =	vmul.f32 $1.442695020e+00, v0;
	_ =	sdelay $0x1  }
0x2fb: {  	(erf) = vpow2.f32 v0;
	_ =	sdelay $0x8  }
0x2fc: {  	v0 =	vpop (erf)  }
0x2fd: {  	v0 =	vadd.f32 $1.000000000e+00, v0;
	_ =	sdelay $0x1  }
0x2fe: {  	(erf) = vrcp.f32 v0;
	_ =	sdelay $0x8  }
0x2ff: {  	v0 =	vpop (erf)  }
0x300: {  	v0 =	vsub.f32 $0.0e+00, v0;
	_ =	sdelay $0x1  }
0x301: {  	v0 =	vmul.f32 $1.442695020e+00, v0;
	_ =	sdelay $0x1  }
0x302: {  	(erf) = vpow2.f32 v0;
	_ =	sdelay $0x3  }
0x303: {  	v42 =	vld [tilespmem:$0x18690];
	_ =	sdelay $0x4  }
0x304: {  	v0 =	vsub.f32 $0.0e+00, v42;
	v1 =	vpop (erf)  }
0x305: {  	v1 =	vadd.f32 $1.000000000e+00, v1  }
0x306: {  	v0 =	vmul.f32 $1.442695020e+00, v0  }
0x307: {  	(erf) = vrcp.f32 v1  }
0x308: {  	(erf) = vpow2.f32 v0;
	_ =	sdelay $0x7  }
0x309: {  	v43 =	vpop (erf)  }
0x30a: {  	v44 =	vpop (erf)  }
0x30b: {  	v1 =	vadd.f32 $1.000000000e+00, v44;
	_ =	sdelay $0x1  }
0x30c: {  	(erf) = vrcp.f32 v1;
	_ =	sdelay $0x8  }
0x30d: {  	v1 =	vpop (erf)  }
0x30e: {  	v1 =	vsub.f32 $0.0e+00, v1;
	_ =	sdelay $0x1  }
0x30f: {  	v1 =	vmul.f32 $1.442695020e+00, v1;
	_ =	sdelay $0x1  }
0x310: {  	(erf) = vpow2.f32 v1;
	_ =	sdelay $0x3  }
0x311: {  	v45 =	vld [tilespmem:$0x186A0];
	_ =	sdelay $0x4  }
0x312: {  	v1 =	vsub.f32 $0.0e+00, v45;
	v2 =	vpop (erf)  }
0x313: {  	v2 =	vadd.f32 $1.000000000e+00, v2  }
0x314: {  	v1 =	vmul.f32 $1.442695020e+00, v1  }
0x315: {  	(erf) = vrcp.f32 v2  }
0x316: {  	(erf) = vpow2.f32 v1;
	_ =	sdelay $0x7  }
0x317: {  	v46 =	vpop (erf)  }
0x318: {  	v47 =	vpop (erf)  }
0x319: {  	v2 =	vadd.f32 $1.000000000e+00, v47;
	_ =	sdelay $0x1  }
0x31a: {  	(erf) = vrcp.f32 v2;
	_ =	sdelay $0x8  }
0x31b: {  	v2 =	vpop (erf)  }
0x31c: {  	v2 =	vsub.f32 $0.0e+00, v2;
	_ =	sdelay $0x1  }
0x31d: {  	v2 =	vmul.f32 $1.442695020e+00, v2;
	_ =	sdelay $0x1  }
0x31e: {  	(erf) = vpow2.f32 v2;
	_ =	sdelay $0x3  }
0x31f: {  	v48 =	vld [tilespmem:$0x186B0];
	_ =	sdelay $0x4  }
0x320: {  	v2 =	vsub.f32 $0.0e+00, v48;
	v3 =	vpop (erf)  }
0x321: {  	v3 =	vadd.f32 $1.000000000e+00, v3  }
0x322: {  	v2 =	vmul.f32 $1.442695020e+00, v2  }
0x323: {  	(erf) = vrcp.f32 v3  }
0x324: {  	(erf) = vpow2.f32 v2;
	_ =	sdelay $0x7  }
0x325: {  	v49 =	vpop (erf)  }
0x326: {  	v50 =	vpop (erf)  }
0x327: {  	v3 =	vadd.f32 $1.000000000e+00, v50;
	_ =	sdelay $0x1  }
0x328: {  	(erf) = vrcp.f32 v3;
	_ =	sdelay $0x8  }
0x329: {  	v3 =	vpop (erf)  }
0x32a: {  	v3 =	vsub.f32 $0.0e+00, v3;
	_ =	sdelay $0x1  }
0x32b: {  	v3 =	vmul.f32 $1.442695020e+00, v3;
	_ =	sdelay $0x1  }
0x32c: {  	(erf) = vpow2.f32 v3;
	_ =	sdelay $0x3  }
0x32d: {  	v51 =	vld [tilespmem:$0x186C0];
	_ =	sdelay $0x4  }
0x32e: {  	v3 =	vsub.f32 $0.0e+00, v51;
	v4 =	vpop (erf)  }
0x32f: {  	v4 =	vadd.f32 $1.000000000e+00, v4  }
0x330: {  	v3 =	vmul.f32 $1.442695020e+00, v3  }
0x331: {  	(erf) = vrcp.f32 v4  }
0x332: {  	(erf) = vpow2.f32 v3;
	_ =	sdelay $0x7  }
0x333: {  	v52 =	vpop (erf)  }
0x334: {  	v53 =	vpop (erf)  }
0x335: {  	v4 =	vadd.f32 $1.000000000e+00, v53;
	_ =	sdelay $0x1  }
0x336: {  	(erf) = vrcp.f32 v4;
	_ =	sdelay $0x8  }
0x337: {  	v4 =	vpop (erf)  }
0x338: {  	v4 =	vsub.f32 $0.0e+00, v4;
	_ =	sdelay $0x1  }
0x339: {  	v4 =	vmul.f32 $1.442695020e+00, v4;
	_ =	sdelay $0x1  }
0x33a: {  	(erf) = vpow2.f32 v4;
	_ =	sdelay $0x3  }
0x33b: {  	v54 =	vld [tilespmem:$0x186D0];
	_ =	sdelay $0x4  }
0x33c: {  	v4 =	vsub.f32 $0.0e+00, v54;
	v5 =	vpop (erf)  }
0x33d: {  	v5 =	vadd.f32 $1.000000000e+00, v5  }
0x33e: {  	v4 =	vmul.f32 $1.442695020e+00, v4  }
0x33f: {  	(erf) = vrcp.f32 v5  }
0x340: {  	(erf) = vpow2.f32 v4;
	_ =	sdelay $0x7  }
0x341: {  	v55 =	vpop (erf)  }
0x342: {  	v56 =	vpop (erf)  }
0x343: {  	v5 =	vadd.f32 $1.000000000e+00, v56;
	_ =	sdelay $0x1  }
0x344: {  	(erf) = vrcp.f32 v5;
	_ =	sdelay $0x8  }
0x345: {  	v5 =	vpop (erf)  }
0x346: {  	v5 =	vsub.f32 $0.0e+00, v5;
	_ =	sdelay $0x1  }
0x347: {  	v5 =	vmul.f32 $1.442695020e+00, v5;
	_ =	sdelay $0x1  }
0x348: {  	(erf) = vpow2.f32 v5;
	_ =	sdelay $0x3  }
0x349: {  	v57 =	vld [tilespmem:$0x186E0];
	_ =	sdelay $0x4  }
0x34a: {  	v5 =	vsub.f32 $0.0e+00, v57;
	v6 =	vpop (erf)  }
0x34b: {  	v6 =	vadd.f32 $1.000000000e+00, v6  }
0x34c: {  	v5 =	vmul.f32 $1.442695020e+00, v5  }
0x34d: {  	(erf) = vrcp.f32 v6  }
0x34e: {  	(erf) = vpow2.f32 v5;
	_ =	sdelay $0x7  }
0x34f: {  	v58 =	vpop (erf)  }
0x350: {  	v59 =	vpop (erf)  }
0x351: {  	v6 =	vadd.f32 $1.000000000e+00, v59;
	_ =	sdelay $0x1  }
0x352: {  	(erf) = vrcp.f32 v6;
	_ =	sdelay $0x8  }
0x353: {  	v6 =	vpop (erf)  }
0x354: {  	v6 =	vsub.f32 $0.0e+00, v6;
	_ =	sdelay $0x1  }
0x355: {  	v6 =	vmul.f32 $1.442695020e+00, v6;
	_ =	sdelay $0x1  }
0x356: {  	(erf) = vpow2.f32 v6;
	_ =	sdelay $0x3  }
0x357: {  	v60 =	vld [tilespmem:$0x186F0];
	_ =	sdelay $0x4  }
0x358: {  	v6 =	vsub.f32 $0.0e+00, v60;
	v7 =	vpop (erf)  }
0x359: {  	v7 =	vadd.f32 $1.000000000e+00, v7  }
0x35a: {  	v6 =	vmul.f32 $1.442695020e+00, v6  }
0x35b: {  	(erf) = vrcp.f32 v7  }
0x35c: {  	(erf) = vpow2.f32 v6;
	_ =	sdelay $0x7  }
0x35d: {  	v61 =	vpop (erf)  }
0x35e: {  	v62 =	vpop (erf)  }
0x35f: {  	v7 =	vadd.f32 $1.000000000e+00, v62;
	_ =	sdelay $0x1  }
0x360: {  	(erf) = vrcp.f32 v7;
	_ =	sdelay $0x8  }
0x361: {  	v7 =	vpop (erf)  }
0x362: {  	v7 =	vsub.f32 $0.0e+00, v7;
	_ =	sdelay $0x1  }
0x363: {  	v7 =	vmul.f32 $1.442695020e+00, v7;
	_ =	sdelay $0x1  }
0x364: {  	(erf) = vpow2.f32 v7;
	_ =	sdelay $0x8  }
0x365: {  	v7 =	vpop (erf)  }
0x366: {  	v7 =	vadd.f32 $1.000000000e+00, v7;
	_ =	sdelay $0x1  }
0x367: {  	(erf) = vrcp.f32 v7;
	_ =	sdelay $0x2  }
0x368: {  	[tilespmem:$0x18680] =	vst v43  }
0x369: {  	[tilespmem:$0x18690] =	vst v46  }
0x36a: {  	[tilespmem:$0x186A0] =	vst v49  }
0x36b: {  	[tilespmem:$0x186B0] =	vst v52  }
0x36c: {  	[tilespmem:$0x186C0] =	vst v55  }
0x36d: {  	[tilespmem:$0x186D0] =	vst v58  }
0x36e: {  	[tilespmem:$0x186E0] =	vst v61;
	v63 =	vpop (erf)  }
0x36f: {  	[tilespmem:$0x186F0] =	vst v63  }
0x370: {  	_ =	swait.ge [sflag:s0], $0x4000  }
0x371: {  	[sflag:s0] =	ssyncset.done $0x0  }
0x372: {  	[sflag:s0] =	ssyncadd.s32 $0xFFFFC000  }
0x373: {  	_ =	swait.ge [sflag:s0], $0x4000  }
0x374: {  	[sflag:s0] =	ssyncset.done $0x0  }
0x375: {  	[sflag:s0] =	ssyncadd.s32 $0xFFFFC000  }
0x376: {  	_ =	swait.ge [sflag:s0], $0x4000  }
0x377: {  	[sflag:s0] =	ssyncset.done $0x0  }
0x378: {  	s20 =	simm.s32 $0x0;
	[sflag:s0] =	ssyncadd.s32 $0xFFFFC000  }
.LBB2_6:
0x379: {  	s24 =	sshll.u32 s20, $0xB  }
0x37a: {  	v60 =	vld [tilespmem:s24+$0x10910];
	_ =	sdelay $0x4  }
0x37b: {  	[tilespmem:$0x1F3F0] =	vst v60;
	v60 =	vld [tilespmem:s24+$0x920];
	_ =	sdelay $0x4  }
0x37c: {  	[tilespmem:$0x1F400] =	vst v60;
	v60 =	vld [tilespmem:s24+$0x8920];
	_ =	sdelay $0x4  }
0x37d: {  	[tilespmem:$0x1F410] =	vst v60;
	v60 =	vld [tilespmem:s24+$0x10920];
	_ =	sdelay $0x4  }
0x37e: {  	[tilespmem:$0x1F460] =	vst v60;
	v60 =	vld [tilespmem:s24+$0x930];
	_ =	sdelay $0x4  }
0x37f: {  	[tilespmem:$0x1F420] =	vst v60;
	v60 =	vld [tilespmem:s24+$0x8930];
	_ =	sdelay $0x2  }
0x380: {  	v33 =	vld [tilespmem:s24+$0x600]  }
0x381: {  	v20 =	vld [tilespmem:s24+$0x8600]  }
0x382: {  	[tilespmem:$0x1F430] =	vst v60;
	v60 =	vld [tilespmem:s24+$0x10930]  }
0x383: {  	v53 =	vld [tilespmem:s24+$0x10600]  }
0x384: {  	v22 =	vld [tilespmem:s24+$0x610]  }
0x385: {  	v14 =	vld [tilespmem:s24+$0x8610]  }
0x386: {  	v47 =	vld [tilespmem:s24+$0x10610]  }
0x387: {  	[tilespmem:$0x1F490] =	vst v60;
	v60 =	vld [tilespmem:s24+$0x980]  }
0x388: {  	v51 =	vld [tilespmem:s24+$0x620]  }
0x389: {  	v34 =	vld [tilespmem:s24+$0x8620]  }
0x38a: {  	v0 =	vld [tilespmem:s24+$0x10620]  }
0x38b: {  	v35 =	vld [tilespmem:s24+$0x630]  }
0x38c: {  	[tilespmem:$0x1F440] =	vst v60;
	v60 =	vld [tilespmem:s24+$0x8980]  }
0x38d: {  	v21 =	vld [tilespmem:s24+$0x8630]  }
0x38e: {  	v44 =	vld [tilespmem:s24+$0x10630]  }
0x38f: {  	v10 =	vld [tilespmem:s24+$0x680]  }
0x390: {  	v48 =	vld [tilespmem:s24+$0x10680]  }
0x391: {  	[tilespmem:$0x1F450] =	vst v60;
	v60 =	vld [tilespmem:s24+$0x10980]  }
0x392: {  	v18 =	vld [tilespmem:s24+$0x690]  }
0x393: {  	v1 =	vld [tilespmem:s24+$0x8690]  }
0x394: {  	v56 =	vld [tilespmem:s24+$0x10690]  }
0x395: {  	v41 =	vld [tilespmem:s24+$0x6A0]  }
0x396: {  	[tilespmem:$0x1F4A0] =	vst v60;
	v60 =	vld [tilespmem:s24+$0x990]  }
0x397: {  	v36 =	vld [tilespmem:s24+$0x86A0]  }
0x398: {  	v2 =	vld [tilespmem:s24+$0x106A0]  }
0x399: {  	v37 =	vld [tilespmem:s24+$0x6B0]  }
0x39a: {  	v24 =	vld [tilespmem:s24+$0x86B0]  }
0x39b: {  	[tilespmem:$0x1F470] =	vst v60;
	v60 =	vld [tilespmem:s24+$0x8990]  }
0x39c: {  	v61 =	vld [tilespmem:s24+$0x106B0]  }
0x39d: {  	v12 =	vld [tilespmem:s24+$0x700]  }
0x39e: {  	v54 =	vld [tilespmem:s24+$0x10700]  }
0x39f: {  	v16 =	vld [tilespmem:s24+$0x710]  }
0x3a0: {  	[tilespmem:$0x1F480] =	vst v60;
	v60 =	vld [tilespmem:s24+$0x10990]  }
0x3a1: {  	v3 =	vld [tilespmem:s24+$0x8710]  }
0x3a2: {  	v42 =	vld [tilespmem:s24+$0x10710]  }
0x3a3: {  	v43 =	vld [tilespmem:s24+$0x720]  }
0x3a4: {  	v38 =	vld [tilespmem:s24+$0x8720]  }
0x3a5: {  	[tilespmem:$0x1F4B0] =	vst v60;
	v60 =	vld [tilespmem:s24+$0x9A0]  }
0x3a6: {  	v4 =	vld [tilespmem:s24+$0x10720]  }
0x3a7: {  	v28 =	vld [tilespmem:s24+$0x730]  }
0x3a8: {  	v27 =	vld [tilespmem:s24+$0x8730]  }
0x3a9: {  	v45 =	vld [tilespmem:s24+$0x10730]  }
0x3aa: {  	[tilespmem:$0x1F4C0] =	vst v60;
	v60 =	vld [tilespmem:s24+$0x89A0]  }
0x3ab: {  	v9 =	vld [tilespmem:s24+$0x780]  }
0x3ac: {  	v52 =	vld [tilespmem:s24+$0x10780]  }
0x3ad: {  	v11 =	vld [tilespmem:s24+$0x790]  }
0x3ae: {  	v5 =	vld [tilespmem:s24+$0x8790]  }
0x3af: {  	[tilespmem:$0x1F4D0] =	vst v60;
	v60 =	vld [tilespmem:s24+$0x109A0]  }
0x3b0: {  	v29 =	vld [tilespmem:s24+$0x87A0]  }
0x3b1: {  	v6 =	vld [tilespmem:s24+$0x107A0]  }
0x3b2: {  	v30 =	vld [tilespmem:s24+$0x7B0]  }
0x3b3: {  	v25 =	vld [tilespmem:s24+$0x87B0]  }
0x3b4: {  	[tilespmem:$0x1F520] =	vst v60;
	v60 =	vld [tilespmem:s24+$0x9B0]  }
0x3b5: {  	v46 =	vld [tilespmem:s24+$0x107B0]  }
0x3b6: {  	v13 =	vld [tilespmem:s24+$0x800]  }
0x3b7: {  	v55 =	vld [tilespmem:s24+$0x10800]  }
0x3b8: {  	v15 =	vld [tilespmem:s24+$0x810]  }
0x3b9: {  	[tilespmem:$0x1F4E0] =	vst v60;
	v60 =	vld [tilespmem:s24+$0x89B0]  }
0x3ba: {  	v7 =	vld [tilespmem:s24+$0x8810]  }
0x3bb: {  	v39 =	vld [tilespmem:s24+$0x820]  }
0x3bc: {  	v31 =	vld [tilespmem:s24+$0x8820]  }
0x3bd: {  	v8 =	vld [tilespmem:s24+$0x10820]  }
0x3be: {  	[tilespmem:$0x1F4F0] =	vst v60;
	v60 =	vld [tilespmem:s24+$0x109B0]  }
0x3bf: {  	v32 =	vld [tilespmem:s24+$0x830]  }
0x3c0: {  	v23 =	vld [tilespmem:s24+$0x8830]  }
0x3c1: {  	v49 =	vld [tilespmem:s24+$0x10830]  }
0x3c2: {  	v17 =	vld [tilespmem:s24+$0x880]  }
0x3c3: {  	[tilespmem:$0x1F550] =	vst v60;
	v60 =	vld [tilespmem:s24+$0xA00]  }
0x3c4: {  	v19 =	vld [tilespmem:s24+$0x10880]  }
0x3c5: {  	v26 =	vld [tilespmem:s24+$0x890]  }
0x3c6: {  	v40 =	vld [tilespmem:s24+$0x10890]  }
0x3c7: {  	v62 =	vld [tilespmem:s24+$0x8A0]  }
0x3c8: {  	[tilespmem:$0x1F500] =	vst v60;
	v60 =	vld [tilespmem:s24+$0x8A00]  }
0x3c9: {  	v58 =	vld [tilespmem:s24+$0x88A0]  }
0x3ca: {  	v50 =	vld [tilespmem:s24+$0x108A0]  }
0x3cb: {  	v63 =	vld [tilespmem:s24+$0x8B0]  }
0x3cc: {  	v59 =	vld [tilespmem:s24+$0x88B0]  }
0x3cd: {  	[tilespmem:$0x1F510] =	vst v60;
	v60 =	vld [tilespmem:s24+$0x10A00]  }
0x3ce: {  	v57 =	vld [tilespmem:s24+$0x108B0]  }
0x3cf: {  	[tilespmem:$0x1F310] =	vst v0;
	v0 =	vld [tilespmem:s24+$0x8680]  }
0x3d0: {  	[tilespmem:$0x1F330] =	vst v2;
	v2 =	vld [tilespmem:s24+$0x8700]  }
0x3d1: {  	[tilespmem:$0x1F340] =	vst v4;
	v4 =	vld [tilespmem:s24+$0x8780]  }
0x3d2: {  	[tilespmem:$0x1F560] =	vst v60;
	v60 =	vld [tilespmem:s24+$0xA10]  }
0x3d3: {  	[tilespmem:$0x1F320] =	vst v44;
	v44 =	vld [tilespmem:s24+$0x10790]  }
0x3d4: {  	[tilespmem:$0x1F350] =	vst v45;
	v45 =	vld [tilespmem:s24+$0x7A0]  }
0x3d5: {  	[tilespmem:$0x1F360] =	vst v6;
	v6 =	vld [tilespmem:s24+$0x8800]  }
0x3d6: {  	[tilespmem:$0x1F370] =	vst v46;
	v46 =	vld [tilespmem:s24+$0x10810]  }
0x3d7: {  	[tilespmem:$0x1F530] =	vst v60;
	v60 =	vld [tilespmem:s24+$0x8A10]  }
0x3d8: {  	[tilespmem:$0x1F380] =	vst v8;
	v8 =	vld [tilespmem:s24+$0x8880]  }
0x3d9: {  	[tilespmem:$0x1F3A0] =	vst v19;
	v19 =	vld [tilespmem:s24+$0x8890]  }
0x3da: {  	[tilespmem:$0x1F390] =	vst v49;
	v49 =	vld [tilespmem:s24+$0x900]  }
0x3db: {  	[tilespmem:$0x1F3B0] =	vst v40;
	v40 =	vld [tilespmem:s24+$0x8900]  }
0x3dc: {  	[tilespmem:$0x1F540] =	vst v60;
	v60 =	vld [tilespmem:s24+$0x10A10]  }
0x3dd: {  	[tilespmem:$0x1F3C0] =	vst v50;
	v50 =	vld [tilespmem:s24+$0x10900]  }
0x3de: {  	[tilespmem:$0x1F3D0] =	vst v57;
	v57 =	vld [tilespmem:s24+$0x910]  }
0x3df: {  	v20 =	vmul.f32 v20, v33;
	v33 =	vld [tilespmem:s24+$0x8B30]  }
0x3e0: {  	v11 =	vmul.f32 v5, v11;
	v5 =	vld [tilespmem:s24+$0x8BB0]  }
0x3e1: {  	[tilespmem:$0x1F570] =	vst v60;
	v60 =	vld [tilespmem:s24+$0xA20]  }
0x3e2: {  	v7 =	vmul.f32 v7, v15;
	v15 =	vld [tilespmem:s24+$0x10C00]  }
0x3e3: {  	v25 =	vmul.f32 v25, v30;
	v30 =	vld [tilespmem:s24+$0xC10]  }
0x3e4: {  	v23 =	vmul.f32 v23, v32;
	v32 =	vld [tilespmem:s24+$0x8C20]  }
0x3e5: {  	v27 =	vmul.f32 v27, v28;
	v28 =	vld [tilespmem:$0x1F350]  }
0x3e6: {  	[tilespmem:$0x1F580] =	vst v60;
	v60 =	vld [tilespmem:s24+$0x8A20]  }
0x3e7: {  	v14 =	vmul.f32 v14, v22;
	v31 =	vmul.f32 v31, v39;
	v39 =	vld [tilespmem:$0x1F380]  }
0x3e8: {  	v22 =	vmul.f32 v53, v20;
	v53 =	vmul.f32 v21, v35;
	v21 =	vld [tilespmem:s24+$0x8B80]  }
0x3e9: {  	v35 =	vld [tilespmem:$0x1F310]  }
0x3ea: {  	v1 =	vmul.f32 v1, v18;
	v20 =	vld [tilespmem:s24+$0xB90]  }
0x3eb: {  	[tilespmem:$0x1F590] =	vst v60;
	v60 =	vld [tilespmem:s24+$0x10A20]  }
0x3ec: {  	v1 =	vmul.f32 v56, v1;
	v56 =	vld [tilespmem:s24+$0x8B90]  }
0x3ed: {  	[tilespmem:$0x1F3E0] =	vst v50;
	v50 =	vld [tilespmem:s24+$0x8910]  }
0x3ee: {  	[tilespmem:$0x1F730] =	vst v33;
	v33 =	vmul.f32 v47, v14;
	v14 =	vld [tilespmem:s24+$0xB80]  }
0x3ef: {  	v47 =	vld [tilespmem:s24+$0x10B80]  }
0x3f0: {  	[tilespmem:$0x1F5E0] =	vst v60;
	v60 =	vld [tilespmem:s24+$0xA30]  }
0x3f1: {  	v0 =	vmul.f32 v0, v10;
	v10 =	vld [tilespmem:s24+$0x10BA0]  }
0x3f2: {  	v6 =	vmul.f32 v6, v13;
	v13 =	vld [tilespmem:s24+$0x8C00]  }
0x3f3: {  	v8 =	vmul.f32 v8, v17;
	v17 =	vld [tilespmem:s24+$0x10C10]  }
0x3f4: {  	v19 =	vmul.f32 v19, v26;
	v26 =	vld [tilespmem:s24+$0xC20]  }
0x3f5: {  	[tilespmem:$0x1F5A0] =	vst v60;
	v60 =	vld [tilespmem:s24+$0x8A30]  }
0x3f6: {  	v51 =	vmul.f32 v34, v51;
	v11 =	vmul.f32 v44, v11;
	v44 =	vld [tilespmem:$0x1F3B0]  }
0x3f7: {  	v31 =	vmul.f32 v39, v31;
	v39 =	vld [tilespmem:s24+$0x10C30]  }
0x3f8: {  	v35 =	vmul.f32 v35, v51;
	v51 =	vld [tilespmem:$0x1F320]  }
0x3f9: {  	v34 =	vmul.f32 v48, v0;
	v0 =	vld [tilespmem:s24+$0x10BB0]  }
0x3fa: {  	[tilespmem:$0x1F5B0] =	vst v60;
	v60 =	vld [tilespmem:s24+$0x10A30]  }
0x3fb: {  	v4 =	vmul.f32 v4, v9;
	v48 =	vld [tilespmem:$0x1F3C0]  }
0x3fc: {  	v22 =	vadd.f32 v33, v22;
	v33 =	vld [tilespmem:s24+$0x8C30]  }
0x3fd: {  	v4 =	vmul.f32 v52, v4;
	v52 =	vld [tilespmem:$0x1F3E0]  }
0x3fe: {  	v6 =	vmul.f32 v55, v6;
	v55 =	vld [tilespmem:$0x1F400]  }
0x3ff: {  	v2 =	vmul.f32 v2, v12;
	[tilespmem:$0x1F610] =	vst v60;
	v60 =	vld [tilespmem:s24+$0xA80]  }
0x400: {  	v22 =	vadd.f32 v35, v22;
	v35 =	vld [tilespmem:s24+$0x10C20]  }
0x401: {  	[tilespmem:$0x1F750] =	vst v47;
	v47 =	vmul.f32 v3, v16;
	v16 =	vmul.f32 v54, v2;
	v2 =	vld [tilespmem:s24+$0xBB0]  }
0x402: {  	v54 =	vld [tilespmem:$0x1F340]  }
0x403: {  	v19 =	vmul.f32 v44, v19;
	v44 =	vld [tilespmem:s24+$0xC90]  }
0x404: {  	[tilespmem:$0x1F5C0] =	vst v60;
	v60 =	vld [tilespmem:s24+$0x8A80]  }
0x405: {  	v14 =	vmul.f32 v21, v14;
	v21 =	vld [tilespmem:s24+$0x10D10]  }
0x406: {  	v18 =	vmul.f32 v51, v53;
	v53 =	vmul.f32 v36, v41;
	v41 =	vld [tilespmem:s24+$0x10B90]  }
0x407: {  	v36 =	vmul.f32 v24, v37;
	v37 =	vld [tilespmem:$0x1F330]  }
0x408: {  	v51 =	vld [tilespmem:s24+$0xBA0]  }
0x409: {  	[tilespmem:$0x1F5D0] =	vst v60;
	v60 =	vld [tilespmem:s24+$0x10A80]  }
0x40a: {  	v24 =	vmul.f32 v42, v47;
	v42 =	vld [tilespmem:$0x1F390]  }
0x40b: {  	v47 =	vmul.f32 v40, v49;
	v49 =	vmul.f32 v50, v57;
	v50 =	vld [tilespmem:$0x1F3D0]  }
0x40c: {  	v57 =	vld [tilespmem:$0x1F410]  }
0x40d: {  	v3 =	vmul.f32 v61, v36;
	v61 =	vld [tilespmem:s24+$0x8BA0]  }
0x40e: {  	[tilespmem:$0x1F620] =	vst v60;
	v60 =	vld [tilespmem:s24+$0xA90]  }
0x40f: {  	v36 =	vmul.f32 v29, v45;
	v29 =	vld [tilespmem:s24+$0xC00];
	v45 =	vmul.f32 v58, v62  }
0x410: {  	v2 =	vmul.f32 v5, v2;
	v5 =	vld [tilespmem:s24+$0x10D30]  }
0x411: {  	v1 =	vadd.f32 v1, v34;
	v34 =	vadd.f32 v18, v22;
	v18 =	vmul.f32 v48, v45;
	v45 =	vld [tilespmem:$0x1F460]  }
0x412: {  	v12 =	vmul.f32 v37, v53;
	v37 =	vld [tilespmem:$0x1F360]  }
0x413: {  	[tilespmem:$0x1F5F0] =	vst v60;
	v60 =	vld [tilespmem:s24+$0x8A90]  }
0x414: {  	v53 =	vmul.f32 v38, v43;
	v38 =	vld [tilespmem:$0x1F370]  }
0x415: {  	v20 =	vmul.f32 v56, v20;
	v43 =	vld [tilespmem:$0x1F3A0]  }
0x416: {  	v23 =	vmul.f32 v42, v23;
	v42 =	vld [tilespmem:s24+$0x8C80]  }
0x417: {  	v20 =	vmul.f32 v41, v20;
	v41 =	vld [tilespmem:s24+$0x10D20]  }
0x418: {  	[tilespmem:$0x1F600] =	vst v60;
	v60 =	vld [tilespmem:s24+$0x10A90]  }
0x419: {  	v9 =	vmul.f32 v54, v53;
	v54 =	vld [tilespmem:$0x1F3F0]  }
0x41a: {  	v53 =	vadd.f32 v24, v16;
	v24 =	vld [tilespmem:s24+$0xC80]  }
0x41b: {  	v29 =	vmul.f32 v13, v29;
	v13 =	vld [tilespmem:s24+$0xD30]  }
0x41c: {  	v22 =	vmul.f32 v57, v55;
	v1 =	vadd.f32 v12, v1;
	v58 =	vld [tilespmem:$0x1F420]  }
0x41d: {  	[tilespmem:$0x1F630] =	vst v60;
	v60 =	vld [tilespmem:s24+$0xAA0]  }
0x41e: {  	v3 =	vadd.f32 v3, v1;
	v1 =	vadd.f32 v9, v53;
	v9 =	vmul.f32 v45, v22;
	v45 =	vld [tilespmem:s24+$0x8C90]  }
0x41f: {  	v27 =	vmul.f32 v28, v27;
	v28 =	vmul.f32 v37, v36;
	v36 =	vld [tilespmem:s24+$0x8C10]  }
0x420: {  	v25 =	vmul.f32 v38, v25;
	v38 =	vld [tilespmem:s24+$0xC30]  }
0x421: {  	v8 =	vmul.f32 v43, v8;
	v43 =	vld [tilespmem:s24+$0x10C80]  }
0x422: {  	[tilespmem:$0x1F640] =	vst v60;
	v60 =	vld [tilespmem:s24+$0x8AA0]  }
0x423: {  	v7 =	vmul.f32 v46, v7;
	v46 =	vmul.f32 v59, v63;
	v59 =	vld [tilespmem:$0x1F430]  }
0x424: {  	v48 =	vld [tilespmem:$0x1F490]  }
0x425: {  	v62 =	vld [tilespmem:$0x1F440]  }
0x426: {  	v12 =	vmul.f32 v50, v46;
	v46 =	vld [tilespmem:$0x1F470]  }
0x427: {  	[tilespmem:$0x1F650] =	vst v60;
	v60 =	vld [tilespmem:s24+$0x10AA0]  }
0x428: {  	v37 =	vmul.f32 v52, v47;
	v47 =	vld [tilespmem:$0x1F480]  }
0x429: {  	v63 =	vld [tilespmem:$0x1F450]  }
0x42a: {  	v16 =	vmul.f32 v54, v49;
	v49 =	vld [tilespmem:$0x1F4A0]  }
0x42b: {  	v50 =	vld [tilespmem:$0x1F4B0]  }
0x42c: {  	[tilespmem:$0x1F6A0] =	vst v60;
	v60 =	vld [tilespmem:s24+$0xAB0]  }
0x42d: {  	v22 =	vmul.f32 v47, v46;
	v46 =	vld [tilespmem:s24+$0x10C90]  }
0x42e: {  	v47 =	vld [tilespmem:s24+$0xCA0]  }
0x42f: {  	v54 =	vld [tilespmem:$0x1F4E0]  }
0x430: {  	v55 =	vld [tilespmem:$0x1F4F0]  }
0x431: {  	v4 =	vadd.f32 v11, v4;
	v11 =	vmul.f32 v59, v58;
	[tilespmem:$0x1F660] =	vst v60;
	v60 =	vld [tilespmem:s24+$0x8AB0]  }
0x432: {  	v52 =	vld [tilespmem:$0x1F4C0]  }
0x433: {  	v11 =	vmul.f32 v48, v11;
	v48 =	vld [tilespmem:$0x1F550]  }
0x434: {  	v28 =	vadd.f32 v28, v4;
	v53 =	vld [tilespmem:$0x1F4D0]  }
0x435: {  	v59 =	vld [tilespmem:$0x1F520]  }
0x436: {  	v4 =	vadd.f32 v27, v1;
	v1 =	vadd.f32 v25, v28;
	v25 =	vmul.f32 v55, v54;
	[tilespmem:$0x1F670] =	vst v60;
	v60 =	vld [tilespmem:s24+$0x10AB0]  }
0x437: {  	v57 =	vld [tilespmem:$0x1F500]  }
0x438: {  	v8 =	vadd.f32 v19, v8;
	v19 =	vmul.f32 v48, v25;
	v48 =	vld [tilespmem:s24+$0x10CA0]  }
0x439: {  	v58 =	vld [tilespmem:$0x1F510]  }
0x43a: {  	v40 =	vmul.f32 v63, v62;
	v62 =	vld [tilespmem:$0x1F530]  }
0x43b: {  	[tilespmem:$0x1F6D0] =	vst v60;
	v60 =	vld [tilespmem:s24+$0xB00]  }
0x43c: {  	v63 =	vld [tilespmem:$0x1F540]  }
0x43d: {  	v40 =	vmul.f32 v49, v40;
	v49 =	vld [tilespmem:$0x1F560]  }
0x43e: {  	v22 =	vmul.f32 v50, v22;
	v50 =	vld [tilespmem:$0x1F570]  }
0x43f: {  	v27 =	vmul.f32 v53, v52;
	v52 =	vld [tilespmem:$0x1F580]  }
0x440: {  	v28 =	vmul.f32 v58, v57;
	[tilespmem:$0x1F680] =	vst v60;
	v60 =	vld [tilespmem:s24+$0x8B00]  }
0x441: {  	v6 =	vadd.f32 v7, v6;
	v7 =	vmul.f32 v59, v27;
	v27 =	vmul.f32 v63, v62;
	v53 =	vld [tilespmem:$0x1F590]  }
0x442: {  	v25 =	vmul.f32 v49, v28;
	v28 =	vld [tilespmem:s24+$0x8CA0]  }
0x443: {  	v27 =	vmul.f32 v50, v27;
	v50 =	vld [tilespmem:s24+$0xCB0]  }
0x444: {  	v59 =	vld [tilespmem:$0x1F5E0]  }
0x445: {  	[tilespmem:$0x1F690] =	vst v60;
	v60 =	vld [tilespmem:s24+$0x10B00]  }
0x446: {  	v6 =	vadd.f32 v31, v6;
	v31 =	vmul.f32 v53, v52;
	v52 =	vld [tilespmem:s24+$0x8CB0]  }
0x447: {  	v53 =	vld [tilespmem:s24+$0xD00]  }
0x448: {  	v54 =	vld [tilespmem:$0x1F5A0]  }
0x449: {  	v55 =	vld [tilespmem:$0x1F5B0]  }
0x44a: {  	[tilespmem:$0x1F6E0] =	vst v60;
	v60 =	vld [tilespmem:s24+$0xB10]  }
0x44b: {  	v57 =	vld [tilespmem:$0x1F5C0]  }
0x44c: {  	v58 =	vld [tilespmem:$0x1F5D0]  }
0x44d: {  	v62 =	vld [tilespmem:$0x1F5F0]  }
0x44e: {  	v63 =	vld [tilespmem:$0x1F600]  }
0x44f: {  	[tilespmem:$0x1F6B0] =	vst v60;
	v60 =	vld [tilespmem:s24+$0x8B10]  }
0x450: {  	v8 =	vadd.f32 v18, v8;
	v18 =	vmul.f32 v55, v54;
	v55 =	vld [tilespmem:$0x1F610]  }
0x451: {  	v49 =	vmul.f32 v58, v57;
	v57 =	vld [tilespmem:$0x1F620]  }
0x452: {  	v6 =	vadd.f32 v23, v6;
	v23 =	vmul.f32 v59, v31;
	v59 =	vld [tilespmem:$0x1F640]  }
0x453: {  	v31 =	vmul.f32 v63, v62;
	v62 =	vld [tilespmem:$0x1F650]  }
0x454: {  	[tilespmem:$0x1F6C0] =	vst v60;
	v60 =	vld [tilespmem:s24+$0x10B10]  }
0x455: {  	v58 =	vld [tilespmem:$0x1F630]  }
0x456: {  	v63 =	vld [tilespmem:$0x1F660]  }
0x457: {  	v8 =	vadd.f32 v12, v8;
	v12 =	vmul.f32 v55, v18;
	v18 =	vmul.f32 v57, v49;
	v57 =	vld [tilespmem:$0x1F670]  }
0x458: {  	v16 =	vadd.f32 v16, v37;
	v37 =	vmul.f32 v62, v59;
	v62 =	vld [tilespmem:$0x1F6A0]  }
0x459: {  	[tilespmem:$0x1F6F0] =	vst v60;
	v60 =	vld [tilespmem:s24+$0xB20]  }
0x45a: {  	v55 =	vld [tilespmem:s24+$0x8D00]  }
0x45b: {  	v31 =	vmul.f32 v58, v31;
	v58 =	vld [tilespmem:$0x1F680]  }
0x45c: {  	v22 =	vadd.f32 v22, v40;
	v25 =	vadd.f32 v27, v25;
	v40 =	vmul.f32 v57, v63;
	v63 =	vld [tilespmem:$0x1F6B0]  }
0x45d: {  	v9 =	vadd.f32 v9, v16;
	v16 =	vmul.f32 v62, v37;
	v62 =	vld [tilespmem:$0x1F6C0]  }
0x45e: {  	v23 =	vadd.f32 v23, v25;
	[tilespmem:$0x1F700] =	vst v60;
	v60 =	vld [tilespmem:s24+$0x8B20]  }
0x45f: {  	v59 =	vld [tilespmem:$0x1F690]  }
0x460: {  	v12 =	vadd.f32 v12, v23;
	v23 =	vld [tilespmem:s24+$0x8D30]  }
0x461: {  	v18 =	vadd.f32 v31, v18;
	v31 =	vld [tilespmem:s24+$0x8D20]  }
0x462: {  	v37 =	vmul.f32 v62, v63;
	v63 =	vld [tilespmem:$0x1F6D0]  }
0x463: {  	[tilespmem:$0x1F710] =	vst v60;
	v60 =	vld [tilespmem:s24+$0x10B20]  }
0x464: {  	v54 =	vmul.f32 v59, v58;
	v58 =	vld [tilespmem:$0x1F6E0]  }
0x465: {  	v59 =	vld [tilespmem:$0x1F6F0]  }
0x466: {  	v62 =	vld [tilespmem:$0x1F700]  }
0x467: {  	(xrf2) =	vadd.scan.msk.f32 $0xffff, v34;
	v7 =	vadd.f32 v7, v22;
	v22 =	vmul.f32 v63, v40;
	v63 =	vld [tilespmem:$0x1F710]  }
0x468: {  	(xrf2) =	vadd.scan.msk.f32 $0xffff, v3;
	[tilespmem:$0x1F740] =	vst v60;
	v60 =	vld [tilespmem:s24+$0xB30]  }
0x469: {  	s5 =	sshll.u32 s20, $0x4;
	(xrf2) =	vadd.scan.msk.f32 $0xffff, v4;
	v40 =	vmul.f32 v58, v54;
	v54 =	vld [tilespmem:s24+$0xD10]  }
0x46a: {  	s26 =	sor.u32 $0x101, s5;
	v0 =	vmul.f32 v0, v2;
	v36 =	vmul.f32 v36, v30;
	(xrf2) =	vadd.scan.msk.f32 $0xffff, v1;
	v9 =	vadd.f32 v11, v9;
	v58 =	vld [tilespmem:s24+$0x8D10]  }
0x46b: {  	(xrf2) =	vadd.scan.msk.f32 $0xffff, v6;
	v13 =	vmul.f32 v23, v13;
	v23 =	vmov s26;
	v11 =	vmul.f32 v59, v37;
	v59 =	vld [tilespmem:$0x1F740]  }
0x46c: {  	v56 =	vmul.f32 v17, v36;
	(xrf2) =	vadd.scan.msk.f32 $0xffff, v8;
	v8 =	vbroadcast v23, $0x0;
	v57 =	vld [tilespmem:s24+$0x10D00]  }
0x46d: {  	s31 =	sor.u32 $0x104, s5;
	v5 =	vmul.f32 v5, v13;
	v37 =	vmul.f32 v63, v62;
	v63 =	vld [tilespmem:$0x1F730];
	[tilespmem:$0x1F720] =	vst v60  }
0x46e: {  	v11 =	vadd.f32 v11, v40;
	v40 =	vmul.f32 v28, v47;
	v28 =	vmov s31;
	v62 =	vld [tilespmem:$0x1F720]  }
0x46f: {  	(xrf2) =	vadd.scan.msk.f32 $0xffff, v9;
	v9 =	vbroadcast v28, $0x0;
	v47 =	vmul.f32 v58, v54;
	v60 =	vld [tilespmem:s24+$0x10B30]  }
0x470: {  	s30 =	sor.u32 $0x103, s5;
	v7 =	vadd.f32 v19, v7;
	v27 =	vmul.f32 v59, v37;
	v37 =	vld [tilespmem:s24+$0xD20];
	v59 =	vmul.f32 v32, v26  }
0x471: {  	v58 =	vld [tilespmem:s24+$0x8DB0];
	v32 =	vmul.f32 v45, v44;
	v44 =	vmul.f32 v55, v53;
	v26 =	vmov s30  }
0x472: {  	v45 =	vld [tilespmem:s24+$0x10D90];
	v11 =	vadd.f32 v27, v11;
	v17 =	vmul.f32 v35, v59;
	v27 =	vbroadcast v26, $0x0  }
0x473: {  	s19 =	sor.u32 $0x107, s5;
	v16 =	vadd.f32 v16, v18;
	v19 =	vmul.f32 v63, v62;
	v62 =	vld [tilespmem:$0x1F750];
	v63 =	vmul.f32 v61, v51  }
0x474: {  	v34 =	vmov s19;
	v51 =	vmul.f32 v15, v29;
	v61 =	vmul.f32 v33, v38;
	v38 =	vld [tilespmem:s24+$0xD90]  }
0x475: {  	s7 =	sor.u32 $0x105, s5;
	v16 =	vadd.f32 v22, v16;
	v53 =	vmul.f32 v31, v37;
	v19 =	vmul.f32 v60, v19;
	v60 =	vld [tilespmem:s24+$0xD80]  }
0x476: {  	v29 =	vmov s7;
	v10 =	vmul.f32 v10, v63;
	v63 =	vld [tilespmem:s24+$0x8D80];
	v35 =	vmul.f32 v39, v61  }
0x477: {  	s29 =	sor.u32 $0x102, s5;
	v39 =	vmul.f32 v46, v32;
	v2 =	vadd.f32 v56, v51;
	v46 =	vmul.f32 v48, v40;
	v48 =	vld [tilespmem:s24+$0xDA0]  }
0x478: {  	s17 =	sor.u32 $0x106, s5;
	s21 =	sor.u32 $0x108, s5;
	v51 =	vld [tilespmem:s24+$0x8DA0];
	v14 =	vmul.f32 v62, v14;
	v62 =	vmul.f32 v42, v24;
	v24 =	vmov s29  }
0x479: {  	v31 =	vmov s17;
	v37 =	vmov s21;
	v42 =	vld [tilespmem:s24+$0x8D90];
	v25 =	vbroadcast v24, $0x0  }
0x47a: {  	v56 =	vld [tilespmem:s24+$0xDB0];
	v11 =	vadd.f32 v19, v11;
	v36 =	vmul.f32 v43, v62;
	v43 =	vmul.f32 v52, v50  }
0x47b: {  	v33 =	vld [tilespmem:s24+$0x10D80];
	v2 =	vadd.f32 v17, v2;
	v50 =	vmul.f32 v57, v44;
	v52 =	vmul.f32 v21, v47  }
0x47c: {  	s6 =	sor.u32 $0x100, s5;
	v49 =	vld [tilespmem:s24+$0x10CB0];
	v14 =	vadd.f32 v20, v14;
	v18 =	vmul.f32 v63, v60;
	v57 =	vmul.f32 v41, v53  }
0x47d: {  	v54 =	vld [tilespmem:s24+$0x10DA0];
	v63 =	vmul.f32 v51, v48;
	v20 =	vmov s6;
	v17 =	vadd.f32 v52, v50  }
0x47e: {  	v6 =	vbroadcast v20, $0x0;
	v10 =	vadd.f32 v10, v14;
	v55 =	vmul.f32 v42, v38  }
0x47f: {  	v3 =	vmul.f32 v58, v56;
	v19 =	vadd.f32 v39, v36;
	v62 =	vadd.f32 v57, v17;
	v17 =	vld [tilespmem:s24+$0x10DB0]  }
0x480: {  	(xrf2) =	vadd.scan.msk.f32 $0xffff, v7;
	v2 =	vadd.f32 v35, v2;
	v59 =	vmul.f32 v33, v18;
	v60 =	vmul.f32 v45, v55  }
0x481: {  	(xrf2) =	vadd.scan.msk.f32 $0xffff, v12;
	v0 =	vadd.f32 v0, v10;
	v10 =	vmul.f32 v49, v43;
	v15 =	vadd.f32 v46, v19  }
0x482: {  	(xrf2) =	vadd.scan.msk.f32 $0xffff, v16;
	v21 =	vmul.f32 v54, v63;
	v33 =	vbroadcast v31, $0x0;
	v19 =	vadd.f32 v60, v59  }
0x483: {  	v30, _, _ =	vpop (xrf2);
	(xrf2) =	vadd.scan.msk.f32 $0xffff, v11;
	v36 =	vbroadcast v34, $0x0;
	v61 =	vadd.f32 v10, v15;
	v10 =	vbroadcast v29, $0x0  }
0x484: {  	v32, _, _ =	vpop (xrf2);
	(xrf2) =	vadd.scan.msk.f32 $0xffff, v0;
	[tilespmem:v6+s23+$0x0] =	vst.idx.msk vm0, v30;
	v13 =	vadd.f32 v21, v19;
	v1 =	vmul.f32 v17, v3  }
0x485: {  	v35, _, _ =	vpop (xrf2);
	v39 =	vbroadcast v37, $0x0;
	s24 =	sor.u32 $0x109, s5;
	v5 =	vadd.f32 v5, v62;
	(xrf2) =	vadd.scan.msk.f32 $0xffff, v2;
	[tilespmem:v8+s23+$0x0] =	vst.idx.msk vm0, v32  }
0x486: {  	s25 =	sor.u32 $0x10A, s5;
	v38, _, _ =	vpop (xrf2);
	v40 =	vmov s24;
	(xrf2) =	vadd.scan.msk.f32 $0xffff, v61;
	[tilespmem:v25+s23+$0x0] =	vst.idx.msk vm0, v35;
	v1 =	vadd.f32 v1, v13  }
0x487: {  	s26 =	sor.u32 $0x10B, s5;
	v41, _, _ =	vpop (xrf2);
	v43 =	vmov s25;
	v42 =	vbroadcast v40, $0x0;
	(xrf2) =	vadd.scan.msk.f32 $0xffff, v5;
	[tilespmem:v27+s23+$0x0] =	vst.idx.msk vm0, v38  }
0x488: {  	s29 =	sor.u32 $0x10C, s5;
	v46 =	vmov s26;
	v44, _, _ =	vpop (xrf2);
	v45 =	vbroadcast v43, $0x0;
	[tilespmem:v9+s23+$0x0] =	vst.idx.msk vm0, v41;
	(xrf2) =	vadd.scan.msk.f32 $0xffff, v1  }
0x489: {  	s30 =	sor.u32 $0x10D, s5;
	v48 =	vmov s29;
	v47, _, _ =	vpop (xrf2);
	v5 =	vbroadcast v46, $0x0;
	[tilespmem:v10+s23+$0x0] =	vst.idx.msk vm0, v44  }
0x48a: {  	s31 =	sor.u32 $0x10E, s5;
	v51 =	vmov s30;
	v50 =	vbroadcast v48, $0x0;
	v49, _, _ =	vpop (xrf2);
	[tilespmem:v33+s23+$0x0] =	vst.idx.msk vm0, v47  }
0x48b: {  	v53 =	vbroadcast v51, $0x0;
	v54 =	vmov s31;
	v52, _, _ =	vpop (xrf2);
	[tilespmem:v36+s23+$0x0] =	vst.idx.msk vm0, v49  }
0x48c: {  	v56 =	vbroadcast v54, $0x0;
	v55, _, _ =	vpop (xrf2);
	[tilespmem:v39+s23+$0x0] =	vst.idx.msk vm0, v52  }
0x48d: {  	s5 =	sor.u32 $0x10F, s5;
	v57, _, _ =	vpop (xrf2);
	[tilespmem:v42+s23+$0x0] =	vst.idx.msk vm0, v55  }
0x48e: {  	p0 =	sne.s32 s20, $0x7;
	v59 =	vmov s5;
	v58, _, _ =	vpop (xrf2);
	[tilespmem:v45+s23+$0x0] =	vst.idx.msk vm0, v57  }
.Ltmp2:
0x48f: {  	v60, _, _ =	vpop (xrf2);
	[tilespmem:v5+s23+$0x0] =	vst.idx.msk vm0, v58;
	(pc) =	sbr.rel @p0 .LBB2_6-.Ltmp2, $4  }
0x490: {  	v61, _, _ =	vpop (xrf2);
	[tilespmem:v50+s23+$0x0] =	vst.idx.msk vm0, v60  }
0x491: {  	v62, _, _ =	vpop (xrf2);
	[tilespmem:v53+s23+$0x0] =	vst.idx.msk vm0, v61  }
0x492: {  	[tilespmem:v56+s23+$0x0] =	vst.idx.msk vm0, v62;
	v63, _, _ =	vpop (xrf2)  }
0x493: {  	s20 =	sadd.s32 $0x1, s20;
	[tilespmem:v59+s23+$0x0] =	vst.idx.msk vm0, v63  }
0x494: {  	v0 =	vld [tilespmem:$0x18700];
	_ =	sdelay $0x4  }
0x495: {  	v0 =	vsub.f32 $0.0e+00, v0;
	_ =	sdelay $0x1  }
0x496: {  	v0 =	vmul.f32 $1.442695020e+00, v0;
	_ =	sdelay $0x1  }
0x497: {  	(erf) = vpow2.f32 v0;
	_ =	sdelay $0x8  }
0x498: {  	v0 =	vpop (erf)  }
0x499: {  	v0 =	vadd.f32 $1.000000000e+00, v0;
	_ =	sdelay $0x1  }
0x49a: {  	(erf) = vrcp.f32 v0;
	_ =	sdelay $0x8  }
0x49b: {  	v0 =	vpop (erf)  }
0x49c: {  	v0 =	vsub.f32 $0.0e+00, v0;
	_ =	sdelay $0x1  }
0x49d: {  	v0 =	vmul.f32 $1.442695020e+00, v0;
	_ =	sdelay $0x1  }
0x49e: {  	(erf) = vpow2.f32 v0;
	_ =	sdelay $0x3  }
0x49f: {  	v42 =	vld [tilespmem:$0x18710];
	_ =	sdelay $0x4  }
0x4a0: {  	v0 =	vsub.f32 $0.0e+00, v42;
	v1 =	vpop (erf)  }
0x4a1: {  	v1 =	vadd.f32 $1.000000000e+00, v1  }
0x4a2: {  	v0 =	vmul.f32 $1.442695020e+00, v0  }
0x4a3: {  	(erf) = vrcp.f32 v1  }
0x4a4: {  	(erf) = vpow2.f32 v0;
	_ =	sdelay $0x7  }
0x4a5: {  	v43 =	vpop (erf)  }
0x4a6: {  	v44 =	vpop (erf)  }
0x4a7: {  	v1 =	vadd.f32 $1.000000000e+00, v44;
	_ =	sdelay $0x1  }
0x4a8: {  	(erf) = vrcp.f32 v1;
	_ =	sdelay $0x8  }
0x4a9: {  	v1 =	vpop (erf)  }
0x4aa: {  	v1 =	vsub.f32 $0.0e+00, v1;
	_ =	sdelay $0x1  }
0x4ab: {  	v1 =	vmul.f32 $1.442695020e+00, v1;
	_ =	sdelay $0x1  }
0x4ac: {  	(erf) = vpow2.f32 v1;
	_ =	sdelay $0x3  }
0x4ad: {  	v45 =	vld [tilespmem:$0x18720];
	_ =	sdelay $0x4  }
0x4ae: {  	v1 =	vsub.f32 $0.0e+00, v45;
	v2 =	vpop (erf)  }
0x4af: {  	v2 =	vadd.f32 $1.000000000e+00, v2  }
0x4b0: {  	v1 =	vmul.f32 $1.442695020e+00, v1  }
0x4b1: {  	(erf) = vrcp.f32 v2  }
0x4b2: {  	(erf) = vpow2.f32 v1;
	_ =	sdelay $0x7  }
0x4b3: {  	v46 =	vpop (erf)  }
0x4b4: {  	v47 =	vpop (erf)  }
0x4b5: {  	v2 =	vadd.f32 $1.000000000e+00, v47;
	_ =	sdelay $0x1  }
0x4b6: {  	(erf) = vrcp.f32 v2;
	_ =	sdelay $0x8  }
0x4b7: {  	v2 =	vpop (erf)  }
0x4b8: {  	v2 =	vsub.f32 $0.0e+00, v2;
	_ =	sdelay $0x1  }
0x4b9: {  	v2 =	vmul.f32 $1.442695020e+00, v2;
	_ =	sdelay $0x1  }
0x4ba: {  	(erf) = vpow2.f32 v2;
	_ =	sdelay $0x3  }
0x4bb: {  	v48 =	vld [tilespmem:$0x18730];
	_ =	sdelay $0x4  }
0x4bc: {  	v2 =	vsub.f32 $0.0e+00, v48;
	v3 =	vpop (erf)  }
0x4bd: {  	v3 =	vadd.f32 $1.000000000e+00, v3  }
0x4be: {  	v2 =	vmul.f32 $1.442695020e+00, v2  }
0x4bf: {  	(erf) = vrcp.f32 v3  }
0x4c0: {  	(erf) = vpow2.f32 v2;
	_ =	sdelay $0x7  }
0x4c1: {  	v49 =	vpop (erf)  }
0x4c2: {  	v50 =	vpop (erf)  }
0x4c3: {  	v3 =	vadd.f32 $1.000000000e+00, v50;
	_ =	sdelay $0x1  }
0x4c4: {  	(erf) = vrcp.f32 v3;
	_ =	sdelay $0x8  }
0x4c5: {  	v3 =	vpop (erf)  }
0x4c6: {  	v3 =	vsub.f32 $0.0e+00, v3;
	_ =	sdelay $0x1  }
0x4c7: {  	v3 =	vmul.f32 $1.442695020e+00, v3;
	_ =	sdelay $0x1  }
0x4c8: {  	(erf) = vpow2.f32 v3;
	_ =	sdelay $0x3  }
0x4c9: {  	v51 =	vld [tilespmem:$0x18740];
	_ =	sdelay $0x4  }
0x4ca: {  	v3 =	vsub.f32 $0.0e+00, v51;
	v4 =	vpop (erf)  }
0x4cb: {  	v4 =	vadd.f32 $1.000000000e+00, v4  }
0x4cc: {  	v3 =	vmul.f32 $1.442695020e+00, v3  }
0x4cd: {  	(erf) = vrcp.f32 v4  }
0x4ce: {  	(erf) = vpow2.f32 v3;
	_ =	sdelay $0x7  }
0x4cf: {  	v52 =	vpop (erf)  }
0x4d0: {  	v53 =	vpop (erf)  }
0x4d1: {  	v4 =	vadd.f32 $1.000000000e+00, v53;
	_ =	sdelay $0x1  }
0x4d2: {  	(erf) = vrcp.f32 v4;
	_ =	sdelay $0x8  }
0x4d3: {  	v4 =	vpop (erf)  }
0x4d4: {  	v4 =	vsub.f32 $0.0e+00, v4;
	_ =	sdelay $0x1  }
0x4d5: {  	v4 =	vmul.f32 $1.442695020e+00, v4;
	_ =	sdelay $0x1  }
0x4d6: {  	(erf) = vpow2.f32 v4;
	_ =	sdelay $0x3  }
0x4d7: {  	v54 =	vld [tilespmem:$0x18750];
	_ =	sdelay $0x4  }
0x4d8: {  	v4 =	vsub.f32 $0.0e+00, v54;
	v5 =	vpop (erf)  }
0x4d9: {  	v5 =	vadd.f32 $1.000000000e+00, v5  }
0x4da: {  	v4 =	vmul.f32 $1.442695020e+00, v4  }
0x4db: {  	(erf) = vrcp.f32 v5  }
0x4dc: {  	(erf) = vpow2.f32 v4;
	_ =	sdelay $0x7  }
0x4dd: {  	v55 =	vpop (erf)  }
0x4de: {  	v56 =	vpop (erf)  }
0x4df: {  	v5 =	vadd.f32 $1.000000000e+00, v56;
	_ =	sdelay $0x1  }
0x4e0: {  	(erf) = vrcp.f32 v5;
	_ =	sdelay $0x8  }
0x4e1: {  	v5 =	vpop (erf)  }
0x4e2: {  	v5 =	vsub.f32 $0.0e+00, v5;
	_ =	sdelay $0x1  }
0x4e3: {  	v5 =	vmul.f32 $1.442695020e+00, v5;
	_ =	sdelay $0x1  }
0x4e4: {  	(erf) = vpow2.f32 v5;
	_ =	sdelay $0x3  }
0x4e5: {  	v57 =	vld [tilespmem:$0x18760];
	_ =	sdelay $0x4  }
0x4e6: {  	v5 =	vsub.f32 $0.0e+00, v57;
	v6 =	vpop (erf)  }
0x4e7: {  	v6 =	vadd.f32 $1.000000000e+00, v6  }
0x4e8: {  	v5 =	vmul.f32 $1.442695020e+00, v5  }
0x4e9: {  	(erf) = vrcp.f32 v6  }
0x4ea: {  	(erf) = vpow2.f32 v5;
	_ =	sdelay $0x7  }
0x4eb: {  	v58 =	vpop (erf)  }
0x4ec: {  	v59 =	vpop (erf)  }
0x4ed: {  	v6 =	vadd.f32 $1.000000000e+00, v59;
	_ =	sdelay $0x1  }
0x4ee: {  	(erf) = vrcp.f32 v6;
	_ =	sdelay $0x8  }
0x4ef: {  	v6 =	vpop (erf)  }
0x4f0: {  	v6 =	vsub.f32 $0.0e+00, v6;
	_ =	sdelay $0x1  }
0x4f1: {  	v6 =	vmul.f32 $1.442695020e+00, v6;
	_ =	sdelay $0x1  }
0x4f2: {  	(erf) = vpow2.f32 v6;
	_ =	sdelay $0x3  }
0x4f3: {  	v60 =	vld [tilespmem:$0x18770];
	_ =	sdelay $0x4  }
0x4f4: {  	v6 =	vsub.f32 $0.0e+00, v60;
	v7 =	vpop (erf)  }
0x4f5: {  	v7 =	vadd.f32 $1.000000000e+00, v7  }
0x4f6: {  	v6 =	vmul.f32 $1.442695020e+00, v6  }
0x4f7: {  	(erf) = vrcp.f32 v7  }
0x4f8: {  	(erf) = vpow2.f32 v6;
	_ =	sdelay $0x7  }
0x4f9: {  	v61 =	vpop (erf)  }
0x4fa: {  	v62 =	vpop (erf)  }
0x4fb: {  	v7 =	vadd.f32 $1.000000000e+00, v62;
	_ =	sdelay $0x1  }
0x4fc: {  	(erf) = vrcp.f32 v7;
	_ =	sdelay $0x8  }
0x4fd: {  	v7 =	vpop (erf)  }
0x4fe: {  	v7 =	vsub.f32 $0.0e+00, v7;
	_ =	sdelay $0x1  }
0x4ff: {  	v7 =	vmul.f32 $1.442695020e+00, v7;
	_ =	sdelay $0x1  }
0x500: {  	(erf) = vpow2.f32 v7;
	_ =	sdelay $0x8  }
0x501: {  	v7 =	vpop (erf)  }
0x502: {  	v7 =	vadd.f32 $1.000000000e+00, v7;
	_ =	sdelay $0x1  }
0x503: {  	(erf) = vrcp.f32 v7;
	_ =	sdelay $0x2  }
0x504: {  	[tilespmem:$0x18700] =	vst v43  }
0x505: {  	[tilespmem:$0x18710] =	vst v46  }
0x506: {  	[tilespmem:$0x18720] =	vst v49  }
0x507: {  	[tilespmem:$0x18730] =	vst v52  }
0x508: {  	[tilespmem:$0x18740] =	vst v55  }
0x509: {  	[tilespmem:$0x18750] =	vst v58  }
0x50a: {  	[tilespmem:$0x18760] =	vst v61;
	v63 =	vpop (erf)  }
0x50b: {  	[tilespmem:$0x18770] =	vst v63  }
0x50c: {  	_ =	swait.ge [sflag:s2], $0x4000  }
0x50d: {  	[sflag:s2] =	ssyncset.done $0x0  }
0x50e: {  	[sflag:s2] =	ssyncadd.s32 $0xFFFFC000  }
0x50f: {  	_ =	swait.ge [sflag:s2], $0x4000  }
0x510: {  	[sflag:s2] =	ssyncset.done $0x0  }
0x511: {  	[sflag:s2] =	ssyncadd.s32 $0xFFFFC000  }
0x512: {  	_ =	swait.ge [sflag:s2], $0x4000  }
0x513: {  	[sflag:s2] =	ssyncset.done $0x0  }
0x514: {  	s20 =	simm.s32 $0x0;
	[sflag:s2] =	ssyncadd.s32 $0xFFFFC000  }
.LBB2_8:
0x515: {  	s24 =	sshll.u32 s20, $0xB  }
0x516: {  	v60 =	vld [tilespmem:s24+$0x14910];
	_ =	sdelay $0x4  }
0x517: {  	[tilespmem:$0x1EFA0] =	vst v60;
	v60 =	vld [tilespmem:s24+$0x4920];
	_ =	sdelay $0x4  }
0x518: {  	[tilespmem:$0x1EFB0] =	vst v60;
	v60 =	vld [tilespmem:s24+$0xC920];
	_ =	sdelay $0x4  }
0x519: {  	[tilespmem:$0x1EFC0] =	vst v60;
	v60 =	vld [tilespmem:s24+$0x14920];
	_ =	sdelay $0x4  }
0x51a: {  	[tilespmem:$0x1F010] =	vst v60;
	v60 =	vld [tilespmem:s24+$0x4930];
	_ =	sdelay $0x4  }
0x51b: {  	[tilespmem:$0x1EFD0] =	vst v60;
	v60 =	vld [tilespmem:s24+$0xC930];
	_ =	sdelay $0x2  }
0x51c: {  	v33 =	vld [tilespmem:s24+$0x4600]  }
0x51d: {  	v20 =	vld [tilespmem:s24+$0xC600]  }
0x51e: {  	[tilespmem:$0x1EFE0] =	vst v60;
	v60 =	vld [tilespmem:s24+$0x14930]  }
0x51f: {  	v53 =	vld [tilespmem:s24+$0x14600]  }
0x520: {  	v22 =	vld [tilespmem:s24+$0x4610]  }
0x521: {  	v14 =	vld [tilespmem:s24+$0xC610]  }
0x522: {  	v47 =	vld [tilespmem:s24+$0x14610]  }
0x523: {  	[tilespmem:$0x1F040] =	vst v60;
	v60 =	vld [tilespmem:s24+$0x4980]  }
0x524: {  	v51 =	vld [tilespmem:s24+$0x4620]  }
0x525: {  	v34 =	vld [tilespmem:s24+$0xC620]  }
0x526: {  	v0 =	vld [tilespmem:s24+$0x14620]  }
0x527: {  	v35 =	vld [tilespmem:s24+$0x4630]  }
0x528: {  	[tilespmem:$0x1EFF0] =	vst v60;
	v60 =	vld [tilespmem:s24+$0xC980]  }
0x529: {  	v21 =	vld [tilespmem:s24+$0xC630]  }
0x52a: {  	v44 =	vld [tilespmem:s24+$0x14630]  }
0x52b: {  	v10 =	vld [tilespmem:s24+$0x4680]  }
0x52c: {  	v48 =	vld [tilespmem:s24+$0x14680]  }
0x52d: {  	[tilespmem:$0x1F000] =	vst v60;
	v60 =	vld [tilespmem:s24+$0x14980]  }
0x52e: {  	v18 =	vld [tilespmem:s24+$0x4690]  }
0x52f: {  	v1 =	vld [tilespmem:s24+$0xC690]  }
0x530: {  	v56 =	vld [tilespmem:s24+$0x14690]  }
0x531: {  	v41 =	vld [tilespmem:s24+$0x46A0]  }
0x532: {  	[tilespmem:$0x1F050] =	vst v60;
	v60 =	vld [tilespmem:s24+$0x4990]  }
0x533: {  	v36 =	vld [tilespmem:s24+$0xC6A0]  }
0x534: {  	v2 =	vld [tilespmem:s24+$0x146A0]  }
0x535: {  	v37 =	vld [tilespmem:s24+$0x46B0]  }
0x536: {  	v24 =	vld [tilespmem:s24+$0xC6B0]  }
0x537: {  	[tilespmem:$0x1F020] =	vst v60;
	v60 =	vld [tilespmem:s24+$0xC990]  }
0x538: {  	v61 =	vld [tilespmem:s24+$0x146B0]  }
0x539: {  	v12 =	vld [tilespmem:s24+$0x4700]  }
0x53a: {  	v54 =	vld [tilespmem:s24+$0x14700]  }
0x53b: {  	v16 =	vld [tilespmem:s24+$0x4710]  }
0x53c: {  	[tilespmem:$0x1F030] =	vst v60;
	v60 =	vld [tilespmem:s24+$0x14990]  }
0x53d: {  	v3 =	vld [tilespmem:s24+$0xC710]  }
0x53e: {  	v42 =	vld [tilespmem:s24+$0x14710]  }
0x53f: {  	v43 =	vld [tilespmem:s24+$0x4720]  }
0x540: {  	v38 =	vld [tilespmem:s24+$0xC720]  }
0x541: {  	[tilespmem:$0x1F060] =	vst v60;
	v60 =	vld [tilespmem:s24+$0x49A0]  }
0x542: {  	v4 =	vld [tilespmem:s24+$0x14720]  }
0x543: {  	v28 =	vld [tilespmem:s24+$0x4730]  }
0x544: {  	v27 =	vld [tilespmem:s24+$0xC730]  }
0x545: {  	v45 =	vld [tilespmem:s24+$0x14730]  }
0x546: {  	[tilespmem:$0x1F070] =	vst v60;
	v60 =	vld [tilespmem:s24+$0xC9A0]  }
0x547: {  	v9 =	vld [tilespmem:s24+$0x4780]  }
0x548: {  	v52 =	vld [tilespmem:s24+$0x14780]  }
0x549: {  	v11 =	vld [tilespmem:s24+$0x4790]  }
0x54a: {  	v5 =	vld [tilespmem:s24+$0xC790]  }
0x54b: {  	[tilespmem:$0x1F080] =	vst v60;
	v60 =	vld [tilespmem:s24+$0x149A0]  }
0x54c: {  	v29 =	vld [tilespmem:s24+$0xC7A0]  }
0x54d: {  	v6 =	vld [tilespmem:s24+$0x147A0]  }
0x54e: {  	v30 =	vld [tilespmem:s24+$0x47B0]  }
0x54f: {  	v25 =	vld [tilespmem:s24+$0xC7B0]  }
0x550: {  	[tilespmem:$0x1F0D0] =	vst v60;
	v60 =	vld [tilespmem:s24+$0x49B0]  }
0x551: {  	v46 =	vld [tilespmem:s24+$0x147B0]  }
0x552: {  	v13 =	vld [tilespmem:s24+$0x4800]  }
0x553: {  	v55 =	vld [tilespmem:s24+$0x14800]  }
0x554: {  	v15 =	vld [tilespmem:s24+$0x4810]  }
0x555: {  	[tilespmem:$0x1F090] =	vst v60;
	v60 =	vld [tilespmem:s24+$0xC9B0]  }
0x556: {  	v7 =	vld [tilespmem:s24+$0xC810]  }
0x557: {  	v39 =	vld [tilespmem:s24+$0x4820]  }
0x558: {  	v31 =	vld [tilespmem:s24+$0xC820]  }
0x559: {  	v8 =	vld [tilespmem:s24+$0x14820]  }
0x55a: {  	[tilespmem:$0x1F0A0] =	vst v60;
	v60 =	vld [tilespmem:s24+$0x149B0]  }
0x55b: {  	v32 =	vld [tilespmem:s24+$0x4830]  }
0x55c: {  	v23 =	vld [tilespmem:s24+$0xC830]  }
0x55d: {  	v49 =	vld [tilespmem:s24+$0x14830]  }
0x55e: {  	v17 =	vld [tilespmem:s24+$0x4880]  }
0x55f: {  	[tilespmem:$0x1F100] =	vst v60;
	v60 =	vld [tilespmem:s24+$0x4A00]  }
0x560: {  	v19 =	vld [tilespmem:s24+$0x14880]  }
0x561: {  	v26 =	vld [tilespmem:s24+$0x4890]  }
0x562: {  	v40 =	vld [tilespmem:s24+$0x14890]  }
0x563: {  	v62 =	vld [tilespmem:s24+$0x48A0]  }
0x564: {  	[tilespmem:$0x1F0B0] =	vst v60;
	v60 =	vld [tilespmem:s24+$0xCA00]  }
0x565: {  	v58 =	vld [tilespmem:s24+$0xC8A0]  }
0x566: {  	v50 =	vld [tilespmem:s24+$0x148A0]  }
0x567: {  	v63 =	vld [tilespmem:s24+$0x48B0]  }
0x568: {  	v59 =	vld [tilespmem:s24+$0xC8B0]  }
0x569: {  	[tilespmem:$0x1F0C0] =	vst v60;
	v60 =	vld [tilespmem:s24+$0x14A00]  }
0x56a: {  	v57 =	vld [tilespmem:s24+$0x148B0]  }
0x56b: {  	[tilespmem:$0x1EEC0] =	vst v0;
	v0 =	vld [tilespmem:s24+$0xC680]  }
0x56c: {  	[tilespmem:$0x1EEE0] =	vst v2;
	v2 =	vld [tilespmem:s24+$0xC700]  }
0x56d: {  	[tilespmem:$0x1EEF0] =	vst v4;
	v4 =	vld [tilespmem:s24+$0xC780]  }
0x56e: {  	[tilespmem:$0x1F110] =	vst v60;
	v60 =	vld [tilespmem:s24+$0x4A10]  }
0x56f: {  	[tilespmem:$0x1EED0] =	vst v44;
	v44 =	vld [tilespmem:s24+$0x14790]  }
0x570: {  	[tilespmem:$0x1EF00] =	vst v45;
	v45 =	vld [tilespmem:s24+$0x47A0]  }
0x571: {  	[tilespmem:$0x1EF10] =	vst v6;
	v6 =	vld [tilespmem:s24+$0xC800]  }
0x572: {  	[tilespmem:$0x1EF20] =	vst v46;
	v46 =	vld [tilespmem:s24+$0x14810]  }
0x573: {  	[tilespmem:$0x1F0E0] =	vst v60;
	v60 =	vld [tilespmem:s24+$0xCA10]  }
0x574: {  	[tilespmem:$0x1EF30] =	vst v8;
	v8 =	vld [tilespmem:s24+$0xC880]  }
0x575: {  	[tilespmem:$0x1EF50] =	vst v19;
	v19 =	vld [tilespmem:s24+$0xC890]  }
0x576: {  	[tilespmem:$0x1EF40] =	vst v49;
	v49 =	vld [tilespmem:s24+$0x4900]  }
0x577: {  	[tilespmem:$0x1EF60] =	vst v40;
	v40 =	vld [tilespmem:s24+$0xC900]  }
0x578: {  	[tilespmem:$0x1F0F0] =	vst v60;
	v60 =	vld [tilespmem:s24+$0x14A10]  }
0x579: {  	[tilespmem:$0x1EF70] =	vst v50;
	v50 =	vld [tilespmem:s24+$0x14900]  }
0x57a: {  	[tilespmem:$0x1EF80] =	vst v57;
	v57 =	vld [tilespmem:s24+$0x4910]  }
0x57b: {  	v20 =	vmul.f32 v20, v33;
	v33 =	vld [tilespmem:s24+$0xCB30]  }
0x57c: {  	v11 =	vmul.f32 v5, v11;
	v5 =	vld [tilespmem:s24+$0xCBB0]  }
0x57d: {  	[tilespmem:$0x1F120] =	vst v60;
	v60 =	vld [tilespmem:s24+$0x4A20]  }
0x57e: {  	v7 =	vmul.f32 v7, v15;
	v15 =	vld [tilespmem:s24+$0x14C00]  }
0x57f: {  	v25 =	vmul.f32 v25, v30;
	v30 =	vld [tilespmem:s24+$0x4C10]  }
0x580: {  	v23 =	vmul.f32 v23, v32;
	v32 =	vld [tilespmem:s24+$0xCC20]  }
0x581: {  	v27 =	vmul.f32 v27, v28;
	v28 =	vld [tilespmem:$0x1EF00]  }
0x582: {  	[tilespmem:$0x1F130] =	vst v60;
	v60 =	vld [tilespmem:s24+$0xCA20]  }
0x583: {  	v14 =	vmul.f32 v14, v22;
	v31 =	vmul.f32 v31, v39;
	v39 =	vld [tilespmem:$0x1EF30]  }
0x584: {  	v22 =	vmul.f32 v53, v20;
	v53 =	vmul.f32 v21, v35;
	v21 =	vld [tilespmem:s24+$0xCB80]  }
0x585: {  	v35 =	vld [tilespmem:$0x1EEC0]  }
0x586: {  	v1 =	vmul.f32 v1, v18;
	v20 =	vld [tilespmem:s24+$0x4B90]  }
0x587: {  	[tilespmem:$0x1F140] =	vst v60;
	v60 =	vld [tilespmem:s24+$0x14A20]  }
0x588: {  	v1 =	vmul.f32 v56, v1;
	v56 =	vld [tilespmem:s24+$0xCB90]  }
0x589: {  	[tilespmem:$0x1EF90] =	vst v50;
	v50 =	vld [tilespmem:s24+$0xC910]  }
0x58a: {  	[tilespmem:$0x1F2E0] =	vst v33;
	v33 =	vmul.f32 v47, v14;
	v14 =	vld [tilespmem:s24+$0x4B80]  }
0x58b: {  	v47 =	vld [tilespmem:s24+$0x14B80]  }
0x58c: {  	[tilespmem:$0x1F190] =	vst v60;
	v60 =	vld [tilespmem:s24+$0x4A30]  }
0x58d: {  	v0 =	vmul.f32 v0, v10;
	v10 =	vld [tilespmem:s24+$0x14BA0]  }
0x58e: {  	v6 =	vmul.f32 v6, v13;
	v13 =	vld [tilespmem:s24+$0xCC00]  }
0x58f: {  	v8 =	vmul.f32 v8, v17;
	v17 =	vld [tilespmem:s24+$0x14C10]  }
0x590: {  	v19 =	vmul.f32 v19, v26;
	v26 =	vld [tilespmem:s24+$0x4C20]  }
0x591: {  	[tilespmem:$0x1F150] =	vst v60;
	v60 =	vld [tilespmem:s24+$0xCA30]  }
0x592: {  	v51 =	vmul.f32 v34, v51;
	v11 =	vmul.f32 v44, v11;
	v44 =	vld [tilespmem:$0x1EF60]  }
0x593: {  	v31 =	vmul.f32 v39, v31;
	v39 =	vld [tilespmem:s24+$0x14C30]  }
0x594: {  	v35 =	vmul.f32 v35, v51;
	v51 =	vld [tilespmem:$0x1EED0]  }
0x595: {  	v34 =	vmul.f32 v48, v0;
	v0 =	vld [tilespmem:s24+$0x14BB0]  }
0x596: {  	[tilespmem:$0x1F160] =	vst v60;
	v60 =	vld [tilespmem:s24+$0x14A30]  }
0x597: {  	v4 =	vmul.f32 v4, v9;
	v48 =	vld [tilespmem:$0x1EF70]  }
0x598: {  	v22 =	vadd.f32 v33, v22;
	v33 =	vld [tilespmem:s24+$0xCC30]  }
0x599: {  	v4 =	vmul.f32 v52, v4;
	v52 =	vld [tilespmem:$0x1EF90]  }
0x59a: {  	v6 =	vmul.f32 v55, v6;
	v55 =	vld [tilespmem:$0x1EFB0]  }
0x59b: {  	v2 =	vmul.f32 v2, v12;
	[tilespmem:$0x1F1C0] =	vst v60;
	v60 =	vld [tilespmem:s24+$0x4A80]  }
0x59c: {  	v22 =	vadd.f32 v35, v22;
	v35 =	vld [tilespmem:s24+$0x14C20]  }
0x59d: {  	[tilespmem:$0x1F300] =	vst v47;
	v47 =	vmul.f32 v3, v16;
	v16 =	vmul.f32 v54, v2;
	v2 =	vld [tilespmem:s24+$0x4BB0]  }
0x59e: {  	v54 =	vld [tilespmem:$0x1EEF0]  }
0x59f: {  	v19 =	vmul.f32 v44, v19;
	v44 =	vld [tilespmem:s24+$0x4C90]  }
0x5a0: {  	[tilespmem:$0x1F170] =	vst v60;
	v60 =	vld [tilespmem:s24+$0xCA80]  }
0x5a1: {  	v14 =	vmul.f32 v21, v14;
	v21 =	vld [tilespmem:s24+$0x14D10]  }
0x5a2: {  	v18 =	vmul.f32 v51, v53;
	v53 =	vmul.f32 v36, v41;
	v41 =	vld [tilespmem:s24+$0x14B90]  }
0x5a3: {  	v36 =	vmul.f32 v24, v37;
	v37 =	vld [tilespmem:$0x1EEE0]  }
0x5a4: {  	v51 =	vld [tilespmem:s24+$0x4BA0]  }
0x5a5: {  	[tilespmem:$0x1F180] =	vst v60;
	v60 =	vld [tilespmem:s24+$0x14A80]  }
0x5a6: {  	v24 =	vmul.f32 v42, v47;
	v42 =	vld [tilespmem:$0x1EF40]  }
0x5a7: {  	v47 =	vmul.f32 v40, v49;
	v49 =	vmul.f32 v50, v57;
	v50 =	vld [tilespmem:$0x1EF80]  }
0x5a8: {  	v57 =	vld [tilespmem:$0x1EFC0]  }
0x5a9: {  	v3 =	vmul.f32 v61, v36;
	v61 =	vld [tilespmem:s24+$0xCBA0]  }
0x5aa: {  	[tilespmem:$0x1F1D0] =	vst v60;
	v60 =	vld [tilespmem:s24+$0x4A90]  }
0x5ab: {  	v36 =	vmul.f32 v29, v45;
	v29 =	vld [tilespmem:s24+$0x4C00];
	v45 =	vmul.f32 v58, v62  }
0x5ac: {  	v2 =	vmul.f32 v5, v2;
	v5 =	vld [tilespmem:s24+$0x14D30]  }
0x5ad: {  	v1 =	vadd.f32 v1, v34;
	v34 =	vadd.f32 v18, v22;
	v18 =	vmul.f32 v48, v45;
	v45 =	vld [tilespmem:$0x1F010]  }
0x5ae: {  	v12 =	vmul.f32 v37, v53;
	v37 =	vld [tilespmem:$0x1EF10]  }
0x5af: {  	[tilespmem:$0x1F1A0] =	vst v60;
	v60 =	vld [tilespmem:s24+$0xCA90]  }
0x5b0: {  	v53 =	vmul.f32 v38, v43;
	v38 =	vld [tilespmem:$0x1EF20]  }
0x5b1: {  	v20 =	vmul.f32 v56, v20;
	v43 =	vld [tilespmem:$0x1EF50]  }
0x5b2: {  	v23 =	vmul.f32 v42, v23;
	v42 =	vld [tilespmem:s24+$0xCC80]  }
0x5b3: {  	v20 =	vmul.f32 v41, v20;
	v41 =	vld [tilespmem:s24+$0x14D20]  }
0x5b4: {  	[tilespmem:$0x1F1B0] =	vst v60;
	v60 =	vld [tilespmem:s24+$0x14A90]  }
0x5b5: {  	v9 =	vmul.f32 v54, v53;
	v54 =	vld [tilespmem:$0x1EFA0]  }
0x5b6: {  	v53 =	vadd.f32 v24, v16;
	v24 =	vld [tilespmem:s24+$0x4C80]  }
0x5b7: {  	v29 =	vmul.f32 v13, v29;
	v13 =	vld [tilespmem:s24+$0x4D30]  }
0x5b8: {  	v22 =	vmul.f32 v57, v55;
	v1 =	vadd.f32 v12, v1;
	v58 =	vld [tilespmem:$0x1EFD0]  }
0x5b9: {  	[tilespmem:$0x1F1E0] =	vst v60;
	v60 =	vld [tilespmem:s24+$0x4AA0]  }
0x5ba: {  	v3 =	vadd.f32 v3, v1;
	v1 =	vadd.f32 v9, v53;
	v9 =	vmul.f32 v45, v22;
	v45 =	vld [tilespmem:s24+$0xCC90]  }
0x5bb: {  	v27 =	vmul.f32 v28, v27;
	v28 =	vmul.f32 v37, v36;
	v36 =	vld [tilespmem:s24+$0xCC10]  }
0x5bc: {  	v25 =	vmul.f32 v38, v25;
	v38 =	vld [tilespmem:s24+$0x4C30]  }
0x5bd: {  	v8 =	vmul.f32 v43, v8;
	v43 =	vld [tilespmem:s24+$0x14C80]  }
0x5be: {  	[tilespmem:$0x1F1F0] =	vst v60;
	v60 =	vld [tilespmem:s24+$0xCAA0]  }
0x5bf: {  	v7 =	vmul.f32 v46, v7;
	v46 =	vmul.f32 v59, v63;
	v59 =	vld [tilespmem:$0x1EFE0]  }
0x5c0: {  	v48 =	vld [tilespmem:$0x1F040]  }
0x5c1: {  	v62 =	vld [tilespmem:$0x1EFF0]  }
0x5c2: {  	v12 =	vmul.f32 v50, v46;
	v46 =	vld [tilespmem:$0x1F020]  }
0x5c3: {  	[tilespmem:$0x1F200] =	vst v60;
	v60 =	vld [tilespmem:s24+$0x14AA0]  }
0x5c4: {  	v37 =	vmul.f32 v52, v47;
	v47 =	vld [tilespmem:$0x1F030]  }
0x5c5: {  	v63 =	vld [tilespmem:$0x1F000]  }
0x5c6: {  	v16 =	vmul.f32 v54, v49;
	v49 =	vld [tilespmem:$0x1F050]  }
0x5c7: {  	v50 =	vld [tilespmem:$0x1F060]  }
0x5c8: {  	[tilespmem:$0x1F250] =	vst v60;
	v60 =	vld [tilespmem:s24+$0x4AB0]  }
0x5c9: {  	v22 =	vmul.f32 v47, v46;
	v46 =	vld [tilespmem:s24+$0x14C90]  }
0x5ca: {  	v47 =	vld [tilespmem:s24+$0x4CA0]  }
0x5cb: {  	v54 =	vld [tilespmem:$0x1F090]  }
0x5cc: {  	v55 =	vld [tilespmem:$0x1F0A0]  }
0x5cd: {  	v4 =	vadd.f32 v11, v4;
	v11 =	vmul.f32 v59, v58;
	[tilespmem:$0x1F210] =	vst v60;
	v60 =	vld [tilespmem:s24+$0xCAB0]  }
0x5ce: {  	v52 =	vld [tilespmem:$0x1F070]  }
0x5cf: {  	v11 =	vmul.f32 v48, v11;
	v48 =	vld [tilespmem:$0x1F100]  }
0x5d0: {  	v28 =	vadd.f32 v28, v4;
	v53 =	vld [tilespmem:$0x1F080]  }
0x5d1: {  	v59 =	vld [tilespmem:$0x1F0D0]  }
0x5d2: {  	v4 =	vadd.f32 v27, v1;
	v1 =	vadd.f32 v25, v28;
	v25 =	vmul.f32 v55, v54;
	[tilespmem:$0x1F220] =	vst v60;
	v60 =	vld [tilespmem:s24+$0x14AB0]  }
0x5d3: {  	v57 =	vld [tilespmem:$0x1F0B0]  }
0x5d4: {  	v8 =	vadd.f32 v19, v8;
	v19 =	vmul.f32 v48, v25;
	v48 =	vld [tilespmem:s24+$0x14CA0]  }
0x5d5: {  	v58 =	vld [tilespmem:$0x1F0C0]  }
0x5d6: {  	v40 =	vmul.f32 v63, v62;
	v62 =	vld [tilespmem:$0x1F0E0]  }
0x5d7: {  	[tilespmem:$0x1F280] =	vst v60;
	v60 =	vld [tilespmem:s24+$0x4B00]  }
0x5d8: {  	v63 =	vld [tilespmem:$0x1F0F0]  }
0x5d9: {  	v40 =	vmul.f32 v49, v40;
	v49 =	vld [tilespmem:$0x1F110]  }
0x5da: {  	v22 =	vmul.f32 v50, v22;
	v50 =	vld [tilespmem:$0x1F120]  }
0x5db: {  	v27 =	vmul.f32 v53, v52;
	v52 =	vld [tilespmem:$0x1F130]  }
0x5dc: {  	v28 =	vmul.f32 v58, v57;
	[tilespmem:$0x1F230] =	vst v60;
	v60 =	vld [tilespmem:s24+$0xCB00]  }
0x5dd: {  	v6 =	vadd.f32 v7, v6;
	v7 =	vmul.f32 v59, v27;
	v27 =	vmul.f32 v63, v62;
	v53 =	vld [tilespmem:$0x1F140]  }
0x5de: {  	v25 =	vmul.f32 v49, v28;
	v28 =	vld [tilespmem:s24+$0xCCA0]  }
0x5df: {  	v27 =	vmul.f32 v50, v27;
	v50 =	vld [tilespmem:s24+$0x4CB0]  }
0x5e0: {  	v59 =	vld [tilespmem:$0x1F190]  }
0x5e1: {  	[tilespmem:$0x1F240] =	vst v60;
	v60 =	vld [tilespmem:s24+$0x14B00]  }
0x5e2: {  	v6 =	vadd.f32 v31, v6;
	v31 =	vmul.f32 v53, v52;
	v52 =	vld [tilespmem:s24+$0xCCB0]  }
0x5e3: {  	v53 =	vld [tilespmem:s24+$0x4D00]  }
0x5e4: {  	v54 =	vld [tilespmem:$0x1F150]  }
0x5e5: {  	v55 =	vld [tilespmem:$0x1F160]  }
0x5e6: {  	[tilespmem:$0x1F290] =	vst v60;
	v60 =	vld [tilespmem:s24+$0x4B10]  }
0x5e7: {  	v57 =	vld [tilespmem:$0x1F170]  }
0x5e8: {  	v58 =	vld [tilespmem:$0x1F180]  }
0x5e9: {  	v62 =	vld [tilespmem:$0x1F1A0]  }
0x5ea: {  	v63 =	vld [tilespmem:$0x1F1B0]  }
0x5eb: {  	[tilespmem:$0x1F260] =	vst v60;
	v60 =	vld [tilespmem:s24+$0xCB10]  }
0x5ec: {  	v8 =	vadd.f32 v18, v8;
	v18 =	vmul.f32 v55, v54;
	v55 =	vld [tilespmem:$0x1F1C0]  }
0x5ed: {  	v49 =	vmul.f32 v58, v57;
	v57 =	vld [tilespmem:$0x1F1D0]  }
0x5ee: {  	v6 =	vadd.f32 v23, v6;
	v23 =	vmul.f32 v59, v31;
	v59 =	vld [tilespmem:$0x1F1F0]  }
0x5ef: {  	v31 =	vmul.f32 v63, v62;
	v62 =	vld [tilespmem:$0x1F200]  }
0x5f0: {  	[tilespmem:$0x1F270] =	vst v60;
	v60 =	vld [tilespmem:s24+$0x14B10]  }
0x5f1: {  	v58 =	vld [tilespmem:$0x1F1E0]  }
0x5f2: {  	v63 =	vld [tilespmem:$0x1F210]  }
0x5f3: {  	v8 =	vadd.f32 v12, v8;
	v12 =	vmul.f32 v55, v18;
	v18 =	vmul.f32 v57, v49;
	v57 =	vld [tilespmem:$0x1F220]  }
0x5f4: {  	v16 =	vadd.f32 v16, v37;
	v37 =	vmul.f32 v62, v59;
	v62 =	vld [tilespmem:$0x1F250]  }
0x5f5: {  	[tilespmem:$0x1F2A0] =	vst v60;
	v60 =	vld [tilespmem:s24+$0x4B20]  }
0x5f6: {  	v55 =	vld [tilespmem:s24+$0xCD00]  }
0x5f7: {  	v31 =	vmul.f32 v58, v31;
	v58 =	vld [tilespmem:$0x1F230]  }
0x5f8: {  	v22 =	vadd.f32 v22, v40;
	v25 =	vadd.f32 v27, v25;
	v40 =	vmul.f32 v57, v63;
	v63 =	vld [tilespmem:$0x1F260]  }
0x5f9: {  	v9 =	vadd.f32 v9, v16;
	v16 =	vmul.f32 v62, v37;
	v62 =	vld [tilespmem:$0x1F270]  }
0x5fa: {  	v23 =	vadd.f32 v23, v25;
	[tilespmem:$0x1F2B0] =	vst v60;
	v60 =	vld [tilespmem:s24+$0xCB20]  }
0x5fb: {  	v59 =	vld [tilespmem:$0x1F240]  }
0x5fc: {  	v12 =	vadd.f32 v12, v23;
	v23 =	vld [tilespmem:s24+$0xCD30]  }
0x5fd: {  	v18 =	vadd.f32 v31, v18;
	v31 =	vld [tilespmem:s24+$0xCD20]  }
0x5fe: {  	v37 =	vmul.f32 v62, v63;
	v63 =	vld [tilespmem:$0x1F280]  }
0x5ff: {  	[tilespmem:$0x1F2C0] =	vst v60;
	v60 =	vld [tilespmem:s24+$0x14B20]  }
0x600: {  	v54 =	vmul.f32 v59, v58;
	v58 =	vld [tilespmem:$0x1F290]  }
0x601: {  	v59 =	vld [tilespmem:$0x1F2A0]  }
0x602: {  	v62 =	vld [tilespmem:$0x1F2B0]  }
0x603: {  	(xrf2) =	vadd.scan.msk.f32 $0xffff, v34;
	v7 =	vadd.f32 v7, v22;
	v22 =	vmul.f32 v63, v40;
	v63 =	vld [tilespmem:$0x1F2C0]  }
0x604: {  	(xrf2) =	vadd.scan.msk.f32 $0xffff, v3;
	[tilespmem:$0x1F2F0] =	vst v60;
	v60 =	vld [tilespmem:s24+$0x4B30]  }
0x605: {  	s5 =	sshll.u32 s20, $0x4;
	(xrf2) =	vadd.scan.msk.f32 $0xffff, v4;
	v40 =	vmul.f32 v58, v54;
	v54 =	vld [tilespmem:s24+$0x4D10]  }
0x606: {  	s26 =	sor.u32 $0x181, s5;
	v0 =	vmul.f32 v0, v2;
	v36 =	vmul.f32 v36, v30;
	(xrf2) =	vadd.scan.msk.f32 $0xffff, v1;
	v9 =	vadd.f32 v11, v9;
	v58 =	vld [tilespmem:s24+$0xCD10]  }
0x607: {  	(xrf2) =	vadd.scan.msk.f32 $0xffff, v6;
	v13 =	vmul.f32 v23, v13;
	v23 =	vmov s26;
	v11 =	vmul.f32 v59, v37;
	v59 =	vld [tilespmem:$0x1F2F0]  }
0x608: {  	v56 =	vmul.f32 v17, v36;
	(xrf2) =	vadd.scan.msk.f32 $0xffff, v8;
	v8 =	vbroadcast v23, $0x0;
	v57 =	vld [tilespmem:s24+$0x14D00]  }
0x609: {  	s31 =	sor.u32 $0x184, s5;
	v5 =	vmul.f32 v5, v13;
	v37 =	vmul.f32 v63, v62;
	v63 =	vld [tilespmem:$0x1F2E0];
	[tilespmem:$0x1F2D0] =	vst v60  }
0x60a: {  	v11 =	vadd.f32 v11, v40;
	v40 =	vmul.f32 v28, v47;
	v28 =	vmov s31;
	v62 =	vld [tilespmem:$0x1F2D0]  }
0x60b: {  	(xrf2) =	vadd.scan.msk.f32 $0xffff, v9;
	v9 =	vbroadcast v28, $0x0;
	v47 =	vmul.f32 v58, v54;
	v60 =	vld [tilespmem:s24+$0x14B30]  }
0x60c: {  	s30 =	sor.u32 $0x183, s5;
	v7 =	vadd.f32 v19, v7;
	v27 =	vmul.f32 v59, v37;
	v37 =	vld [tilespmem:s24+$0x4D20];
	v59 =	vmul.f32 v32, v26  }
0x60d: {  	v58 =	vld [tilespmem:s24+$0xCDB0];
	v32 =	vmul.f32 v45, v44;
	v44 =	vmul.f32 v55, v53;
	v26 =	vmov s30  }
0x60e: {  	v45 =	vld [tilespmem:s24+$0x14D90];
	v11 =	vadd.f32 v27, v11;
	v17 =	vmul.f32 v35, v59;
	v27 =	vbroadcast v26, $0x0  }
0x60f: {  	s19 =	sor.u32 $0x187, s5;
	v16 =	vadd.f32 v16, v18;
	v19 =	vmul.f32 v63, v62;
	v62 =	vld [tilespmem:$0x1F300];
	v63 =	vmul.f32 v61, v51  }
0x610: {  	v34 =	vmov s19;
	v51 =	vmul.f32 v15, v29;
	v61 =	vmul.f32 v33, v38;
	v38 =	vld [tilespmem:s24+$0x4D90]  }
0x611: {  	s7 =	sor.u32 $0x185, s5;
	v16 =	vadd.f32 v22, v16;
	v53 =	vmul.f32 v31, v37;
	v19 =	vmul.f32 v60, v19;
	v60 =	vld [tilespmem:s24+$0x4D80]  }
0x612: {  	v29 =	vmov s7;
	v10 =	vmul.f32 v10, v63;
	v63 =	vld [tilespmem:s24+$0xCD80];
	v35 =	vmul.f32 v39, v61  }
0x613: {  	s29 =	sor.u32 $0x182, s5;
	v39 =	vmul.f32 v46, v32;
	v2 =	vadd.f32 v56, v51;
	v46 =	vmul.f32 v48, v40;
	v48 =	vld [tilespmem:s24+$0x4DA0]  }
0x614: {  	s17 =	sor.u32 $0x186, s5;
	s21 =	sor.u32 $0x188, s5;
	v51 =	vld [tilespmem:s24+$0xCDA0];
	v14 =	vmul.f32 v62, v14;
	v62 =	vmul.f32 v42, v24;
	v24 =	vmov s29  }
0x615: {  	v31 =	vmov s17;
	v37 =	vmov s21;
	v42 =	vld [tilespmem:s24+$0xCD90];
	v25 =	vbroadcast v24, $0x0  }
0x616: {  	v56 =	vld [tilespmem:s24+$0x4DB0];
	v11 =	vadd.f32 v19, v11;
	v36 =	vmul.f32 v43, v62;
	v43 =	vmul.f32 v52, v50  }
0x617: {  	v33 =	vld [tilespmem:s24+$0x14D80];
	v2 =	vadd.f32 v17, v2;
	v50 =	vmul.f32 v57, v44;
	v52 =	vmul.f32 v21, v47  }
0x618: {  	s6 =	sor.u32 $0x180, s5;
	v49 =	vld [tilespmem:s24+$0x14CB0];
	v14 =	vadd.f32 v20, v14;
	v18 =	vmul.f32 v63, v60;
	v57 =	vmul.f32 v41, v53  }
0x619: {  	v54 =	vld [tilespmem:s24+$0x14DA0];
	v63 =	vmul.f32 v51, v48;
	v20 =	vmov s6;
	v17 =	vadd.f32 v52, v50  }
0x61a: {  	v6 =	vbroadcast v20, $0x0;
	v10 =	vadd.f32 v10, v14;
	v55 =	vmul.f32 v42, v38  }
0x61b: {  	v3 =	vmul.f32 v58, v56;
	v19 =	vadd.f32 v39, v36;
	v62 =	vadd.f32 v57, v17;
	v17 =	vld [tilespmem:s24+$0x14DB0]  }
0x61c: {  	(xrf2) =	vadd.scan.msk.f32 $0xffff, v7;
	v2 =	vadd.f32 v35, v2;
	v59 =	vmul.f32 v33, v18;
	v60 =	vmul.f32 v45, v55  }
0x61d: {  	(xrf2) =	vadd.scan.msk.f32 $0xffff, v12;
	v0 =	vadd.f32 v0, v10;
	v10 =	vmul.f32 v49, v43;
	v15 =	vadd.f32 v46, v19  }
0x61e: {  	(xrf2) =	vadd.scan.msk.f32 $0xffff, v16;
	v21 =	vmul.f32 v54, v63;
	v33 =	vbroadcast v31, $0x0;
	v19 =	vadd.f32 v60, v59  }
0x61f: {  	v30, _, _ =	vpop (xrf2);
	(xrf2) =	vadd.scan.msk.f32 $0xffff, v11;
	v36 =	vbroadcast v34, $0x0;
	v61 =	vadd.f32 v10, v15;
	v10 =	vbroadcast v29, $0x0  }
0x620: {  	v32, _, _ =	vpop (xrf2);
	(xrf2) =	vadd.scan.msk.f32 $0xffff, v0;
	[tilespmem:v6+s23+$0x0] =	vst.idx.msk vm0, v30;
	v13 =	vadd.f32 v21, v19;
	v1 =	vmul.f32 v17, v3  }
0x621: {  	v35, _, _ =	vpop (xrf2);
	v39 =	vbroadcast v37, $0x0;
	s24 =	sor.u32 $0x189, s5;
	v5 =	vadd.f32 v5, v62;
	(xrf2) =	vadd.scan.msk.f32 $0xffff, v2;
	[tilespmem:v8+s23+$0x0] =	vst.idx.msk vm0, v32  }
0x622: {  	s25 =	sor.u32 $0x18A, s5;
	v38, _, _ =	vpop (xrf2);
	v40 =	vmov s24;
	(xrf2) =	vadd.scan.msk.f32 $0xffff, v61;
	[tilespmem:v25+s23+$0x0] =	vst.idx.msk vm0, v35;
	v1 =	vadd.f32 v1, v13  }
0x623: {  	s26 =	sor.u32 $0x18B, s5;
	v41, _, _ =	vpop (xrf2);
	v43 =	vmov s25;
	v42 =	vbroadcast v40, $0x0;
	(xrf2) =	vadd.scan.msk.f32 $0xffff, v5;
	[tilespmem:v27+s23+$0x0] =	vst.idx.msk vm0, v38  }
0x624: {  	s29 =	sor.u32 $0x18C, s5;
	v46 =	vmov s26;
	v44, _, _ =	vpop (xrf2);
	v45 =	vbroadcast v43, $0x0;
	[tilespmem:v9+s23+$0x0] =	vst.idx.msk vm0, v41;
	(xrf2) =	vadd.scan.msk.f32 $0xffff, v1  }
0x625: {  	s30 =	sor.u32 $0x18D, s5;
	v48 =	vmov s29;
	v47, _, _ =	vpop (xrf2);
	v5 =	vbroadcast v46, $0x0;
	[tilespmem:v10+s23+$0x0] =	vst.idx.msk vm0, v44  }
0x626: {  	s31 =	sor.u32 $0x18E, s5;
	v51 =	vmov s30;
	v50 =	vbroadcast v48, $0x0;
	v49, _, _ =	vpop (xrf2);
	[tilespmem:v33+s23+$0x0] =	vst.idx.msk vm0, v47  }
0x627: {  	v53 =	vbroadcast v51, $0x0;
	v54 =	vmov s31;
	v52, _, _ =	vpop (xrf2);
	[tilespmem:v36+s23+$0x0] =	vst.idx.msk vm0, v49  }
0x628: {  	v56 =	vbroadcast v54, $0x0;
	v55, _, _ =	vpop (xrf2);
	[tilespmem:v39+s23+$0x0] =	vst.idx.msk vm0, v52  }
0x629: {  	s5 =	sor.u32 $0x18F, s5;
	v57, _, _ =	vpop (xrf2);
	[tilespmem:v42+s23+$0x0] =	vst.idx.msk vm0, v55  }
0x62a: {  	p0 =	sne.s32 s20, $0x7;
	v59 =	vmov s5;
	v58, _, _ =	vpop (xrf2);
	[tilespmem:v45+s23+$0x0] =	vst.idx.msk vm0, v57  }
.Ltmp3:
0x62b: {  	v60, _, _ =	vpop (xrf2);
	[tilespmem:v5+s23+$0x0] =	vst.idx.msk vm0, v58;
	(pc) =	sbr.rel @p0 .LBB2_8-.Ltmp3, $4  }
0x62c: {  	v61, _, _ =	vpop (xrf2);
	[tilespmem:v50+s23+$0x0] =	vst.idx.msk vm0, v60  }
0x62d: {  	v62, _, _ =	vpop (xrf2);
	[tilespmem:v53+s23+$0x0] =	vst.idx.msk vm0, v61  }
0x62e: {  	[tilespmem:v56+s23+$0x0] =	vst.idx.msk vm0, v62;
	v63, _, _ =	vpop (xrf2)  }
0x62f: {  	s20 =	sadd.s32 $0x1, s20;
	[tilespmem:v59+s23+$0x0] =	vst.idx.msk vm0, v63  }
0x630: {  	v0 =	vld [tilespmem:$0x18780];
	_ =	sdelay $0x4  }
0x631: {  	v0 =	vsub.f32 $0.0e+00, v0;
	_ =	sdelay $0x1  }
0x632: {  	v0 =	vmul.f32 $1.442695020e+00, v0;
	_ =	sdelay $0x1  }
0x633: {  	(erf) = vpow2.f32 v0;
	_ =	sdelay $0x8  }
0x634: {  	v0 =	vpop (erf)  }
0x635: {  	v0 =	vadd.f32 $1.000000000e+00, v0;
	_ =	sdelay $0x1  }
0x636: {  	(erf) = vrcp.f32 v0;
	_ =	sdelay $0x8  }
0x637: {  	v0 =	vpop (erf)  }
0x638: {  	v0 =	vsub.f32 $0.0e+00, v0;
	_ =	sdelay $0x1  }
0x639: {  	v0 =	vmul.f32 $1.442695020e+00, v0;
	_ =	sdelay $0x1  }
0x63a: {  	(erf) = vpow2.f32 v0;
	_ =	sdelay $0x3  }
0x63b: {  	v42 =	vld [tilespmem:$0x18790];
	_ =	sdelay $0x4  }
0x63c: {  	v0 =	vsub.f32 $0.0e+00, v42;
	v1 =	vpop (erf)  }
0x63d: {  	v1 =	vadd.f32 $1.000000000e+00, v1  }
0x63e: {  	v0 =	vmul.f32 $1.442695020e+00, v0  }
0x63f: {  	(erf) = vrcp.f32 v1  }
0x640: {  	(erf) = vpow2.f32 v0;
	_ =	sdelay $0x7  }
0x641: {  	v43 =	vpop (erf)  }
0x642: {  	v44 =	vpop (erf)  }
0x643: {  	v1 =	vadd.f32 $1.000000000e+00, v44;
	_ =	sdelay $0x1  }
0x644: {  	(erf) = vrcp.f32 v1;
	_ =	sdelay $0x8  }
0x645: {  	v1 =	vpop (erf)  }
0x646: {  	v1 =	vsub.f32 $0.0e+00, v1;
	_ =	sdelay $0x1  }
0x647: {  	v1 =	vmul.f32 $1.442695020e+00, v1;
	_ =	sdelay $0x1  }
0x648: {  	(erf) = vpow2.f32 v1;
	_ =	sdelay $0x3  }
0x649: {  	v45 =	vld [tilespmem:$0x187A0];
	_ =	sdelay $0x4  }
0x64a: {  	v1 =	vsub.f32 $0.0e+00, v45;
	v2 =	vpop (erf)  }
0x64b: {  	v2 =	vadd.f32 $1.000000000e+00, v2  }
0x64c: {  	v1 =	vmul.f32 $1.442695020e+00, v1  }
0x64d: {  	(erf) = vrcp.f32 v2  }
0x64e: {  	(erf) = vpow2.f32 v1;
	_ =	sdelay $0x7  }
0x64f: {  	v46 =	vpop (erf)  }
0x650: {  	v47 =	vpop (erf)  }
0x651: {  	v2 =	vadd.f32 $1.000000000e+00, v47;
	_ =	sdelay $0x1  }
0x652: {  	(erf) = vrcp.f32 v2;
	_ =	sdelay $0x8  }
0x653: {  	v2 =	vpop (erf)  }
0x654: {  	v2 =	vsub.f32 $0.0e+00, v2;
	_ =	sdelay $0x1  }
0x655: {  	v2 =	vmul.f32 $1.442695020e+00, v2;
	_ =	sdelay $0x1  }
0x656: {  	(erf) = vpow2.f32 v2;
	_ =	sdelay $0x3  }
0x657: {  	v48 =	vld [tilespmem:$0x187B0];
	_ =	sdelay $0x4  }
0x658: {  	v2 =	vsub.f32 $0.0e+00, v48;
	v3 =	vpop (erf)  }
0x659: {  	v3 =	vadd.f32 $1.000000000e+00, v3  }
0x65a: {  	v2 =	vmul.f32 $1.442695020e+00, v2  }
0x65b: {  	(erf) = vrcp.f32 v3  }
0x65c: {  	(erf) = vpow2.f32 v2;
	_ =	sdelay $0x7  }
0x65d: {  	v49 =	vpop (erf)  }
0x65e: {  	v50 =	vpop (erf)  }
0x65f: {  	v3 =	vadd.f32 $1.000000000e+00, v50;
	_ =	sdelay $0x1  }
0x660: {  	(erf) = vrcp.f32 v3;
	_ =	sdelay $0x8  }
0x661: {  	v3 =	vpop (erf)  }
0x662: {  	v3 =	vsub.f32 $0.0e+00, v3;
	_ =	sdelay $0x1  }
0x663: {  	v3 =	vmul.f32 $1.442695020e+00, v3;
	_ =	sdelay $0x1  }
0x664: {  	(erf) = vpow2.f32 v3;
	_ =	sdelay $0x3  }
0x665: {  	v51 =	vld [tilespmem:$0x187C0];
	_ =	sdelay $0x4  }
0x666: {  	v3 =	vsub.f32 $0.0e+00, v51;
	v4 =	vpop (erf)  }
0x667: {  	v4 =	vadd.f32 $1.000000000e+00, v4  }
0x668: {  	v3 =	vmul.f32 $1.442695020e+00, v3  }
0x669: {  	(erf) = vrcp.f32 v4  }
0x66a: {  	(erf) = vpow2.f32 v3;
	_ =	sdelay $0x7  }
0x66b: {  	v52 =	vpop (erf)  }
0x66c: {  	v53 =	vpop (erf)  }
0x66d: {  	v4 =	vadd.f32 $1.000000000e+00, v53;
	_ =	sdelay $0x1  }
0x66e: {  	(erf) = vrcp.f32 v4;
	_ =	sdelay $0x8  }
0x66f: {  	v4 =	vpop (erf)  }
0x670: {  	v4 =	vsub.f32 $0.0e+00, v4;
	_ =	sdelay $0x1  }
0x671: {  	v4 =	vmul.f32 $1.442695020e+00, v4;
	_ =	sdelay $0x1  }
0x672: {  	(erf) = vpow2.f32 v4;
	_ =	sdelay $0x3  }
0x673: {  	v54 =	vld [tilespmem:$0x187D0];
	_ =	sdelay $0x4  }
0x674: {  	v4 =	vsub.f32 $0.0e+00, v54;
	v5 =	vpop (erf)  }
0x675: {  	v5 =	vadd.f32 $1.000000000e+00, v5  }
0x676: {  	v4 =	vmul.f32 $1.442695020e+00, v4  }
0x677: {  	(erf) = vrcp.f32 v5  }
0x678: {  	(erf) = vpow2.f32 v4;
	_ =	sdelay $0x7  }
0x679: {  	v55 =	vpop (erf)  }
0x67a: {  	v56 =	vpop (erf)  }
0x67b: {  	v5 =	vadd.f32 $1.000000000e+00, v56;
	_ =	sdelay $0x1  }
0x67c: {  	(erf) = vrcp.f32 v5;
	_ =	sdelay $0x8  }
0x67d: {  	v5 =	vpop (erf)  }
0x67e: {  	v5 =	vsub.f32 $0.0e+00, v5;
	_ =	sdelay $0x1  }
0x67f: {  	v5 =	vmul.f32 $1.442695020e+00, v5;
	_ =	sdelay $0x1  }
0x680: {  	(erf) = vpow2.f32 v5;
	_ =	sdelay $0x3  }
0x681: {  	v57 =	vld [tilespmem:$0x187E0];
	_ =	sdelay $0x4  }
0x682: {  	v5 =	vsub.f32 $0.0e+00, v57;
	v6 =	vpop (erf)  }
0x683: {  	v6 =	vadd.f32 $1.000000000e+00, v6  }
0x684: {  	v5 =	vmul.f32 $1.442695020e+00, v5  }
0x685: {  	(erf) = vrcp.f32 v6  }
0x686: {  	(erf) = vpow2.f32 v5;
	_ =	sdelay $0x7  }
0x687: {  	v58 =	vpop (erf)  }
0x688: {  	v59 =	vpop (erf)  }
0x689: {  	v6 =	vadd.f32 $1.000000000e+00, v59;
	_ =	sdelay $0x1  }
0x68a: {  	(erf) = vrcp.f32 v6;
	_ =	sdelay $0x8  }
0x68b: {  	v6 =	vpop (erf)  }
0x68c: {  	v6 =	vsub.f32 $0.0e+00, v6;
	_ =	sdelay $0x1  }
0x68d: {  	v6 =	vmul.f32 $1.442695020e+00, v6;
	_ =	sdelay $0x1  }
0x68e: {  	(erf) = vpow2.f32 v6;
	_ =	sdelay $0x3  }
0x68f: {  	v60 =	vld [tilespmem:$0x187F0];
	_ =	sdelay $0x4  }
0x690: {  	v6 =	vsub.f32 $0.0e+00, v60;
	v7 =	vpop (erf)  }
0x691: {  	v7 =	vadd.f32 $1.000000000e+00, v7  }
0x692: {  	v6 =	vmul.f32 $1.442695020e+00, v6  }
0x693: {  	(erf) = vrcp.f32 v7  }
0x694: {  	(erf) = vpow2.f32 v6;
	_ =	sdelay $0x7  }
0x695: {  	v61 =	vpop (erf)  }
0x696: {  	v62 =	vpop (erf)  }
0x697: {  	v7 =	vadd.f32 $1.000000000e+00, v62;
	_ =	sdelay $0x1  }
0x698: {  	(erf) = vrcp.f32 v7;
	_ =	sdelay $0x8  }
0x699: {  	v7 =	vpop (erf)  }
0x69a: {  	v7 =	vsub.f32 $0.0e+00, v7;
	_ =	sdelay $0x1  }
0x69b: {  	v7 =	vmul.f32 $1.442695020e+00, v7;
	_ =	sdelay $0x1  }
0x69c: {  	(erf) = vpow2.f32 v7;
	_ =	sdelay $0x8  }
0x69d: {  	v7 =	vpop (erf)  }
0x69e: {  	v7 =	vadd.f32 $1.000000000e+00, v7;
	_ =	sdelay $0x1  }
0x69f: {  	(erf) = vrcp.f32 v7;
	_ =	sdelay $0x2  }
0x6a0: {  	[tilespmem:$0x18780] =	vst v43  }
0x6a1: {  	[tilespmem:$0x18790] =	vst v46  }
0x6a2: {  	[tilespmem:$0x187A0] =	vst v49  }
0x6a3: {  	[tilespmem:$0x187B0] =	vst v52  }
0x6a4: {  	[tilespmem:$0x187C0] =	vst v55  }
0x6a5: {  	s18 =	sadd.s32 $0x1, s18;
	[tilespmem:$0x187D0] =	vst v58  }
0x6a6: {  	p0 =	sne.s32 s18, s9;
	[tilespmem:$0x187E0] =	vst v61;
	v63 =	vpop (erf)  }
.Ltmp4:
0x6a7: {  	s5 =	rddreg [dreg:$0x9];
	[tilespmem:$0x187F0] =	vst v63;
	(pc) =	sbr.rel @p0 .LBB2_1-.Ltmp4, $4  }
0x6a8: {  	[hbm4b:s5+s1] =	stream.linear.scatter [tilespmem:s23], [sflag:$0x5], $0x200, $0x38;
	[tilespmem:$0x18800] =	vst v63  }
0x6a9: {  	_ =	swait.ge [sflag:s10], $0x200  }
0x6aa: {  	[sflag:s10] =	ssyncset.done $0x0  }
0x6ab: {  	[sflag:s10] =	ssyncadd.s32 $0xFFFFFE00  }
0x6ac: {  	_ =	sfence.sel $0x180000  }
0x6ad: {  	[bflag:$0x0] =	sbarrier.arrive $0xFFFF  }
0x6ae: {  	_ =	strace $0x90000047  }
0x6af: {  	s0 =	stileid.u32;
	[bflag:$0x2] =	sbarrier.arrive $0xFFFF  }
0x6b0: {  	p0 =	sne.s32 s0, $0x0;
	s0 =	rddreg [dreg:$0x5]  }
0x6b1: {  	s0 =	sadd.s32 @!p0 $0x100000, s0  }
0x6b2: {  	[sflag:s0] =	ssyncadd.tile.s32 @!p0 $0x1;
	_ =	shalt  }
.Lfunc_end2:
_tile_overlayer_lowered:
.L_overlay_start_2:
0x6b3: {  	(tag) =	ssettag $0x2  }
0x6b4: {  	s0 =	rddreg [dreg:$0x0];
	s2 =	stileid.u32  }
0x6b5: {  	s1 =	rddreg [dreg:$0x1];
	p0 =	sne.s32 s2, $0x0  }
0x6b6: {  	s3 =	rddreg [dreg:$0x2];
	[bflag:$0x3] =	sbarrier.arrive $0xFFFF;
	s2 =	simm.s32 @!p0 $0x1C05  }
0x6b7: {  	[timem:s3], [sflag:s2] =	dma.local @!p0 [hbm:s0], s1  }
0x6b8: {  	s0 =	simm.s32 @!p0 $0x5  }
0x6b9: {  	_ =	swait.ge @!p0 [sflag:s0], s1  }
0x6ba: {  	s1 =	ssub.s32 @!p0 $0x0, s1;
	[sflag:s0] =	ssyncset.done @!p0 $0x0  }
0x6bb: {  	[sflag:s0] =	ssyncadd.s32 @!p0 s1  }
0x6bc: {  	[bflag:$0x3] =	sbarrier.arrive $0xFFFF  }
0x6bd: {  	_ =	shalt  }

</sc_bundles>
